<compile_context>
chip_gen: v7x
topology: tpu7x:2x2x1
jax: 0.10.2.dev20260603
libtpu: 0.0.44.dev20260713+nightly
codegen_flags: <defaults>
</compile_context>

<pallas_src>
import functools

import jax
import jax.numpy as jnp
from jax import lax
from jax.experimental import pallas as pl
from jax.experimental.pallas import tpu as pltpu
from jax.experimental.pallas import tpu_sc as plsc

_N = 10000
_E = 320000
_D = 128
_G = 64

_NC = 2
_NS = 16
_NW = _NC * _NS
_CH = 128
_NPH = 2
_CPP = 40
_EPT = _NPH * _CPP * _CH
_EPAD = _NW * _EPT
_NPADROW = 16
_NP = _N + _NPADROW
_ZCH = 200
_NZCH = _N // _ZCH
_RB = 5000
_GRID = _N // _RB

_mesh = plsc.VectorSubcoreMesh(
    core_axis_name="c", subcore_axis_name="s", num_cores=_NC, num_subcores=_NS
)



@functools.partial(
    pl.kernel,
    out_type=jax.ShapeDtypeStruct((_NC * _N,), jnp.float32),
    mesh=_mesh,
    scratch_types=[
        pltpu.VMEM((_NPH, _CPP, _CH), jnp.int32),
        pltpu.VMEM((_CH,), jnp.float32),
        pltpu.VMEM((2000,), jnp.float32),
        pltpu.VMEM_SHARED((_NP,), jnp.float32),
        pltpu.SemaphoreType.DMA,
    ],
)
def _deg_kernel(dst_hbm, deg_out, didx, ones_v, zbuf, acc, sem):
    c = lax.axis_index("c")
    s = lax.axis_index("s")
    wid = c * _NS + s

    for j in range(_CH // 16):
        ones_v[pl.ds(j * 16, 16)] = jnp.full((16,), 1.0, jnp.float32)

    @pl.when(s == 0)
    def _():
        for j in range(2000 // 16):
            zbuf[pl.ds(j * 16, 16)] = jnp.zeros((16,), jnp.float32)
        for k in range(_N // 2000):
            pltpu.sync_copy(zbuf, acc.at[pl.ds(k * 2000, 2000)])

    pltpu.sync_copy(dst_hbm.at[wid], didx)
    plsc.subcore_barrier()

    for p in range(_NPH):
        def body(i, carry):
            pltpu.async_copy(ones_v, acc.at[didx.at[p, i]], sem, add=True)
            return carry

        lax.fori_loop(0, _CPP, body, 0)

        def dbody(i, carry):
            pltpu.make_async_copy(ones_v, acc.at[didx.at[p, i]], sem).wait()
            return carry

        lax.fori_loop(0, _CPP, dbody, 0)
    plsc.subcore_barrier()

    @pl.when(s == 0)
    def _():
        for k in range(_N // 2000):
            pltpu.sync_copy(acc.at[pl.ds(k * 2000, 2000)], zbuf)
            pltpu.sync_copy(
                zbuf, deg_out.at[pl.ds(pl.multiple_of(c * _N + k * 2000, 8), 2000)]
            )


@functools.partial(
    pl.kernel,
    out_type=jax.ShapeDtypeStruct((_NC * _N, _D), jnp.float32),
    mesh=_mesh,
    scratch_types=[
        pltpu.VMEM((_CPP, _CH), jnp.int32),
        pltpu.VMEM((_CPP, _CH), jnp.int32),
        pltpu.VMEM((_CH, _D), jnp.float32),
        pltpu.VMEM((_CH, _D), jnp.float32),
        pltpu.VMEM_SHARED((_NP, _D), jnp.float32),
        pltpu.SemaphoreType.DMA,
        pltpu.SemaphoreType.DMA,
    ],
)
def _agg_kernel(g_hbm, src_hbm, dst_hbm, z_hbm, out_hbm,
                sidx, didx, rows0, rows1, acc, sem0, sem1):
    c = lax.axis_index("c")
    s = lax.axis_index("s")
    wid = c * _NS + s

    pltpu.sync_copy(src_hbm.at[wid, 0], sidx)
    pltpu.sync_copy(dst_hbm.at[wid, 0], didx)
    pltpu.async_copy(g_hbm.at[sidx.at[0]], rows0, sem0)

    for r in range(-(-_NZCH // _NS)):
        chunk = r * _NS + s

        @pl.when(chunk < _NZCH)
        def _():
            off = pl.multiple_of(chunk * _ZCH, 8)
            pltpu.sync_copy(z_hbm, acc.at[pl.ds(off, _ZCH), :])

    plsc.subcore_barrier()

    for p in range(_NPH):
        if p > 0:
            pltpu.sync_copy(src_hbm.at[wid, p], sidx)
            pltpu.sync_copy(dst_hbm.at[wid, p], didx)
            pltpu.async_copy(g_hbm.at[sidx.at[0]], rows0, sem0)

        def body(j, carry):
            i0 = 2 * j
            pltpu.async_copy(g_hbm.at[sidx.at[i0 + 1]], rows1, sem1)
            pltpu.make_async_copy(g_hbm.at[sidx.at[i0]], rows0, sem0).wait()
            pltpu.sync_copy(rows0, acc.at[didx.at[i0]], add=True)
            pltpu.async_copy(g_hbm.at[sidx.at[i0 + 2]], rows0, sem0)
            pltpu.make_async_copy(g_hbm.at[sidx.at[i0 + 1]], rows1, sem1).wait()
            pltpu.sync_copy(rows1, acc.at[didx.at[i0 + 1]], add=True)
            return carry

        lax.fori_loop(0, (_CPP - 2) // 2, body, 0)
        pltpu.async_copy(g_hbm.at[sidx.at[_CPP - 1]], rows1, sem1)
        pltpu.make_async_copy(g_hbm.at[sidx.at[_CPP - 2]], rows0, sem0).wait()
        pltpu.sync_copy(rows0, acc.at[didx.at[_CPP - 2]], add=True)
        pltpu.make_async_copy(g_hbm.at[sidx.at[_CPP - 1]], rows1, sem1).wait()
        pltpu.sync_copy(rows1, acc.at[didx.at[_CPP - 1]], add=True)

    plsc.subcore_barrier()

    for r in range(-(-_NZCH // _NS)):
        chunk = r * _NS + s

        @pl.when(chunk < _NZCH)
        def _():
            off = pl.multiple_of(chunk * _ZCH, 8)
            pltpu.sync_copy(
                acc.at[pl.ds(off, _ZCH), :],
                out_hbm.at[pl.ds(pl.multiple_of(c * _N + off, 8), _ZCH), :],
            )



def _dinv_of(d0, d1):
    deg = d0 + d1
    return jnp.where(deg > 0, lax.rsqrt(deg), 0.0)


def _fuse1_body(x_ref, w_ref, d0_ref, d1_ref, o_ref):
    dinv = _dinv_of(d0_ref[...], d1_ref[...])
    o_ref[...] = dinv * jnp.dot(
        x_ref[...], w_ref[...], preferred_element_type=jnp.float32
    )


def _fuse2_body(pa_ref, pb_ref, d0_ref, d1_ref, b_ref, w_ref, o_ref):
    dinv = _dinv_of(d0_ref[...], d1_ref[...])
    h = jnp.maximum(dinv * (pa_ref[...] + pb_ref[...]) + b_ref[...], 0.0)
    o_ref[...] = dinv * jnp.dot(h, w_ref[...], preferred_element_type=jnp.float32)


def _fuse3_body(pa_ref, pb_ref, d0_ref, d1_ref, b_ref, bt_ref, hw_ref, hb_ref,
                o_ref, sums, counts):
    i = pl.program_id(0)

    @pl.when(i == 0)
    def _():
        sums[...] = jnp.zeros_like(sums)
        counts[...] = jnp.zeros_like(counts)

    dinv = _dinv_of(d0_ref[...], d1_ref[...])
    h = jnp.maximum(dinv * (pa_ref[...] + pb_ref[...]) + b_ref[...], 0.0)
    gids = lax.broadcasted_iota(jnp.int32, (_RB, _G), 1)
    onehot = (bt_ref[...] == gids).astype(jnp.float32)
    sums[...] += lax.dot_general(
        onehot, h, (((0,), (0,)), ((), ())), preferred_element_type=jnp.float32
    )
    counts[...] += lax.dot_general(
        onehot, jnp.ones((_RB, 1), jnp.float32),
        (((0,), (0,)), ((), ())), preferred_element_type=jnp.float32
    )

    @pl.when(i == pl.num_programs(0) - 1)
    def _():
        emb = sums[...] / jnp.maximum(counts[...], 1.0)
        o_ref[...] = (
            jnp.dot(emb, hw_ref[...], preferred_element_type=jnp.float32)
            + hb_ref[...]
        )


_fuse1 = pl.pallas_call(
    _fuse1_body,
    grid=(_GRID,),
    in_specs=[
        pl.BlockSpec((_RB, _D), lambda i: (i, 0)),
        pl.BlockSpec((_D, _D), lambda i: (0, 0)),
        pl.BlockSpec((_RB, 1), lambda i: (i, 0)),
        pl.BlockSpec((_RB, 1), lambda i: (i + _GRID, 0)),
    ],
    out_specs=pl.BlockSpec((_RB, _D), lambda i: (i, 0)),
    out_shape=jax.ShapeDtypeStruct((_N, _D), jnp.float32),
)

_fuse2 = pl.pallas_call(
    _fuse2_body,
    grid=(_GRID,),
    in_specs=[
        pl.BlockSpec((_RB, _D), lambda i: (i, 0)),
        pl.BlockSpec((_RB, _D), lambda i: (i + _GRID, 0)),
        pl.BlockSpec((_RB, 1), lambda i: (i, 0)),
        pl.BlockSpec((_RB, 1), lambda i: (i + _GRID, 0)),
        pl.BlockSpec((1, _D), lambda i: (0, 0)),
        pl.BlockSpec((_D, _D), lambda i: (0, 0)),
    ],
    out_specs=pl.BlockSpec((_RB, _D), lambda i: (i, 0)),
    out_shape=jax.ShapeDtypeStruct((_N, _D), jnp.float32),
)

_fuse3 = pl.pallas_call(
    _fuse3_body,
    grid=(_GRID,),
    in_specs=[
        pl.BlockSpec((_RB, _D), lambda i: (i, 0)),
        pl.BlockSpec((_RB, _D), lambda i: (i + _GRID, 0)),
        pl.BlockSpec((_RB, 1), lambda i: (i, 0)),
        pl.BlockSpec((_RB, 1), lambda i: (i + _GRID, 0)),
        pl.BlockSpec((1, _D), lambda i: (0, 0)),
        pl.BlockSpec((_RB, 1), lambda i: (i, 0)),
        pl.BlockSpec((_D, 1), lambda i: (0, 0)),
        pl.BlockSpec((1, 1), lambda i: (0, 0)),
    ],
    out_specs=pl.BlockSpec((_G, 1), lambda i: (0, 0)),
    out_shape=jax.ShapeDtypeStruct((_G, 1), jnp.float32),
    scratch_shapes=[
        pltpu.VMEM((_G, _D), jnp.float32),
        pltpu.VMEM((_G, 1), jnp.float32),
    ],
)



def kernel(x, edge_index, batch, W1, b1, W2, b2, head_w, head_b):
    npad = _EPAD - _E
    dummy_src = jnp.arange(npad, dtype=jnp.int32) % _N
    dummy_dst = _N + (jnp.arange(npad, dtype=jnp.int32) % _NPADROW)
    src4 = jnp.concatenate([edge_index[0], dummy_src]).reshape(_NW, _NPH, _CPP, _CH)
    dst4 = jnp.concatenate([edge_index[1], dummy_dst]).reshape(_NW, _NPH, _CPP, _CH)
    zrows = jnp.zeros((_ZCH, _D), jnp.float32)

    degcol = _deg_kernel(dst4).reshape(_NC * _N, 1)
    g1 = _fuse1(x, W1, degcol, degcol)
    p1 = _agg_kernel(g1, src4, dst4, zrows)
    g2 = _fuse2(p1, p1, degcol, degcol, b1.reshape(1, _D), W2)
    p2 = _agg_kernel(g2, src4, dst4, zrows)
    return _fuse3(p2, p2, degcol, degcol, b2.reshape(1, _D),
                  batch.reshape(_N, 1), head_w, head_b.reshape(1, 1))

# --- scband reference (transcript-rebuilt; emitter-appended) ---
"""Pipeline reference for scband-two-layer-gnn-37168646979926 (READ-ONLY COPY).

The authoritative reference and input builder live on the scoring server;
editing this copy changes nothing except your own understanding.
"""

import jax, jax.numpy as jnp
import numpy as np

N = 10000
E = 320000
D = 128
G = 64


def gcn_conv(x, edge_index, W, b):
    # GCNConv-style: linear transform then symmetric-normalized scatter-add aggregation
    src = edge_index[0]
    dst = edge_index[1]
    h = x @ W
    deg = jnp.zeros((h.shape[0],), h.dtype).at[dst].add(1.0)
    deg_inv_sqrt = jnp.where(deg > 0, 1.0 / jnp.sqrt(jnp.maximum(deg, 1.0)), 0.0)
    norm = deg_inv_sqrt[src] * deg_inv_sqrt[dst]
    msgs = jnp.take(h, src, axis=0) * norm[:, None]
    out = jnp.zeros_like(h).at[dst].add(msgs)
    return out + b


def setup_inputs(seed: int = 0) -> dict:
    key = jax.random.key(seed)
    ks = jax.random.split(key, 9)
    x = jax.random.normal(ks[0], (N, D), dtype=jnp.float32)
    edge_index = jax.random.randint(ks[1], (2, E), 0, N, dtype=jnp.int32)
    batch = jnp.sort(jax.random.randint(ks[2], (N,), 0, G, dtype=jnp.int32))
    W1 = jax.random.normal(ks[3], (D, D), dtype=jnp.float32) * 0.05
    b1 = jnp.zeros((D,), dtype=jnp.float32)
    W2 = jax.random.normal(ks[4], (D, D), dtype=jnp.float32) * 0.05
    b2 = jnp.zeros((D,), dtype=jnp.float32)
    head_w = jax.random.normal(ks[5], (D, 1), dtype=jnp.float32) * 0.05
    head_b = jnp.zeros((1,), dtype=jnp.float32)
    return {"x": x, "edge_index": edge_index, "batch": batch, "W1": W1, "b1": b1, "W2": W2, "b2": b2, "head_w": head_w, "head_b": head_b}


def reference(x, edge_index, batch, W1, b1, W2, b2, head_w, head_b):
    h = jax.nn.relu(gcn_conv(x, edge_index, W1, b1))
    h = jax.nn.relu(gcn_conv(h, edge_index, W2, b2))
    sums = jax.ops.segment_sum(h, batch, num_segments=G)
    counts = jax.ops.segment_sum(jnp.ones((h.shape[0], 1), h.dtype), batch, num_segments=G)
    graph_emb = sums / jnp.maximum(counts, 1.0)
    return graph_emb @ head_w + head_b

if __name__ == "__main__":
    import jax
    _d = setup_inputs()
    print(jax.jit(kernel)(*tuple(_d.values())))

</pallas_src>

<mosaic_0001>
#map = affine_map<(d0, d1) -> (0, 0, 0, 0)>
#map1 = affine_map<(d0, d1) -> (0)>
module attributes {stable_mosaic.version = 14 : i64} {
  func.func @_deg_kernel(%arg0: i32, %arg1: i32, %arg2: memref<32x2x40x128xi32, #tpu.memory_space<hbm>>, %arg3: memref<20000xf32, #tpu.memory_space<hbm>>, %arg4: memref<2x40x128xi32, #tpu.memory_space<vmem>>, %arg5: memref<128xf32, #tpu.memory_space<vmem>>, %arg6: memref<2000xf32, #tpu.memory_space<vmem>>, %arg7: memref<10016xf32, #tpu.memory_space<vmem_shared>>, %arg8: memref<!tpu.dma_semaphore, #tpu.memory_space<semaphore_mem>>) attributes {dimension_semantics = [#tpu.dimension_semantics<core_parallel>, #tpu.dimension_semantics<subcore_parallel>], iteration_bounds = array<i64: 2, 16>, scalar_prefetch = 0 : i64, scratch_operands = 5 : i64, tpu.core_type = #tpu.core_type<sc_vector_subcore>, window_params = [{transform_indices = #map}, {transform_indices = #map1}]} {
    %mul3A = arith.constant 16 : i32
    %mul3A_0 = arith.muli %arg0, %mul3A : i32
    %add3A = arith.addi %mul3A_0, %arg1 : i32
    %broadcast_in_dim3A = arith.constant 1.000000e+00 : f32
    %broadcast_in_dim3A_1 = vector.broadcast %broadcast_in_dim3A : f32 to vector<16xf32>
    %swap3A = arith.constant 0 : index
    %swap3A_2 = tpu.vector_load %arg5[%swap3A] {strides = array<i32>} : memref<128xf32, #tpu.memory_space<vmem>>, vector<16xf32>,
    %swap3A_3 = vector.shape_cast %swap3A_2 : vector<16xf32> to vector<16xf32>
    %swap3A_4 = vector.shape_cast %broadcast_in_dim3A_1 : vector<16xf32> to vector<16xf32>
    tpu.vector_store %arg5[%swap3A], %swap3A_4 {strides = array<i32>} : memref<128xf32, #tpu.memory_space<vmem>>, vector<16xf32>,
    %broadcast_in_dim3A_5 = arith.constant 1.000000e+00 : f32
    %broadcast_in_dim3A_6 = vector.broadcast %broadcast_in_dim3A_5 : f32 to vector<16xf32>
    %swap3A_7 = arith.constant 16 : index
    %swap3A_8 = tpu.vector_load %arg5[%swap3A_7] {strides = array<i32>} : memref<128xf32, #tpu.memory_space<vmem>>, vector<16xf32>,
    %swap3A_9 = vector.shape_cast %swap3A_8 : vector<16xf32> to vector<16xf32>
    %swap3A_10 = vector.shape_cast %broadcast_in_dim3A_6 : vector<16xf32> to vector<16xf32>
    tpu.vector_store %arg5[%swap3A_7], %swap3A_10 {strides = array<i32>} : memref<128xf32, #tpu.memory_space<vmem>>, vector<16xf32>,
    %broadcast_in_dim3A_11 = arith.constant 1.000000e+00 : f32
    %broadcast_in_dim3A_12 = vector.broadcast %broadcast_in_dim3A_11 : f32 to vector<16xf32>
    %swap3A_13 = arith.constant 32 : index
    %swap3A_14 = tpu.vector_load %arg5[%swap3A_13] {strides = array<i32>} : memref<128xf32, #tpu.memory_space<vmem>>, vector<16xf32>,
    %swap3A_15 = vector.shape_cast %swap3A_14 : vector<16xf32> to vector<16xf32>
    %swap3A_16 = vector.shape_cast %broadcast_in_dim3A_12 : vector<16xf32> to vector<16xf32>
    tpu.vector_store %arg5[%swap3A_13], %swap3A_16 {strides = array<i32>} : memref<128xf32, #tpu.memory_space<vmem>>, vector<16xf32>,
    %broadcast_in_dim3A_17 = arith.constant 1.000000e+00 : f32
    %broadcast_in_dim3A_18 = vector.broadcast %broadcast_in_dim3A_17 : f32 to vector<16xf32>
    %swap3A_19 = arith.constant 48 : index
    %swap3A_20 = tpu.vector_load %arg5[%swap3A_19] {strides = array<i32>} : memref<128xf32, #tpu.memory_space<vmem>>, vector<16xf32>,
    %swap3A_21 = vector.shape_cast %swap3A_20 : vector<16xf32> to vector<16xf32>
    %swap3A_22 = vector.shape_cast %broadcast_in_dim3A_18 : vector<16xf32> to vector<16xf32>
    tpu.vector_store %arg5[%swap3A_19], %swap3A_22 {strides = array<i32>} : memref<128xf32, #tpu.memory_space<vmem>>, vector<16xf32>,
    %broadcast_in_dim3A_23 = arith.constant 1.000000e+00 : f32
    %broadcast_in_dim3A_24 = vector.broadcast %broadcast_in_dim3A_23 : f32 to vector<16xf32>
    %swap3A_25 = arith.constant 64 : index
    %swap3A_26 = tpu.vector_load %arg5[%swap3A_25] {strides = array<i32>} : memref<128xf32, #tpu.memory_space<vmem>>, vector<16xf32>,
    %swap3A_27 = vector.shape_cast %swap3A_26 : vector<16xf32> to vector<16xf32>
    %swap3A_28 = vector.shape_cast %broadcast_in_dim3A_24 : vector<16xf32> to vector<16xf32>
    tpu.vector_store %arg5[%swap3A_25], %swap3A_28 {strides = array<i32>} : memref<128xf32, #tpu.memory_space<vmem>>, vector<16xf32>,
    %broadcast_in_dim3A_29 = arith.constant 1.000000e+00 : f32
    %broadcast_in_dim3A_30 = vector.broadcast %broadcast_in_dim3A_29 : f32 to vector<16xf32>
    %swap3A_31 = arith.constant 80 : index
    %swap3A_32 = tpu.vector_load %arg5[%swap3A_31] {strides = array<i32>} : memref<128xf32, #tpu.memory_space<vmem>>, vector<16xf32>,
    %swap3A_33 = vector.shape_cast %swap3A_32 : vector<16xf32> to vector<16xf32>
    %swap3A_34 = vector.shape_cast %broadcast_in_dim3A_30 : vector<16xf32> to vector<16xf32>
    tpu.vector_store %arg5[%swap3A_31], %swap3A_34 {strides = array<i32>} : memref<128xf32, #tpu.memory_space<vmem>>, vector<16xf32>,
    %broadcast_in_dim3A_35 = arith.constant 1.000000e+00 : f32
    %broadcast_in_dim3A_36 = vector.broadcast %broadcast_in_dim3A_35 : f32 to vector<16xf32>
    %swap3A_37 = arith.constant 96 : index
    %swap3A_38 = tpu.vector_load %arg5[%swap3A_37] {strides = array<i32>} : memref<128xf32, #tpu.memory_space<vmem>>, vector<16xf32>,
    %swap3A_39 = vector.shape_cast %swap3A_38 : vector<16xf32> to vector<16xf32>
    %swap3A_40 = vector.shape_cast %broadcast_in_dim3A_36 : vector<16xf32> to vector<16xf32>
    tpu.vector_store %arg5[%swap3A_37], %swap3A_40 {strides = array<i32>} : memref<128xf32, #tpu.memory_space<vmem>>, vector<16xf32>,
    %broadcast_in_dim3A_41 = arith.constant 1.000000e+00 : f32
    %broadcast_in_dim3A_42 = vector.broadcast %broadcast_in_dim3A_41 : f32 to vector<16xf32>
    %swap3A_43 = arith.constant 112 : index
    %swap3A_44 = tpu.vector_load %arg5[%swap3A_43] {strides = array<i32>} : memref<128xf32, #tpu.memory_space<vmem>>, vector<16xf32>,
    %swap3A_45 = vector.shape_cast %swap3A_44 : vector<16xf32> to vector<16xf32>
    %swap3A_46 = vector.shape_cast %broadcast_in_dim3A_42 : vector<16xf32> to vector<16xf32>
    tpu.vector_store %arg5[%swap3A_43], %swap3A_46 {strides = array<i32>} : memref<128xf32, #tpu.memory_space<vmem>>, vector<16xf32>,
    %eq3A = arith.constant 0 : i32
    %eq3A_47 = arith.cmpi eq, %arg1, %eq3A : i32
    %convert_element_type3A = arith.extui %eq3A_47 : i1 to i32
    %cond3A = arith.constant 0 : i32
    %cond3A_48 = arith.cmpi ne, %convert_element_type3A, %cond3A : i32
    scf.if %cond3A_48 {
      %broadcast_in_dim3A_78 = arith.constant 0.000000e+00 : f32
      %broadcast_in_dim3A_79 = vector.broadcast %broadcast_in_dim3A_78 : f32 to vector<16xf32>
      %swap3A_80 = arith.constant 0 : index
      %swap3A_81 = tpu.vector_load %arg6[%swap3A_80] {strides = array<i32>} : memref<2000xf32, #tpu.memory_space<vmem>>, vector<16xf32>,
      %swap3A_82 = vector.shape_cast %swap3A_81 : vector<16xf32> to vector<16xf32>
      %swap3A_83 = vector.shape_cast %broadcast_in_dim3A_79 : vector<16xf32> to vector<16xf32>
      tpu.vector_store %arg6[%swap3A_80], %swap3A_83 {strides = array<i32>} : memref<2000xf32, #tpu.memory_space<vmem>>, vector<16xf32>,
      %broadcast_in_dim3A_84 = arith.constant 0.000000e+00 : f32
      %broadcast_in_dim3A_85 = vector.broadcast %broadcast_in_dim3A_84 : f32 to vector<16xf32>
      %swap3A_86 = arith.constant 16 : index
      %swap3A_87 = tpu.vector_load %arg6[%swap3A_86] {strides = array<i32>} : memref<2000xf32, #tpu.memory_space<vmem>>, vector<16xf32>,
      %swap3A_88 = vector.shape_cast %swap3A_87 : vector<16xf32> to vector<16xf32>
      %swap3A_89 = vector.shape_cast %broadcast_in_dim3A_85 : vector<16xf32> to vector<16xf32>
      tpu.vector_store %arg6[%swap3A_86], %swap3A_89 {strides = array<i32>} : memref<2000xf32, #tpu.memory_space<vmem>>, vector<16xf32>,
      %broadcast_in_dim3A_90 = arith.constant 0.000000e+00 : f32
      %broadcast_in_dim3A_91 = vector.broadcast %broadcast_in_dim3A_90 : f32 to vector<16xf32>
      %swap3A_92 = arith.constant 32 : index
      %swap3A_93 = tpu.vector_load %arg6[%swap3A_92] {strides = array<i32>} : memref<2000xf32, #tpu.memory_space<vmem>>, vector<16xf32>,
      %swap3A_94 = vector.shape_cast %swap3A_93 : vector<16xf32> to vector<16xf32>
      %swap3A_95 = vector.shape_cast %broadcast_in_dim3A_91 : vector<16xf32> to vector<16xf32>
      tpu.vector_store %arg6[%swap3A_92], %swap3A_95 {strides = array<i32>} : memref<2000xf32, #tpu.memory_space<vmem>>, vector<16xf32>,
      %broadcast_in_dim3A_96 = arith.constant 0.000000e+00 : f32
      %broadcast_in_dim3A_97 = vector.broadcast %broadcast_in_dim3A_96 : f32 to vector<16xf32>
      %swap3A_98 = arith.constant 48 : index
      %swap3A_99 = tpu.vector_load %arg6[%swap3A_98] {strides = array<i32>} : memref<2000xf32, #tpu.memory_space<vmem>>, vector<16xf32>,
      %swap3A_100 = vector.shape_cast %swap3A_99 : vector<16xf32> to vector<16xf32>
      %swap3A_101 = vector.shape_cast %broadcast_in_dim3A_97 : vector<16xf32> to vector<16xf32>
      tpu.vector_store %arg6[%swap3A_98], %swap3A_101 {strides = array<i32>} : memref<2000xf32, #tpu.memory_space<vmem>>, vector<16xf32>,
      %broadcast_in_dim3A_102 = arith.constant 0.000000e+00 : f32
      %broadcast_in_dim3A_103 = vector.broadcast %broadcast_in_dim3A_102 : f32 to vector<16xf32>
      %swap3A_104 = arith.constant 64 : index
      %swap3A_105 = tpu.vector_load %arg6[%swap3A_104] {strides = array<i32>} : memref<2000xf32, #tpu.memory_space<vmem>>, vector<16xf32>,
      %swap3A_106 = vector.shape_cast %swap3A_105 : vector<16xf32> to vector<16xf32>
      %swap3A_107 = vector.shape_cast %broadcast_in_dim3A_103 : vector<16xf32> to vector<16xf32>
      tpu.vector_store %arg6[%swap3A_104], %swap3A_107 {strides = array<i32>} : memref<2000xf32, #tpu.memory_space<vmem>>, vector<16xf32>,
      %broadcast_in_dim3A_108 = arith.constant 0.000000e+00 : f32
      %broadcast_in_dim3A_109 = vector.broadcast %broadcast_in_dim3A_108 : f32 to vector<16xf32>
      %swap3A_110 = arith.constant 80 : index
      %swap3A_111 = tpu.vector_load %arg6[%swap3A_110] {strides = array<i32>} : memref<2000xf32, #tpu.memory_space<vmem>>, vector<16xf32>,
      %swap3A_112 = vector.shape_cast %swap3A_111 : vector<16xf32> to vector<16xf32>
      %swap3A_113 = vector.shape_cast %broadcast_in_dim3A_109 : vector<16xf32> to vector<16xf32>
      tpu.vector_store %arg6[%swap3A_110], %swap3A_113 {strides = array<i32>} : memref<2000xf32, #tpu.memory_space<vmem>>, vector<16xf32>,
      %broadcast_in_dim3A_114 = arith.constant 0.000000e+00 : f32
      %broadcast_in_dim3A_115 = vector.broadcast %broadcast_in_dim3A_114 : f32 to vector<16xf32>
      %swap3A_116 = arith.constant 96 : index
      %swap3A_117 = tpu.vector_load %arg6[%swap3A_116] {strides = array<i32>} : memref<2000xf32, #tpu.memory_space<vmem>>, vector<16xf32>,
      %swap3A_118 = vector.shape_cast %swap3A_117 : vector<16xf32> to vector<16xf32>
      %swap3A_119 = vector.shape_cast %broadcast_in_dim3A_115 : vector<16xf32> to vector<16xf32>
      tpu.vector_store %arg6[%swap3A_116], %swap3A_119 {strides = array<i32>} : memref<2000xf32, #tpu.memory_space<vmem>>, vector<16xf32>,
      %broadcast_in_dim3A_120 = arith.constant 0.000000e+00 : f32
      %broadcast_in_dim3A_121 = vector.broadcast %broadcast_in_dim3A_120 : f32 to vector<16xf32>
      %swap3A_122 = arith.constant 112 : index
      %swap3A_123 = tpu.vector_load %arg6[%swap3A_122] {strides = array<i32>} : memref<2000xf32, #tpu.memory_space<vmem>>, vector<16xf32>,
      %swap3A_124 = vector.shape_cast %swap3A_123 : vector<16xf32> to vector<16xf32>
      %swap3A_125 = vector.shape_cast %broadcast_in_dim3A_121 : vector<16xf32> to vector<16xf32>
      tpu.vector_store %arg6[%swap3A_122], %swap3A_125 {strides = array<i32>} : memref<2000xf32, #tpu.memory_space<vmem>>, vector<16xf32>,
      %broadcast_in_dim3A_126 = arith.constant 0.000000e+00 : f32
      %broadcast_in_dim3A_127 = vector.broadcast %broadcast_in_dim3A_126 : f32 to vector<16xf32>
      %swap3A_128 = arith.constant 128 : index
      %swap3A_129 = tpu.vector_load %arg6[%swap3A_128] {strides = array<i32>} : memref<2000xf32, #tpu.memory_space<vmem>>, vector<16xf32>,
      %swap3A_130 = vector.shape_cast %swap3A_129 : vector<16xf32> to vector<16xf32>
      %swap3A_131 = vector.shape_cast %broadcast_in_dim3A_127 : vector<16xf32> to vector<16xf32>
      tpu.vector_store %arg6[%swap3A_128], %swap3A_131 {strides = array<i32>} : memref<2000xf32, #tpu.memory_space<vmem>>, vector<16xf32>,
      %broadcast_in_dim3A_132 = arith.constant 0.000000e+00 : f32
      %broadcast_in_dim3A_133 = vector.broadcast %broadcast_in_dim3A_132 : f32 to vector<16xf32>
      %swap3A_134 = arith.constant 144 : index
      %swap3A_135 = tpu.vector_load %arg6[%swap3A_134] {strides = array<i32>} : memref<2000xf32, #tpu.memory_space<vmem>>, vector<16xf32>,
      %swap3A_136 = vector.shape_cast %swap3A_135 : vector<16xf32> to vector<16xf32>
      %swap3A_137 = vector.shape_cast %broadcast_in_dim3A_133 : vector<16xf32> to vector<16xf32>
      tpu.vector_store %arg6[%swap3A_134], %swap3A_137 {strides = array<i32>} : memref<2000xf32, #tpu.memory_space<vmem>>, vector<16xf32>,
      %broadcast_in_dim3A_138 = arith.constant 0.000000e+00 : f32
      %broadcast_in_dim3A_139 = vector.broadcast %broadcast_in_dim3A_138 : f32 to vector<16xf32>
      %swap3A_140 = arith.constant 160 : index
      %swap3A_141 = tpu.vector_load %arg6[%swap3A_140] {strides = array<i32>} : memref<2000xf32, #tpu.memory_space<vmem>>, vector<16xf32>,
      %swap3A_142 = vector.shape_cast %swap3A_141 : vector<16xf32> to vector<16xf32>
      %swap3A_143 = vector.shape_cast %broadcast_in_dim3A_139 : vector<16xf32> to vector<16xf32>
      tpu.vector_store %arg6[%swap3A_140], %swap3A_143 {strides = array<i32>} : memref<2000xf32, #tpu.memory_space<vmem>>, vector<16xf32>,
      %broadcast_in_dim3A_144 = arith.constant 0.000000e+00 : f32
      %broadcast_in_dim3A_145 = vector.broadcast %broadcast_in_dim3A_144 : f32 to vector<16xf32>
      %swap3A_146 = arith.constant 176 : index
      %swap3A_147 = tpu.vector_load %arg6[%swap3A_146] {strides = array<i32>} : memref<2000xf32, #tpu.memory_space<vmem>>, vector<16xf32>,
      %swap3A_148 = vector.shape_cast %swap3A_147 : vector<16xf32> to vector<16xf32>
      %swap3A_149 = vector.shape_cast %broadcast_in_dim3A_145 : vector<16xf32> to vector<16xf32>
      tpu.vector_store %arg6[%swap3A_146], %swap3A_149 {strides = array<i32>} : memref<2000xf32, #tpu.memory_space<vmem>>, vector<16xf32>,
      %broadcast_in_dim3A_150 = arith.constant 0.000000e+00 : f32
      %broadcast_in_dim3A_151 = vector.broadcast %broadcast_in_dim3A_150 : f32 to vector<16xf32>
      %swap3A_152 = arith.constant 192 : index
      %swap3A_153 = tpu.vector_load %arg6[%swap3A_152] {strides = array<i32>} : memref<2000xf32, #tpu.memory_space<vmem>>, vector<16xf32>,
      %swap3A_154 = vector.shape_cast %swap3A_153 : vector<16xf32> to vector<16xf32>
      %swap3A_155 = vector.shape_cast %broadcast_in_dim3A_151 : vector<16xf32> to vector<16xf32>
      tpu.vector_store %arg6[%swap3A_152], %swap3A_155 {strides = array<i32>} : memref<2000xf32, #tpu.memory_space<vmem>>, vector<16xf32>,
      %broadcast_in_dim3A_156 = arith.constant 0.000000e+00 : f32
      %broadcast_in_dim3A_157 = vector.broadcast %broadcast_in_dim3A_156 : f32 to vector<16xf32>
      %swap3A_158 = arith.constant 208 : index
      %swap3A_159 = tpu.vector_load %arg6[%swap3A_158] {strides = array<i32>} : memref<2000xf32, #tpu.memory_space<vmem>>, vector<16xf32>,
      %swap3A_160 = vector.shape_cast %swap3A_159 : vector<16xf32> to vector<16xf32>
      %swap3A_161 = vector.shape_cast %broadcast_in_dim3A_157 : vector<16xf32> to vector<16xf32>
      tpu.vector_store %arg6[%swap3A_158], %swap3A_161 {strides = array<i32>} : memref<2000xf32, #tpu.memory_space<vmem>>, vector<16xf32>,
      %broadcast_in_dim3A_162 = arith.constant 0.000000e+00 : f32
      %broadcast_in_dim3A_163 = vector.broadcast %broadcast_in_dim3A_162 : f32 to vector<16xf32>
      %swap3A_164 = arith.constant 224 : index
      %swap3A_165 = tpu.vector_load %arg6[%swap3A_164] {strides = array<i32>} : memref<2000xf32, #tpu.memory_space<vmem>>, vector<16xf32>,
      %swap3A_166 = vector.shape_cast %swap3A_165 : vector<16xf32> to vector<16xf32>
      %swap3A_167 = vector.shape_cast %broadcast_in_dim3A_163 : vector<16xf32> to vector<16xf32>
      tpu.vector_store %arg6[%swap3A_164], %swap3A_167 {strides = array<i32>} : memref<2000xf32, #tpu.memory_space<vmem>>, vector<16xf32>,
      %broadcast_in_dim3A_168 = arith.constant 0.000000e+00 : f32
      %broadcast_in_dim3A_169 = vector.broadcast %broadcast_in_dim3A_168 : f32 to vector<16xf32>
      %swap3A_170 = arith.constant 240 : index
      %swap3A_171 = tpu.vector_load %arg6[%swap3A_170] {strides = array<i32>} : memref<2000xf32, #tpu.memory_space<vmem>>, vector<16xf32>,
      %swap3A_172 = vector.shape_cast %swap3A_171 : vector<16xf32> to vector<16xf32>
      %swap3A_173 = vector.shape_cast %broadcast_in_dim3A_169 : vector<16xf32> to vector<16xf32>
      tpu.vector_store %arg6[%swap3A_170], %swap3A_173 {strides = array<i32>} : memref<2000xf32, #tpu.memory_space<vmem>>, vector<16xf32>,
      %broadcast_in_dim3A_174 = arith.constant 0.000000e+00 : f32
      %broadcast_in_dim3A_175 = vector.broadcast %broadcast_in_dim3A_174 : f32 to vector<16xf32>
      %swap3A_176 = arith.constant 256 : index
      %swap3A_177 = tpu.vector_load %arg6[%swap3A_176] {strides = array<i32>} : memref<2000xf32, #tpu.memory_space<vmem>>, vector<16xf32>,
      %swap3A_178 = vector.shape_cast %swap3A_177 : vector<16xf32> to vector<16xf32>
      %swap3A_179 = vector.shape_cast %broadcast_in_dim3A_175 : vector<16xf32> to vector<16xf32>
      tpu.vector_store %arg6[%swap3A_176], %swap3A_179 {strides = array<i32>} : memref<2000xf32, #tpu.memory_space<vmem>>, vector<16xf32>,
      %broadcast_in_dim3A_180 = arith.constant 0.000000e+00 : f32
      %broadcast_in_dim3A_181 = vector.broadcast %broadcast_in_dim3A_180 : f32 to vector<16xf32>
      %swap3A_182 = arith.constant 272 : index
      %swap3A_183 = tpu.vector_load %arg6[%swap3A_182] {strides = array<i32>} : memref<2000xf32, #tpu.memory_space<vmem>>, vector<16xf32>,
      %swap3A_184 = vector.shape_cast %swap3A_183 : vector<16xf32> to vector<16xf32>
      %swap3A_185 = vector.shape_cast %broadcast_in_dim3A_181 : vector<16xf32> to vector<16xf32>
      tpu.vector_store %arg6[%swap3A_182], %swap3A_185 {strides = array<i32>} : memref<2000xf32, #tpu.memory_space<vmem>>, vector<16xf32>,
      %broadcast_in_dim3A_186 = arith.constant 0.000000e+00 : f32
      %broadcast_in_dim3A_187 = vector.broadcast %broadcast_in_dim3A_186 : f32 to vector<16xf32>
      %swap3A_188 = arith.constant 288 : index
      %swap3A_189 = tpu.vector_load %arg6[%swap3A_188] {strides = array<i32>} : memref<2000xf32, #tpu.memory_space<vmem>>, vector<16xf32>,
      %swap3A_190 = vector.shape_cast %swap3A_189 : vector<16xf32> to vector<16xf32>
      %swap3A_191 = vector.shape_cast %broadcast_in_dim3A_187 : vector<16xf32> to vector<16xf32>
      tpu.vector_store %arg6[%swap3A_188], %swap3A_191 {strides = array<i32>} : memref<2000xf32, #tpu.memory_space<vmem>>, vector<16xf32>,
      %broadcast_in_dim3A_192 = arith.constant 0.000000e+00 : f32
      %broadcast_in_dim3A_193 = vector.broadcast %broadcast_in_dim3A_192 : f32 to vector<16xf32>
      %swap3A_194 = arith.constant 304 : index
      %swap3A_195 = tpu.vector_load %arg6[%swap3A_194] {strides = array<i32>} : memref<2000xf32, #tpu.memory_space<vmem>>, vector<16xf32>,
      %swap3A_196 = vector.shape_cast %swap3A_195 : vector<16xf32> to vector<16xf32>
      %swap3A_197 = vector.shape_cast %broadcast_in_dim3A_193 : vector<16xf32> to vector<16xf32>
      tpu.vector_store %arg6[%swap3A_194], %swap3A_197 {strides = array<i32>} : memref<2000xf32, #tpu.memory_space<vmem>>, vector<16xf32>,
      %broadcast_in_dim3A_198 = arith.constant 0.000000e+00 : f32
      %broadcast_in_dim3A_199 = vector.broadcast %broadcast_in_dim3A_198 : f32 to vector<16xf32>
      %swap3A_200 = arith.constant 320 : index
      %swap3A_201 = tpu.vector_load %arg6[%swap3A_200] {strides = array<i32>} : memref<2000xf32, #tpu.memory_space<vmem>>, vector<16xf32>,
      %swap3A_202 = vector.shape_cast %swap3A_201 : vector<16xf32> to vector<16xf32>
      %swap3A_203 = vector.shape_cast %broadcast_in_dim3A_199 : vector<16xf32> to vector<16xf32>
      tpu.vector_store %arg6[%swap3A_200], %swap3A_203 {strides = array<i32>} : memref<2000xf32, #tpu.memory_space<vmem>>, vector<16xf32>,
      %broadcast_in_dim3A_204 = arith.constant 0.000000e+00 : f32
      %broadcast_in_dim3A_205 = vector.broadcast %broadcast_in_dim3A_204 : f32 to vector<16xf32>
      %swap3A_206 = arith.constant 336 : index
      %swap3A_207 = tpu.vector_load %arg6[%swap3A_206] {strides = array<i32>} : memref<2000xf32, #tpu.memory_space<vmem>>, vector<16xf32>,
      %swap3A_208 = vector.shape_cast %swap3A_207 : vector<16xf32> to vector<16xf32>
      %swap3A_209 = vector.shape_cast %broadcast_in_dim3A_205 : vector<16xf32> to vector<16xf32>
      tpu.vector_store %arg6[%swap3A_206], %swap3A_209 {strides = array<i32>} : memref<2000xf32, #tpu.memory_space<vmem>>, vector<16xf32>,
      %broadcast_in_dim3A_210 = arith.constant 0.000000e+00 : f32
      %broadcast_in_dim3A_211 = vector.broadcast %broadcast_in_dim3A_210 : f32 to vector<16xf32>
      %swap3A_212 = arith.constant 352 : index
      %swap3A_213 = tpu.vector_load %arg6[%swap3A_212] {strides = array<i32>} : memref<2000xf32, #tpu.memory_space<vmem>>, vector<16xf32>,
      %swap3A_214 = vector.shape_cast %swap3A_213 : vector<16xf32> to vector<16xf32>
      %swap3A_215 = vector.shape_cast %broadcast_in_dim3A_211 : vector<16xf32> to vector<16xf32>
      tpu.vector_store %arg6[%swap3A_212], %swap3A_215 {strides = array<i32>} : memref<2000xf32, #tpu.memory_space<vmem>>, vector<16xf32>,
      %broadcast_in_dim3A_216 = arith.constant 0.000000e+00 : f32
      %broadcast_in_dim3A_217 = vector.broadcast %broadcast_in_dim3A_216 : f32 to vector<16xf32>
      %swap3A_218 = arith.constant 368 : index
      %swap3A_219 = tpu.vector_load %arg6[%swap3A_218] {strides = array<i32>} : memref<2000xf32, #tpu.memory_space<vmem>>, vector<16xf32>,
      %swap3A_220 = vector.shape_cast %swap3A_219 : vector<16xf32> to vector<16xf32>
      %swap3A_221 = vector.shape_cast %broadcast_in_dim3A_217 : vector<16xf32> to vector<16xf32>
      tpu.vector_store %arg6[%swap3A_218], %swap3A_221 {strides = array<i32>} : memref<2000xf32, #tpu.memory_space<vmem>>, vector<16xf32>,
      %broadcast_in_dim3A_222 = arith.constant 0.000000e+00 : f32
      %broadcast_in_dim3A_223 = vector.broadcast %broadcast_in_dim3A_222 : f32 to vector<16xf32>
      %swap3A_224 = arith.constant 384 : index
      %swap3A_225 = tpu.vector_load %arg6[%swap3A_224] {strides = array<i32>} : memref<2000xf32, #tpu.memory_space<vmem>>, vector<16xf32>,
      %swap3A_226 = vector.shape_cast %swap3A_225 : vector<16xf32> to vector<16xf32>
      %swap3A_227 = vector.shape_cast %broadcast_in_dim3A_223 : vector<16xf32> to vector<16xf32>
      tpu.vector_store %arg6[%swap3A_224], %swap3A_227 {strides = array<i32>} : memref<2000xf32, #tpu.memory_space<vmem>>, vector<16xf32>,
      %broadcast_in_dim3A_228 = arith.constant 0.000000e+00 : f32
      %broadcast_in_dim3A_229 = vector.broadcast %broadcast_in_dim3A_228 : f32 to vector<16xf32>
      %swap3A_230 = arith.constant 400 : index
      %swap3A_231 = tpu.vector_load %arg6[%swap3A_230] {strides = array<i32>} : memref<2000xf32, #tpu.memory_space<vmem>>, vector<16xf32>,
      %swap3A_232 = vector.shape_cast %swap3A_231 : vector<16xf32> to vector<16xf32>
      %swap3A_233 = vector.shape_cast %broadcast_in_dim3A_229 : vector<16xf32> to vector<16xf32>
      tpu.vector_store %arg6[%swap3A_230], %swap3A_233 {strides = array<i32>} : memref<2000xf32, #tpu.memory_space<vmem>>, vector<16xf32>,
      %broadcast_in_dim3A_234 = arith.constant 0.000000e+00 : f32
      %broadcast_in_dim3A_235 = vector.broadcast %broadcast_in_dim3A_234 : f32 to vector<16xf32>
      %swap3A_236 = arith.constant 416 : index
      %swap3A_237 = tpu.vector_load %arg6[%swap3A_236] {strides = array<i32>} : memref<2000xf32, #tpu.memory_space<vmem>>, vector<16xf32>,
      %swap3A_238 = vector.shape_cast %swap3A_237 : vector<16xf32> to vector<16xf32>
      %swap3A_239 = vector.shape_cast %broadcast_in_dim3A_235 : vector<16xf32> to vector<16xf32>
      tpu.vector_store %arg6[%swap3A_236], %swap3A_239 {strides = array<i32>} : memref<2000xf32, #tpu.memory_space<vmem>>, vector<16xf32>,
      %broadcast_in_dim3A_240 = arith.constant 0.000000e+00 : f32
      %broadcast_in_dim3A_241 = vector.broadcast %broadcast_in_dim3A_240 : f32 to vector<16xf32>
      %swap3A_242 = arith.constant 432 : index
      %swap3A_243 = tpu.vector_load %arg6[%swap3A_242] {strides = array<i32>} : memref<2000xf32, #tpu.memory_space<vmem>>, vector<16xf32>,
      %swap3A_244 = vector.shape_cast %swap3A_243 : vector<16xf32> to vector<16xf32>
      %swap3A_245 = vector.shape_cast %broadcast_in_dim3A_241 : vector<16xf32> to vector<16xf32>
      tpu.vector_store %arg6[%swap3A_242], %swap3A_245 {strides = array<i32>} : memref<2000xf32, #tpu.memory_space<vmem>>, vector<16xf32>,
      %broadcast_in_dim3A_246 = arith.constant 0.000000e+00 : f32
      %broadcast_in_dim3A_247 = vector.broadcast %broadcast_in_dim3A_246 : f32 to vector<16xf32>
      %swap3A_248 = arith.constant 448 : index
      %swap3A_249 = tpu.vector_load %arg6[%swap3A_248] {strides = array<i32>} : memref<2000xf32, #tpu.memory_space<vmem>>, vector<16xf32>,
      %swap3A_250 = vector.shape_cast %swap3A_249 : vector<16xf32> to vector<16xf32>
      %swap3A_251 = vector.shape_cast %broadcast_in_dim3A_247 : vector<16xf32> to vector<16xf32>
      tpu.vector_store %arg6[%swap3A_248], %swap3A_251 {strides = array<i32>} : memref<2000xf32, #tpu.memory_space<vmem>>, vector<16xf32>,
      %broadcast_in_dim3A_252 = arith.constant 0.000000e+00 : f32
      %broadcast_in_dim3A_253 = vector.broadcast %broadcast_in_dim3A_252 : f32 to vector<16xf32>
      %swap3A_254 = arith.constant 464 : index
      %swap3A_255 = tpu.vector_load %arg6[%swap3A_254] {strides = array<i32>} : memref<2000xf32, #tpu.memory_space<vmem>>, vector<16xf32>,
      %swap3A_256 = vector.shape_cast %swap3A_255 : vector<16xf32> to vector<16xf32>
      %swap3A_257 = vector.shape_cast %broadcast_in_dim3A_253 : vector<16xf32> to vector<16xf32>
      tpu.vector_store %arg6[%swap3A_254], %swap3A_257 {strides = array<i32>} : memref<2000xf32, #tpu.memory_space<vmem>>, vector<16xf32>,
      %broadcast_in_dim3A_258 = arith.constant 0.000000e+00 : f32
      %broadcast_in_dim3A_259 = vector.broadcast %broadcast_in_dim3A_258 : f32 to vector<16xf32>
      %swap3A_260 = arith.constant 480 : index
      %swap3A_261 = tpu.vector_load %arg6[%swap3A_260] {strides = array<i32>} : memref<2000xf32, #tpu.memory_space<vmem>>, vector<16xf32>,
      %swap3A_262 = vector.shape_cast %swap3A_261 : vector<16xf32> to vector<16xf32>
      %swap3A_263 = vector.shape_cast %broadcast_in_dim3A_259 : vector<16xf32> to vector<16xf32>
      tpu.vector_store %arg6[%swap3A_260], %swap3A_263 {strides = array<i32>} : memref<2000xf32, #tpu.memory_space<vmem>>, vector<16xf32>,
      %broadcast_in_dim3A_264 = arith.constant 0.000000e+00 : f32
      %broadcast_in_dim3A_265 = vector.broadcast %broadcast_in_dim3A_264 : f32 to vector<16xf32>
      %swap3A_266 = arith.constant 496 : index
      %swap3A_267 = tpu.vector_load %arg6[%swap3A_266] {strides = array<i32>} : memref<2000xf32, #tpu.memory_space<vmem>>, vector<16xf32>,
      %swap3A_268 = vector.shape_cast %swap3A_267 : vector<16xf32> to vector<16xf32>
      %swap3A_269 = vector.shape_cast %broadcast_in_dim3A_265 : vector<16xf32> to vector<16xf32>
      tpu.vector_store %arg6[%swap3A_266], %swap3A_269 {strides = array<i32>} : memref<2000xf32, #tpu.memory_space<vmem>>, vector<16xf32>,
      %broadcast_in_dim3A_270 = arith.constant 0.000000e+00 : f32
      %broadcast_in_dim3A_271 = vector.broadcast %broadcast_in_dim3A_270 : f32 to vector<16xf32>
      %swap3A_272 = arith.constant 512 : index
      %swap3A_273 = tpu.vector_load %arg6[%swap3A_272] {strides = array<i32>} : memref<2000xf32, #tpu.memory_space<vmem>>, vector<16xf32>,
      %swap3A_274 = vector.shape_cast %swap3A_273 : vector<16xf32> to vector<16xf32>
      %swap3A_275 = vector.shape_cast %broadcast_in_dim3A_271 : vector<16xf32> to vector<16xf32>
      tpu.vector_store %arg6[%swap3A_272], %swap3A_275 {strides = array<i32>} : memref<2000xf32, #tpu.memory_space<vmem>>, vector<16xf32>,
      %broadcast_in_dim3A_276 = arith.constant 0.000000e+00 : f32
      %broadcast_in_dim3A_277 = vector.broadcast %broadcast_in_dim3A_276 : f32 to vector<16xf32>
      %swap3A_278 = arith.constant 528 : index
      %swap3A_279 = tpu.vector_load %arg6[%swap3A_278] {strides = array<i32>} : memref<2000xf32, #tpu.memory_space<vmem>>, vector<16xf32>,
      %swap3A_280 = vector.shape_cast %swap3A_279 : vector<16xf32> to vector<16xf32>
      %swap3A_281 = vector.shape_cast %broadcast_in_dim3A_277 : vector<16xf32> to vector<16xf32>
      tpu.vector_store %arg6[%swap3A_278], %swap3A_281 {strides = array<i32>} : memref<2000xf32, #tpu.memory_space<vmem>>, vector<16xf32>,
      %broadcast_in_dim3A_282 = arith.constant 0.000000e+00 : f32
      %broadcast_in_dim3A_283 = vector.broadcast %broadcast_in_dim3A_282 : f32 to vector<16xf32>
      %swap3A_284 = arith.constant 544 : index
      %swap3A_285 = tpu.vector_load %arg6[%swap3A_284] {strides = array<i32>} : memref<2000xf32, #tpu.memory_space<vmem>>, vector<16xf32>,
      %swap3A_286 = vector.shape_cast %swap3A_285 : vector<16xf32> to vector<16xf32>
      %swap3A_287 = vector.shape_cast %broadcast_in_dim3A_283 : vector<16xf32> to vector<16xf32>
      tpu.vector_store %arg6[%swap3A_284], %swap3A_287 {strides = array<i32>} : memref<2000xf32, #tpu.memory_space<vmem>>, vector<16xf32>,
      %broadcast_in_dim3A_288 = arith.constant 0.000000e+00 : f32
      %broadcast_in_dim3A_289 = vector.broadcast %broadcast_in_dim3A_288 : f32 to vector<16xf32>
      %swap3A_290 = arith.constant 560 : index
      %swap3A_291 = tpu.vector_load %arg6[%swap3A_290] {strides = array<i32>} : memref<2000xf32, #tpu.memory_space<vmem>>, vector<16xf32>,
      %swap3A_292 = vector.shape_cast %swap3A_291 : vector<16xf32> to vector<16xf32>
      %swap3A_293 = vector.shape_cast %broadcast_in_dim3A_289 : vector<16xf32> to vector<16xf32>
      tpu.vector_store %arg6[%swap3A_290], %swap3A_293 {strides = array<i32>} : memref<2000xf32, #tpu.memory_space<vmem>>, vector<16xf32>,
      %broadcast_in_dim3A_294 = arith.constant 0.000000e+00 : f32
      %broadcast_in_dim3A_295 = vector.broadcast %broadcast_in_dim3A_294 : f32 to vector<16xf32>
      %swap3A_296 = arith.constant 576 : index
      %swap3A_297 = tpu.vector_load %arg6[%swap3A_296] {strides = array<i32>} : memref<2000xf32, #tpu.memory_space<vmem>>, vector<16xf32>,
      %swap3A_298 = vector.shape_cast %swap3A_297 : vector<16xf32> to vector<16xf32>
      %swap3A_299 = vector.shape_cast %broadcast_in_dim3A_295 : vector<16xf32> to vector<16xf32>
      tpu.vector_store %arg6[%swap3A_296], %swap3A_299 {strides = array<i32>} : memref<2000xf32, #tpu.memory_space<vmem>>, vector<16xf32>,
      %broadcast_in_dim3A_300 = arith.constant 0.000000e+00 : f32
      %broadcast_in_dim3A_301 = vector.broadcast %broadcast_in_dim3A_300 : f32 to vector<16xf32>
      %swap3A_302 = arith.constant 592 : index
      %swap3A_303 = tpu.vector_load %arg6[%swap3A_302] {strides = array<i32>} : memref<2000xf32, #tpu.memory_space<vmem>>, vector<16xf32>,
      %swap3A_304 = vector.shape_cast %swap3A_303 : vector<16xf32> to vector<16xf32>
      %swap3A_305 = vector.shape_cast %broadcast_in_dim3A_301 : vector<16xf32> to vector<16xf32>
      tpu.vector_store %arg6[%swap3A_302], %swap3A_305 {strides = array<i32>} : memref<2000xf32, #tpu.memory_space<vmem>>, vector<16xf32>,
      %broadcast_in_dim3A_306 = arith.constant 0.000000e+00 : f32
      %broadcast_in_dim3A_307 = vector.broadcast %broadcast_in_dim3A_306 : f32 to vector<16xf32>
      %swap3A_308 = arith.constant 608 : index
      %swap3A_309 = tpu.vector_load %arg6[%swap3A_308] {strides = array<i32>} : memref<2000xf32, #tpu.memory_space<vmem>>, vector<16xf32>,
      %swap3A_310 = vector.shape_cast %swap3A_309 : vector<16xf32> to vector<16xf32>
      %swap3A_311 = vector.shape_cast %broadcast_in_dim3A_307 : vector<16xf32> to vector<16xf32>
      tpu.vector_store %arg6[%swap3A_308], %swap3A_311 {strides = array<i32>} : memref<2000xf32, #tpu.memory_space<vmem>>, vector<16xf32>,
      %broadcast_in_dim3A_312 = arith.constant 0.000000e+00 : f32
      %broadcast_in_dim3A_313 = vector.broadcast %broadcast_in_dim3A_312 : f32 to vector<16xf32>
      %swap3A_314 = arith.constant 624 : index
      %swap3A_315 = tpu.vector_load %arg6[%swap3A_314] {strides = array<i32>} : memref<2000xf32, #tpu.memory_space<vmem>>, vector<16xf32>,
      %swap3A_316 = vector.shape_cast %swap3A_315 : vector<16xf32> to vector<16xf32>
      %swap3A_317 = vector.shape_cast %broadcast_in_dim3A_313 : vector<16xf32> to vector<16xf32>
      tpu.vector_store %arg6[%swap3A_314], %swap3A_317 {strides = array<i32>} : memref<2000xf32, #tpu.memory_space<vmem>>, vector<16xf32>,
      %broadcast_in_dim3A_318 = arith.constant 0.000000e+00 : f32
      %broadcast_in_dim3A_319 = vector.broadcast %broadcast_in_dim3A_318 : f32 to vector<16xf32>
      %swap3A_320 = arith.constant 640 : index
      %swap3A_321 = tpu.vector_load %arg6[%swap3A_320] {strides = array<i32>} : memref<2000xf32, #tpu.memory_space<vmem>>, vector<16xf32>,
      %swap3A_322 = vector.shape_cast %swap3A_321 : vector<16xf32> to vector<16xf32>
      %swap3A_323 = vector.shape_cast %broadcast_in_dim3A_319 : vector<16xf32> to vector<16xf32>
      tpu.vector_store %arg6[%swap3A_320], %swap3A_323 {strides = array<i32>} : memref<2000xf32, #tpu.memory_space<vmem>>, vector<16xf32>,
      %broadcast_in_dim3A_324 = arith.constant 0.000000e+00 : f32
      %broadcast_in_dim3A_325 = vector.broadcast %broadcast_in_dim3A_324 : f32 to vector<16xf32>
      %swap3A_326 = arith.constant 656 : index
      %swap3A_327 = tpu.vector_load %arg6[%swap3A_326] {strides = array<i32>} : memref<2000xf32, #tpu.memory_space<vmem>>, vector<16xf32>,
      %swap3A_328 = vector.shape_cast %swap3A_327 : vector<16xf32> to vector<16xf32>
      %swap3A_329 = vector.shape_cast %broadcast_in_dim3A_325 : vector<16xf32> to vector<16xf32>
      tpu.vector_store %arg6[%swap3A_326], %swap3A_329 {strides = array<i32>} : memref<2000xf32, #tpu.memory_space<vmem>>, vector<16xf32>,
      %broadcast_in_dim3A_330 = arith.constant 0.000000e+00 : f32
      %broadcast_in_dim3A_331 = vector.broadcast %broadcast_in_dim3A_330 : f32 to vector<16xf32>
      %swap3A_332 = arith.constant 672 : index
      %swap3A_333 = tpu.vector_load %arg6[%swap3A_332] {strides = array<i32>} : memref<2000xf32, #tpu.memory_space<vmem>>, vector<16xf32>,
      %swap3A_334 = vector.shape_cast %swap3A_333 : vector<16xf32> to vector<16xf32>
      %swap3A_335 = vector.shape_cast %broadcast_in_dim3A_331 : vector<16xf32> to vector<16xf32>
      tpu.vector_store %arg6[%swap3A_332], %swap3A_335 {strides = array<i32>} : memref<2000xf32, #tpu.memory_space<vmem>>, vector<16xf32>,
      %broadcast_in_dim3A_336 = arith.constant 0.000000e+00 : f32
      %broadcast_in_dim3A_337 = vector.broadcast %broadcast_in_dim3A_336 : f32 to vector<16xf32>
      %swap3A_338 = arith.constant 688 : index
      %swap3A_339 = tpu.vector_load %arg6[%swap3A_338] {strides = array<i32>} : memref<2000xf32, #tpu.memory_space<vmem>>, vector<16xf32>,
      %swap3A_340 = vector.shape_cast %swap3A_339 : vector<16xf32> to vector<16xf32>
      %swap3A_341 = vector.shape_cast %broadcast_in_dim3A_337 : vector<16xf32> to vector<16xf32>
      tpu.vector_store %arg6[%swap3A_338], %swap3A_341 {strides = array<i32>} : memref<2000xf32, #tpu.memory_space<vmem>>, vector<16xf32>,
      %broadcast_in_dim3A_342 = arith.constant 0.000000e+00 : f32
      %broadcast_in_dim3A_343 = vector.broadcast %broadcast_in_dim3A_342 : f32 to vector<16xf32>
      %swap3A_344 = arith.constant 704 : index
      %swap3A_345 = tpu.vector_load %arg6[%swap3A_344] {strides = array<i32>} : memref<2000xf32, #tpu.memory_space<vmem>>, vector<16xf32>,
      %swap3A_346 = vector.shape_cast %swap3A_345 : vector<16xf32> to vector<16xf32>
      %swap3A_347 = vector.shape_cast %broadcast_in_dim3A_343 : vector<16xf32> to vector<16xf32>
      tpu.vector_store %arg6[%swap3A_344], %swap3A_347 {strides = array<i32>} : memref<2000xf32, #tpu.memory_space<vmem>>, vector<16xf32>,
      %broadcast_in_dim3A_348 = arith.constant 0.000000e+00 : f32
      %broadcast_in_dim3A_349 = vector.broadcast %broadcast_in_dim3A_348 : f32 to vector<16xf32>
      %swap3A_350 = arith.constant 720 : index
      %swap3A_351 = tpu.vector_load %arg6[%swap3A_350] {strides = array<i32>} : memref<2000xf32, #tpu.memory_space<vmem>>, vector<16xf32>,
      %swap3A_352 = vector.shape_cast %swap3A_351 : vector<16xf32> to vector<16xf32>
      %swap3A_353 = vector.shape_cast %broadcast_in_dim3A_349 : vector<16xf32> to vector<16xf32>
      tpu.vector_store %arg6[%swap3A_350], %swap3A_353 {strides = array<i32>} : memref<2000xf32, #tpu.memory_space<vmem>>, vector<16xf32>,
      %broadcast_in_dim3A_354 = arith.constant 0.000000e+00 : f32
      %broadcast_in_dim3A_355 = vector.broadcast %broadcast_in_dim3A_354 : f32 to vector<16xf32>
      %swap3A_356 = arith.constant 736 : index
      %swap3A_357 = tpu.vector_load %arg6[%swap3A_356] {strides = array<i32>} : memref<2000xf32, #tpu.memory_space<vmem>>, vector<16xf32>,
      %swap3A_358 = vector.shape_cast %swap3A_357 : vector<16xf32> to vector<16xf32>
      %swap3A_359 = vector.shape_cast %broadcast_in_dim3A_355 : vector<16xf32> to vector<16xf32>
      tpu.vector_store %arg6[%swap3A_356], %swap3A_359 {strides = array<i32>} : memref<2000xf32, #tpu.memory_space<vmem>>, vector<16xf32>,
      %broadcast_in_dim3A_360 = arith.constant 0.000000e+00 : f32
      %broadcast_in_dim3A_361 = vector.broadcast %broadcast_in_dim3A_360 : f32 to vector<16xf32>
      %swap3A_362 = arith.constant 752 : index
      %swap3A_363 = tpu.vector_load %arg6[%swap3A_362] {strides = array<i32>} : memref<2000xf32, #tpu.memory_space<vmem>>, vector<16xf32>,
      %swap3A_364 = vector.shape_cast %swap3A_363 : vector<16xf32> to vector<16xf32>
      %swap3A_365 = vector.shape_cast %broadcast_in_dim3A_361 : vector<16xf32> to vector<16xf32>
      tpu.vector_store %arg6[%swap3A_362], %swap3A_365 {strides = array<i32>} : memref<2000xf32, #tpu.memory_space<vmem>>, vector<16xf32>,
      %broadcast_in_dim3A_366 = arith.constant 0.000000e+00 : f32
      %broadcast_in_dim3A_367 = vector.broadcast %broadcast_in_dim3A_366 : f32 to vector<16xf32>
      %swap3A_368 = arith.constant 768 : index
      %swap3A_369 = tpu.vector_load %arg6[%swap3A_368] {strides = array<i32>} : memref<2000xf32, #tpu.memory_space<vmem>>, vector<16xf32>,
      %swap3A_370 = vector.shape_cast %swap3A_369 : vector<16xf32> to vector<16xf32>
      %swap3A_371 = vector.shape_cast %broadcast_in_dim3A_367 : vector<16xf32> to vector<16xf32>
      tpu.vector_store %arg6[%swap3A_368], %swap3A_371 {strides = array<i32>} : memref<2000xf32, #tpu.memory_space<vmem>>, vector<16xf32>,
      %broadcast_in_dim3A_372 = arith.constant 0.000000e+00 : f32
      %broadcast_in_dim3A_373 = vector.broadcast %broadcast_in_dim3A_372 : f32 to vector<16xf32>
      %swap3A_374 = arith.constant 784 : index
      %swap3A_375 = tpu.vector_load %arg6[%swap3A_374] {strides = array<i32>} : memref<2000xf32, #tpu.memory_space<vmem>>, vector<16xf32>,
      %swap3A_376 = vector.shape_cast %swap3A_375 : vector<16xf32> to vector<16xf32>
      %swap3A_377 = vector.shape_cast %broadcast_in_dim3A_373 : vector<16xf32> to vector<16xf32>
      tpu.vector_store %arg6[%swap3A_374], %swap3A_377 {strides = array<i32>} : memref<2000xf32, #tpu.memory_space<vmem>>, vector<16xf32>,
      %broadcast_in_dim3A_378 = arith.constant 0.000000e+00 : f32
      %broadcast_in_dim3A_379 = vector.broadcast %broadcast_in_dim3A_378 : f32 to vector<16xf32>
      %swap3A_380 = arith.constant 800 : index
      %swap3A_381 = tpu.vector_load %arg6[%swap3A_380] {strides = array<i32>} : memref<2000xf32, #tpu.memory_space<vmem>>, vector<16xf32>,
      %swap3A_382 = vector.shape_cast %swap3A_381 : vector<16xf32> to vector<16xf32>
      %swap3A_383 = vector.shape_cast %broadcast_in_dim3A_379 : vector<16xf32> to vector<16xf32>
      tpu.vector_store %arg6[%swap3A_380], %swap3A_383 {strides = array<i32>} : memref<2000xf32, #tpu.memory_space<vmem>>, vector<16xf32>,
      %broadcast_in_dim3A_384 = arith.constant 0.000000e+00 : f32
      %broadcast_in_dim3A_385 = vector.broadcast %broadcast_in_dim3A_384 : f32 to vector<16xf32>
      %swap3A_386 = arith.constant 816 : index
      %swap3A_387 = tpu.vector_load %arg6[%swap3A_386] {strides = array<i32>} : memref<2000xf32, #tpu.memory_space<vmem>>, vector<16xf32>,
      %swap3A_388 = vector.shape_cast %swap3A_387 : vector<16xf32> to vector<16xf32>
      %swap3A_389 = vector.shape_cast %broadcast_in_dim3A_385 : vector<16xf32> to vector<16xf32>
      tpu.vector_store %arg6[%swap3A_386], %swap3A_389 {strides = array<i32>} : memref<2000xf32, #tpu.memory_space<vmem>>, vector<16xf32>,
      %broadcast_in_dim3A_390 = arith.constant 0.000000e+00 : f32
      %broadcast_in_dim3A_391 = vector.broadcast %broadcast_in_dim3A_390 : f32 to vector<16xf32>
      %swap3A_392 = arith.constant 832 : index
      %swap3A_393 = tpu.vector_load %arg6[%swap3A_392] {strides = array<i32>} : memref<2000xf32, #tpu.memory_space<vmem>>, vector<16xf32>,
      %swap3A_394 = vector.shape_cast %swap3A_393 : vector<16xf32> to vector<16xf32>
      %swap3A_395 = vector.shape_cast %broadcast_in_dim3A_391 : vector<16xf32> to vector<16xf32>
      tpu.vector_store %arg6[%swap3A_392], %swap3A_395 {strides = array<i32>} : memref<2000xf32, #tpu.memory_space<vmem>>, vector<16xf32>,
      %broadcast_in_dim3A_396 = arith.constant 0.000000e+00 : f32
      %broadcast_in_dim3A_397 = vector.broadcast %broadcast_in_dim3A_396 : f32 to vector<16xf32>
      %swap3A_398 = arith.constant 848 : index
      %swap3A_399 = tpu.vector_load %arg6[%swap3A_398] {strides = array<i32>} : memref<2000xf32, #tpu.memory_space<vmem>>, vector<16xf32>,
      %swap3A_400 = vector.shape_cast %swap3A_399 : vector<16xf32> to vector<16xf32>
      %swap3A_401 = vector.shape_cast %broadcast_in_dim3A_397 : vector<16xf32> to vector<16xf32>
      tpu.vector_store %arg6[%swap3A_398], %swap3A_401 {strides = array<i32>} : memref<2000xf32, #tpu.memory_space<vmem>>, vector<16xf32>,
      %broadcast_in_dim3A_402 = arith.constant 0.000000e+00 : f32
      %broadcast_in_dim3A_403 = vector.broadcast %broadcast_in_dim3A_402 : f32 to vector<16xf32>
      %swap3A_404 = arith.constant 864 : index
      %swap3A_405 = tpu.vector_load %arg6[%swap3A_404] {strides = array<i32>} : memref<2000xf32, #tpu.memory_space<vmem>>, vector<16xf32>,
      %swap3A_406 = vector.shape_cast %swap3A_405 : vector<16xf32> to vector<16xf32>
      %swap3A_407 = vector.shape_cast %broadcast_in_dim3A_403 : vector<16xf32> to vector<16xf32>
      tpu.vector_store %arg6[%swap3A_404], %swap3A_407 {strides = array<i32>} : memref<2000xf32, #tpu.memory_space<vmem>>, vector<16xf32>,
      %broadcast_in_dim3A_408 = arith.constant 0.000000e+00 : f32
      %broadcast_in_dim3A_409 = vector.broadcast %broadcast_in_dim3A_408 : f32 to vector<16xf32>
      %swap3A_410 = arith.constant 880 : index
      %swap3A_411 = tpu.vector_load %arg6[%swap3A_410] {strides = array<i32>} : memref<2000xf32, #tpu.memory_space<vmem>>, vector<16xf32>,
      %swap3A_412 = vector.shape_cast %swap3A_411 : vector<16xf32> to vector<16xf32>
      %swap3A_413 = vector.shape_cast %broadcast_in_dim3A_409 : vector<16xf32> to vector<16xf32>
      tpu.vector_store %arg6[%swap3A_410], %swap3A_413 {strides = array<i32>} : memref<2000xf32, #tpu.memory_space<vmem>>, vector<16xf32>,
      %broadcast_in_dim3A_414 = arith.constant 0.000000e+00 : f32
      %broadcast_in_dim3A_415 = vector.broadcast %broadcast_in_dim3A_414 : f32 to vector<16xf32>
      %swap3A_416 = arith.constant 896 : index
      %swap3A_417 = tpu.vector_load %arg6[%swap3A_416] {strides = array<i32>} : memref<2000xf32, #tpu.memory_space<vmem>>, vector<16xf32>,
      %swap3A_418 = vector.shape_cast %swap3A_417 : vector<16xf32> to vector<16xf32>
      %swap3A_419 = vector.shape_cast %broadcast_in_dim3A_415 : vector<16xf32> to vector<16xf32>
      tpu.vector_store %arg6[%swap3A_416], %swap3A_419 {strides = array<i32>} : memref<2000xf32, #tpu.memory_space<vmem>>, vector<16xf32>,
      %broadcast_in_dim3A_420 = arith.constant 0.000000e+00 : f32
      %broadcast_in_dim3A_421 = vector.broadcast %broadcast_in_dim3A_420 : f32 to vector<16xf32>
      %swap3A_422 = arith.constant 912 : index
      %swap3A_423 = tpu.vector_load %arg6[%swap3A_422] {strides = array<i32>} : memref<2000xf32, #tpu.memory_space<vmem>>, vector<16xf32>,
      %swap3A_424 = vector.shape_cast %swap3A_423 : vector<16xf32> to vector<16xf32>
      %swap3A_425 = vector.shape_cast %broadcast_in_dim3A_421 : vector<16xf32> to vector<16xf32>
      tpu.vector_store %arg6[%swap3A_422], %swap3A_425 {strides = array<i32>} : memref<2000xf32, #tpu.memory_space<vmem>>, vector<16xf32>,
      %broadcast_in_dim3A_426 = arith.constant 0.000000e+00 : f32
      %broadcast_in_dim3A_427 = vector.broadcast %broadcast_in_dim3A_426 : f32 to vector<16xf32>
      %swap3A_428 = arith.constant 928 : index
      %swap3A_429 = tpu.vector_load %arg6[%swap3A_428] {strides = array<i32>} : memref<2000xf32, #tpu.memory_space<vmem>>, vector<16xf32>,
      %swap3A_430 = vector.shape_cast %swap3A_429 : vector<16xf32> to vector<16xf32>
      %swap3A_431 = vector.shape_cast %broadcast_in_dim3A_427 : vector<16xf32> to vector<16xf32>
      tpu.vector_store %arg6[%swap3A_428], %swap3A_431 {strides = array<i32>} : memref<2000xf32, #tpu.memory_space<vmem>>, vector<16xf32>,
      %broadcast_in_dim3A_432 = arith.constant 0.000000e+00 : f32
      %broadcast_in_dim3A_433 = vector.broadcast %broadcast_in_dim3A_432 : f32 to vector<16xf32>
      %swap3A_434 = arith.constant 944 : index
      %swap3A_435 = tpu.vector_load %arg6[%swap3A_434] {strides = array<i32>} : memref<2000xf32, #tpu.memory_space<vmem>>, vector<16xf32>,
      %swap3A_436 = vector.shape_cast %swap3A_435 : vector<16xf32> to vector<16xf32>
      %swap3A_437 = vector.shape_cast %broadcast_in_dim3A_433 : vector<16xf32> to vector<16xf32>
      tpu.vector_store %arg6[%swap3A_434], %swap3A_437 {strides = array<i32>} : memref<2000xf32, #tpu.memory_space<vmem>>, vector<16xf32>,
      %broadcast_in_dim3A_438 = arith.constant 0.000000e+00 : f32
      %broadcast_in_dim3A_439 = vector.broadcast %broadcast_in_dim3A_438 : f32 to vector<16xf32>
      %swap3A_440 = arith.constant 960 : index
      %swap3A_441 = tpu.vector_load %arg6[%swap3A_440] {strides = array<i32>} : memref<2000xf32, #tpu.memory_space<vmem>>, vector<16xf32>,
      %swap3A_442 = vector.shape_cast %swap3A_441 : vector<16xf32> to vector<16xf32>
      %swap3A_443 = vector.shape_cast %broadcast_in_dim3A_439 : vector<16xf32> to vector<16xf32>
      tpu.vector_store %arg6[%swap3A_440], %swap3A_443 {strides = array<i32>} : memref<2000xf32, #tpu.memory_space<vmem>>, vector<16xf32>,
      %broadcast_in_dim3A_444 = arith.constant 0.000000e+00 : f32
      %broadcast_in_dim3A_445 = vector.broadcast %broadcast_in_dim3A_444 : f32 to vector<16xf32>
      %swap3A_446 = arith.constant 976 : index
      %swap3A_447 = tpu.vector_load %arg6[%swap3A_446] {strides = array<i32>} : memref<2000xf32, #tpu.memory_space<vmem>>, vector<16xf32>,
      %swap3A_448 = vector.shape_cast %swap3A_447 : vector<16xf32> to vector<16xf32>
      %swap3A_449 = vector.shape_cast %broadcast_in_dim3A_445 : vector<16xf32> to vector<16xf32>
      tpu.vector_store %arg6[%swap3A_446], %swap3A_449 {strides = array<i32>} : memref<2000xf32, #tpu.memory_space<vmem>>, vector<16xf32>,
      %broadcast_in_dim3A_450 = arith.constant 0.000000e+00 : f32
      %broadcast_in_dim3A_451 = vector.broadcast %broadcast_in_dim3A_450 : f32 to vector<16xf32>
      %swap3A_452 = arith.constant 992 : index
      %swap3A_453 = tpu.vector_load %arg6[%swap3A_452] {strides = array<i32>} : memref<2000xf32, #tpu.memory_space<vmem>>, vector<16xf32>,
      %swap3A_454 = vector.shape_cast %swap3A_453 : vector<16xf32> to vector<16xf32>
      %swap3A_455 = vector.shape_cast %broadcast_in_dim3A_451 : vector<16xf32> to vector<16xf32>
      tpu.vector_store %arg6[%swap3A_452], %swap3A_455 {strides = array<i32>} : memref<2000xf32, #tpu.memory_space<vmem>>, vector<16xf32>,
      %broadcast_in_dim3A_456 = arith.constant 0.000000e+00 : f32
      %broadcast_in_dim3A_457 = vector.broadcast %broadcast_in_dim3A_456 : f32 to vector<16xf32>
      %swap3A_458 = arith.constant 1008 : index
      %swap3A_459 = tpu.vector_load %arg6[%swap3A_458] {strides = array<i32>} : memref<2000xf32, #tpu.memory_space<vmem>>, vector<16xf32>,
      %swap3A_460 = vector.shape_cast %swap3A_459 : vector<16xf32> to vector<16xf32>
      %swap3A_461 = vector.shape_cast %broadcast_in_dim3A_457 : vector<16xf32> to vector<16xf32>
      tpu.vector_store %arg6[%swap3A_458], %swap3A_461 {strides = array<i32>} : memref<2000xf32, #tpu.memory_space<vmem>>, vector<16xf32>,
      %broadcast_in_dim3A_462 = arith.constant 0.000000e+00 : f32
      %broadcast_in_dim3A_463 = vector.broadcast %broadcast_in_dim3A_462 : f32 to vector<16xf32>
      %swap3A_464 = arith.constant 1024 : index
      %swap3A_465 = tpu.vector_load %arg6[%swap3A_464] {strides = array<i32>} : memref<2000xf32, #tpu.memory_space<vmem>>, vector<16xf32>,
      %swap3A_466 = vector.shape_cast %swap3A_465 : vector<16xf32> to vector<16xf32>
      %swap3A_467 = vector.shape_cast %broadcast_in_dim3A_463 : vector<16xf32> to vector<16xf32>
      tpu.vector_store %arg6[%swap3A_464], %swap3A_467 {strides = array<i32>} : memref<2000xf32, #tpu.memory_space<vmem>>, vector<16xf32>,
      %broadcast_in_dim3A_468 = arith.constant 0.000000e+00 : f32
      %broadcast_in_dim3A_469 = vector.broadcast %broadcast_in_dim3A_468 : f32 to vector<16xf32>
      %swap3A_470 = arith.constant 1040 : index
      %swap3A_471 = tpu.vector_load %arg6[%swap3A_470] {strides = array<i32>} : memref<2000xf32, #tpu.memory_space<vmem>>, vector<16xf32>,
      %swap3A_472 = vector.shape_cast %swap3A_471 : vector<16xf32> to vector<16xf32>
      %swap3A_473 = vector.shape_cast %broadcast_in_dim3A_469 : vector<16xf32> to vector<16xf32>
      tpu.vector_store %arg6[%swap3A_470], %swap3A_473 {strides = array<i32>} : memref<2000xf32, #tpu.memory_space<vmem>>, vector<16xf32>,
      %broadcast_in_dim3A_474 = arith.constant 0.000000e+00 : f32
      %broadcast_in_dim3A_475 = vector.broadcast %broadcast_in_dim3A_474 : f32 to vector<16xf32>
      %swap3A_476 = arith.constant 1056 : index
      %swap3A_477 = tpu.vector_load %arg6[%swap3A_476] {strides = array<i32>} : memref<2000xf32, #tpu.memory_space<vmem>>, vector<16xf32>,
      %swap3A_478 = vector.shape_cast %swap3A_477 : vector<16xf32> to vector<16xf32>
      %swap3A_479 = vector.shape_cast %broadcast_in_dim3A_475 : vector<16xf32> to vector<16xf32>
      tpu.vector_store %arg6[%swap3A_476], %swap3A_479 {strides = array<i32>} : memref<2000xf32, #tpu.memory_space<vmem>>, vector<16xf32>,
      %broadcast_in_dim3A_480 = arith.constant 0.000000e+00 : f32
      %broadcast_in_dim3A_481 = vector.broadcast %broadcast_in_dim3A_480 : f32 to vector<16xf32>
      %swap3A_482 = arith.constant 1072 : index
      %swap3A_483 = tpu.vector_load %arg6[%swap3A_482] {strides = array<i32>} : memref<2000xf32, #tpu.memory_space<vmem>>, vector<16xf32>,
      %swap3A_484 = vector.shape_cast %swap3A_483 : vector<16xf32> to vector<16xf32>
      %swap3A_485 = vector.shape_cast %broadcast_in_dim3A_481 : vector<16xf32> to vector<16xf32>
      tpu.vector_store %arg6[%swap3A_482], %swap3A_485 {strides = array<i32>} : memref<2000xf32, #tpu.memory_space<vmem>>, vector<16xf32>,
      %broadcast_in_dim3A_486 = arith.constant 0.000000e+00 : f32
      %broadcast_in_dim3A_487 = vector.broadcast %broadcast_in_dim3A_486 : f32 to vector<16xf32>
      %swap3A_488 = arith.constant 1088 : index
      %swap3A_489 = tpu.vector_load %arg6[%swap3A_488] {strides = array<i32>} : memref<2000xf32, #tpu.memory_space<vmem>>, vector<16xf32>,
      %swap3A_490 = vector.shape_cast %swap3A_489 : vector<16xf32> to vector<16xf32>
      %swap3A_491 = vector.shape_cast %broadcast_in_dim3A_487 : vector<16xf32> to vector<16xf32>
      tpu.vector_store %arg6[%swap3A_488], %swap3A_491 {strides = array<i32>} : memref<2000xf32, #tpu.memory_space<vmem>>, vector<16xf32>,
      %broadcast_in_dim3A_492 = arith.constant 0.000000e+00 : f32
      %broadcast_in_dim3A_493 = vector.broadcast %broadcast_in_dim3A_492 : f32 to vector<16xf32>
      %swap3A_494 = arith.constant 1104 : index
      %swap3A_495 = tpu.vector_load %arg6[%swap3A_494] {strides = array<i32>} : memref<2000xf32, #tpu.memory_space<vmem>>, vector<16xf32>,
      %swap3A_496 = vector.shape_cast %swap3A_495 : vector<16xf32> to vector<16xf32>
      %swap3A_497 = vector.shape_cast %broadcast_in_dim3A_493 : vector<16xf32> to vector<16xf32>
      tpu.vector_store %arg6[%swap3A_494], %swap3A_497 {strides = array<i32>} : memref<2000xf32, #tpu.memory_space<vmem>>, vector<16xf32>,
      %broadcast_in_dim3A_498 = arith.constant 0.000000e+00 : f32
      %broadcast_in_dim3A_499 = vector.broadcast %broadcast_in_dim3A_498 : f32 to vector<16xf32>
      %swap3A_500 = arith.constant 1120 : index
      %swap3A_501 = tpu.vector_load %arg6[%swap3A_500] {strides = array<i32>} : memref<2000xf32, #tpu.memory_space<vmem>>, vector<16xf32>,
      %swap3A_502 = vector.shape_cast %swap3A_501 : vector<16xf32> to vector<16xf32>
      %swap3A_503 = vector.shape_cast %broadcast_in_dim3A_499 : vector<16xf32> to vector<16xf32>
      tpu.vector_store %arg6[%swap3A_500], %swap3A_503 {strides = array<i32>} : memref<2000xf32, #tpu.memory_space<vmem>>, vector<16xf32>,
      %broadcast_in_dim3A_504 = arith.constant 0.000000e+00 : f32
      %broadcast_in_dim3A_505 = vector.broadcast %broadcast_in_dim3A_504 : f32 to vector<16xf32>
      %swap3A_506 = arith.constant 1136 : index
      %swap3A_507 = tpu.vector_load %arg6[%swap3A_506] {strides = array<i32>} : memref<2000xf32, #tpu.memory_space<vmem>>, vector<16xf32>,
      %swap3A_508 = vector.shape_cast %swap3A_507 : vector<16xf32> to vector<16xf32>
      %swap3A_509 = vector.shape_cast %broadcast_in_dim3A_505 : vector<16xf32> to vector<16xf32>
      tpu.vector_store %arg6[%swap3A_506], %swap3A_509 {strides = array<i32>} : memref<2000xf32, #tpu.memory_space<vmem>>, vector<16xf32>,
      %broadcast_in_dim3A_510 = arith.constant 0.000000e+00 : f32
      %broadcast_in_dim3A_511 = vector.broadcast %broadcast_in_dim3A_510 : f32 to vector<16xf32>
      %swap3A_512 = arith.constant 1152 : index
      %swap3A_513 = tpu.vector_load %arg6[%swap3A_512] {strides = array<i32>} : memref<2000xf32, #tpu.memory_space<vmem>>, vector<16xf32>,
      %swap3A_514 = vector.shape_cast %swap3A_513 : vector<16xf32> to vector<16xf32>
      %swap3A_515 = vector.shape_cast %broadcast_in_dim3A_511 : vector<16xf32> to vector<16xf32>
      tpu.vector_store %arg6[%swap3A_512], %swap3A_515 {strides = array<i32>} : memref<2000xf32, #tpu.memory_space<vmem>>, vector<16xf32>,
      %broadcast_in_dim3A_516 = arith.constant 0.000000e+00 : f32
      %broadcast_in_dim3A_517 = vector.broadcast %broadcast_in_dim3A_516 : f32 to vector<16xf32>
      %swap3A_518 = arith.constant 1168 : index
      %swap3A_519 = tpu.vector_load %arg6[%swap3A_518] {strides = array<i32>} : memref<2000xf32, #tpu.memory_space<vmem>>, vector<16xf32>,
      %swap3A_520 = vector.shape_cast %swap3A_519 : vector<16xf32> to vector<16xf32>
      %swap3A_521 = vector.shape_cast %broadcast_in_dim3A_517 : vector<16xf32> to vector<16xf32>
      tpu.vector_store %arg6[%swap3A_518], %swap3A_521 {strides = array<i32>} : memref<2000xf32, #tpu.memory_space<vmem>>, vector<16xf32>,
      %broadcast_in_dim3A_522 = arith.constant 0.000000e+00 : f32
      %broadcast_in_dim3A_523 = vector.broadcast %broadcast_in_dim3A_522 : f32 to vector<16xf32>
      %swap3A_524 = arith.constant 1184 : index
      %swap3A_525 = tpu.vector_load %arg6[%swap3A_524] {strides = array<i32>} : memref<2000xf32, #tpu.memory_space<vmem>>, vector<16xf32>,
      %swap3A_526 = vector.shape_cast %swap3A_525 : vector<16xf32> to vector<16xf32>
      %swap3A_527 = vector.shape_cast %broadcast_in_dim3A_523 : vector<16xf32> to vector<16xf32>
      tpu.vector_store %arg6[%swap3A_524], %swap3A_527 {strides = array<i32>} : memref<2000xf32, #tpu.memory_space<vmem>>, vector<16xf32>,
      %broadcast_in_dim3A_528 = arith.constant 0.000000e+00 : f32
      %broadcast_in_dim3A_529 = vector.broadcast %broadcast_in_dim3A_528 : f32 to vector<16xf32>
      %swap3A_530 = arith.constant 1200 : index
      %swap3A_531 = tpu.vector_load %arg6[%swap3A_530] {strides = array<i32>} : memref<2000xf32, #tpu.memory_space<vmem>>, vector<16xf32>,
      %swap3A_532 = vector.shape_cast %swap3A_531 : vector<16xf32> to vector<16xf32>
      %swap3A_533 = vector.shape_cast %broadcast_in_dim3A_529 : vector<16xf32> to vector<16xf32>
      tpu.vector_store %arg6[%swap3A_530], %swap3A_533 {strides = array<i32>} : memref<2000xf32, #tpu.memory_space<vmem>>, vector<16xf32>,
      %broadcast_in_dim3A_534 = arith.constant 0.000000e+00 : f32
      %broadcast_in_dim3A_535 = vector.broadcast %broadcast_in_dim3A_534 : f32 to vector<16xf32>
      %swap3A_536 = arith.constant 1216 : index
      %swap3A_537 = tpu.vector_load %arg6[%swap3A_536] {strides = array<i32>} : memref<2000xf32, #tpu.memory_space<vmem>>, vector<16xf32>,
      %swap3A_538 = vector.shape_cast %swap3A_537 : vector<16xf32> to vector<16xf32>
      %swap3A_539 = vector.shape_cast %broadcast_in_dim3A_535 : vector<16xf32> to vector<16xf32>
      tpu.vector_store %arg6[%swap3A_536], %swap3A_539 {strides = array<i32>} : memref<2000xf32, #tpu.memory_space<vmem>>, vector<16xf32>,
      %broadcast_in_dim3A_540 = arith.constant 0.000000e+00 : f32
      %broadcast_in_dim3A_541 = vector.broadcast %broadcast_in_dim3A_540 : f32 to vector<16xf32>
      %swap3A_542 = arith.constant 1232 : index
      %swap3A_543 = tpu.vector_load %arg6[%swap3A_542] {strides = array<i32>} : memref<2000xf32, #tpu.memory_space<vmem>>, vector<16xf32>,
      %swap3A_544 = vector.shape_cast %swap3A_543 : vector<16xf32> to vector<16xf32>
      %swap3A_545 = vector.shape_cast %broadcast_in_dim3A_541 : vector<16xf32> to vector<16xf32>
      tpu.vector_store %arg6[%swap3A_542], %swap3A_545 {strides = array<i32>} : memref<2000xf32, #tpu.memory_space<vmem>>, vector<16xf32>,
      %broadcast_in_dim3A_546 = arith.constant 0.000000e+00 : f32
      %broadcast_in_dim3A_547 = vector.broadcast %broadcast_in_dim3A_546 : f32 to vector<16xf32>
      %swap3A_548 = arith.constant 1248 : index
      %swap3A_549 = tpu.vector_load %arg6[%swap3A_548] {strides = array<i32>} : memref<2000xf32, #tpu.memory_space<vmem>>, vector<16xf32>,
      %swap3A_550 = vector.shape_cast %swap3A_549 : vector<16xf32> to vector<16xf32>
      %swap3A_551 = vector.shape_cast %broadcast_in_dim3A_547 : vector<16xf32> to vector<16xf32>
      tpu.vector_store %arg6[%swap3A_548], %swap3A_551 {strides = array<i32>} : memref<2000xf32, #tpu.memory_space<vmem>>, vector<16xf32>,
      %broadcast_in_dim3A_552 = arith.constant 0.000000e+00 : f32
      %broadcast_in_dim3A_553 = vector.broadcast %broadcast_in_dim3A_552 : f32 to vector<16xf32>
      %swap3A_554 = arith.constant 1264 : index
      %swap3A_555 = tpu.vector_load %arg6[%swap3A_554] {strides = array<i32>} : memref<2000xf32, #tpu.memory_space<vmem>>, vector<16xf32>,
      %swap3A_556 = vector.shape_cast %swap3A_555 : vector<16xf32> to vector<16xf32>
      %swap3A_557 = vector.shape_cast %broadcast_in_dim3A_553 : vector<16xf32> to vector<16xf32>
      tpu.vector_store %arg6[%swap3A_554], %swap3A_557 {strides = array<i32>} : memref<2000xf32, #tpu.memory_space<vmem>>, vector<16xf32>,
      %broadcast_in_dim3A_558 = arith.constant 0.000000e+00 : f32
      %broadcast_in_dim3A_559 = vector.broadcast %broadcast_in_dim3A_558 : f32 to vector<16xf32>
      %swap3A_560 = arith.constant 1280 : index
      %swap3A_561 = tpu.vector_load %arg6[%swap3A_560] {strides = array<i32>} : memref<2000xf32, #tpu.memory_space<vmem>>, vector<16xf32>,
      %swap3A_562 = vector.shape_cast %swap3A_561 : vector<16xf32> to vector<16xf32>
      %swap3A_563 = vector.shape_cast %broadcast_in_dim3A_559 : vector<16xf32> to vector<16xf32>
      tpu.vector_store %arg6[%swap3A_560], %swap3A_563 {strides = array<i32>} : memref<2000xf32, #tpu.memory_space<vmem>>, vector<16xf32>,
      %broadcast_in_dim3A_564 = arith.constant 0.000000e+00 : f32
      %broadcast_in_dim3A_565 = vector.broadcast %broadcast_in_dim3A_564 : f32 to vector<16xf32>
      %swap3A_566 = arith.constant 1296 : index
      %swap3A_567 = tpu.vector_load %arg6[%swap3A_566] {strides = array<i32>} : memref<2000xf32, #tpu.memory_space<vmem>>, vector<16xf32>,
      %swap3A_568 = vector.shape_cast %swap3A_567 : vector<16xf32> to vector<16xf32>
      %swap3A_569 = vector.shape_cast %broadcast_in_dim3A_565 : vector<16xf32> to vector<16xf32>
      tpu.vector_store %arg6[%swap3A_566], %swap3A_569 {strides = array<i32>} : memref<2000xf32, #tpu.memory_space<vmem>>, vector<16xf32>,
      %broadcast_in_dim3A_570 = arith.constant 0.000000e+00 : f32
      %broadcast_in_dim3A_571 = vector.broadcast %broadcast_in_dim3A_570 : f32 to vector<16xf32>
      %swap3A_572 = arith.constant 1312 : index
      %swap3A_573 = tpu.vector_load %arg6[%swap3A_572] {strides = array<i32>} : memref<2000xf32, #tpu.memory_space<vmem>>, vector<16xf32>,
      %swap3A_574 = vector.shape_cast %swap3A_573 : vector<16xf32> to vector<16xf32>
      %swap3A_575 = vector.shape_cast %broadcast_in_dim3A_571 : vector<16xf32> to vector<16xf32>
      tpu.vector_store %arg6[%swap3A_572], %swap3A_575 {strides = array<i32>} : memref<2000xf32, #tpu.memory_space<vmem>>, vector<16xf32>,
      %broadcast_in_dim3A_576 = arith.constant 0.000000e+00 : f32
      %broadcast_in_dim3A_577 = vector.broadcast %broadcast_in_dim3A_576 : f32 to vector<16xf32>
      %swap3A_578 = arith.constant 1328 : index
      %swap3A_579 = tpu.vector_load %arg6[%swap3A_578] {strides = array<i32>} : memref<2000xf32, #tpu.memory_space<vmem>>, vector<16xf32>,
      %swap3A_580 = vector.shape_cast %swap3A_579 : vector<16xf32> to vector<16xf32>
      %swap3A_581 = vector.shape_cast %broadcast_in_dim3A_577 : vector<16xf32> to vector<16xf32>
      tpu.vector_store %arg6[%swap3A_578], %swap3A_581 {strides = array<i32>} : memref<2000xf32, #tpu.memory_space<vmem>>, vector<16xf32>,
      %broadcast_in_dim3A_582 = arith.constant 0.000000e+00 : f32
      %broadcast_in_dim3A_583 = vector.broadcast %broadcast_in_dim3A_582 : f32 to vector<16xf32>
      %swap3A_584 = arith.constant 1344 : index
      %swap3A_585 = tpu.vector_load %arg6[%swap3A_584] {strides = array<i32>} : memref<2000xf32, #tpu.memory_space<vmem>>, vector<16xf32>,
      %swap3A_586 = vector.shape_cast %swap3A_585 : vector<16xf32> to vector<16xf32>
      %swap3A_587 = vector.shape_cast %broadcast_in_dim3A_583 : vector<16xf32> to vector<16xf32>
      tpu.vector_store %arg6[%swap3A_584], %swap3A_587 {strides = array<i32>} : memref<2000xf32, #tpu.memory_space<vmem>>, vector<16xf32>,
      %broadcast_in_dim3A_588 = arith.constant 0.000000e+00 : f32
      %broadcast_in_dim3A_589 = vector.broadcast %broadcast_in_dim3A_588 : f32 to vector<16xf32>
      %swap3A_590 = arith.constant 1360 : index
      %swap3A_591 = tpu.vector_load %arg6[%swap3A_590] {strides = array<i32>} : memref<2000xf32, #tpu.memory_space<vmem>>, vector<16xf32>,
      %swap3A_592 = vector.shape_cast %swap3A_591 : vector<16xf32> to vector<16xf32>
      %swap3A_593 = vector.shape_cast %broadcast_in_dim3A_589 : vector<16xf32> to vector<16xf32>
      tpu.vector_store %arg6[%swap3A_590], %swap3A_593 {strides = array<i32>} : memref<2000xf32, #tpu.memory_space<vmem>>, vector<16xf32>,
      %broadcast_in_dim3A_594 = arith.constant 0.000000e+00 : f32
      %broadcast_in_dim3A_595 = vector.broadcast %broadcast_in_dim3A_594 : f32 to vector<16xf32>
      %swap3A_596 = arith.constant 1376 : index
      %swap3A_597 = tpu.vector_load %arg6[%swap3A_596] {strides = array<i32>} : memref<2000xf32, #tpu.memory_space<vmem>>, vector<16xf32>,
      %swap3A_598 = vector.shape_cast %swap3A_597 : vector<16xf32> to vector<16xf32>
      %swap3A_599 = vector.shape_cast %broadcast_in_dim3A_595 : vector<16xf32> to vector<16xf32>
      tpu.vector_store %arg6[%swap3A_596], %swap3A_599 {strides = array<i32>} : memref<2000xf32, #tpu.memory_space<vmem>>, vector<16xf32>,
      %broadcast_in_dim3A_600 = arith.constant 0.000000e+00 : f32
      %broadcast_in_dim3A_601 = vector.broadcast %broadcast_in_dim3A_600 : f32 to vector<16xf32>
      %swap3A_602 = arith.constant 1392 : index
      %swap3A_603 = tpu.vector_load %arg6[%swap3A_602] {strides = array<i32>} : memref<2000xf32, #tpu.memory_space<vmem>>, vector<16xf32>,
      %swap3A_604 = vector.shape_cast %swap3A_603 : vector<16xf32> to vector<16xf32>
      %swap3A_605 = vector.shape_cast %broadcast_in_dim3A_601 : vector<16xf32> to vector<16xf32>
      tpu.vector_store %arg6[%swap3A_602], %swap3A_605 {strides = array<i32>} : memref<2000xf32, #tpu.memory_space<vmem>>, vector<16xf32>,
      %broadcast_in_dim3A_606 = arith.constant 0.000000e+00 : f32
      %broadcast_in_dim3A_607 = vector.broadcast %broadcast_in_dim3A_606 : f32 to vector<16xf32>
      %swap3A_608 = arith.constant 1408 : index
      %swap3A_609 = tpu.vector_load %arg6[%swap3A_608] {strides = array<i32>} : memref<2000xf32, #tpu.memory_space<vmem>>, vector<16xf32>,
      %swap3A_610 = vector.shape_cast %swap3A_609 : vector<16xf32> to vector<16xf32>
      %swap3A_611 = vector.shape_cast %broadcast_in_dim3A_607 : vector<16xf32> to vector<16xf32>
      tpu.vector_store %arg6[%swap3A_608], %swap3A_611 {strides = array<i32>} : memref<2000xf32, #tpu.memory_space<vmem>>, vector<16xf32>,
      %broadcast_in_dim3A_612 = arith.constant 0.000000e+00 : f32
      %broadcast_in_dim3A_613 = vector.broadcast %broadcast_in_dim3A_612 : f32 to vector<16xf32>
      %swap3A_614 = arith.constant 1424 : index
      %swap3A_615 = tpu.vector_load %arg6[%swap3A_614] {strides = array<i32>} : memref<2000xf32, #tpu.memory_space<vmem>>, vector<16xf32>,
      %swap3A_616 = vector.shape_cast %swap3A_615 : vector<16xf32> to vector<16xf32>
      %swap3A_617 = vector.shape_cast %broadcast_in_dim3A_613 : vector<16xf32> to vector<16xf32>
      tpu.vector_store %arg6[%swap3A_614], %swap3A_617 {strides = array<i32>} : memref<2000xf32, #tpu.memory_space<vmem>>, vector<16xf32>,
      %broadcast_in_dim3A_618 = arith.constant 0.000000e+00 : f32
      %broadcast_in_dim3A_619 = vector.broadcast %broadcast_in_dim3A_618 : f32 to vector<16xf32>
      %swap3A_620 = arith.constant 1440 : index
      %swap3A_621 = tpu.vector_load %arg6[%swap3A_620] {strides = array<i32>} : memref<2000xf32, #tpu.memory_space<vmem>>, vector<16xf32>,
      %swap3A_622 = vector.shape_cast %swap3A_621 : vector<16xf32> to vector<16xf32>
      %swap3A_623 = vector.shape_cast %broadcast_in_dim3A_619 : vector<16xf32> to vector<16xf32>
      tpu.vector_store %arg6[%swap3A_620], %swap3A_623 {strides = array<i32>} : memref<2000xf32, #tpu.memory_space<vmem>>, vector<16xf32>,
      %broadcast_in_dim3A_624 = arith.constant 0.000000e+00 : f32
      %broadcast_in_dim3A_625 = vector.broadcast %broadcast_in_dim3A_624 : f32 to vector<16xf32>
      %swap3A_626 = arith.constant 1456 : index
      %swap3A_627 = tpu.vector_load %arg6[%swap3A_626] {strides = array<i32>} : memref<2000xf32, #tpu.memory_space<vmem>>, vector<16xf32>,
      %swap3A_628 = vector.shape_cast %swap3A_627 : vector<16xf32> to vector<16xf32>
      %swap3A_629 = vector.shape_cast %broadcast_in_dim3A_625 : vector<16xf32> to vector<16xf32>
      tpu.vector_store %arg6[%swap3A_626], %swap3A_629 {strides = array<i32>} : memref<2000xf32, #tpu.memory_space<vmem>>, vector<16xf32>,
      %broadcast_in_dim3A_630 = arith.constant 0.000000e+00 : f32
      %broadcast_in_dim3A_631 = vector.broadcast %broadcast_in_dim3A_630 : f32 to vector<16xf32>
      %swap3A_632 = arith.constant 1472 : index
      %swap3A_633 = tpu.vector_load %arg6[%swap3A_632] {strides = array<i32>} : memref<2000xf32, #tpu.memory_space<vmem>>, vector<16xf32>,
      %swap3A_634 = vector.shape_cast %swap3A_633 : vector<16xf32> to vector<16xf32>
      %swap3A_635 = vector.shape_cast %broadcast_in_dim3A_631 : vector<16xf32> to vector<16xf32>
      tpu.vector_store %arg6[%swap3A_632], %swap3A_635 {strides = array<i32>} : memref<2000xf32, #tpu.memory_space<vmem>>, vector<16xf32>,
      %broadcast_in_dim3A_636 = arith.constant 0.000000e+00 : f32
      %broadcast_in_dim3A_637 = vector.broadcast %broadcast_in_dim3A_636 : f32 to vector<16xf32>
      %swap3A_638 = arith.constant 1488 : index
      %swap3A_639 = tpu.vector_load %arg6[%swap3A_638] {strides = array<i32>} : memref<2000xf32, #tpu.memory_space<vmem>>, vector<16xf32>,
      %swap3A_640 = vector.shape_cast %swap3A_639 : vector<16xf32> to vector<16xf32>
      %swap3A_641 = vector.shape_cast %broadcast_in_dim3A_637 : vector<16xf32> to vector<16xf32>
      tpu.vector_store %arg6[%swap3A_638], %swap3A_641 {strides = array<i32>} : memref<2000xf32, #tpu.memory_space<vmem>>, vector<16xf32>,
      %broadcast_in_dim3A_642 = arith.constant 0.000000e+00 : f32
      %broadcast_in_dim3A_643 = vector.broadcast %broadcast_in_dim3A_642 : f32 to vector<16xf32>
      %swap3A_644 = arith.constant 1504 : index
      %swap3A_645 = tpu.vector_load %arg6[%swap3A_644] {strides = array<i32>} : memref<2000xf32, #tpu.memory_space<vmem>>, vector<16xf32>,
      %swap3A_646 = vector.shape_cast %swap3A_645 : vector<16xf32> to vector<16xf32>
      %swap3A_647 = vector.shape_cast %broadcast_in_dim3A_643 : vector<16xf32> to vector<16xf32>
      tpu.vector_store %arg6[%swap3A_644], %swap3A_647 {strides = array<i32>} : memref<2000xf32, #tpu.memory_space<vmem>>, vector<16xf32>,
      %broadcast_in_dim3A_648 = arith.constant 0.000000e+00 : f32
      %broadcast_in_dim3A_649 = vector.broadcast %broadcast_in_dim3A_648 : f32 to vector<16xf32>
      %swap3A_650 = arith.constant 1520 : index
      %swap3A_651 = tpu.vector_load %arg6[%swap3A_650] {strides = array<i32>} : memref<2000xf32, #tpu.memory_space<vmem>>, vector<16xf32>,
      %swap3A_652 = vector.shape_cast %swap3A_651 : vector<16xf32> to vector<16xf32>
      %swap3A_653 = vector.shape_cast %broadcast_in_dim3A_649 : vector<16xf32> to vector<16xf32>
      tpu.vector_store %arg6[%swap3A_650], %swap3A_653 {strides = array<i32>} : memref<2000xf32, #tpu.memory_space<vmem>>, vector<16xf32>,
      %broadcast_in_dim3A_654 = arith.constant 0.000000e+00 : f32
      %broadcast_in_dim3A_655 = vector.broadcast %broadcast_in_dim3A_654 : f32 to vector<16xf32>
      %swap3A_656 = arith.constant 1536 : index
      %swap3A_657 = tpu.vector_load %arg6[%swap3A_656] {strides = array<i32>} : memref<2000xf32, #tpu.memory_space<vmem>>, vector<16xf32>,
      %swap3A_658 = vector.shape_cast %swap3A_657 : vector<16xf32> to vector<16xf32>
      %swap3A_659 = vector.shape_cast %broadcast_in_dim3A_655 : vector<16xf32> to vector<16xf32>
      tpu.vector_store %arg6[%swap3A_656], %swap3A_659 {strides = array<i32>} : memref<2000xf32, #tpu.memory_space<vmem>>, vector<16xf32>,
      %broadcast_in_dim3A_660 = arith.constant 0.000000e+00 : f32
      %broadcast_in_dim3A_661 = vector.broadcast %broadcast_in_dim3A_660 : f32 to vector<16xf32>
      %swap3A_662 = arith.constant 1552 : index
      %swap3A_663 = tpu.vector_load %arg6[%swap3A_662] {strides = array<i32>} : memref<2000xf32, #tpu.memory_space<vmem>>, vector<16xf32>,
      %swap3A_664 = vector.shape_cast %swap3A_663 : vector<16xf32> to vector<16xf32>
      %swap3A_665 = vector.shape_cast %broadcast_in_dim3A_661 : vector<16xf32> to vector<16xf32>
      tpu.vector_store %arg6[%swap3A_662], %swap3A_665 {strides = array<i32>} : memref<2000xf32, #tpu.memory_space<vmem>>, vector<16xf32>,
      %broadcast_in_dim3A_666 = arith.constant 0.000000e+00 : f32
      %broadcast_in_dim3A_667 = vector.broadcast %broadcast_in_dim3A_666 : f32 to vector<16xf32>
      %swap3A_668 = arith.constant 1568 : index
      %swap3A_669 = tpu.vector_load %arg6[%swap3A_668] {strides = array<i32>} : memref<2000xf32, #tpu.memory_space<vmem>>, vector<16xf32>,
      %swap3A_670 = vector.shape_cast %swap3A_669 : vector<16xf32> to vector<16xf32>
      %swap3A_671 = vector.shape_cast %broadcast_in_dim3A_667 : vector<16xf32> to vector<16xf32>
      tpu.vector_store %arg6[%swap3A_668], %swap3A_671 {strides = array<i32>} : memref<2000xf32, #tpu.memory_space<vmem>>, vector<16xf32>,
      %broadcast_in_dim3A_672 = arith.constant 0.000000e+00 : f32
      %broadcast_in_dim3A_673 = vector.broadcast %broadcast_in_dim3A_672 : f32 to vector<16xf32>
      %swap3A_674 = arith.constant 1584 : index
      %swap3A_675 = tpu.vector_load %arg6[%swap3A_674] {strides = array<i32>} : memref<2000xf32, #tpu.memory_space<vmem>>, vector<16xf32>,
      %swap3A_676 = vector.shape_cast %swap3A_675 : vector<16xf32> to vector<16xf32>
      %swap3A_677 = vector.shape_cast %broadcast_in_dim3A_673 : vector<16xf32> to vector<16xf32>
      tpu.vector_store %arg6[%swap3A_674], %swap3A_677 {strides = array<i32>} : memref<2000xf32, #tpu.memory_space<vmem>>, vector<16xf32>,
      %broadcast_in_dim3A_678 = arith.constant 0.000000e+00 : f32
      %broadcast_in_dim3A_679 = vector.broadcast %broadcast_in_dim3A_678 : f32 to vector<16xf32>
      %swap3A_680 = arith.constant 1600 : index
      %swap3A_681 = tpu.vector_load %arg6[%swap3A_680] {strides = array<i32>} : memref<2000xf32, #tpu.memory_space<vmem>>, vector<16xf32>,
      %swap3A_682 = vector.shape_cast %swap3A_681 : vector<16xf32> to vector<16xf32>
      %swap3A_683 = vector.shape_cast %broadcast_in_dim3A_679 : vector<16xf32> to vector<16xf32>
      tpu.vector_store %arg6[%swap3A_680], %swap3A_683 {strides = array<i32>} : memref<2000xf32, #tpu.memory_space<vmem>>, vector<16xf32>,
      %broadcast_in_dim3A_684 = arith.constant 0.000000e+00 : f32
      %broadcast_in_dim3A_685 = vector.broadcast %broadcast_in_dim3A_684 : f32 to vector<16xf32>
      %swap3A_686 = arith.constant 1616 : index
      %swap3A_687 = tpu.vector_load %arg6[%swap3A_686] {strides = array<i32>} : memref<2000xf32, #tpu.memory_space<vmem>>, vector<16xf32>,
      %swap3A_688 = vector.shape_cast %swap3A_687 : vector<16xf32> to vector<16xf32>
      %swap3A_689 = vector.shape_cast %broadcast_in_dim3A_685 : vector<16xf32> to vector<16xf32>
      tpu.vector_store %arg6[%swap3A_686], %swap3A_689 {strides = array<i32>} : memref<2000xf32, #tpu.memory_space<vmem>>, vector<16xf32>,
      %broadcast_in_dim3A_690 = arith.constant 0.000000e+00 : f32
      %broadcast_in_dim3A_691 = vector.broadcast %broadcast_in_dim3A_690 : f32 to vector<16xf32>
      %swap3A_692 = arith.constant 1632 : index
      %swap3A_693 = tpu.vector_load %arg6[%swap3A_692] {strides = array<i32>} : memref<2000xf32, #tpu.memory_space<vmem>>, vector<16xf32>,
      %swap3A_694 = vector.shape_cast %swap3A_693 : vector<16xf32> to vector<16xf32>
      %swap3A_695 = vector.shape_cast %broadcast_in_dim3A_691 : vector<16xf32> to vector<16xf32>
      tpu.vector_store %arg6[%swap3A_692], %swap3A_695 {strides = array<i32>} : memref<2000xf32, #tpu.memory_space<vmem>>, vector<16xf32>,
      %broadcast_in_dim3A_696 = arith.constant 0.000000e+00 : f32
      %broadcast_in_dim3A_697 = vector.broadcast %broadcast_in_dim3A_696 : f32 to vector<16xf32>
      %swap3A_698 = arith.constant 1648 : index
      %swap3A_699 = tpu.vector_load %arg6[%swap3A_698] {strides = array<i32>} : memref<2000xf32, #tpu.memory_space<vmem>>, vector<16xf32>,
      %swap3A_700 = vector.shape_cast %swap3A_699 : vector<16xf32> to vector<16xf32>
      %swap3A_701 = vector.shape_cast %broadcast_in_dim3A_697 : vector<16xf32> to vector<16xf32>
      tpu.vector_store %arg6[%swap3A_698], %swap3A_701 {strides = array<i32>} : memref<2000xf32, #tpu.memory_space<vmem>>, vector<16xf32>,
      %broadcast_in_dim3A_702 = arith.constant 0.000000e+00 : f32
      %broadcast_in_dim3A_703 = vector.broadcast %broadcast_in_dim3A_702 : f32 to vector<16xf32>
      %swap3A_704 = arith.constant 1664 : index
      %swap3A_705 = tpu.vector_load %arg6[%swap3A_704] {strides = array<i32>} : memref<2000xf32, #tpu.memory_space<vmem>>, vector<16xf32>,
      %swap3A_706 = vector.shape_cast %swap3A_705 : vector<16xf32> to vector<16xf32>
      %swap3A_707 = vector.shape_cast %broadcast_in_dim3A_703 : vector<16xf32> to vector<16xf32>
      tpu.vector_store %arg6[%swap3A_704], %swap3A_707 {strides = array<i32>} : memref<2000xf32, #tpu.memory_space<vmem>>, vector<16xf32>,
      %broadcast_in_dim3A_708 = arith.constant 0.000000e+00 : f32
      %broadcast_in_dim3A_709 = vector.broadcast %broadcast_in_dim3A_708 : f32 to vector<16xf32>
      %swap3A_710 = arith.constant 1680 : index
      %swap3A_711 = tpu.vector_load %arg6[%swap3A_710] {strides = array<i32>} : memref<2000xf32, #tpu.memory_space<vmem>>, vector<16xf32>,
      %swap3A_712 = vector.shape_cast %swap3A_711 : vector<16xf32> to vector<16xf32>
      %swap3A_713 = vector.shape_cast %broadcast_in_dim3A_709 : vector<16xf32> to vector<16xf32>
      tpu.vector_store %arg6[%swap3A_710], %swap3A_713 {strides = array<i32>} : memref<2000xf32, #tpu.memory_space<vmem>>, vector<16xf32>,
      %broadcast_in_dim3A_714 = arith.constant 0.000000e+00 : f32
      %broadcast_in_dim3A_715 = vector.broadcast %broadcast_in_dim3A_714 : f32 to vector<16xf32>
      %swap3A_716 = arith.constant 1696 : index
      %swap3A_717 = tpu.vector_load %arg6[%swap3A_716] {strides = array<i32>} : memref<2000xf32, #tpu.memory_space<vmem>>, vector<16xf32>,
      %swap3A_718 = vector.shape_cast %swap3A_717 : vector<16xf32> to vector<16xf32>
      %swap3A_719 = vector.shape_cast %broadcast_in_dim3A_715 : vector<16xf32> to vector<16xf32>
      tpu.vector_store %arg6[%swap3A_716], %swap3A_719 {strides = array<i32>} : memref<2000xf32, #tpu.memory_space<vmem>>, vector<16xf32>,
      %broadcast_in_dim3A_720 = arith.constant 0.000000e+00 : f32
      %broadcast_in_dim3A_721 = vector.broadcast %broadcast_in_dim3A_720 : f32 to vector<16xf32>
      %swap3A_722 = arith.constant 1712 : index
      %swap3A_723 = tpu.vector_load %arg6[%swap3A_722] {strides = array<i32>} : memref<2000xf32, #tpu.memory_space<vmem>>, vector<16xf32>,
      %swap3A_724 = vector.shape_cast %swap3A_723 : vector<16xf32> to vector<16xf32>
      %swap3A_725 = vector.shape_cast %broadcast_in_dim3A_721 : vector<16xf32> to vector<16xf32>
      tpu.vector_store %arg6[%swap3A_722], %swap3A_725 {strides = array<i32>} : memref<2000xf32, #tpu.memory_space<vmem>>, vector<16xf32>,
      %broadcast_in_dim3A_726 = arith.constant 0.000000e+00 : f32
      %broadcast_in_dim3A_727 = vector.broadcast %broadcast_in_dim3A_726 : f32 to vector<16xf32>
      %swap3A_728 = arith.constant 1728 : index
      %swap3A_729 = tpu.vector_load %arg6[%swap3A_728] {strides = array<i32>} : memref<2000xf32, #tpu.memory_space<vmem>>, vector<16xf32>,
      %swap3A_730 = vector.shape_cast %swap3A_729 : vector<16xf32> to vector<16xf32>
      %swap3A_731 = vector.shape_cast %broadcast_in_dim3A_727 : vector<16xf32> to vector<16xf32>
      tpu.vector_store %arg6[%swap3A_728], %swap3A_731 {strides = array<i32>} : memref<2000xf32, #tpu.memory_space<vmem>>, vector<16xf32>,
      %broadcast_in_dim3A_732 = arith.constant 0.000000e+00 : f32
      %broadcast_in_dim3A_733 = vector.broadcast %broadcast_in_dim3A_732 : f32 to vector<16xf32>
      %swap3A_734 = arith.constant 1744 : index
      %swap3A_735 = tpu.vector_load %arg6[%swap3A_734] {strides = array<i32>} : memref<2000xf32, #tpu.memory_space<vmem>>, vector<16xf32>,
      %swap3A_736 = vector.shape_cast %swap3A_735 : vector<16xf32> to vector<16xf32>
      %swap3A_737 = vector.shape_cast %broadcast_in_dim3A_733 : vector<16xf32> to vector<16xf32>
      tpu.vector_store %arg6[%swap3A_734], %swap3A_737 {strides = array<i32>} : memref<2000xf32, #tpu.memory_space<vmem>>, vector<16xf32>,
      %broadcast_in_dim3A_738 = arith.constant 0.000000e+00 : f32
      %broadcast_in_dim3A_739 = vector.broadcast %broadcast_in_dim3A_738 : f32 to vector<16xf32>
      %swap3A_740 = arith.constant 1760 : index
      %swap3A_741 = tpu.vector_load %arg6[%swap3A_740] {strides = array<i32>} : memref<2000xf32, #tpu.memory_space<vmem>>, vector<16xf32>,
      %swap3A_742 = vector.shape_cast %swap3A_741 : vector<16xf32> to vector<16xf32>
      %swap3A_743 = vector.shape_cast %broadcast_in_dim3A_739 : vector<16xf32> to vector<16xf32>
      tpu.vector_store %arg6[%swap3A_740], %swap3A_743 {strides = array<i32>} : memref<2000xf32, #tpu.memory_space<vmem>>, vector<16xf32>,
      %broadcast_in_dim3A_744 = arith.constant 0.000000e+00 : f32
      %broadcast_in_dim3A_745 = vector.broadcast %broadcast_in_dim3A_744 : f32 to vector<16xf32>
      %swap3A_746 = arith.constant 1776 : index
      %swap3A_747 = tpu.vector_load %arg6[%swap3A_746] {strides = array<i32>} : memref<2000xf32, #tpu.memory_space<vmem>>, vector<16xf32>,
      %swap3A_748 = vector.shape_cast %swap3A_747 : vector<16xf32> to vector<16xf32>
      %swap3A_749 = vector.shape_cast %broadcast_in_dim3A_745 : vector<16xf32> to vector<16xf32>
      tpu.vector_store %arg6[%swap3A_746], %swap3A_749 {strides = array<i32>} : memref<2000xf32, #tpu.memory_space<vmem>>, vector<16xf32>,
      %broadcast_in_dim3A_750 = arith.constant 0.000000e+00 : f32
      %broadcast_in_dim3A_751 = vector.broadcast %broadcast_in_dim3A_750 : f32 to vector<16xf32>
      %swap3A_752 = arith.constant 1792 : index
      %swap3A_753 = tpu.vector_load %arg6[%swap3A_752] {strides = array<i32>} : memref<2000xf32, #tpu.memory_space<vmem>>, vector<16xf32>,
      %swap3A_754 = vector.shape_cast %swap3A_753 : vector<16xf32> to vector<16xf32>
      %swap3A_755 = vector.shape_cast %broadcast_in_dim3A_751 : vector<16xf32> to vector<16xf32>
      tpu.vector_store %arg6[%swap3A_752], %swap3A_755 {strides = array<i32>} : memref<2000xf32, #tpu.memory_space<vmem>>, vector<16xf32>,
      %broadcast_in_dim3A_756 = arith.constant 0.000000e+00 : f32
      %broadcast_in_dim3A_757 = vector.broadcast %broadcast_in_dim3A_756 : f32 to vector<16xf32>
      %swap3A_758 = arith.constant 1808 : index
      %swap3A_759 = tpu.vector_load %arg6[%swap3A_758] {strides = array<i32>} : memref<2000xf32, #tpu.memory_space<vmem>>, vector<16xf32>,
      %swap3A_760 = vector.shape_cast %swap3A_759 : vector<16xf32> to vector<16xf32>
      %swap3A_761 = vector.shape_cast %broadcast_in_dim3A_757 : vector<16xf32> to vector<16xf32>
      tpu.vector_store %arg6[%swap3A_758], %swap3A_761 {strides = array<i32>} : memref<2000xf32, #tpu.memory_space<vmem>>, vector<16xf32>,
      %broadcast_in_dim3A_762 = arith.constant 0.000000e+00 : f32
      %broadcast_in_dim3A_763 = vector.broadcast %broadcast_in_dim3A_762 : f32 to vector<16xf32>
      %swap3A_764 = arith.constant 1824 : index
      %swap3A_765 = tpu.vector_load %arg6[%swap3A_764] {strides = array<i32>} : memref<2000xf32, #tpu.memory_space<vmem>>, vector<16xf32>,
      %swap3A_766 = vector.shape_cast %swap3A_765 : vector<16xf32> to vector<16xf32>
      %swap3A_767 = vector.shape_cast %broadcast_in_dim3A_763 : vector<16xf32> to vector<16xf32>
      tpu.vector_store %arg6[%swap3A_764], %swap3A_767 {strides = array<i32>} : memref<2000xf32, #tpu.memory_space<vmem>>, vector<16xf32>,
      %broadcast_in_dim3A_768 = arith.constant 0.000000e+00 : f32
      %broadcast_in_dim3A_769 = vector.broadcast %broadcast_in_dim3A_768 : f32 to vector<16xf32>
      %swap3A_770 = arith.constant 1840 : index
      %swap3A_771 = tpu.vector_load %arg6[%swap3A_770] {strides = array<i32>} : memref<2000xf32, #tpu.memory_space<vmem>>, vector<16xf32>,
      %swap3A_772 = vector.shape_cast %swap3A_771 : vector<16xf32> to vector<16xf32>
      %swap3A_773 = vector.shape_cast %broadcast_in_dim3A_769 : vector<16xf32> to vector<16xf32>
      tpu.vector_store %arg6[%swap3A_770], %swap3A_773 {strides = array<i32>} : memref<2000xf32, #tpu.memory_space<vmem>>, vector<16xf32>,
      %broadcast_in_dim3A_774 = arith.constant 0.000000e+00 : f32
      %broadcast_in_dim3A_775 = vector.broadcast %broadcast_in_dim3A_774 : f32 to vector<16xf32>
      %swap3A_776 = arith.constant 1856 : index
      %swap3A_777 = tpu.vector_load %arg6[%swap3A_776] {strides = array<i32>} : memref<2000xf32, #tpu.memory_space<vmem>>, vector<16xf32>,
      %swap3A_778 = vector.shape_cast %swap3A_777 : vector<16xf32> to vector<16xf32>
      %swap3A_779 = vector.shape_cast %broadcast_in_dim3A_775 : vector<16xf32> to vector<16xf32>
      tpu.vector_store %arg6[%swap3A_776], %swap3A_779 {strides = array<i32>} : memref<2000xf32, #tpu.memory_space<vmem>>, vector<16xf32>,
      %broadcast_in_dim3A_780 = arith.constant 0.000000e+00 : f32
      %broadcast_in_dim3A_781 = vector.broadcast %broadcast_in_dim3A_780 : f32 to vector<16xf32>
      %swap3A_782 = arith.constant 1872 : index
      %swap3A_783 = tpu.vector_load %arg6[%swap3A_782] {strides = array<i32>} : memref<2000xf32, #tpu.memory_space<vmem>>, vector<16xf32>,
      %swap3A_784 = vector.shape_cast %swap3A_783 : vector<16xf32> to vector<16xf32>
      %swap3A_785 = vector.shape_cast %broadcast_in_dim3A_781 : vector<16xf32> to vector<16xf32>
      tpu.vector_store %arg6[%swap3A_782], %swap3A_785 {strides = array<i32>} : memref<2000xf32, #tpu.memory_space<vmem>>, vector<16xf32>,
      %broadcast_in_dim3A_786 = arith.constant 0.000000e+00 : f32
      %broadcast_in_dim3A_787 = vector.broadcast %broadcast_in_dim3A_786 : f32 to vector<16xf32>
      %swap3A_788 = arith.constant 1888 : index
      %swap3A_789 = tpu.vector_load %arg6[%swap3A_788] {strides = array<i32>} : memref<2000xf32, #tpu.memory_space<vmem>>, vector<16xf32>,
      %swap3A_790 = vector.shape_cast %swap3A_789 : vector<16xf32> to vector<16xf32>
      %swap3A_791 = vector.shape_cast %broadcast_in_dim3A_787 : vector<16xf32> to vector<16xf32>
      tpu.vector_store %arg6[%swap3A_788], %swap3A_791 {strides = array<i32>} : memref<2000xf32, #tpu.memory_space<vmem>>, vector<16xf32>,
      %broadcast_in_dim3A_792 = arith.constant 0.000000e+00 : f32
      %broadcast_in_dim3A_793 = vector.broadcast %broadcast_in_dim3A_792 : f32 to vector<16xf32>
      %swap3A_794 = arith.constant 1904 : index
      %swap3A_795 = tpu.vector_load %arg6[%swap3A_794] {strides = array<i32>} : memref<2000xf32, #tpu.memory_space<vmem>>, vector<16xf32>,
      %swap3A_796 = vector.shape_cast %swap3A_795 : vector<16xf32> to vector<16xf32>
      %swap3A_797 = vector.shape_cast %broadcast_in_dim3A_793 : vector<16xf32> to vector<16xf32>
      tpu.vector_store %arg6[%swap3A_794], %swap3A_797 {strides = array<i32>} : memref<2000xf32, #tpu.memory_space<vmem>>, vector<16xf32>,
      %broadcast_in_dim3A_798 = arith.constant 0.000000e+00 : f32
      %broadcast_in_dim3A_799 = vector.broadcast %broadcast_in_dim3A_798 : f32 to vector<16xf32>
      %swap3A_800 = arith.constant 1920 : index
      %swap3A_801 = tpu.vector_load %arg6[%swap3A_800] {strides = array<i32>} : memref<2000xf32, #tpu.memory_space<vmem>>, vector<16xf32>,
      %swap3A_802 = vector.shape_cast %swap3A_801 : vector<16xf32> to vector<16xf32>
      %swap3A_803 = vector.shape_cast %broadcast_in_dim3A_799 : vector<16xf32> to vector<16xf32>
      tpu.vector_store %arg6[%swap3A_800], %swap3A_803 {strides = array<i32>} : memref<2000xf32, #tpu.memory_space<vmem>>, vector<16xf32>,
      %broadcast_in_dim3A_804 = arith.constant 0.000000e+00 : f32
      %broadcast_in_dim3A_805 = vector.broadcast %broadcast_in_dim3A_804 : f32 to vector<16xf32>
      %swap3A_806 = arith.constant 1936 : index
      %swap3A_807 = tpu.vector_load %arg6[%swap3A_806] {strides = array<i32>} : memref<2000xf32, #tpu.memory_space<vmem>>, vector<16xf32>,
      %swap3A_808 = vector.shape_cast %swap3A_807 : vector<16xf32> to vector<16xf32>
      %swap3A_809 = vector.shape_cast %broadcast_in_dim3A_805 : vector<16xf32> to vector<16xf32>
      tpu.vector_store %arg6[%swap3A_806], %swap3A_809 {strides = array<i32>} : memref<2000xf32, #tpu.memory_space<vmem>>, vector<16xf32>,
      %broadcast_in_dim3A_810 = arith.constant 0.000000e+00 : f32
      %broadcast_in_dim3A_811 = vector.broadcast %broadcast_in_dim3A_810 : f32 to vector<16xf32>
      %swap3A_812 = arith.constant 1952 : index
      %swap3A_813 = tpu.vector_load %arg6[%swap3A_812] {strides = array<i32>} : memref<2000xf32, #tpu.memory_space<vmem>>, vector<16xf32>,
      %swap3A_814 = vector.shape_cast %swap3A_813 : vector<16xf32> to vector<16xf32>
      %swap3A_815 = vector.shape_cast %broadcast_in_dim3A_811 : vector<16xf32> to vector<16xf32>
      tpu.vector_store %arg6[%swap3A_812], %swap3A_815 {strides = array<i32>} : memref<2000xf32, #tpu.memory_space<vmem>>, vector<16xf32>,
      %broadcast_in_dim3A_816 = arith.constant 0.000000e+00 : f32
      %broadcast_in_dim3A_817 = vector.broadcast %broadcast_in_dim3A_816 : f32 to vector<16xf32>
      %swap3A_818 = arith.constant 1968 : index
      %swap3A_819 = tpu.vector_load %arg6[%swap3A_818] {strides = array<i32>} : memref<2000xf32, #tpu.memory_space<vmem>>, vector<16xf32>,
      %swap3A_820 = vector.shape_cast %swap3A_819 : vector<16xf32> to vector<16xf32>
      %swap3A_821 = vector.shape_cast %broadcast_in_dim3A_817 : vector<16xf32> to vector<16xf32>
      tpu.vector_store %arg6[%swap3A_818], %swap3A_821 {strides = array<i32>} : memref<2000xf32, #tpu.memory_space<vmem>>, vector<16xf32>,
      %broadcast_in_dim3A_822 = arith.constant 0.000000e+00 : f32
      %broadcast_in_dim3A_823 = vector.broadcast %broadcast_in_dim3A_822 : f32 to vector<16xf32>
      %swap3A_824 = arith.constant 1984 : index
      %swap3A_825 = tpu.vector_load %arg6[%swap3A_824] {strides = array<i32>} : memref<2000xf32, #tpu.memory_space<vmem>>, vector<16xf32>,
      %swap3A_826 = vector.shape_cast %swap3A_825 : vector<16xf32> to vector<16xf32>
      %swap3A_827 = vector.shape_cast %broadcast_in_dim3A_823 : vector<16xf32> to vector<16xf32>
      tpu.vector_store %arg6[%swap3A_824], %swap3A_827 {strides = array<i32>} : memref<2000xf32, #tpu.memory_space<vmem>>, vector<16xf32>,
      "tpu.region"() ({
        %run_scoped3A = tpu.sem_alloc : memref<!tpu.dma_semaphore, #tpu.memory_space<semaphore_mem>>
        %dma_start3A = arith.constant 0 : i32
        %dma_start3A_828 = tpu.memref_slice %arg7[%dma_start3A] : memref<10016xf32, #tpu.memory_space<vmem_shared>> -> memref<2000xf32, #tpu.memory_space<vmem_shared>>
        %dma_start3A_829 = arith.constant 0 : i32
        %dma_start3A_830 = tpu.memref_slice %arg7[%dma_start3A_829] : memref<10016xf32, #tpu.memory_space<vmem_shared>> -> memref<2000xf32, #tpu.memory_space<vmem_shared>>
        tpu.enqueue_dma source(%arg6 : memref<2000xf32, #tpu.memory_space<vmem>>) target(%dma_start3A_830 : memref<2000xf32, #tpu.memory_space<vmem_shared>>) target_semaphore(%run_scoped3A : memref<!tpu.dma_semaphore, #tpu.memory_space<semaphore_mem>>)
        %dma_wait3A = arith.constant 0 : i32
        %dma_wait3A_831 = tpu.memref_slice %arg7[%dma_wait3A] : memref<10016xf32, #tpu.memory_space<vmem_shared>> -> memref<2000xf32, #tpu.memory_space<vmem_shared>>
        %dma_wait3A_832 = arith.constant 0 : i32
        %dma_wait3A_833 = tpu.memref_slice %arg7[%dma_wait3A_832] : memref<10016xf32, #tpu.memory_space<vmem_shared>> -> memref<2000xf32, #tpu.memory_space<vmem_shared>>
        tpu.wait_dma2 semaphore(%run_scoped3A : memref<!tpu.dma_semaphore, #tpu.memory_space<semaphore_mem>>) src(%arg6 : memref<2000xf32, #tpu.memory_space<vmem>>) dst(%dma_wait3A_833 : memref<2000xf32, #tpu.memory_space<vmem_shared>>)
        tpu.yield
      }) : () -> ()
      "tpu.region"() ({
        %run_scoped3A = tpu.sem_alloc : memref<!tpu.dma_semaphore, #tpu.memory_space<semaphore_mem>>
        %dma_start3A = arith.constant 2000 : i32
        %dma_start3A_828 = tpu.memref_slice %arg7[%dma_start3A] : memref<10016xf32, #tpu.memory_space<vmem_shared>> -> memref<2000xf32, #tpu.memory_space<vmem_shared>>
        %dma_start3A_829 = arith.constant 2000 : i32
        %dma_start3A_830 = tpu.memref_slice %arg7[%dma_start3A_829] : memref<10016xf32, #tpu.memory_space<vmem_shared>> -> memref<2000xf32, #tpu.memory_space<vmem_shared>>
        tpu.enqueue_dma source(%arg6 : memref<2000xf32, #tpu.memory_space<vmem>>) target(%dma_start3A_830 : memref<2000xf32, #tpu.memory_space<vmem_shared>>) target_semaphore(%run_scoped3A : memref<!tpu.dma_semaphore, #tpu.memory_space<semaphore_mem>>)
        %dma_wait3A = arith.constant 2000 : i32
        %dma_wait3A_831 = tpu.memref_slice %arg7[%dma_wait3A] : memref<10016xf32, #tpu.memory_space<vmem_shared>> -> memref<2000xf32, #tpu.memory_space<vmem_shared>>
        %dma_wait3A_832 = arith.constant 2000 : i32
        %dma_wait3A_833 = tpu.memref_slice %arg7[%dma_wait3A_832] : memref<10016xf32, #tpu.memory_space<vmem_shared>> -> memref<2000xf32, #tpu.memory_space<vmem_shared>>
        tpu.wait_dma2 semaphore(%run_scoped3A : memref<!tpu.dma_semaphore, #tpu.memory_space<semaphore_mem>>) src(%arg6 : memref<2000xf32, #tpu.memory_space<vmem>>) dst(%dma_wait3A_833 : memref<2000xf32, #tpu.memory_space<vmem_shared>>)
        tpu.yield
      }) : () -> ()
      "tpu.region"() ({
        %run_scoped3A = tpu.sem_alloc : memref<!tpu.dma_semaphore, #tpu.memory_space<semaphore_mem>>
        %dma_start3A = arith.constant 4000 : i32
        %dma_start3A_828 = tpu.memref_slice %arg7[%dma_start3A] : memref<10016xf32, #tpu.memory_space<vmem_shared>> -> memref<2000xf32, #tpu.memory_space<vmem_shared>>
        %dma_start3A_829 = arith.constant 4000 : i32
        %dma_start3A_830 = tpu.memref_slice %arg7[%dma_start3A_829] : memref<10016xf32, #tpu.memory_space<vmem_shared>> -> memref<2000xf32, #tpu.memory_space<vmem_shared>>
        tpu.enqueue_dma source(%arg6 : memref<2000xf32, #tpu.memory_space<vmem>>) target(%dma_start3A_830 : memref<2000xf32, #tpu.memory_space<vmem_shared>>) target_semaphore(%run_scoped3A : memref<!tpu.dma_semaphore, #tpu.memory_space<semaphore_mem>>)
        %dma_wait3A = arith.constant 4000 : i32
        %dma_wait3A_831 = tpu.memref_slice %arg7[%dma_wait3A] : memref<10016xf32, #tpu.memory_space<vmem_shared>> -> memref<2000xf32, #tpu.memory_space<vmem_shared>>
        %dma_wait3A_832 = arith.constant 4000 : i32
        %dma_wait3A_833 = tpu.memref_slice %arg7[%dma_wait3A_832] : memref<10016xf32, #tpu.memory_space<vmem_shared>> -> memref<2000xf32, #tpu.memory_space<vmem_shared>>
        tpu.wait_dma2 semaphore(%run_scoped3A : memref<!tpu.dma_semaphore, #tpu.memory_space<semaphore_mem>>) src(%arg6 : memref<2000xf32, #tpu.memory_space<vmem>>) dst(%dma_wait3A_833 : memref<2000xf32, #tpu.memory_space<vmem_shared>>)
        tpu.yield
      }) : () -> ()
      "tpu.region"() ({
        %run_scoped3A = tpu.sem_alloc : memref<!tpu.dma_semaphore, #tpu.memory_space<semaphore_mem>>
        %dma_start3A = arith.constant 6000 : i32
        %dma_start3A_828 = tpu.memref_slice %arg7[%dma_start3A] : memref<10016xf32, #tpu.memory_space<vmem_shared>> -> memref<2000xf32, #tpu.memory_space<vmem_shared>>
        %dma_start3A_829 = arith.constant 6000 : i32
        %dma_start3A_830 = tpu.memref_slice %arg7[%dma_start3A_829] : memref<10016xf32, #tpu.memory_space<vmem_shared>> -> memref<2000xf32, #tpu.memory_space<vmem_shared>>
        tpu.enqueue_dma source(%arg6 : memref<2000xf32, #tpu.memory_space<vmem>>) target(%dma_start3A_830 : memref<2000xf32, #tpu.memory_space<vmem_shared>>) target_semaphore(%run_scoped3A : memref<!tpu.dma_semaphore, #tpu.memory_space<semaphore_mem>>)
        %dma_wait3A = arith.constant 6000 : i32
        %dma_wait3A_831 = tpu.memref_slice %arg7[%dma_wait3A] : memref<10016xf32, #tpu.memory_space<vmem_shared>> -> memref<2000xf32, #tpu.memory_space<vmem_shared>>
        %dma_wait3A_832 = arith.constant 6000 : i32
        %dma_wait3A_833 = tpu.memref_slice %arg7[%dma_wait3A_832] : memref<10016xf32, #tpu.memory_space<vmem_shared>> -> memref<2000xf32, #tpu.memory_space<vmem_shared>>
        tpu.wait_dma2 semaphore(%run_scoped3A : memref<!tpu.dma_semaphore, #tpu.memory_space<semaphore_mem>>) src(%arg6 : memref<2000xf32, #tpu.memory_space<vmem>>) dst(%dma_wait3A_833 : memref<2000xf32, #tpu.memory_space<vmem_shared>>)
        tpu.yield
      }) : () -> ()
      "tpu.region"() ({
        %run_scoped3A = tpu.sem_alloc : memref<!tpu.dma_semaphore, #tpu.memory_space<semaphore_mem>>
        %dma_start3A = arith.constant 8000 : i32
        %dma_start3A_828 = tpu.memref_slice %arg7[%dma_start3A] : memref<10016xf32, #tpu.memory_space<vmem_shared>> -> memref<2000xf32, #tpu.memory_space<vmem_shared>>
        %dma_start3A_829 = arith.constant 8000 : i32
        %dma_start3A_830 = tpu.memref_slice %arg7[%dma_start3A_829] : memref<10016xf32, #tpu.memory_space<vmem_shared>> -> memref<2000xf32, #tpu.memory_space<vmem_shared>>
        tpu.enqueue_dma source(%arg6 : memref<2000xf32, #tpu.memory_space<vmem>>) target(%dma_start3A_830 : memref<2000xf32, #tpu.memory_space<vmem_shared>>) target_semaphore(%run_scoped3A : memref<!tpu.dma_semaphore, #tpu.memory_space<semaphore_mem>>)
        %dma_wait3A = arith.constant 8000 : i32
        %dma_wait3A_831 = tpu.memref_slice %arg7[%dma_wait3A] : memref<10016xf32, #tpu.memory_space<vmem_shared>> -> memref<2000xf32, #tpu.memory_space<vmem_shared>>
        %dma_wait3A_832 = arith.constant 8000 : i32
        %dma_wait3A_833 = tpu.memref_slice %arg7[%dma_wait3A_832] : memref<10016xf32, #tpu.memory_space<vmem_shared>> -> memref<2000xf32, #tpu.memory_space<vmem_shared>>
        tpu.wait_dma2 semaphore(%run_scoped3A : memref<!tpu.dma_semaphore, #tpu.memory_space<semaphore_mem>>) src(%arg6 : memref<2000xf32, #tpu.memory_space<vmem>>) dst(%dma_wait3A_833 : memref<2000xf32, #tpu.memory_space<vmem_shared>>)
        tpu.yield
      }) : () -> ()
    } else {
    }
    "tpu.region"() ({
      %run_scoped3A = tpu.sem_alloc : memref<!tpu.dma_semaphore, #tpu.memory_space<semaphore_mem>>
      %dma_start3A = arith.constant 0 : i32
      %dma_start3A_78 = arith.constant 0 : i32
      %dma_start3A_79 = arith.constant 0 : i32
      %dma_start3A_80 = tpu.memref_slice %arg2[%add3A, %dma_start3A, %dma_start3A_78, %dma_start3A_79] : memref<32x2x40x128xi32, #tpu.memory_space<hbm>> -> memref<1x2x40x128xi32, #tpu.memory_space<hbm>>
      %dma_start3A_81 = tpu.memref_squeeze %dma_start3A_80 : memref<1x2x40x128xi32, #tpu.memory_space<hbm>> -> memref<2x40x128xi32, #tpu.memory_space<hbm>>
      %dma_start3A_82 = arith.constant 0 : i32
      %dma_start3A_83 = arith.constant 0 : i32
      %dma_start3A_84 = arith.constant 0 : i32
      %dma_start3A_85 = tpu.memref_slice %arg2[%add3A, %dma_start3A_82, %dma_start3A_83, %dma_start3A_84] : memref<32x2x40x128xi32, #tpu.memory_space<hbm>> -> memref<1x2x40x128xi32, #tpu.memory_space<hbm>>
      %dma_start3A_86 = tpu.memref_squeeze %dma_start3A_85 : memref<1x2x40x128xi32, #tpu.memory_space<hbm>> -> memref<2x40x128xi32, #tpu.memory_space<hbm>>
      tpu.enqueue_dma source(%dma_start3A_86 : memref<2x40x128xi32, #tpu.memory_space<hbm>>) target(%arg4 : memref<2x40x128xi32, #tpu.memory_space<vmem>>) target_semaphore(%run_scoped3A : memref<!tpu.dma_semaphore, #tpu.memory_space<semaphore_mem>>)
      %dma_wait3A = arith.constant 0 : i32
      %dma_wait3A_87 = arith.constant 0 : i32
      %dma_wait3A_88 = arith.constant 0 : i32
      %dma_wait3A_89 = tpu.memref_slice %arg2[%add3A, %dma_wait3A, %dma_wait3A_87, %dma_wait3A_88] : memref<32x2x40x128xi32, #tpu.memory_space<hbm>> -> memref<1x2x40x128xi32, #tpu.memory_space<hbm>>
      %dma_wait3A_90 = tpu.memref_squeeze %dma_wait3A_89 : memref<1x2x40x128xi32, #tpu.memory_space<hbm>> -> memref<2x40x128xi32, #tpu.memory_space<hbm>>
      %dma_wait3A_91 = arith.constant 0 : i32
      %dma_wait3A_92 = arith.constant 0 : i32
      %dma_wait3A_93 = arith.constant 0 : i32
      %dma_wait3A_94 = tpu.memref_slice %arg2[%add3A, %dma_wait3A_91, %dma_wait3A_92, %dma_wait3A_93] : memref<32x2x40x128xi32, #tpu.memory_space<hbm>> -> memref<1x2x40x128xi32, #tpu.memory_space<hbm>>
      %dma_wait3A_95 = tpu.memref_squeeze %dma_wait3A_94 : memref<1x2x40x128xi32, #tpu.memory_space<hbm>> -> memref<2x40x128xi32, #tpu.memory_space<hbm>>
      tpu.wait_dma2 semaphore(%run_scoped3A : memref<!tpu.dma_semaphore, #tpu.memory_space<semaphore_mem>>) src(%dma_wait3A_95 : memref<2x40x128xi32, #tpu.memory_space<hbm>>) dst(%arg4 : memref<2x40x128xi32, #tpu.memory_space<vmem>>)
      tpu.yield
    }) : () -> ()
    %barrier3A = arith.constant 0 : index
    tpu.barrier barrier_id(%barrier3A)
    %scan3A = arith.constant 0 : i32
    %scan3A_49 = arith.constant 0 : i32
    %scan3A_50 = arith.constant 40 : i32
    %scan3A_51 = arith.addi %scan3A_49, %scan3A_50 : i32
    %scan3A_52 = arith.constant 1 : i32
    scf.for %scan3A_78 = %scan3A_49 to %scan3A_51 step %scan3A_52  : i32 {
      %dma_start3A = arith.constant 0 : i32
      %dma_start3A_79 = arith.constant 0 : i32
      %dma_start3A_80 = tpu.memref_slice %arg4[%dma_start3A, %scan3A_78, %dma_start3A_79] : memref<2x40x128xi32, #tpu.memory_space<vmem>> -> memref<1x1x128xi32, #tpu.memory_space<vmem>>
      %dma_start3A_81 = tpu.memref_squeeze %dma_start3A_80 : memref<1x1x128xi32, #tpu.memory_space<vmem>> -> memref<128xi32, #tpu.memory_space<vmem>>
      %dma_start3A_82 = arith.constant 0 : i32
      %dma_start3A_83 = tpu.memref_slice %arg7[%dma_start3A_82] : memref<10016xf32, #tpu.memory_space<vmem_shared>> -> memref<10016xf32, #tpu.memory_space<vmem_shared>>
      tpu.enqueue_indirect_dma source(%arg5 : memref<128xf32, #tpu.memory_space<vmem>>) target(%dma_start3A_83 : memref<10016xf32, #tpu.memory_space<vmem_shared>>) offsets(%dma_start3A_81 : memref<128xi32, #tpu.memory_space<vmem>>) semaphore(%arg8 : memref<!tpu.dma_semaphore, #tpu.memory_space<semaphore_mem>>) {add = true}
    }
    %scan3A_53 = arith.constant 40 : i32
    %scan3A_54 = arith.constant 0 : i32
    %scan3A_55 = arith.constant 0 : i32
    %scan3A_56 = arith.constant 40 : i32
    %scan3A_57 = arith.addi %scan3A_55, %scan3A_56 : i32
    %scan3A_58 = arith.constant 1 : i32
    scf.for %scan3A_78 = %scan3A_55 to %scan3A_57 step %scan3A_58  : i32 {
      %dma_wait3A = arith.constant 0 : i32
      %dma_wait3A_79 = arith.constant 0 : i32
      %dma_wait3A_80 = tpu.memref_slice %arg4[%dma_wait3A, %scan3A_78, %dma_wait3A_79] : memref<2x40x128xi32, #tpu.memory_space<vmem>> -> memref<1x1x128xi32, #tpu.memory_space<vmem>>
      %dma_wait3A_81 = tpu.memref_squeeze %dma_wait3A_80 : memref<1x1x128xi32, #tpu.memory_space<vmem>> -> memref<128xi32, #tpu.memory_space<vmem>>
      %dma_wait3A_82 = arith.constant 0 : i32
      %dma_wait3A_83 = tpu.memref_slice %arg7[%dma_wait3A_82] : memref<10016xf32, #tpu.memory_space<vmem_shared>> -> memref<10016xf32, #tpu.memory_space<vmem_shared>>
      tpu.wait_indirect_dma semaphore(%arg8 : memref<!tpu.dma_semaphore, #tpu.memory_space<semaphore_mem>>) src(%arg5 : memref<128xf32, #tpu.memory_space<vmem>>) dst(%dma_wait3A_83 : memref<10016xf32, #tpu.memory_space<vmem_shared>>)
    }
    %scan3A_59 = arith.constant 40 : i32
    %scan3A_60 = arith.constant 0 : i32
    %scan3A_61 = arith.constant 0 : i32
    %scan3A_62 = arith.constant 40 : i32
    %scan3A_63 = arith.addi %scan3A_61, %scan3A_62 : i32
    %scan3A_64 = arith.constant 1 : i32
    scf.for %scan3A_78 = %scan3A_61 to %scan3A_63 step %scan3A_64  : i32 {
      %dma_start3A = arith.constant 1 : i32
      %dma_start3A_79 = arith.constant 0 : i32
      %dma_start3A_80 = tpu.memref_slice %arg4[%dma_start3A, %scan3A_78, %dma_start3A_79] : memref<2x40x128xi32, #tpu.memory_space<vmem>> -> memref<1x1x128xi32, #tpu.memory_space<vmem>>
      %dma_start3A_81 = tpu.memref_squeeze %dma_start3A_80 : memref<1x1x128xi32, #tpu.memory_space<vmem>> -> memref<128xi32, #tpu.memory_space<vmem>>
      %dma_start3A_82 = arith.constant 0 : i32
      %dma_start3A_83 = tpu.memref_slice %arg7[%dma_start3A_82] : memref<10016xf32, #tpu.memory_space<vmem_shared>> -> memref<10016xf32, #tpu.memory_space<vmem_shared>>
      tpu.enqueue_indirect_dma source(%arg5 : memref<128xf32, #tpu.memory_space<vmem>>) target(%dma_start3A_83 : memref<10016xf32, #tpu.memory_space<vmem_shared>>) offsets(%dma_start3A_81 : memref<128xi32, #tpu.memory_space<vmem>>) semaphore(%arg8 : memref<!tpu.dma_semaphore, #tpu.memory_space<semaphore_mem>>) {add = true}
    }
    %scan3A_65 = arith.constant 40 : i32
    %scan3A_66 = arith.constant 0 : i32
    %scan3A_67 = arith.constant 0 : i32
    %scan3A_68 = arith.constant 40 : i32
    %scan3A_69 = arith.addi %scan3A_67, %scan3A_68 : i32
    %scan3A_70 = arith.constant 1 : i32
    scf.for %scan3A_78 = %scan3A_67 to %scan3A_69 step %scan3A_70  : i32 {
      %dma_wait3A = arith.constant 1 : i32
      %dma_wait3A_79 = arith.constant 0 : i32
      %dma_wait3A_80 = tpu.memref_slice %arg4[%dma_wait3A, %scan3A_78, %dma_wait3A_79] : memref<2x40x128xi32, #tpu.memory_space<vmem>> -> memref<1x1x128xi32, #tpu.memory_space<vmem>>
      %dma_wait3A_81 = tpu.memref_squeeze %dma_wait3A_80 : memref<1x1x128xi32, #tpu.memory_space<vmem>> -> memref<128xi32, #tpu.memory_space<vmem>>
      %dma_wait3A_82 = arith.constant 0 : i32
      %dma_wait3A_83 = tpu.memref_slice %arg7[%dma_wait3A_82] : memref<10016xf32, #tpu.memory_space<vmem_shared>> -> memref<10016xf32, #tpu.memory_space<vmem_shared>>
      tpu.wait_indirect_dma semaphore(%arg8 : memref<!tpu.dma_semaphore, #tpu.memory_space<semaphore_mem>>) src(%arg5 : memref<128xf32, #tpu.memory_space<vmem>>) dst(%dma_wait3A_83 : memref<10016xf32, #tpu.memory_space<vmem_shared>>)
    }
    %scan3A_71 = arith.constant 40 : i32
    %barrier3A_72 = arith.constant 0 : index
    tpu.barrier barrier_id(%barrier3A_72)
    %eq3A_73 = arith.constant 0 : i32
    %eq3A_74 = arith.cmpi eq, %arg1, %eq3A_73 : i32
    %convert_element_type3A_75 = arith.extui %eq3A_74 : i1 to i32
    %cond3A_76 = arith.constant 0 : i32
    %cond3A_77 = arith.cmpi ne, %convert_element_type3A_75, %cond3A_76 : i32
    scf.if %cond3A_77 {
      "tpu.region"() ({
        %run_scoped3A = tpu.sem_alloc : memref<!tpu.dma_semaphore, #tpu.memory_space<semaphore_mem>>
        %dma_start3A = arith.constant 0 : i32
        %dma_start3A_102 = tpu.memref_slice %arg7[%dma_start3A] : memref<10016xf32, #tpu.memory_space<vmem_shared>> -> memref<2000xf32, #tpu.memory_space<vmem_shared>>
        %dma_start3A_103 = arith.constant 0 : i32
        %dma_start3A_104 = tpu.memref_slice %arg7[%dma_start3A_103] : memref<10016xf32, #tpu.memory_space<vmem_shared>> -> memref<2000xf32, #tpu.memory_space<vmem_shared>>
        tpu.enqueue_dma source(%dma_start3A_104 : memref<2000xf32, #tpu.memory_space<vmem_shared>>) target(%arg6 : memref<2000xf32, #tpu.memory_space<vmem>>) target_semaphore(%run_scoped3A : memref<!tpu.dma_semaphore, #tpu.memory_space<semaphore_mem>>)
        %dma_wait3A = arith.constant 0 : i32
        %dma_wait3A_105 = tpu.memref_slice %arg7[%dma_wait3A] : memref<10016xf32, #tpu.memory_space<vmem_shared>> -> memref<2000xf32, #tpu.memory_space<vmem_shared>>
        %dma_wait3A_106 = arith.constant 0 : i32
        %dma_wait3A_107 = tpu.memref_slice %arg7[%dma_wait3A_106] : memref<10016xf32, #tpu.memory_space<vmem_shared>> -> memref<2000xf32, #tpu.memory_space<vmem_shared>>
        tpu.wait_dma2 semaphore(%run_scoped3A : memref<!tpu.dma_semaphore, #tpu.memory_space<semaphore_mem>>) src(%dma_wait3A_107 : memref<2000xf32, #tpu.memory_space<vmem_shared>>) dst(%arg6 : memref<2000xf32, #tpu.memory_space<vmem>>)
        tpu.yield
      }) : () -> ()
      %mul3A_78 = arith.constant 10000 : i32
      %mul3A_79 = arith.muli %arg0, %mul3A_78 : i32
      %add3A_80 = arith.constant 0 : i32
      %add3A_81 = arith.addi %mul3A_79, %add3A_80 : i32
      %multiple_of3A = tpu.assume_multiple %add3A_81, 8 : i32
      "tpu.region"() ({
        %run_scoped3A = tpu.sem_alloc : memref<!tpu.dma_semaphore, #tpu.memory_space<semaphore_mem>>
        %dma_start3A = tpu.memref_slice %arg3[%multiple_of3A] : memref<20000xf32, #tpu.memory_space<hbm>> -> memref<2000xf32, #tpu.memory_space<hbm>>
        %dma_start3A_102 = tpu.memref_slice %arg3[%multiple_of3A] : memref<20000xf32, #tpu.memory_space<hbm>> -> memref<2000xf32, #tpu.memory_space<hbm>>
        tpu.enqueue_dma source(%arg6 : memref<2000xf32, #tpu.memory_space<vmem>>) target(%dma_start3A_102 : memref<2000xf32, #tpu.memory_space<hbm>>) target_semaphore(%run_scoped3A : memref<!tpu.dma_semaphore, #tpu.memory_space<semaphore_mem>>)
        %dma_wait3A = tpu.memref_slice %arg3[%multiple_of3A] : memref<20000xf32, #tpu.memory_space<hbm>> -> memref<2000xf32, #tpu.memory_space<hbm>>
        %dma_wait3A_103 = tpu.memref_slice %arg3[%multiple_of3A] : memref<20000xf32, #tpu.memory_space<hbm>> -> memref<2000xf32, #tpu.memory_space<hbm>>
        tpu.wait_dma2 semaphore(%run_scoped3A : memref<!tpu.dma_semaphore, #tpu.memory_space<semaphore_mem>>) src(%arg6 : memref<2000xf32, #tpu.memory_space<vmem>>) dst(%dma_wait3A_103 : memref<2000xf32, #tpu.memory_space<hbm>>)
        tpu.yield
      }) : () -> ()
      "tpu.region"() ({
        %run_scoped3A = tpu.sem_alloc : memref<!tpu.dma_semaphore, #tpu.memory_space<semaphore_mem>>
        %dma_start3A = arith.constant 2000 : i32
        %dma_start3A_102 = tpu.memref_slice %arg7[%dma_start3A] : memref<10016xf32, #tpu.memory_space<vmem_shared>> -> memref<2000xf32, #tpu.memory_space<vmem_shared>>
        %dma_start3A_103 = arith.constant 2000 : i32
        %dma_start3A_104 = tpu.memref_slice %arg7[%dma_start3A_103] : memref<10016xf32, #tpu.memory_space<vmem_shared>> -> memref<2000xf32, #tpu.memory_space<vmem_shared>>
        tpu.enqueue_dma source(%dma_start3A_104 : memref<2000xf32, #tpu.memory_space<vmem_shared>>) target(%arg6 : memref<2000xf32, #tpu.memory_space<vmem>>) target_semaphore(%run_scoped3A : memref<!tpu.dma_semaphore, #tpu.memory_space<semaphore_mem>>)
        %dma_wait3A = arith.constant 2000 : i32
        %dma_wait3A_105 = tpu.memref_slice %arg7[%dma_wait3A] : memref<10016xf32, #tpu.memory_space<vmem_shared>> -> memref<2000xf32, #tpu.memory_space<vmem_shared>>
        %dma_wait3A_106 = arith.constant 2000 : i32
        %dma_wait3A_107 = tpu.memref_slice %arg7[%dma_wait3A_106] : memref<10016xf32, #tpu.memory_space<vmem_shared>> -> memref<2000xf32, #tpu.memory_space<vmem_shared>>
        tpu.wait_dma2 semaphore(%run_scoped3A : memref<!tpu.dma_semaphore, #tpu.memory_space<semaphore_mem>>) src(%dma_wait3A_107 : memref<2000xf32, #tpu.memory_space<vmem_shared>>) dst(%arg6 : memref<2000xf32, #tpu.memory_space<vmem>>)
        tpu.yield
      }) : () -> ()
      %mul3A_82 = arith.constant 10000 : i32
      %mul3A_83 = arith.muli %arg0, %mul3A_82 : i32
      %add3A_84 = arith.constant 2000 : i32
      %add3A_85 = arith.addi %mul3A_83, %add3A_84 : i32
      %multiple_of3A_86 = tpu.assume_multiple %add3A_85, 8 : i32
      "tpu.region"() ({
        %run_scoped3A = tpu.sem_alloc : memref<!tpu.dma_semaphore, #tpu.memory_space<semaphore_mem>>
        %dma_start3A = tpu.memref_slice %arg3[%multiple_of3A_86] : memref<20000xf32, #tpu.memory_space<hbm>> -> memref<2000xf32, #tpu.memory_space<hbm>>
        %dma_start3A_102 = tpu.memref_slice %arg3[%multiple_of3A_86] : memref<20000xf32, #tpu.memory_space<hbm>> -> memref<2000xf32, #tpu.memory_space<hbm>>
        tpu.enqueue_dma source(%arg6 : memref<2000xf32, #tpu.memory_space<vmem>>) target(%dma_start3A_102 : memref<2000xf32, #tpu.memory_space<hbm>>) target_semaphore(%run_scoped3A : memref<!tpu.dma_semaphore, #tpu.memory_space<semaphore_mem>>)
        %dma_wait3A = tpu.memref_slice %arg3[%multiple_of3A_86] : memref<20000xf32, #tpu.memory_space<hbm>> -> memref<2000xf32, #tpu.memory_space<hbm>>
        %dma_wait3A_103 = tpu.memref_slice %arg3[%multiple_of3A_86] : memref<20000xf32, #tpu.memory_space<hbm>> -> memref<2000xf32, #tpu.memory_space<hbm>>
        tpu.wait_dma2 semaphore(%run_scoped3A : memref<!tpu.dma_semaphore, #tpu.memory_space<semaphore_mem>>) src(%arg6 : memref<2000xf32, #tpu.memory_space<vmem>>) dst(%dma_wait3A_103 : memref<2000xf32, #tpu.memory_space<hbm>>)
        tpu.yield
      }) : () -> ()
      "tpu.region"() ({
        %run_scoped3A = tpu.sem_alloc : memref<!tpu.dma_semaphore, #tpu.memory_space<semaphore_mem>>
        %dma_start3A = arith.constant 4000 : i32
        %dma_start3A_102 = tpu.memref_slice %arg7[%dma_start3A] : memref<10016xf32, #tpu.memory_space<vmem_shared>> -> memref<2000xf32, #tpu.memory_space<vmem_shared>>
        %dma_start3A_103 = arith.constant 4000 : i32
        %dma_start3A_104 = tpu.memref_slice %arg7[%dma_start3A_103] : memref<10016xf32, #tpu.memory_space<vmem_shared>> -> memref<2000xf32, #tpu.memory_space<vmem_shared>>
        tpu.enqueue_dma source(%dma_start3A_104 : memref<2000xf32, #tpu.memory_space<vmem_shared>>) target(%arg6 : memref<2000xf32, #tpu.memory_space<vmem>>) target_semaphore(%run_scoped3A : memref<!tpu.dma_semaphore, #tpu.memory_space<semaphore_mem>>)
        %dma_wait3A = arith.constant 4000 : i32
        %dma_wait3A_105 = tpu.memref_slice %arg7[%dma_wait3A] : memref<10016xf32, #tpu.memory_space<vmem_shared>> -> memref<2000xf32, #tpu.memory_space<vmem_shared>>
        %dma_wait3A_106 = arith.constant 4000 : i32
        %dma_wait3A_107 = tpu.memref_slice %arg7[%dma_wait3A_106] : memref<10016xf32, #tpu.memory_space<vmem_shared>> -> memref<2000xf32, #tpu.memory_space<vmem_shared>>
        tpu.wait_dma2 semaphore(%run_scoped3A : memref<!tpu.dma_semaphore, #tpu.memory_space<semaphore_mem>>) src(%dma_wait3A_107 : memref<2000xf32, #tpu.memory_space<vmem_shared>>) dst(%arg6 : memref<2000xf32, #tpu.memory_space<vmem>>)
        tpu.yield
      }) : () -> ()
      %mul3A_87 = arith.constant 10000 : i32
      %mul3A_88 = arith.muli %arg0, %mul3A_87 : i32
      %add3A_89 = arith.constant 4000 : i32
      %add3A_90 = arith.addi %mul3A_88, %add3A_89 : i32
      %multiple_of3A_91 = tpu.assume_multiple %add3A_90, 8 : i32
      "tpu.region"() ({
        %run_scoped3A = tpu.sem_alloc : memref<!tpu.dma_semaphore, #tpu.memory_space<semaphore_mem>>
        %dma_start3A = tpu.memref_slice %arg3[%multiple_of3A_91] : memref<20000xf32, #tpu.memory_space<hbm>> -> memref<2000xf32, #tpu.memory_space<hbm>>
        %dma_start3A_102 = tpu.memref_slice %arg3[%multiple_of3A_91] : memref<20000xf32, #tpu.memory_space<hbm>> -> memref<2000xf32, #tpu.memory_space<hbm>>
        tpu.enqueue_dma source(%arg6 : memref<2000xf32, #tpu.memory_space<vmem>>) target(%dma_start3A_102 : memref<2000xf32, #tpu.memory_space<hbm>>) target_semaphore(%run_scoped3A : memref<!tpu.dma_semaphore, #tpu.memory_space<semaphore_mem>>)
        %dma_wait3A = tpu.memref_slice %arg3[%multiple_of3A_91] : memref<20000xf32, #tpu.memory_space<hbm>> -> memref<2000xf32, #tpu.memory_space<hbm>>
        %dma_wait3A_103 = tpu.memref_slice %arg3[%multiple_of3A_91] : memref<20000xf32, #tpu.memory_space<hbm>> -> memref<2000xf32, #tpu.memory_space<hbm>>
        tpu.wait_dma2 semaphore(%run_scoped3A : memref<!tpu.dma_semaphore, #tpu.memory_space<semaphore_mem>>) src(%arg6 : memref<2000xf32, #tpu.memory_space<vmem>>) dst(%dma_wait3A_103 : memref<2000xf32, #tpu.memory_space<hbm>>)
        tpu.yield
      }) : () -> ()
      "tpu.region"() ({
        %run_scoped3A = tpu.sem_alloc : memref<!tpu.dma_semaphore, #tpu.memory_space<semaphore_mem>>
        %dma_start3A = arith.constant 6000 : i32
        %dma_start3A_102 = tpu.memref_slice %arg7[%dma_start3A] : memref<10016xf32, #tpu.memory_space<vmem_shared>> -> memref<2000xf32, #tpu.memory_space<vmem_shared>>
        %dma_start3A_103 = arith.constant 6000 : i32
        %dma_start3A_104 = tpu.memref_slice %arg7[%dma_start3A_103] : memref<10016xf32, #tpu.memory_space<vmem_shared>> -> memref<2000xf32, #tpu.memory_space<vmem_shared>>
        tpu.enqueue_dma source(%dma_start3A_104 : memref<2000xf32, #tpu.memory_space<vmem_shared>>) target(%arg6 : memref<2000xf32, #tpu.memory_space<vmem>>) target_semaphore(%run_scoped3A : memref<!tpu.dma_semaphore, #tpu.memory_space<semaphore_mem>>)
        %dma_wait3A = arith.constant 6000 : i32
        %dma_wait3A_105 = tpu.memref_slice %arg7[%dma_wait3A] : memref<10016xf32, #tpu.memory_space<vmem_shared>> -> memref<2000xf32, #tpu.memory_space<vmem_shared>>
        %dma_wait3A_106 = arith.constant 6000 : i32
        %dma_wait3A_107 = tpu.memref_slice %arg7[%dma_wait3A_106] : memref<10016xf32, #tpu.memory_space<vmem_shared>> -> memref<2000xf32, #tpu.memory_space<vmem_shared>>
        tpu.wait_dma2 semaphore(%run_scoped3A : memref<!tpu.dma_semaphore, #tpu.memory_space<semaphore_mem>>) src(%dma_wait3A_107 : memref<2000xf32, #tpu.memory_space<vmem_shared>>) dst(%arg6 : memref<2000xf32, #tpu.memory_space<vmem>>)
        tpu.yield
      }) : () -> ()
      %mul3A_92 = arith.constant 10000 : i32
      %mul3A_93 = arith.muli %arg0, %mul3A_92 : i32
      %add3A_94 = arith.constant 6000 : i32
      %add3A_95 = arith.addi %mul3A_93, %add3A_94 : i32
      %multiple_of3A_96 = tpu.assume_multiple %add3A_95, 8 : i32
      "tpu.region"() ({
        %run_scoped3A = tpu.sem_alloc : memref<!tpu.dma_semaphore, #tpu.memory_space<semaphore_mem>>
        %dma_start3A = tpu.memref_slice %arg3[%multiple_of3A_96] : memref<20000xf32, #tpu.memory_space<hbm>> -> memref<2000xf32, #tpu.memory_space<hbm>>
        %dma_start3A_102 = tpu.memref_slice %arg3[%multiple_of3A_96] : memref<20000xf32, #tpu.memory_space<hbm>> -> memref<2000xf32, #tpu.memory_space<hbm>>
        tpu.enqueue_dma source(%arg6 : memref<2000xf32, #tpu.memory_space<vmem>>) target(%dma_start3A_102 : memref<2000xf32, #tpu.memory_space<hbm>>) target_semaphore(%run_scoped3A : memref<!tpu.dma_semaphore, #tpu.memory_space<semaphore_mem>>)
        %dma_wait3A = tpu.memref_slice %arg3[%multiple_of3A_96] : memref<20000xf32, #tpu.memory_space<hbm>> -> memref<2000xf32, #tpu.memory_space<hbm>>
        %dma_wait3A_103 = tpu.memref_slice %arg3[%multiple_of3A_96] : memref<20000xf32, #tpu.memory_space<hbm>> -> memref<2000xf32, #tpu.memory_space<hbm>>
        tpu.wait_dma2 semaphore(%run_scoped3A : memref<!tpu.dma_semaphore, #tpu.memory_space<semaphore_mem>>) src(%arg6 : memref<2000xf32, #tpu.memory_space<vmem>>) dst(%dma_wait3A_103 : memref<2000xf32, #tpu.memory_space<hbm>>)
        tpu.yield
      }) : () -> ()
      "tpu.region"() ({
        %run_scoped3A = tpu.sem_alloc : memref<!tpu.dma_semaphore, #tpu.memory_space<semaphore_mem>>
        %dma_start3A = arith.constant 8000 : i32
        %dma_start3A_102 = tpu.memref_slice %arg7[%dma_start3A] : memref<10016xf32, #tpu.memory_space<vmem_shared>> -> memref<2000xf32, #tpu.memory_space<vmem_shared>>
        %dma_start3A_103 = arith.constant 8000 : i32
        %dma_start3A_104 = tpu.memref_slice %arg7[%dma_start3A_103] : memref<10016xf32, #tpu.memory_space<vmem_shared>> -> memref<2000xf32, #tpu.memory_space<vmem_shared>>
        tpu.enqueue_dma source(%dma_start3A_104 : memref<2000xf32, #tpu.memory_space<vmem_shared>>) target(%arg6 : memref<2000xf32, #tpu.memory_space<vmem>>) target_semaphore(%run_scoped3A : memref<!tpu.dma_semaphore, #tpu.memory_space<semaphore_mem>>)
        %dma_wait3A = arith.constant 8000 : i32
        %dma_wait3A_105 = tpu.memref_slice %arg7[%dma_wait3A] : memref<10016xf32, #tpu.memory_space<vmem_shared>> -> memref<2000xf32, #tpu.memory_space<vmem_shared>>
        %dma_wait3A_106 = arith.constant 8000 : i32
        %dma_wait3A_107 = tpu.memref_slice %arg7[%dma_wait3A_106] : memref<10016xf32, #tpu.memory_space<vmem_shared>> -> memref<2000xf32, #tpu.memory_space<vmem_shared>>
        tpu.wait_dma2 semaphore(%run_scoped3A : memref<!tpu.dma_semaphore, #tpu.memory_space<semaphore_mem>>) src(%dma_wait3A_107 : memref<2000xf32, #tpu.memory_space<vmem_shared>>) dst(%arg6 : memref<2000xf32, #tpu.memory_space<vmem>>)
        tpu.yield
      }) : () -> ()
      %mul3A_97 = arith.constant 10000 : i32
      %mul3A_98 = arith.muli %arg0, %mul3A_97 : i32
      %add3A_99 = arith.constant 8000 : i32
      %add3A_100 = arith.addi %mul3A_98, %add3A_99 : i32
      %multiple_of3A_101 = tpu.assume_multiple %add3A_100, 8 : i32
      "tpu.region"() ({
        %run_scoped3A = tpu.sem_alloc : memref<!tpu.dma_semaphore, #tpu.memory_space<semaphore_mem>>
        %dma_start3A = tpu.memref_slice %arg3[%multiple_of3A_101] : memref<20000xf32, #tpu.memory_space<hbm>> -> memref<2000xf32, #tpu.memory_space<hbm>>
        %dma_start3A_102 = tpu.memref_slice %arg3[%multiple_of3A_101] : memref<20000xf32, #tpu.memory_space<hbm>> -> memref<2000xf32, #tpu.memory_space<hbm>>
        tpu.enqueue_dma source(%arg6 : memref<2000xf32, #tpu.memory_space<vmem>>) target(%dma_start3A_102 : memref<2000xf32, #tpu.memory_space<hbm>>) target_semaphore(%run_scoped3A : memref<!tpu.dma_semaphore, #tpu.memory_space<semaphore_mem>>)
        %dma_wait3A = tpu.memref_slice %arg3[%multiple_of3A_101] : memref<20000xf32, #tpu.memory_space<hbm>> -> memref<2000xf32, #tpu.memory_space<hbm>>
        %dma_wait3A_103 = tpu.memref_slice %arg3[%multiple_of3A_101] : memref<20000xf32, #tpu.memory_space<hbm>> -> memref<2000xf32, #tpu.memory_space<hbm>>
        tpu.wait_dma2 semaphore(%run_scoped3A : memref<!tpu.dma_semaphore, #tpu.memory_space<semaphore_mem>>) src(%arg6 : memref<2000xf32, #tpu.memory_space<vmem>>) dst(%dma_wait3A_103 : memref<2000xf32, #tpu.memory_space<hbm>>)
        tpu.yield
      }) : () -> ()
    } else {
    }
    return
  }
}

#map = affine_map<(d0, d1) -> (0, 0)>
#map1 = affine_map<(d0, d1) -> (0, 0, 0, 0)>
module attributes {stable_mosaic.version = 14 : i64} {
  func.func @_agg_kernel(%arg0: i32, %arg1: i32, %arg2: memref<10000x128xf32, #tpu.memory_space<hbm>>, %arg3: memref<32x2x40x128xi32, #tpu.memory_space<hbm>>, %arg4: memref<32x2x40x128xi32, #tpu.memory_space<hbm>>, %arg5: memref<200x128xf32, #tpu.memory_space<hbm>>, %arg6: memref<20000x128xf32, #tpu.memory_space<hbm>>, %arg7: memref<40x128xi32, #tpu.memory_space<vmem>>, %arg8: memref<40x128xi32, #tpu.memory_space<vmem>>, %arg9: memref<128x128xf32, #tpu.memory_space<vmem>>, %arg10: memref<128x128xf32, #tpu.memory_space<vmem>>, %arg11: memref<10016x128xf32, #tpu.memory_space<vmem_shared>>, %arg12: memref<!tpu.dma_semaphore, #tpu.memory_space<semaphore_mem>>, %arg13: memref<!tpu.dma_semaphore, #tpu.memory_space<semaphore_mem>>) attributes {dimension_semantics = [#tpu.dimension_semantics<core_parallel>, #tpu.dimension_semantics<subcore_parallel>], iteration_bounds = array<i64: 2, 16>, scalar_prefetch = 0 : i64, scratch_operands = 7 : i64, tpu.core_type = #tpu.core_type<sc_vector_subcore>, window_params = [{transform_indices = #map}, {transform_indices = #map1}, {transform_indices = #map1}, {transform_indices = #map}, {transform_indices = #map}]} {
    %mul3A = arith.constant 16 : i32
    %mul3A_0 = arith.muli %arg0, %mul3A : i32
    %add3A = arith.addi %mul3A_0, %arg1 : i32
    %run_scoped3A = arith.constant 0 : i32
    "tpu.region"() ({
      %run_scoped3A_127 = tpu.sem_alloc : memref<!tpu.dma_semaphore, #tpu.memory_space<semaphore_mem>>
      %dma_start3A_128 = arith.constant 0 : i32
      %dma_start3A_129 = arith.constant 0 : i32
      %dma_start3A_130 = tpu.memref_slice %arg3[%add3A, %run_scoped3A, %dma_start3A_128, %dma_start3A_129] : memref<32x2x40x128xi32, #tpu.memory_space<hbm>> -> memref<1x1x40x128xi32, #tpu.memory_space<hbm>>
      %dma_start3A_131 = tpu.memref_squeeze %dma_start3A_130 : memref<1x1x40x128xi32, #tpu.memory_space<hbm>> -> memref<40x128xi32, #tpu.memory_space<hbm>>
      %dma_start3A_132 = arith.constant 0 : i32
      %dma_start3A_133 = arith.constant 0 : i32
      %dma_start3A_134 = tpu.memref_slice %arg3[%add3A, %run_scoped3A, %dma_start3A_132, %dma_start3A_133] : memref<32x2x40x128xi32, #tpu.memory_space<hbm>> -> memref<1x1x40x128xi32, #tpu.memory_space<hbm>>
      %dma_start3A_135 = tpu.memref_squeeze %dma_start3A_134 : memref<1x1x40x128xi32, #tpu.memory_space<hbm>> -> memref<40x128xi32, #tpu.memory_space<hbm>>
      tpu.enqueue_dma source(%dma_start3A_135 : memref<40x128xi32, #tpu.memory_space<hbm>>) target(%arg7 : memref<40x128xi32, #tpu.memory_space<vmem>>) target_semaphore(%run_scoped3A_127 : memref<!tpu.dma_semaphore, #tpu.memory_space<semaphore_mem>>)
      %dma_wait3A_136 = arith.constant 0 : i32
      %dma_wait3A_137 = arith.constant 0 : i32
      %dma_wait3A_138 = tpu.memref_slice %arg3[%add3A, %run_scoped3A, %dma_wait3A_136, %dma_wait3A_137] : memref<32x2x40x128xi32, #tpu.memory_space<hbm>> -> memref<1x1x40x128xi32, #tpu.memory_space<hbm>>
      %dma_wait3A_139 = tpu.memref_squeeze %dma_wait3A_138 : memref<1x1x40x128xi32, #tpu.memory_space<hbm>> -> memref<40x128xi32, #tpu.memory_space<hbm>>
      %dma_wait3A_140 = arith.constant 0 : i32
      %dma_wait3A_141 = arith.constant 0 : i32
      %dma_wait3A_142 = tpu.memref_slice %arg3[%add3A, %run_scoped3A, %dma_wait3A_140, %dma_wait3A_141] : memref<32x2x40x128xi32, #tpu.memory_space<hbm>> -> memref<1x1x40x128xi32, #tpu.memory_space<hbm>>
      %dma_wait3A_143 = tpu.memref_squeeze %dma_wait3A_142 : memref<1x1x40x128xi32, #tpu.memory_space<hbm>> -> memref<40x128xi32, #tpu.memory_space<hbm>>
      tpu.wait_dma2 semaphore(%run_scoped3A_127 : memref<!tpu.dma_semaphore, #tpu.memory_space<semaphore_mem>>) src(%dma_wait3A_143 : memref<40x128xi32, #tpu.memory_space<hbm>>) dst(%arg7 : memref<40x128xi32, #tpu.memory_space<vmem>>)
      tpu.yield
    }) : () -> ()
    %run_scoped3A_1 = arith.constant 0 : i32
    "tpu.region"() ({
      %run_scoped3A_127 = tpu.sem_alloc : memref<!tpu.dma_semaphore, #tpu.memory_space<semaphore_mem>>
      %dma_start3A_128 = arith.constant 0 : i32
      %dma_start3A_129 = arith.constant 0 : i32
      %dma_start3A_130 = tpu.memref_slice %arg4[%add3A, %run_scoped3A_1, %dma_start3A_128, %dma_start3A_129] : memref<32x2x40x128xi32, #tpu.memory_space<hbm>> -> memref<1x1x40x128xi32, #tpu.memory_space<hbm>>
      %dma_start3A_131 = tpu.memref_squeeze %dma_start3A_130 : memref<1x1x40x128xi32, #tpu.memory_space<hbm>> -> memref<40x128xi32, #tpu.memory_space<hbm>>
      %dma_start3A_132 = arith.constant 0 : i32
      %dma_start3A_133 = arith.constant 0 : i32
      %dma_start3A_134 = tpu.memref_slice %arg4[%add3A, %run_scoped3A_1, %dma_start3A_132, %dma_start3A_133] : memref<32x2x40x128xi32, #tpu.memory_space<hbm>> -> memref<1x1x40x128xi32, #tpu.memory_space<hbm>>
      %dma_start3A_135 = tpu.memref_squeeze %dma_start3A_134 : memref<1x1x40x128xi32, #tpu.memory_space<hbm>> -> memref<40x128xi32, #tpu.memory_space<hbm>>
      tpu.enqueue_dma source(%dma_start3A_135 : memref<40x128xi32, #tpu.memory_space<hbm>>) target(%arg8 : memref<40x128xi32, #tpu.memory_space<vmem>>) target_semaphore(%run_scoped3A_127 : memref<!tpu.dma_semaphore, #tpu.memory_space<semaphore_mem>>)
      %dma_wait3A_136 = arith.constant 0 : i32
      %dma_wait3A_137 = arith.constant 0 : i32
      %dma_wait3A_138 = tpu.memref_slice %arg4[%add3A, %run_scoped3A_1, %dma_wait3A_136, %dma_wait3A_137] : memref<32x2x40x128xi32, #tpu.memory_space<hbm>> -> memref<1x1x40x128xi32, #tpu.memory_space<hbm>>
      %dma_wait3A_139 = tpu.memref_squeeze %dma_wait3A_138 : memref<1x1x40x128xi32, #tpu.memory_space<hbm>> -> memref<40x128xi32, #tpu.memory_space<hbm>>
      %dma_wait3A_140 = arith.constant 0 : i32
      %dma_wait3A_141 = arith.constant 0 : i32
      %dma_wait3A_142 = tpu.memref_slice %arg4[%add3A, %run_scoped3A_1, %dma_wait3A_140, %dma_wait3A_141] : memref<32x2x40x128xi32, #tpu.memory_space<hbm>> -> memref<1x1x40x128xi32, #tpu.memory_space<hbm>>
      %dma_wait3A_143 = tpu.memref_squeeze %dma_wait3A_142 : memref<1x1x40x128xi32, #tpu.memory_space<hbm>> -> memref<40x128xi32, #tpu.memory_space<hbm>>
      tpu.wait_dma2 semaphore(%run_scoped3A_127 : memref<!tpu.dma_semaphore, #tpu.memory_space<semaphore_mem>>) src(%dma_wait3A_143 : memref<40x128xi32, #tpu.memory_space<hbm>>) dst(%arg8 : memref<40x128xi32, #tpu.memory_space<vmem>>)
      tpu.yield
    }) : () -> ()
    %dma_start3A = arith.constant 0 : i32
    %dma_start3A_2 = arith.constant 0 : i32
    %dma_start3A_3 = tpu.memref_slice %arg7[%dma_start3A, %dma_start3A_2] : memref<40x128xi32, #tpu.memory_space<vmem>> -> memref<1x128xi32, #tpu.memory_space<vmem>>
    %dma_start3A_4 = tpu.memref_squeeze %dma_start3A_3 : memref<1x128xi32, #tpu.memory_space<vmem>> -> memref<128xi32, #tpu.memory_space<vmem>>
    %dma_start3A_5 = arith.constant 0 : i32
    %dma_start3A_6 = arith.constant 0 : i32
    %dma_start3A_7 = tpu.memref_slice %arg2[%dma_start3A_5, %dma_start3A_6] : memref<10000x128xf32, #tpu.memory_space<hbm>> -> memref<10000x128xf32, #tpu.memory_space<hbm>>
    tpu.enqueue_indirect_dma source(%dma_start3A_7 : memref<10000x128xf32, #tpu.memory_space<hbm>>) target(%arg9 : memref<128x128xf32, #tpu.memory_space<vmem>>) offsets(%dma_start3A_4 : memref<128xi32, #tpu.memory_space<vmem>>) semaphore(%arg12 : memref<!tpu.dma_semaphore, #tpu.memory_space<semaphore_mem>>)
    %add3A_8 = arith.constant 0 : i32
    %add3A_9 = arith.addi %add3A_8, %arg1 : i32
    %lt3A = arith.constant 50 : i32
    %lt3A_10 = arith.cmpi slt, %add3A_9, %lt3A : i32
    %convert_element_type3A = arith.extui %lt3A_10 : i1 to i32
    %cond3A = arith.constant 0 : i32
    %cond3A_11 = arith.cmpi ne, %convert_element_type3A, %cond3A : i32
    scf.if %cond3A_11 {
      %mul3A_127 = arith.constant 200 : i32
      %mul3A_128 = arith.muli %add3A_9, %mul3A_127 : i32
      %multiple_of3A = tpu.assume_multiple %mul3A_128, 8 : i32
      "tpu.region"() ({
        %run_scoped3A_129 = tpu.sem_alloc : memref<!tpu.dma_semaphore, #tpu.memory_space<semaphore_mem>>
        %dma_start3A_130 = arith.constant 0 : i32
        %dma_start3A_131 = tpu.memref_slice %arg11[%multiple_of3A, %dma_start3A_130] : memref<10016x128xf32, #tpu.memory_space<vmem_shared>> -> memref<200x128xf32, #tpu.memory_space<vmem_shared>>
        tpu.enqueue_dma source(%arg5 : memref<200x128xf32, #tpu.memory_space<hbm>>) target(%dma_start3A_131 : memref<200x128xf32, #tpu.memory_space<vmem_shared>>) target_semaphore(%run_scoped3A_129 : memref<!tpu.dma_semaphore, #tpu.memory_space<semaphore_mem>>)
        %dma_wait3A_132 = arith.constant 0 : i32
        %dma_wait3A_133 = tpu.memref_slice %arg11[%multiple_of3A, %dma_wait3A_132] : memref<10016x128xf32, #tpu.memory_space<vmem_shared>> -> memref<200x128xf32, #tpu.memory_space<vmem_shared>>
        tpu.wait_dma2 semaphore(%run_scoped3A_129 : memref<!tpu.dma_semaphore, #tpu.memory_space<semaphore_mem>>) src(%arg5 : memref<200x128xf32, #tpu.memory_space<hbm>>) dst(%dma_wait3A_133 : memref<200x128xf32, #tpu.memory_space<vmem_shared>>)
        tpu.yield
      }) : () -> ()
    } else {
    }
    %add3A_12 = arith.constant 16 : i32
    %add3A_13 = arith.addi %add3A_12, %arg1 : i32
    %lt3A_14 = arith.constant 50 : i32
    %lt3A_15 = arith.cmpi slt, %add3A_13, %lt3A_14 : i32
    %convert_element_type3A_16 = arith.extui %lt3A_15 : i1 to i32
    %cond3A_17 = arith.constant 0 : i32
    %cond3A_18 = arith.cmpi ne, %convert_element_type3A_16, %cond3A_17 : i32
    scf.if %cond3A_18 {
      %mul3A_127 = arith.constant 200 : i32
      %mul3A_128 = arith.muli %add3A_13, %mul3A_127 : i32
      %multiple_of3A = tpu.assume_multiple %mul3A_128, 8 : i32
      "tpu.region"() ({
        %run_scoped3A_129 = tpu.sem_alloc : memref<!tpu.dma_semaphore, #tpu.memory_space<semaphore_mem>>
        %dma_start3A_130 = arith.constant 0 : i32
        %dma_start3A_131 = tpu.memref_slice %arg11[%multiple_of3A, %dma_start3A_130] : memref<10016x128xf32, #tpu.memory_space<vmem_shared>> -> memref<200x128xf32, #tpu.memory_space<vmem_shared>>
        tpu.enqueue_dma source(%arg5 : memref<200x128xf32, #tpu.memory_space<hbm>>) target(%dma_start3A_131 : memref<200x128xf32, #tpu.memory_space<vmem_shared>>) target_semaphore(%run_scoped3A_129 : memref<!tpu.dma_semaphore, #tpu.memory_space<semaphore_mem>>)
        %dma_wait3A_132 = arith.constant 0 : i32
        %dma_wait3A_133 = tpu.memref_slice %arg11[%multiple_of3A, %dma_wait3A_132] : memref<10016x128xf32, #tpu.memory_space<vmem_shared>> -> memref<200x128xf32, #tpu.memory_space<vmem_shared>>
        tpu.wait_dma2 semaphore(%run_scoped3A_129 : memref<!tpu.dma_semaphore, #tpu.memory_space<semaphore_mem>>) src(%arg5 : memref<200x128xf32, #tpu.memory_space<hbm>>) dst(%dma_wait3A_133 : memref<200x128xf32, #tpu.memory_space<vmem_shared>>)
        tpu.yield
      }) : () -> ()
    } else {
    }
    %add3A_19 = arith.constant 32 : i32
    %add3A_20 = arith.addi %add3A_19, %arg1 : i32
    %lt3A_21 = arith.constant 50 : i32
    %lt3A_22 = arith.cmpi slt, %add3A_20, %lt3A_21 : i32
    %convert_element_type3A_23 = arith.extui %lt3A_22 : i1 to i32
    %cond3A_24 = arith.constant 0 : i32
    %cond3A_25 = arith.cmpi ne, %convert_element_type3A_23, %cond3A_24 : i32
    scf.if %cond3A_25 {
      %mul3A_127 = arith.constant 200 : i32
      %mul3A_128 = arith.muli %add3A_20, %mul3A_127 : i32
      %multiple_of3A = tpu.assume_multiple %mul3A_128, 8 : i32
      "tpu.region"() ({
        %run_scoped3A_129 = tpu.sem_alloc : memref<!tpu.dma_semaphore, #tpu.memory_space<semaphore_mem>>
        %dma_start3A_130 = arith.constant 0 : i32
        %dma_start3A_131 = tpu.memref_slice %arg11[%multiple_of3A, %dma_start3A_130] : memref<10016x128xf32, #tpu.memory_space<vmem_shared>> -> memref<200x128xf32, #tpu.memory_space<vmem_shared>>
        tpu.enqueue_dma source(%arg5 : memref<200x128xf32, #tpu.memory_space<hbm>>) target(%dma_start3A_131 : memref<200x128xf32, #tpu.memory_space<vmem_shared>>) target_semaphore(%run_scoped3A_129 : memref<!tpu.dma_semaphore, #tpu.memory_space<semaphore_mem>>)
        %dma_wait3A_132 = arith.constant 0 : i32
        %dma_wait3A_133 = tpu.memref_slice %arg11[%multiple_of3A, %dma_wait3A_132] : memref<10016x128xf32, #tpu.memory_space<vmem_shared>> -> memref<200x128xf32, #tpu.memory_space<vmem_shared>>
        tpu.wait_dma2 semaphore(%run_scoped3A_129 : memref<!tpu.dma_semaphore, #tpu.memory_space<semaphore_mem>>) src(%arg5 : memref<200x128xf32, #tpu.memory_space<hbm>>) dst(%dma_wait3A_133 : memref<200x128xf32, #tpu.memory_space<vmem_shared>>)
        tpu.yield
      }) : () -> ()
    } else {
    }
    %add3A_26 = arith.constant 48 : i32
    %add3A_27 = arith.addi %add3A_26, %arg1 : i32
    %lt3A_28 = arith.constant 50 : i32
    %lt3A_29 = arith.cmpi slt, %add3A_27, %lt3A_28 : i32
    %convert_element_type3A_30 = arith.extui %lt3A_29 : i1 to i32
    %cond3A_31 = arith.constant 0 : i32
    %cond3A_32 = arith.cmpi ne, %convert_element_type3A_30, %cond3A_31 : i32
    scf.if %cond3A_32 {
      %mul3A_127 = arith.constant 200 : i32
      %mul3A_128 = arith.muli %add3A_27, %mul3A_127 : i32
      %multiple_of3A = tpu.assume_multiple %mul3A_128, 8 : i32
      "tpu.region"() ({
        %run_scoped3A_129 = tpu.sem_alloc : memref<!tpu.dma_semaphore, #tpu.memory_space<semaphore_mem>>
        %dma_start3A_130 = arith.constant 0 : i32
        %dma_start3A_131 = tpu.memref_slice %arg11[%multiple_of3A, %dma_start3A_130] : memref<10016x128xf32, #tpu.memory_space<vmem_shared>> -> memref<200x128xf32, #tpu.memory_space<vmem_shared>>
        tpu.enqueue_dma source(%arg5 : memref<200x128xf32, #tpu.memory_space<hbm>>) target(%dma_start3A_131 : memref<200x128xf32, #tpu.memory_space<vmem_shared>>) target_semaphore(%run_scoped3A_129 : memref<!tpu.dma_semaphore, #tpu.memory_space<semaphore_mem>>)
        %dma_wait3A_132 = arith.constant 0 : i32
        %dma_wait3A_133 = tpu.memref_slice %arg11[%multiple_of3A, %dma_wait3A_132] : memref<10016x128xf32, #tpu.memory_space<vmem_shared>> -> memref<200x128xf32, #tpu.memory_space<vmem_shared>>
        tpu.wait_dma2 semaphore(%run_scoped3A_129 : memref<!tpu.dma_semaphore, #tpu.memory_space<semaphore_mem>>) src(%arg5 : memref<200x128xf32, #tpu.memory_space<hbm>>) dst(%dma_wait3A_133 : memref<200x128xf32, #tpu.memory_space<vmem_shared>>)
        tpu.yield
      }) : () -> ()
    } else {
    }
    %barrier3A = arith.constant 0 : index
    tpu.barrier barrier_id(%barrier3A)
    %scan3A = arith.constant 0 : i32
    %scan3A_33 = arith.constant 0 : i32
    %scan3A_34 = arith.constant 19 : i32
    %scan3A_35 = arith.addi %scan3A_33, %scan3A_34 : i32
    %scan3A_36 = arith.constant 1 : i32
    scf.for %scan3A_127 = %scan3A_33 to %scan3A_35 step %scan3A_36  : i32 {
      %mul3A_128 = arith.constant 2 : i32
      %mul3A_129 = arith.muli %mul3A_128, %scan3A_127 : i32
      %add3A_130 = arith.constant 1 : i32
      %add3A_131 = arith.addi %mul3A_129, %add3A_130 : i32
      %dma_start3A_132 = arith.constant 0 : i32
      %dma_start3A_133 = tpu.memref_slice %arg7[%add3A_131, %dma_start3A_132] : memref<40x128xi32, #tpu.memory_space<vmem>> -> memref<1x128xi32, #tpu.memory_space<vmem>>
      %dma_start3A_134 = tpu.memref_squeeze %dma_start3A_133 : memref<1x128xi32, #tpu.memory_space<vmem>> -> memref<128xi32, #tpu.memory_space<vmem>>
      %dma_start3A_135 = arith.constant 0 : i32
      %dma_start3A_136 = arith.constant 0 : i32
      %dma_start3A_137 = tpu.memref_slice %arg2[%dma_start3A_135, %dma_start3A_136] : memref<10000x128xf32, #tpu.memory_space<hbm>> -> memref<10000x128xf32, #tpu.memory_space<hbm>>
      tpu.enqueue_indirect_dma source(%dma_start3A_137 : memref<10000x128xf32, #tpu.memory_space<hbm>>) target(%arg10 : memref<128x128xf32, #tpu.memory_space<vmem>>) offsets(%dma_start3A_134 : memref<128xi32, #tpu.memory_space<vmem>>) semaphore(%arg13 : memref<!tpu.dma_semaphore, #tpu.memory_space<semaphore_mem>>)
      %dma_wait3A_138 = arith.constant 0 : i32
      %dma_wait3A_139 = tpu.memref_slice %arg7[%mul3A_129, %dma_wait3A_138] : memref<40x128xi32, #tpu.memory_space<vmem>> -> memref<1x128xi32, #tpu.memory_space<vmem>>
      %dma_wait3A_140 = tpu.memref_squeeze %dma_wait3A_139 : memref<1x128xi32, #tpu.memory_space<vmem>> -> memref<128xi32, #tpu.memory_space<vmem>>
      %dma_wait3A_141 = arith.constant 0 : i32
      %dma_wait3A_142 = arith.constant 0 : i32
      %dma_wait3A_143 = tpu.memref_slice %arg2[%dma_wait3A_141, %dma_wait3A_142] : memref<10000x128xf32, #tpu.memory_space<hbm>> -> memref<10000x128xf32, #tpu.memory_space<hbm>>
      tpu.wait_indirect_dma semaphore(%arg12 : memref<!tpu.dma_semaphore, #tpu.memory_space<semaphore_mem>>) src(%dma_wait3A_143 : memref<10000x128xf32, #tpu.memory_space<hbm>>) dst(%arg9 : memref<128x128xf32, #tpu.memory_space<vmem>>)
      "tpu.region"() ({
        %run_scoped3A_162 = tpu.sem_alloc : memref<!tpu.dma_semaphore, #tpu.memory_space<semaphore_mem>>
        %dma_start3A_163 = arith.constant 0 : i32
        %dma_start3A_164 = tpu.memref_slice %arg8[%mul3A_129, %dma_start3A_163] : memref<40x128xi32, #tpu.memory_space<vmem>> -> memref<1x128xi32, #tpu.memory_space<vmem>>
        %dma_start3A_165 = tpu.memref_squeeze %dma_start3A_164 : memref<1x128xi32, #tpu.memory_space<vmem>> -> memref<128xi32, #tpu.memory_space<vmem>>
        %dma_start3A_166 = arith.constant 0 : i32
        %dma_start3A_167 = arith.constant 0 : i32
        %dma_start3A_168 = tpu.memref_slice %arg11[%dma_start3A_166, %dma_start3A_167] : memref<10016x128xf32, #tpu.memory_space<vmem_shared>> -> memref<10016x128xf32, #tpu.memory_space<vmem_shared>>
        tpu.enqueue_indirect_dma source(%arg9 : memref<128x128xf32, #tpu.memory_space<vmem>>) target(%dma_start3A_168 : memref<10016x128xf32, #tpu.memory_space<vmem_shared>>) offsets(%dma_start3A_165 : memref<128xi32, #tpu.memory_space<vmem>>) semaphore(%run_scoped3A_162 : memref<!tpu.dma_semaphore, #tpu.memory_space<semaphore_mem>>) {add = true}
        %dma_wait3A_169 = arith.constant 0 : i32
        %dma_wait3A_170 = tpu.memref_slice %arg8[%mul3A_129, %dma_wait3A_169] : memref<40x128xi32, #tpu.memory_space<vmem>> -> memref<1x128xi32, #tpu.memory_space<vmem>>
        %dma_wait3A_171 = tpu.memref_squeeze %dma_wait3A_170 : memref<1x128xi32, #tpu.memory_space<vmem>> -> memref<128xi32, #tpu.memory_space<vmem>>
        %dma_wait3A_172 = arith.constant 0 : i32
        %dma_wait3A_173 = arith.constant 0 : i32
        %dma_wait3A_174 = tpu.memref_slice %arg11[%dma_wait3A_172, %dma_wait3A_173] : memref<10016x128xf32, #tpu.memory_space<vmem_shared>> -> memref<10016x128xf32, #tpu.memory_space<vmem_shared>>
        tpu.wait_indirect_dma semaphore(%run_scoped3A_162 : memref<!tpu.dma_semaphore, #tpu.memory_space<semaphore_mem>>) src(%arg9 : memref<128x128xf32, #tpu.memory_space<vmem>>) dst(%dma_wait3A_174 : memref<10016x128xf32, #tpu.memory_space<vmem_shared>>)
        tpu.yield
      }) : () -> ()
      %add3A_144 = arith.constant 2 : i32
      %add3A_145 = arith.addi %mul3A_129, %add3A_144 : i32
      %dma_start3A_146 = arith.constant 0 : i32
      %dma_start3A_147 = tpu.memref_slice %arg7[%add3A_145, %dma_start3A_146] : memref<40x128xi32, #tpu.memory_space<vmem>> -> memref<1x128xi32, #tpu.memory_space<vmem>>
      %dma_start3A_148 = tpu.memref_squeeze %dma_start3A_147 : memref<1x128xi32, #tpu.memory_space<vmem>> -> memref<128xi32, #tpu.memory_space<vmem>>
      %dma_start3A_149 = arith.constant 0 : i32
      %dma_start3A_150 = arith.constant 0 : i32
      %dma_start3A_151 = tpu.memref_slice %arg2[%dma_start3A_149, %dma_start3A_150] : memref<10000x128xf32, #tpu.memory_space<hbm>> -> memref<10000x128xf32, #tpu.memory_space<hbm>>
      tpu.enqueue_indirect_dma source(%dma_start3A_151 : memref<10000x128xf32, #tpu.memory_space<hbm>>) target(%arg9 : memref<128x128xf32, #tpu.memory_space<vmem>>) offsets(%dma_start3A_148 : memref<128xi32, #tpu.memory_space<vmem>>) semaphore(%arg12 : memref<!tpu.dma_semaphore, #tpu.memory_space<semaphore_mem>>)
      %add3A_152 = arith.constant 1 : i32
      %add3A_153 = arith.addi %mul3A_129, %add3A_152 : i32
      %dma_wait3A_154 = arith.constant 0 : i32
      %dma_wait3A_155 = tpu.memref_slice %arg7[%add3A_153, %dma_wait3A_154] : memref<40x128xi32, #tpu.memory_space<vmem>> -> memref<1x128xi32, #tpu.memory_space<vmem>>
      %dma_wait3A_156 = tpu.memref_squeeze %dma_wait3A_155 : memref<1x128xi32, #tpu.memory_space<vmem>> -> memref<128xi32, #tpu.memory_space<vmem>>
      %dma_wait3A_157 = arith.constant 0 : i32
      %dma_wait3A_158 = arith.constant 0 : i32
      %dma_wait3A_159 = tpu.memref_slice %arg2[%dma_wait3A_157, %dma_wait3A_158] : memref<10000x128xf32, #tpu.memory_space<hbm>> -> memref<10000x128xf32, #tpu.memory_space<hbm>>
      tpu.wait_indirect_dma semaphore(%arg13 : memref<!tpu.dma_semaphore, #tpu.memory_space<semaphore_mem>>) src(%dma_wait3A_159 : memref<10000x128xf32, #tpu.memory_space<hbm>>) dst(%arg10 : memref<128x128xf32, #tpu.memory_space<vmem>>)
      %add3A_160 = arith.constant 1 : i32
      %add3A_161 = arith.addi %mul3A_129, %add3A_160 : i32
      "tpu.region"() ({
        %run_scoped3A_162 = tpu.sem_alloc : memref<!tpu.dma_semaphore, #tpu.memory_space<semaphore_mem>>
        %dma_start3A_163 = arith.constant 0 : i32
        %dma_start3A_164 = tpu.memref_slice %arg8[%add3A_161, %dma_start3A_163] : memref<40x128xi32, #tpu.memory_space<vmem>> -> memref<1x128xi32, #tpu.memory_space<vmem>>
        %dma_start3A_165 = tpu.memref_squeeze %dma_start3A_164 : memref<1x128xi32, #tpu.memory_space<vmem>> -> memref<128xi32, #tpu.memory_space<vmem>>
        %dma_start3A_166 = arith.constant 0 : i32
        %dma_start3A_167 = arith.constant 0 : i32
        %dma_start3A_168 = tpu.memref_slice %arg11[%dma_start3A_166, %dma_start3A_167] : memref<10016x128xf32, #tpu.memory_space<vmem_shared>> -> memref<10016x128xf32, #tpu.memory_space<vmem_shared>>
        tpu.enqueue_indirect_dma source(%arg10 : memref<128x128xf32, #tpu.memory_space<vmem>>) target(%dma_start3A_168 : memref<10016x128xf32, #tpu.memory_space<vmem_shared>>) offsets(%dma_start3A_165 : memref<128xi32, #tpu.memory_space<vmem>>) semaphore(%run_scoped3A_162 : memref<!tpu.dma_semaphore, #tpu.memory_space<semaphore_mem>>) {add = true}
        %dma_wait3A_169 = arith.constant 0 : i32
        %dma_wait3A_170 = tpu.memref_slice %arg8[%add3A_161, %dma_wait3A_169] : memref<40x128xi32, #tpu.memory_space<vmem>> -> memref<1x128xi32, #tpu.memory_space<vmem>>
        %dma_wait3A_171 = tpu.memref_squeeze %dma_wait3A_170 : memref<1x128xi32, #tpu.memory_space<vmem>> -> memref<128xi32, #tpu.memory_space<vmem>>
        %dma_wait3A_172 = arith.constant 0 : i32
        %dma_wait3A_173 = arith.constant 0 : i32
        %dma_wait3A_174 = tpu.memref_slice %arg11[%dma_wait3A_172, %dma_wait3A_173] : memref<10016x128xf32, #tpu.memory_space<vmem_shared>> -> memref<10016x128xf32, #tpu.memory_space<vmem_shared>>
        tpu.wait_indirect_dma semaphore(%run_scoped3A_162 : memref<!tpu.dma_semaphore, #tpu.memory_space<semaphore_mem>>) src(%arg10 : memref<128x128xf32, #tpu.memory_space<vmem>>) dst(%dma_wait3A_174 : memref<10016x128xf32, #tpu.memory_space<vmem_shared>>)
        tpu.yield
      }) : () -> ()
    }
    %scan3A_37 = arith.constant 19 : i32
    %dma_start3A_38 = arith.constant 39 : i32
    %dma_start3A_39 = arith.constant 0 : i32
    %dma_start3A_40 = tpu.memref_slice %arg7[%dma_start3A_38, %dma_start3A_39] : memref<40x128xi32, #tpu.memory_space<vmem>> -> memref<1x128xi32, #tpu.memory_space<vmem>>
    %dma_start3A_41 = tpu.memref_squeeze %dma_start3A_40 : memref<1x128xi32, #tpu.memory_space<vmem>> -> memref<128xi32, #tpu.memory_space<vmem>>
    %dma_start3A_42 = arith.constant 0 : i32
    %dma_start3A_43 = arith.constant 0 : i32
    %dma_start3A_44 = tpu.memref_slice %arg2[%dma_start3A_42, %dma_start3A_43] : memref<10000x128xf32, #tpu.memory_space<hbm>> -> memref<10000x128xf32, #tpu.memory_space<hbm>>
    tpu.enqueue_indirect_dma source(%dma_start3A_44 : memref<10000x128xf32, #tpu.memory_space<hbm>>) target(%arg10 : memref<128x128xf32, #tpu.memory_space<vmem>>) offsets(%dma_start3A_41 : memref<128xi32, #tpu.memory_space<vmem>>) semaphore(%arg13 : memref<!tpu.dma_semaphore, #tpu.memory_space<semaphore_mem>>)
    %dma_wait3A = arith.constant 38 : i32
    %dma_wait3A_45 = arith.constant 0 : i32
    %dma_wait3A_46 = tpu.memref_slice %arg7[%dma_wait3A, %dma_wait3A_45] : memref<40x128xi32, #tpu.memory_space<vmem>> -> memref<1x128xi32, #tpu.memory_space<vmem>>
    %dma_wait3A_47 = tpu.memref_squeeze %dma_wait3A_46 : memref<1x128xi32, #tpu.memory_space<vmem>> -> memref<128xi32, #tpu.memory_space<vmem>>
    %dma_wait3A_48 = arith.constant 0 : i32
    %dma_wait3A_49 = arith.constant 0 : i32
    %dma_wait3A_50 = tpu.memref_slice %arg2[%dma_wait3A_48, %dma_wait3A_49] : memref<10000x128xf32, #tpu.memory_space<hbm>> -> memref<10000x128xf32, #tpu.memory_space<hbm>>
    tpu.wait_indirect_dma semaphore(%arg12 : memref<!tpu.dma_semaphore, #tpu.memory_space<semaphore_mem>>) src(%dma_wait3A_50 : memref<10000x128xf32, #tpu.memory_space<hbm>>) dst(%arg9 : memref<128x128xf32, #tpu.memory_space<vmem>>)
    %run_scoped3A_51 = arith.constant 38 : i32
    "tpu.region"() ({
      %run_scoped3A_127 = tpu.sem_alloc : memref<!tpu.dma_semaphore, #tpu.memory_space<semaphore_mem>>
      %dma_start3A_128 = arith.constant 0 : i32
      %dma_start3A_129 = tpu.memref_slice %arg8[%run_scoped3A_51, %dma_start3A_128] : memref<40x128xi32, #tpu.memory_space<vmem>> -> memref<1x128xi32, #tpu.memory_space<vmem>>
      %dma_start3A_130 = tpu.memref_squeeze %dma_start3A_129 : memref<1x128xi32, #tpu.memory_space<vmem>> -> memref<128xi32, #tpu.memory_space<vmem>>
      %dma_start3A_131 = arith.constant 0 : i32
      %dma_start3A_132 = arith.constant 0 : i32
      %dma_start3A_133 = tpu.memref_slice %arg11[%dma_start3A_131, %dma_start3A_132] : memref<10016x128xf32, #tpu.memory_space<vmem_shared>> -> memref<10016x128xf32, #tpu.memory_space<vmem_shared>>
      tpu.enqueue_indirect_dma source(%arg9 : memref<128x128xf32, #tpu.memory_space<vmem>>) target(%dma_start3A_133 : memref<10016x128xf32, #tpu.memory_space<vmem_shared>>) offsets(%dma_start3A_130 : memref<128xi32, #tpu.memory_space<vmem>>) semaphore(%run_scoped3A_127 : memref<!tpu.dma_semaphore, #tpu.memory_space<semaphore_mem>>) {add = true}
      %dma_wait3A_134 = arith.constant 0 : i32
      %dma_wait3A_135 = tpu.memref_slice %arg8[%run_scoped3A_51, %dma_wait3A_134] : memref<40x128xi32, #tpu.memory_space<vmem>> -> memref<1x128xi32, #tpu.memory_space<vmem>>
      %dma_wait3A_136 = tpu.memref_squeeze %dma_wait3A_135 : memref<1x128xi32, #tpu.memory_space<vmem>> -> memref<128xi32, #tpu.memory_space<vmem>>
      %dma_wait3A_137 = arith.constant 0 : i32
      %dma_wait3A_138 = arith.constant 0 : i32
      %dma_wait3A_139 = tpu.memref_slice %arg11[%dma_wait3A_137, %dma_wait3A_138] : memref<10016x128xf32, #tpu.memory_space<vmem_shared>> -> memref<10016x128xf32, #tpu.memory_space<vmem_shared>>
      tpu.wait_indirect_dma semaphore(%run_scoped3A_127 : memref<!tpu.dma_semaphore, #tpu.memory_space<semaphore_mem>>) src(%arg9 : memref<128x128xf32, #tpu.memory_space<vmem>>) dst(%dma_wait3A_139 : memref<10016x128xf32, #tpu.memory_space<vmem_shared>>)
      tpu.yield
    }) : () -> ()
    %dma_wait3A_52 = arith.constant 39 : i32
    %dma_wait3A_53 = arith.constant 0 : i32
    %dma_wait3A_54 = tpu.memref_slice %arg7[%dma_wait3A_52, %dma_wait3A_53] : memref<40x128xi32, #tpu.memory_space<vmem>> -> memref<1x128xi32, #tpu.memory_space<vmem>>
    %dma_wait3A_55 = tpu.memref_squeeze %dma_wait3A_54 : memref<1x128xi32, #tpu.memory_space<vmem>> -> memref<128xi32, #tpu.memory_space<vmem>>
    %dma_wait3A_56 = arith.constant 0 : i32
    %dma_wait3A_57 = arith.constant 0 : i32
    %dma_wait3A_58 = tpu.memref_slice %arg2[%dma_wait3A_56, %dma_wait3A_57] : memref<10000x128xf32, #tpu.memory_space<hbm>> -> memref<10000x128xf32, #tpu.memory_space<hbm>>
    tpu.wait_indirect_dma semaphore(%arg13 : memref<!tpu.dma_semaphore, #tpu.memory_space<semaphore_mem>>) src(%dma_wait3A_58 : memref<10000x128xf32, #tpu.memory_space<hbm>>) dst(%arg10 : memref<128x128xf32, #tpu.memory_space<vmem>>)
    %run_scoped3A_59 = arith.constant 39 : i32
    "tpu.region"() ({
      %run_scoped3A_127 = tpu.sem_alloc : memref<!tpu.dma_semaphore, #tpu.memory_space<semaphore_mem>>
      %dma_start3A_128 = arith.constant 0 : i32
      %dma_start3A_129 = tpu.memref_slice %arg8[%run_scoped3A_59, %dma_start3A_128] : memref<40x128xi32, #tpu.memory_space<vmem>> -> memref<1x128xi32, #tpu.memory_space<vmem>>
      %dma_start3A_130 = tpu.memref_squeeze %dma_start3A_129 : memref<1x128xi32, #tpu.memory_space<vmem>> -> memref<128xi32, #tpu.memory_space<vmem>>
      %dma_start3A_131 = arith.constant 0 : i32
      %dma_start3A_132 = arith.constant 0 : i32
      %dma_start3A_133 = tpu.memref_slice %arg11[%dma_start3A_131, %dma_start3A_132] : memref<10016x128xf32, #tpu.memory_space<vmem_shared>> -> memref<10016x128xf32, #tpu.memory_space<vmem_shared>>
      tpu.enqueue_indirect_dma source(%arg10 : memref<128x128xf32, #tpu.memory_space<vmem>>) target(%dma_start3A_133 : memref<10016x128xf32, #tpu.memory_space<vmem_shared>>) offsets(%dma_start3A_130 : memref<128xi32, #tpu.memory_space<vmem>>) semaphore(%run_scoped3A_127 : memref<!tpu.dma_semaphore, #tpu.memory_space<semaphore_mem>>) {add = true}
      %dma_wait3A_134 = arith.constant 0 : i32
      %dma_wait3A_135 = tpu.memref_slice %arg8[%run_scoped3A_59, %dma_wait3A_134] : memref<40x128xi32, #tpu.memory_space<vmem>> -> memref<1x128xi32, #tpu.memory_space<vmem>>
      %dma_wait3A_136 = tpu.memref_squeeze %dma_wait3A_135 : memref<1x128xi32, #tpu.memory_space<vmem>> -> memref<128xi32, #tpu.memory_space<vmem>>
      %dma_wait3A_137 = arith.constant 0 : i32
      %dma_wait3A_138 = arith.constant 0 : i32
      %dma_wait3A_139 = tpu.memref_slice %arg11[%dma_wait3A_137, %dma_wait3A_138] : memref<10016x128xf32, #tpu.memory_space<vmem_shared>> -> memref<10016x128xf32, #tpu.memory_space<vmem_shared>>
      tpu.wait_indirect_dma semaphore(%run_scoped3A_127 : memref<!tpu.dma_semaphore, #tpu.memory_space<semaphore_mem>>) src(%arg10 : memref<128x128xf32, #tpu.memory_space<vmem>>) dst(%dma_wait3A_139 : memref<10016x128xf32, #tpu.memory_space<vmem_shared>>)
      tpu.yield
    }) : () -> ()
    %run_scoped3A_60 = arith.constant 1 : i32
    "tpu.region"() ({
      %run_scoped3A_127 = tpu.sem_alloc : memref<!tpu.dma_semaphore, #tpu.memory_space<semaphore_mem>>
      %dma_start3A_128 = arith.constant 0 : i32
      %dma_start3A_129 = arith.constant 0 : i32
      %dma_start3A_130 = tpu.memref_slice %arg3[%add3A, %run_scoped3A_60, %dma_start3A_128, %dma_start3A_129] : memref<32x2x40x128xi32, #tpu.memory_space<hbm>> -> memref<1x1x40x128xi32, #tpu.memory_space<hbm>>
      %dma_start3A_131 = tpu.memref_squeeze %dma_start3A_130 : memref<1x1x40x128xi32, #tpu.memory_space<hbm>> -> memref<40x128xi32, #tpu.memory_space<hbm>>
      %dma_start3A_132 = arith.constant 0 : i32
      %dma_start3A_133 = arith.constant 0 : i32
      %dma_start3A_134 = tpu.memref_slice %arg3[%add3A, %run_scoped3A_60, %dma_start3A_132, %dma_start3A_133] : memref<32x2x40x128xi32, #tpu.memory_space<hbm>> -> memref<1x1x40x128xi32, #tpu.memory_space<hbm>>
      %dma_start3A_135 = tpu.memref_squeeze %dma_start3A_134 : memref<1x1x40x128xi32, #tpu.memory_space<hbm>> -> memref<40x128xi32, #tpu.memory_space<hbm>>
      tpu.enqueue_dma source(%dma_start3A_135 : memref<40x128xi32, #tpu.memory_space<hbm>>) target(%arg7 : memref<40x128xi32, #tpu.memory_space<vmem>>) target_semaphore(%run_scoped3A_127 : memref<!tpu.dma_semaphore, #tpu.memory_space<semaphore_mem>>)
      %dma_wait3A_136 = arith.constant 0 : i32
      %dma_wait3A_137 = arith.constant 0 : i32
      %dma_wait3A_138 = tpu.memref_slice %arg3[%add3A, %run_scoped3A_60, %dma_wait3A_136, %dma_wait3A_137] : memref<32x2x40x128xi32, #tpu.memory_space<hbm>> -> memref<1x1x40x128xi32, #tpu.memory_space<hbm>>
      %dma_wait3A_139 = tpu.memref_squeeze %dma_wait3A_138 : memref<1x1x40x128xi32, #tpu.memory_space<hbm>> -> memref<40x128xi32, #tpu.memory_space<hbm>>
      %dma_wait3A_140 = arith.constant 0 : i32
      %dma_wait3A_141 = arith.constant 0 : i32
      %dma_wait3A_142 = tpu.memref_slice %arg3[%add3A, %run_scoped3A_60, %dma_wait3A_140, %dma_wait3A_141] : memref<32x2x40x128xi32, #tpu.memory_space<hbm>> -> memref<1x1x40x128xi32, #tpu.memory_space<hbm>>
      %dma_wait3A_143 = tpu.memref_squeeze %dma_wait3A_142 : memref<1x1x40x128xi32, #tpu.memory_space<hbm>> -> memref<40x128xi32, #tpu.memory_space<hbm>>
      tpu.wait_dma2 semaphore(%run_scoped3A_127 : memref<!tpu.dma_semaphore, #tpu.memory_space<semaphore_mem>>) src(%dma_wait3A_143 : memref<40x128xi32, #tpu.memory_space<hbm>>) dst(%arg7 : memref<40x128xi32, #tpu.memory_space<vmem>>)
      tpu.yield
    }) : () -> ()
    %run_scoped3A_61 = arith.constant 1 : i32
    "tpu.region"() ({
      %run_scoped3A_127 = tpu.sem_alloc : memref<!tpu.dma_semaphore, #tpu.memory_space<semaphore_mem>>
      %dma_start3A_128 = arith.constant 0 : i32
      %dma_start3A_129 = arith.constant 0 : i32
      %dma_start3A_130 = tpu.memref_slice %arg4[%add3A, %run_scoped3A_61, %dma_start3A_128, %dma_start3A_129] : memref<32x2x40x128xi32, #tpu.memory_space<hbm>> -> memref<1x1x40x128xi32, #tpu.memory_space<hbm>>
      %dma_start3A_131 = tpu.memref_squeeze %dma_start3A_130 : memref<1x1x40x128xi32, #tpu.memory_space<hbm>> -> memref<40x128xi32, #tpu.memory_space<hbm>>
      %dma_start3A_132 = arith.constant 0 : i32
      %dma_start3A_133 = arith.constant 0 : i32
      %dma_start3A_134 = tpu.memref_slice %arg4[%add3A, %run_scoped3A_61, %dma_start3A_132, %dma_start3A_133] : memref<32x2x40x128xi32, #tpu.memory_space<hbm>> -> memref<1x1x40x128xi32, #tpu.memory_space<hbm>>
      %dma_start3A_135 = tpu.memref_squeeze %dma_start3A_134 : memref<1x1x40x128xi32, #tpu.memory_space<hbm>> -> memref<40x128xi32, #tpu.memory_space<hbm>>
      tpu.enqueue_dma source(%dma_start3A_135 : memref<40x128xi32, #tpu.memory_space<hbm>>) target(%arg8 : memref<40x128xi32, #tpu.memory_space<vmem>>) target_semaphore(%run_scoped3A_127 : memref<!tpu.dma_semaphore, #tpu.memory_space<semaphore_mem>>)
      %dma_wait3A_136 = arith.constant 0 : i32
      %dma_wait3A_137 = arith.constant 0 : i32
      %dma_wait3A_138 = tpu.memref_slice %arg4[%add3A, %run_scoped3A_61, %dma_wait3A_136, %dma_wait3A_137] : memref<32x2x40x128xi32, #tpu.memory_space<hbm>> -> memref<1x1x40x128xi32, #tpu.memory_space<hbm>>
      %dma_wait3A_139 = tpu.memref_squeeze %dma_wait3A_138 : memref<1x1x40x128xi32, #tpu.memory_space<hbm>> -> memref<40x128xi32, #tpu.memory_space<hbm>>
      %dma_wait3A_140 = arith.constant 0 : i32
      %dma_wait3A_141 = arith.constant 0 : i32
      %dma_wait3A_142 = tpu.memref_slice %arg4[%add3A, %run_scoped3A_61, %dma_wait3A_140, %dma_wait3A_141] : memref<32x2x40x128xi32, #tpu.memory_space<hbm>> -> memref<1x1x40x128xi32, #tpu.memory_space<hbm>>
      %dma_wait3A_143 = tpu.memref_squeeze %dma_wait3A_142 : memref<1x1x40x128xi32, #tpu.memory_space<hbm>> -> memref<40x128xi32, #tpu.memory_space<hbm>>
      tpu.wait_dma2 semaphore(%run_scoped3A_127 : memref<!tpu.dma_semaphore, #tpu.memory_space<semaphore_mem>>) src(%dma_wait3A_143 : memref<40x128xi32, #tpu.memory_space<hbm>>) dst(%arg8 : memref<40x128xi32, #tpu.memory_space<vmem>>)
      tpu.yield
    }) : () -> ()
    %dma_start3A_62 = arith.constant 0 : i32
    %dma_start3A_63 = arith.constant 0 : i32
    %dma_start3A_64 = tpu.memref_slice %arg7[%dma_start3A_62, %dma_start3A_63] : memref<40x128xi32, #tpu.memory_space<vmem>> -> memref<1x128xi32, #tpu.memory_space<vmem>>
    %dma_start3A_65 = tpu.memref_squeeze %dma_start3A_64 : memref<1x128xi32, #tpu.memory_space<vmem>> -> memref<128xi32, #tpu.memory_space<vmem>>
    %dma_start3A_66 = arith.constant 0 : i32
    %dma_start3A_67 = arith.constant 0 : i32
    %dma_start3A_68 = tpu.memref_slice %arg2[%dma_start3A_66, %dma_start3A_67] : memref<10000x128xf32, #tpu.memory_space<hbm>> -> memref<10000x128xf32, #tpu.memory_space<hbm>>
    tpu.enqueue_indirect_dma source(%dma_start3A_68 : memref<10000x128xf32, #tpu.memory_space<hbm>>) target(%arg9 : memref<128x128xf32, #tpu.memory_space<vmem>>) offsets(%dma_start3A_65 : memref<128xi32, #tpu.memory_space<vmem>>) semaphore(%arg12 : memref<!tpu.dma_semaphore, #tpu.memory_space<semaphore_mem>>)
    %scan3A_69 = arith.constant 0 : i32
    %scan3A_70 = arith.constant 0 : i32
    %scan3A_71 = arith.constant 19 : i32
    %scan3A_72 = arith.addi %scan3A_70, %scan3A_71 : i32
    %scan3A_73 = arith.constant 1 : i32
    scf.for %scan3A_127 = %scan3A_70 to %scan3A_72 step %scan3A_73  : i32 {
      %mul3A_128 = arith.constant 2 : i32
      %mul3A_129 = arith.muli %mul3A_128, %scan3A_127 : i32
      %add3A_130 = arith.constant 1 : i32
      %add3A_131 = arith.addi %mul3A_129, %add3A_130 : i32
      %dma_start3A_132 = arith.constant 0 : i32
      %dma_start3A_133 = tpu.memref_slice %arg7[%add3A_131, %dma_start3A_132] : memref<40x128xi32, #tpu.memory_space<vmem>> -> memref<1x128xi32, #tpu.memory_space<vmem>>
      %dma_start3A_134 = tpu.memref_squeeze %dma_start3A_133 : memref<1x128xi32, #tpu.memory_space<vmem>> -> memref<128xi32, #tpu.memory_space<vmem>>
      %dma_start3A_135 = arith.constant 0 : i32
      %dma_start3A_136 = arith.constant 0 : i32
      %dma_start3A_137 = tpu.memref_slice %arg2[%dma_start3A_135, %dma_start3A_136] : memref<10000x128xf32, #tpu.memory_space<hbm>> -> memref<10000x128xf32, #tpu.memory_space<hbm>>
      tpu.enqueue_indirect_dma source(%dma_start3A_137 : memref<10000x128xf32, #tpu.memory_space<hbm>>) target(%arg10 : memref<128x128xf32, #tpu.memory_space<vmem>>) offsets(%dma_start3A_134 : memref<128xi32, #tpu.memory_space<vmem>>) semaphore(%arg13 : memref<!tpu.dma_semaphore, #tpu.memory_space<semaphore_mem>>)
      %dma_wait3A_138 = arith.constant 0 : i32
      %dma_wait3A_139 = tpu.memref_slice %arg7[%mul3A_129, %dma_wait3A_138] : memref<40x128xi32, #tpu.memory_space<vmem>> -> memref<1x128xi32, #tpu.memory_space<vmem>>
      %dma_wait3A_140 = tpu.memref_squeeze %dma_wait3A_139 : memref<1x128xi32, #tpu.memory_space<vmem>> -> memref<128xi32, #tpu.memory_space<vmem>>
      %dma_wait3A_141 = arith.constant 0 : i32
      %dma_wait3A_142 = arith.constant 0 : i32
      %dma_wait3A_143 = tpu.memref_slice %arg2[%dma_wait3A_141, %dma_wait3A_142] : memref<10000x128xf32, #tpu.memory_space<hbm>> -> memref<10000x128xf32, #tpu.memory_space<hbm>>
      tpu.wait_indirect_dma semaphore(%arg12 : memref<!tpu.dma_semaphore, #tpu.memory_space<semaphore_mem>>) src(%dma_wait3A_143 : memref<10000x128xf32, #tpu.memory_space<hbm>>) dst(%arg9 : memref<128x128xf32, #tpu.memory_space<vmem>>)
      "tpu.region"() ({
        %run_scoped3A_162 = tpu.sem_alloc : memref<!tpu.dma_semaphore, #tpu.memory_space<semaphore_mem>>
        %dma_start3A_163 = arith.constant 0 : i32
        %dma_start3A_164 = tpu.memref_slice %arg8[%mul3A_129, %dma_start3A_163] : memref<40x128xi32, #tpu.memory_space<vmem>> -> memref<1x128xi32, #tpu.memory_space<vmem>>
        %dma_start3A_165 = tpu.memref_squeeze %dma_start3A_164 : memref<1x128xi32, #tpu.memory_space<vmem>> -> memref<128xi32, #tpu.memory_space<vmem>>
        %dma_start3A_166 = arith.constant 0 : i32
        %dma_start3A_167 = arith.constant 0 : i32
        %dma_start3A_168 = tpu.memref_slice %arg11[%dma_start3A_166, %dma_start3A_167] : memref<10016x128xf32, #tpu.memory_space<vmem_shared>> -> memref<10016x128xf32, #tpu.memory_space<vmem_shared>>
        tpu.enqueue_indirect_dma source(%arg9 : memref<128x128xf32, #tpu.memory_space<vmem>>) target(%dma_start3A_168 : memref<10016x128xf32, #tpu.memory_space<vmem_shared>>) offsets(%dma_start3A_165 : memref<128xi32, #tpu.memory_space<vmem>>) semaphore(%run_scoped3A_162 : memref<!tpu.dma_semaphore, #tpu.memory_space<semaphore_mem>>) {add = true}
        %dma_wait3A_169 = arith.constant 0 : i32
        %dma_wait3A_170 = tpu.memref_slice %arg8[%mul3A_129, %dma_wait3A_169] : memref<40x128xi32, #tpu.memory_space<vmem>> -> memref<1x128xi32, #tpu.memory_space<vmem>>
        %dma_wait3A_171 = tpu.memref_squeeze %dma_wait3A_170 : memref<1x128xi32, #tpu.memory_space<vmem>> -> memref<128xi32, #tpu.memory_space<vmem>>
        %dma_wait3A_172 = arith.constant 0 : i32
        %dma_wait3A_173 = arith.constant 0 : i32
        %dma_wait3A_174 = tpu.memref_slice %arg11[%dma_wait3A_172, %dma_wait3A_173] : memref<10016x128xf32, #tpu.memory_space<vmem_shared>> -> memref<10016x128xf32, #tpu.memory_space<vmem_shared>>
        tpu.wait_indirect_dma semaphore(%run_scoped3A_162 : memref<!tpu.dma_semaphore, #tpu.memory_space<semaphore_mem>>) src(%arg9 : memref<128x128xf32, #tpu.memory_space<vmem>>) dst(%dma_wait3A_174 : memref<10016x128xf32, #tpu.memory_space<vmem_shared>>)
        tpu.yield
      }) : () -> ()
      %add3A_144 = arith.constant 2 : i32
      %add3A_145 = arith.addi %mul3A_129, %add3A_144 : i32
      %dma_start3A_146 = arith.constant 0 : i32
      %dma_start3A_147 = tpu.memref_slice %arg7[%add3A_145, %dma_start3A_146] : memref<40x128xi32, #tpu.memory_space<vmem>> -> memref<1x128xi32, #tpu.memory_space<vmem>>
      %dma_start3A_148 = tpu.memref_squeeze %dma_start3A_147 : memref<1x128xi32, #tpu.memory_space<vmem>> -> memref<128xi32, #tpu.memory_space<vmem>>
      %dma_start3A_149 = arith.constant 0 : i32
      %dma_start3A_150 = arith.constant 0 : i32
      %dma_start3A_151 = tpu.memref_slice %arg2[%dma_start3A_149, %dma_start3A_150] : memref<10000x128xf32, #tpu.memory_space<hbm>> -> memref<10000x128xf32, #tpu.memory_space<hbm>>
      tpu.enqueue_indirect_dma source(%dma_start3A_151 : memref<10000x128xf32, #tpu.memory_space<hbm>>) target(%arg9 : memref<128x128xf32, #tpu.memory_space<vmem>>) offsets(%dma_start3A_148 : memref<128xi32, #tpu.memory_space<vmem>>) semaphore(%arg12 : memref<!tpu.dma_semaphore, #tpu.memory_space<semaphore_mem>>)
      %add3A_152 = arith.constant 1 : i32
      %add3A_153 = arith.addi %mul3A_129, %add3A_152 : i32
      %dma_wait3A_154 = arith.constant 0 : i32
      %dma_wait3A_155 = tpu.memref_slice %arg7[%add3A_153, %dma_wait3A_154] : memref<40x128xi32, #tpu.memory_space<vmem>> -> memref<1x128xi32, #tpu.memory_space<vmem>>
      %dma_wait3A_156 = tpu.memref_squeeze %dma_wait3A_155 : memref<1x128xi32, #tpu.memory_space<vmem>> -> memref<128xi32, #tpu.memory_space<vmem>>
      %dma_wait3A_157 = arith.constant 0 : i32
      %dma_wait3A_158 = arith.constant 0 : i32
      %dma_wait3A_159 = tpu.memref_slice %arg2[%dma_wait3A_157, %dma_wait3A_158] : memref<10000x128xf32, #tpu.memory_space<hbm>> -> memref<10000x128xf32, #tpu.memory_space<hbm>>
      tpu.wait_indirect_dma semaphore(%arg13 : memref<!tpu.dma_semaphore, #tpu.memory_space<semaphore_mem>>) src(%dma_wait3A_159 : memref<10000x128xf32, #tpu.memory_space<hbm>>) dst(%arg10 : memref<128x128xf32, #tpu.memory_space<vmem>>)
      %add3A_160 = arith.constant 1 : i32
      %add3A_161 = arith.addi %mul3A_129, %add3A_160 : i32
      "tpu.region"() ({
        %run_scoped3A_162 = tpu.sem_alloc : memref<!tpu.dma_semaphore, #tpu.memory_space<semaphore_mem>>
        %dma_start3A_163 = arith.constant 0 : i32
        %dma_start3A_164 = tpu.memref_slice %arg8[%add3A_161, %dma_start3A_163] : memref<40x128xi32, #tpu.memory_space<vmem>> -> memref<1x128xi32, #tpu.memory_space<vmem>>
        %dma_start3A_165 = tpu.memref_squeeze %dma_start3A_164 : memref<1x128xi32, #tpu.memory_space<vmem>> -> memref<128xi32, #tpu.memory_space<vmem>>
        %dma_start3A_166 = arith.constant 0 : i32
        %dma_start3A_167 = arith.constant 0 : i32
        %dma_start3A_168 = tpu.memref_slice %arg11[%dma_start3A_166, %dma_start3A_167] : memref<10016x128xf32, #tpu.memory_space<vmem_shared>> -> memref<10016x128xf32, #tpu.memory_space<vmem_shared>>
        tpu.enqueue_indirect_dma source(%arg10 : memref<128x128xf32, #tpu.memory_space<vmem>>) target(%dma_start3A_168 : memref<10016x128xf32, #tpu.memory_space<vmem_shared>>) offsets(%dma_start3A_165 : memref<128xi32, #tpu.memory_space<vmem>>) semaphore(%run_scoped3A_162 : memref<!tpu.dma_semaphore, #tpu.memory_space<semaphore_mem>>) {add = true}
        %dma_wait3A_169 = arith.constant 0 : i32
        %dma_wait3A_170 = tpu.memref_slice %arg8[%add3A_161, %dma_wait3A_169] : memref<40x128xi32, #tpu.memory_space<vmem>> -> memref<1x128xi32, #tpu.memory_space<vmem>>
        %dma_wait3A_171 = tpu.memref_squeeze %dma_wait3A_170 : memref<1x128xi32, #tpu.memory_space<vmem>> -> memref<128xi32, #tpu.memory_space<vmem>>
        %dma_wait3A_172 = arith.constant 0 : i32
        %dma_wait3A_173 = arith.constant 0 : i32
        %dma_wait3A_174 = tpu.memref_slice %arg11[%dma_wait3A_172, %dma_wait3A_173] : memref<10016x128xf32, #tpu.memory_space<vmem_shared>> -> memref<10016x128xf32, #tpu.memory_space<vmem_shared>>
        tpu.wait_indirect_dma semaphore(%run_scoped3A_162 : memref<!tpu.dma_semaphore, #tpu.memory_space<semaphore_mem>>) src(%arg10 : memref<128x128xf32, #tpu.memory_space<vmem>>) dst(%dma_wait3A_174 : memref<10016x128xf32, #tpu.memory_space<vmem_shared>>)
        tpu.yield
      }) : () -> ()
    }
    %scan3A_74 = arith.constant 19 : i32
    %dma_start3A_75 = arith.constant 39 : i32
    %dma_start3A_76 = arith.constant 0 : i32
    %dma_start3A_77 = tpu.memref_slice %arg7[%dma_start3A_75, %dma_start3A_76] : memref<40x128xi32, #tpu.memory_space<vmem>> -> memref<1x128xi32, #tpu.memory_space<vmem>>
    %dma_start3A_78 = tpu.memref_squeeze %dma_start3A_77 : memref<1x128xi32, #tpu.memory_space<vmem>> -> memref<128xi32, #tpu.memory_space<vmem>>
    %dma_start3A_79 = arith.constant 0 : i32
    %dma_start3A_80 = arith.constant 0 : i32
    %dma_start3A_81 = tpu.memref_slice %arg2[%dma_start3A_79, %dma_start3A_80] : memref<10000x128xf32, #tpu.memory_space<hbm>> -> memref<10000x128xf32, #tpu.memory_space<hbm>>
    tpu.enqueue_indirect_dma source(%dma_start3A_81 : memref<10000x128xf32, #tpu.memory_space<hbm>>) target(%arg10 : memref<128x128xf32, #tpu.memory_space<vmem>>) offsets(%dma_start3A_78 : memref<128xi32, #tpu.memory_space<vmem>>) semaphore(%arg13 : memref<!tpu.dma_semaphore, #tpu.memory_space<semaphore_mem>>)
    %dma_wait3A_82 = arith.constant 38 : i32
    %dma_wait3A_83 = arith.constant 0 : i32
    %dma_wait3A_84 = tpu.memref_slice %arg7[%dma_wait3A_82, %dma_wait3A_83] : memref<40x128xi32, #tpu.memory_space<vmem>> -> memref<1x128xi32, #tpu.memory_space<vmem>>
    %dma_wait3A_85 = tpu.memref_squeeze %dma_wait3A_84 : memref<1x128xi32, #tpu.memory_space<vmem>> -> memref<128xi32, #tpu.memory_space<vmem>>
    %dma_wait3A_86 = arith.constant 0 : i32
    %dma_wait3A_87 = arith.constant 0 : i32
    %dma_wait3A_88 = tpu.memref_slice %arg2[%dma_wait3A_86, %dma_wait3A_87] : memref<10000x128xf32, #tpu.memory_space<hbm>> -> memref<10000x128xf32, #tpu.memory_space<hbm>>
    tpu.wait_indirect_dma semaphore(%arg12 : memref<!tpu.dma_semaphore, #tpu.memory_space<semaphore_mem>>) src(%dma_wait3A_88 : memref<10000x128xf32, #tpu.memory_space<hbm>>) dst(%arg9 : memref<128x128xf32, #tpu.memory_space<vmem>>)
    %run_scoped3A_89 = arith.constant 38 : i32
    "tpu.region"() ({
      %run_scoped3A_127 = tpu.sem_alloc : memref<!tpu.dma_semaphore, #tpu.memory_space<semaphore_mem>>
      %dma_start3A_128 = arith.constant 0 : i32
      %dma_start3A_129 = tpu.memref_slice %arg8[%run_scoped3A_89, %dma_start3A_128] : memref<40x128xi32, #tpu.memory_space<vmem>> -> memref<1x128xi32, #tpu.memory_space<vmem>>
      %dma_start3A_130 = tpu.memref_squeeze %dma_start3A_129 : memref<1x128xi32, #tpu.memory_space<vmem>> -> memref<128xi32, #tpu.memory_space<vmem>>
      %dma_start3A_131 = arith.constant 0 : i32
      %dma_start3A_132 = arith.constant 0 : i32
      %dma_start3A_133 = tpu.memref_slice %arg11[%dma_start3A_131, %dma_start3A_132] : memref<10016x128xf32, #tpu.memory_space<vmem_shared>> -> memref<10016x128xf32, #tpu.memory_space<vmem_shared>>
      tpu.enqueue_indirect_dma source(%arg9 : memref<128x128xf32, #tpu.memory_space<vmem>>) target(%dma_start3A_133 : memref<10016x128xf32, #tpu.memory_space<vmem_shared>>) offsets(%dma_start3A_130 : memref<128xi32, #tpu.memory_space<vmem>>) semaphore(%run_scoped3A_127 : memref<!tpu.dma_semaphore, #tpu.memory_space<semaphore_mem>>) {add = true}
      %dma_wait3A_134 = arith.constant 0 : i32
      %dma_wait3A_135 = tpu.memref_slice %arg8[%run_scoped3A_89, %dma_wait3A_134] : memref<40x128xi32, #tpu.memory_space<vmem>> -> memref<1x128xi32, #tpu.memory_space<vmem>>
      %dma_wait3A_136 = tpu.memref_squeeze %dma_wait3A_135 : memref<1x128xi32, #tpu.memory_space<vmem>> -> memref<128xi32, #tpu.memory_space<vmem>>
      %dma_wait3A_137 = arith.constant 0 : i32
      %dma_wait3A_138 = arith.constant 0 : i32
      %dma_wait3A_139 = tpu.memref_slice %arg11[%dma_wait3A_137, %dma_wait3A_138] : memref<10016x128xf32, #tpu.memory_space<vmem_shared>> -> memref<10016x128xf32, #tpu.memory_space<vmem_shared>>
      tpu.wait_indirect_dma semaphore(%run_scoped3A_127 : memref<!tpu.dma_semaphore, #tpu.memory_space<semaphore_mem>>) src(%arg9 : memref<128x128xf32, #tpu.memory_space<vmem>>) dst(%dma_wait3A_139 : memref<10016x128xf32, #tpu.memory_space<vmem_shared>>)
      tpu.yield
    }) : () -> ()
    %dma_wait3A_90 = arith.constant 39 : i32
    %dma_wait3A_91 = arith.constant 0 : i32
    %dma_wait3A_92 = tpu.memref_slice %arg7[%dma_wait3A_90, %dma_wait3A_91] : memref<40x128xi32, #tpu.memory_space<vmem>> -> memref<1x128xi32, #tpu.memory_space<vmem>>
    %dma_wait3A_93 = tpu.memref_squeeze %dma_wait3A_92 : memref<1x128xi32, #tpu.memory_space<vmem>> -> memref<128xi32, #tpu.memory_space<vmem>>
    %dma_wait3A_94 = arith.constant 0 : i32
    %dma_wait3A_95 = arith.constant 0 : i32
    %dma_wait3A_96 = tpu.memref_slice %arg2[%dma_wait3A_94, %dma_wait3A_95] : memref<10000x128xf32, #tpu.memory_space<hbm>> -> memref<10000x128xf32, #tpu.memory_space<hbm>>
    tpu.wait_indirect_dma semaphore(%arg13 : memref<!tpu.dma_semaphore, #tpu.memory_space<semaphore_mem>>) src(%dma_wait3A_96 : memref<10000x128xf32, #tpu.memory_space<hbm>>) dst(%arg10 : memref<128x128xf32, #tpu.memory_space<vmem>>)
    %run_scoped3A_97 = arith.constant 39 : i32
    "tpu.region"() ({
      %run_scoped3A_127 = tpu.sem_alloc : memref<!tpu.dma_semaphore, #tpu.memory_space<semaphore_mem>>
      %dma_start3A_128 = arith.constant 0 : i32
      %dma_start3A_129 = tpu.memref_slice %arg8[%run_scoped3A_97, %dma_start3A_128] : memref<40x128xi32, #tpu.memory_space<vmem>> -> memref<1x128xi32, #tpu.memory_space<vmem>>
      %dma_start3A_130 = tpu.memref_squeeze %dma_start3A_129 : memref<1x128xi32, #tpu.memory_space<vmem>> -> memref<128xi32, #tpu.memory_space<vmem>>
      %dma_start3A_131 = arith.constant 0 : i32
      %dma_start3A_132 = arith.constant 0 : i32
      %dma_start3A_133 = tpu.memref_slice %arg11[%dma_start3A_131, %dma_start3A_132] : memref<10016x128xf32, #tpu.memory_space<vmem_shared>> -> memref<10016x128xf32, #tpu.memory_space<vmem_shared>>
      tpu.enqueue_indirect_dma source(%arg10 : memref<128x128xf32, #tpu.memory_space<vmem>>) target(%dma_start3A_133 : memref<10016x128xf32, #tpu.memory_space<vmem_shared>>) offsets(%dma_start3A_130 : memref<128xi32, #tpu.memory_space<vmem>>) semaphore(%run_scoped3A_127 : memref<!tpu.dma_semaphore, #tpu.memory_space<semaphore_mem>>) {add = true}
      %dma_wait3A_134 = arith.constant 0 : i32
      %dma_wait3A_135 = tpu.memref_slice %arg8[%run_scoped3A_97, %dma_wait3A_134] : memref<40x128xi32, #tpu.memory_space<vmem>> -> memref<1x128xi32, #tpu.memory_space<vmem>>
      %dma_wait3A_136 = tpu.memref_squeeze %dma_wait3A_135 : memref<1x128xi32, #tpu.memory_space<vmem>> -> memref<128xi32, #tpu.memory_space<vmem>>
      %dma_wait3A_137 = arith.constant 0 : i32
      %dma_wait3A_138 = arith.constant 0 : i32
      %dma_wait3A_139 = tpu.memref_slice %arg11[%dma_wait3A_137, %dma_wait3A_138] : memref<10016x128xf32, #tpu.memory_space<vmem_shared>> -> memref<10016x128xf32, #tpu.memory_space<vmem_shared>>
      tpu.wait_indirect_dma semaphore(%run_scoped3A_127 : memref<!tpu.dma_semaphore, #tpu.memory_space<semaphore_mem>>) src(%arg10 : memref<128x128xf32, #tpu.memory_space<vmem>>) dst(%dma_wait3A_139 : memref<10016x128xf32, #tpu.memory_space<vmem_shared>>)
      tpu.yield
    }) : () -> ()
    %barrier3A_98 = arith.constant 0 : index
    tpu.barrier barrier_id(%barrier3A_98)
    %add3A_99 = arith.constant 0 : i32
    %add3A_100 = arith.addi %add3A_99, %arg1 : i32
    %lt3A_101 = arith.constant 50 : i32
    %lt3A_102 = arith.cmpi slt, %add3A_100, %lt3A_101 : i32
    %convert_element_type3A_103 = arith.extui %lt3A_102 : i1 to i32
    %cond3A_104 = arith.constant 0 : i32
    %cond3A_105 = arith.cmpi ne, %convert_element_type3A_103, %cond3A_104 : i32
    scf.if %cond3A_105 {
      %mul3A_127 = arith.constant 200 : i32
      %mul3A_128 = arith.muli %add3A_100, %mul3A_127 : i32
      %multiple_of3A = tpu.assume_multiple %mul3A_128, 8 : i32
      %mul3A_129 = arith.constant 10000 : i32
      %mul3A_130 = arith.muli %arg0, %mul3A_129 : i32
      %add3A_131 = arith.addi %mul3A_130, %multiple_of3A : i32
      %multiple_of3A_132 = tpu.assume_multiple %add3A_131, 8 : i32
      "tpu.region"() ({
        %run_scoped3A_133 = tpu.sem_alloc : memref<!tpu.dma_semaphore, #tpu.memory_space<semaphore_mem>>
        %dma_start3A_134 = arith.constant 0 : i32
        %dma_start3A_135 = tpu.memref_slice %arg6[%multiple_of3A_132, %dma_start3A_134] : memref<20000x128xf32, #tpu.memory_space<hbm>> -> memref<200x128xf32, #tpu.memory_space<hbm>>
        %dma_start3A_136 = arith.constant 0 : i32
        %dma_start3A_137 = tpu.memref_slice %arg11[%multiple_of3A, %dma_start3A_136] : memref<10016x128xf32, #tpu.memory_space<vmem_shared>> -> memref<200x128xf32, #tpu.memory_space<vmem_shared>>
        tpu.enqueue_dma source(%dma_start3A_137 : memref<200x128xf32, #tpu.memory_space<vmem_shared>>) target(%dma_start3A_135 : memref<200x128xf32, #tpu.memory_space<hbm>>) target_semaphore(%run_scoped3A_133 : memref<!tpu.dma_semaphore, #tpu.memory_space<semaphore_mem>>)
        %dma_wait3A_138 = arith.constant 0 : i32
        %dma_wait3A_139 = tpu.memref_slice %arg6[%multiple_of3A_132, %dma_wait3A_138] : memref<20000x128xf32, #tpu.memory_space<hbm>> -> memref<200x128xf32, #tpu.memory_space<hbm>>
        %dma_wait3A_140 = arith.constant 0 : i32
        %dma_wait3A_141 = tpu.memref_slice %arg11[%multiple_of3A, %dma_wait3A_140] : memref<10016x128xf32, #tpu.memory_space<vmem_shared>> -> memref<200x128xf32, #tpu.memory_space<vmem_shared>>
        tpu.wait_dma2 semaphore(%run_scoped3A_133 : memref<!tpu.dma_semaphore, #tpu.memory_space<semaphore_mem>>) src(%dma_wait3A_141 : memref<200x128xf32, #tpu.memory_space<vmem_shared>>) dst(%dma_wait3A_139 : memref<200x128xf32, #tpu.memory_space<hbm>>)
        tpu.yield
      }) : () -> ()
    } else {
    }
    %add3A_106 = arith.constant 16 : i32
    %add3A_107 = arith.addi %add3A_106, %arg1 : i32
    %lt3A_108 = arith.constant 50 : i32
    %lt3A_109 = arith.cmpi slt, %add3A_107, %lt3A_108 : i32
    %convert_element_type3A_110 = arith.extui %lt3A_109 : i1 to i32
    %cond3A_111 = arith.constant 0 : i32
    %cond3A_112 = arith.cmpi ne, %convert_element_type3A_110, %cond3A_111 : i32
    scf.if %cond3A_112 {
      %mul3A_127 = arith.constant 200 : i32
      %mul3A_128 = arith.muli %add3A_107, %mul3A_127 : i32
      %multiple_of3A = tpu.assume_multiple %mul3A_128, 8 : i32
      %mul3A_129 = arith.constant 10000 : i32
      %mul3A_130 = arith.muli %arg0, %mul3A_129 : i32
      %add3A_131 = arith.addi %mul3A_130, %multiple_of3A : i32
      %multiple_of3A_132 = tpu.assume_multiple %add3A_131, 8 : i32
      "tpu.region"() ({
        %run_scoped3A_133 = tpu.sem_alloc : memref<!tpu.dma_semaphore, #tpu.memory_space<semaphore_mem>>
        %dma_start3A_134 = arith.constant 0 : i32
        %dma_start3A_135 = tpu.memref_slice %arg6[%multiple_of3A_132, %dma_start3A_134] : memref<20000x128xf32, #tpu.memory_space<hbm>> -> memref<200x128xf32, #tpu.memory_space<hbm>>
        %dma_start3A_136 = arith.constant 0 : i32
        %dma_start3A_137 = tpu.memref_slice %arg11[%multiple_of3A, %dma_start3A_136] : memref<10016x128xf32, #tpu.memory_space<vmem_shared>> -> memref<200x128xf32, #tpu.memory_space<vmem_shared>>
        tpu.enqueue_dma source(%dma_start3A_137 : memref<200x128xf32, #tpu.memory_space<vmem_shared>>) target(%dma_start3A_135 : memref<200x128xf32, #tpu.memory_space<hbm>>) target_semaphore(%run_scoped3A_133 : memref<!tpu.dma_semaphore, #tpu.memory_space<semaphore_mem>>)
        %dma_wait3A_138 = arith.constant 0 : i32
        %dma_wait3A_139 = tpu.memref_slice %arg6[%multiple_of3A_132, %dma_wait3A_138] : memref<20000x128xf32, #tpu.memory_space<hbm>> -> memref<200x128xf32, #tpu.memory_space<hbm>>
        %dma_wait3A_140 = arith.constant 0 : i32
        %dma_wait3A_141 = tpu.memref_slice %arg11[%multiple_of3A, %dma_wait3A_140] : memref<10016x128xf32, #tpu.memory_space<vmem_shared>> -> memref<200x128xf32, #tpu.memory_space<vmem_shared>>
        tpu.wait_dma2 semaphore(%run_scoped3A_133 : memref<!tpu.dma_semaphore, #tpu.memory_space<semaphore_mem>>) src(%dma_wait3A_141 : memref<200x128xf32, #tpu.memory_space<vmem_shared>>) dst(%dma_wait3A_139 : memref<200x128xf32, #tpu.memory_space<hbm>>)
        tpu.yield
      }) : () -> ()
    } else {
    }
    %add3A_113 = arith.constant 32 : i32
    %add3A_114 = arith.addi %add3A_113, %arg1 : i32
    %lt3A_115 = arith.constant 50 : i32
    %lt3A_116 = arith.cmpi slt, %add3A_114, %lt3A_115 : i32
    %convert_element_type3A_117 = arith.extui %lt3A_116 : i1 to i32
    %cond3A_118 = arith.constant 0 : i32
    %cond3A_119 = arith.cmpi ne, %convert_element_type3A_117, %cond3A_118 : i32
    scf.if %cond3A_119 {
      %mul3A_127 = arith.constant 200 : i32
      %mul3A_128 = arith.muli %add3A_114, %mul3A_127 : i32
      %multiple_of3A = tpu.assume_multiple %mul3A_128, 8 : i32
      %mul3A_129 = arith.constant 10000 : i32
      %mul3A_130 = arith.muli %arg0, %mul3A_129 : i32
      %add3A_131 = arith.addi %mul3A_130, %multiple_of3A : i32
      %multiple_of3A_132 = tpu.assume_multiple %add3A_131, 8 : i32
      "tpu.region"() ({
        %run_scoped3A_133 = tpu.sem_alloc : memref<!tpu.dma_semaphore, #tpu.memory_space<semaphore_mem>>
        %dma_start3A_134 = arith.constant 0 : i32
        %dma_start3A_135 = tpu.memref_slice %arg6[%multiple_of3A_132, %dma_start3A_134] : memref<20000x128xf32, #tpu.memory_space<hbm>> -> memref<200x128xf32, #tpu.memory_space<hbm>>
        %dma_start3A_136 = arith.constant 0 : i32
        %dma_start3A_137 = tpu.memref_slice %arg11[%multiple_of3A, %dma_start3A_136] : memref<10016x128xf32, #tpu.memory_space<vmem_shared>> -> memref<200x128xf32, #tpu.memory_space<vmem_shared>>
        tpu.enqueue_dma source(%dma_start3A_137 : memref<200x128xf32, #tpu.memory_space<vmem_shared>>) target(%dma_start3A_135 : memref<200x128xf32, #tpu.memory_space<hbm>>) target_semaphore(%run_scoped3A_133 : memref<!tpu.dma_semaphore, #tpu.memory_space<semaphore_mem>>)
        %dma_wait3A_138 = arith.constant 0 : i32
        %dma_wait3A_139 = tpu.memref_slice %arg6[%multiple_of3A_132, %dma_wait3A_138] : memref<20000x128xf32, #tpu.memory_space<hbm>> -> memref<200x128xf32, #tpu.memory_space<hbm>>
        %dma_wait3A_140 = arith.constant 0 : i32
        %dma_wait3A_141 = tpu.memref_slice %arg11[%multiple_of3A, %dma_wait3A_140] : memref<10016x128xf32, #tpu.memory_space<vmem_shared>> -> memref<200x128xf32, #tpu.memory_space<vmem_shared>>
        tpu.wait_dma2 semaphore(%run_scoped3A_133 : memref<!tpu.dma_semaphore, #tpu.memory_space<semaphore_mem>>) src(%dma_wait3A_141 : memref<200x128xf32, #tpu.memory_space<vmem_shared>>) dst(%dma_wait3A_139 : memref<200x128xf32, #tpu.memory_space<hbm>>)
        tpu.yield
      }) : () -> ()
    } else {
    }
    %add3A_120 = arith.constant 48 : i32
    %add3A_121 = arith.addi %add3A_120, %arg1 : i32
    %lt3A_122 = arith.constant 50 : i32
    %lt3A_123 = arith.cmpi slt, %add3A_121, %lt3A_122 : i32
    %convert_element_type3A_124 = arith.extui %lt3A_123 : i1 to i32
    %cond3A_125 = arith.constant 0 : i32
    %cond3A_126 = arith.cmpi ne, %convert_element_type3A_124, %cond3A_125 : i32
    scf.if %cond3A_126 {
      %mul3A_127 = arith.constant 200 : i32
      %mul3A_128 = arith.muli %add3A_121, %mul3A_127 : i32
      %multiple_of3A = tpu.assume_multiple %mul3A_128, 8 : i32
      %mul3A_129 = arith.constant 10000 : i32
      %mul3A_130 = arith.muli %arg0, %mul3A_129 : i32
      %add3A_131 = arith.addi %mul3A_130, %multiple_of3A : i32
      %multiple_of3A_132 = tpu.assume_multiple %add3A_131, 8 : i32
      "tpu.region"() ({
        %run_scoped3A_133 = tpu.sem_alloc : memref<!tpu.dma_semaphore, #tpu.memory_space<semaphore_mem>>
        %dma_start3A_134 = arith.constant 0 : i32
        %dma_start3A_135 = tpu.memref_slice %arg6[%multiple_of3A_132, %dma_start3A_134] : memref<20000x128xf32, #tpu.memory_space<hbm>> -> memref<200x128xf32, #tpu.memory_space<hbm>>
        %dma_start3A_136 = arith.constant 0 : i32
        %dma_start3A_137 = tpu.memref_slice %arg11[%multiple_of3A, %dma_start3A_136] : memref<10016x128xf32, #tpu.memory_space<vmem_shared>> -> memref<200x128xf32, #tpu.memory_space<vmem_shared>>
        tpu.enqueue_dma source(%dma_start3A_137 : memref<200x128xf32, #tpu.memory_space<vmem_shared>>) target(%dma_start3A_135 : memref<200x128xf32, #tpu.memory_space<hbm>>) target_semaphore(%run_scoped3A_133 : memref<!tpu.dma_semaphore, #tpu.memory_space<semaphore_mem>>)
        %dma_wait3A_138 = arith.constant 0 : i32
        %dma_wait3A_139 = tpu.memref_slice %arg6[%multiple_of3A_132, %dma_wait3A_138] : memref<20000x128xf32, #tpu.memory_space<hbm>> -> memref<200x128xf32, #tpu.memory_space<hbm>>
        %dma_wait3A_140 = arith.constant 0 : i32
        %dma_wait3A_141 = tpu.memref_slice %arg11[%multiple_of3A, %dma_wait3A_140] : memref<10016x128xf32, #tpu.memory_space<vmem_shared>> -> memref<200x128xf32, #tpu.memory_space<vmem_shared>>
        tpu.wait_dma2 semaphore(%run_scoped3A_133 : memref<!tpu.dma_semaphore, #tpu.memory_space<semaphore_mem>>) src(%dma_wait3A_141 : memref<200x128xf32, #tpu.memory_space<vmem_shared>>) dst(%dma_wait3A_139 : memref<200x128xf32, #tpu.memory_space<hbm>>)
        tpu.yield
      }) : () -> ()
    } else {
    }
    return
  }
}

#map = affine_map<(d0, d1) -> (0, 0)>
#map1 = affine_map<(d0, d1) -> (0, 0, 0, 0)>
module attributes {stable_mosaic.version = 14 : i64} {
  func.func @_agg_kernel(%arg0: i32, %arg1: i32, %arg2: memref<10000x128xf32, #tpu.memory_space<hbm>>, %arg3: memref<32x2x40x128xi32, #tpu.memory_space<hbm>>, %arg4: memref<32x2x40x128xi32, #tpu.memory_space<hbm>>, %arg5: memref<200x128xf32, #tpu.memory_space<hbm>>, %arg6: memref<20000x128xf32, #tpu.memory_space<hbm>>, %arg7: memref<40x128xi32, #tpu.memory_space<vmem>>, %arg8: memref<40x128xi32, #tpu.memory_space<vmem>>, %arg9: memref<128x128xf32, #tpu.memory_space<vmem>>, %arg10: memref<128x128xf32, #tpu.memory_space<vmem>>, %arg11: memref<10016x128xf32, #tpu.memory_space<vmem_shared>>, %arg12: memref<!tpu.dma_semaphore, #tpu.memory_space<semaphore_mem>>, %arg13: memref<!tpu.dma_semaphore, #tpu.memory_space<semaphore_mem>>) attributes {dimension_semantics = [#tpu.dimension_semantics<core_parallel>, #tpu.dimension_semantics<subcore_parallel>], iteration_bounds = array<i64: 2, 16>, scalar_prefetch = 0 : i64, scratch_operands = 7 : i64, tpu.core_type = #tpu.core_type<sc_vector_subcore>, window_params = [{transform_indices = #map}, {transform_indices = #map1}, {transform_indices = #map1}, {transform_indices = #map}, {transform_indices = #map}]} {
    %mul3A = arith.constant 16 : i32
    %mul3A_0 = arith.muli %arg0, %mul3A : i32
    %add3A = arith.addi %mul3A_0, %arg1 : i32
    %run_scoped3A = arith.constant 0 : i32
    "tpu.region"() ({
      %run_scoped3A_127 = tpu.sem_alloc : memref<!tpu.dma_semaphore, #tpu.memory_space<semaphore_mem>>
      %dma_start3A_128 = arith.constant 0 : i32
      %dma_start3A_129 = arith.constant 0 : i32
      %dma_start3A_130 = tpu.memref_slice %arg3[%add3A, %run_scoped3A, %dma_start3A_128, %dma_start3A_129] : memref<32x2x40x128xi32, #tpu.memory_space<hbm>> -> memref<1x1x40x128xi32, #tpu.memory_space<hbm>>
      %dma_start3A_131 = tpu.memref_squeeze %dma_start3A_130 : memref<1x1x40x128xi32, #tpu.memory_space<hbm>> -> memref<40x128xi32, #tpu.memory_space<hbm>>
      %dma_start3A_132 = arith.constant 0 : i32
      %dma_start3A_133 = arith.constant 0 : i32
      %dma_start3A_134 = tpu.memref_slice %arg3[%add3A, %run_scoped3A, %dma_start3A_132, %dma_start3A_133] : memref<32x2x40x128xi32, #tpu.memory_space<hbm>> -> memref<1x1x40x128xi32, #tpu.memory_space<hbm>>
      %dma_start3A_135 = tpu.memref_squeeze %dma_start3A_134 : memref<1x1x40x128xi32, #tpu.memory_space<hbm>> -> memref<40x128xi32, #tpu.memory_space<hbm>>
      tpu.enqueue_dma source(%dma_start3A_135 : memref<40x128xi32, #tpu.memory_space<hbm>>) target(%arg7 : memref<40x128xi32, #tpu.memory_space<vmem>>) target_semaphore(%run_scoped3A_127 : memref<!tpu.dma_semaphore, #tpu.memory_space<semaphore_mem>>)
      %dma_wait3A_136 = arith.constant 0 : i32
      %dma_wait3A_137 = arith.constant 0 : i32
      %dma_wait3A_138 = tpu.memref_slice %arg3[%add3A, %run_scoped3A, %dma_wait3A_136, %dma_wait3A_137] : memref<32x2x40x128xi32, #tpu.memory_space<hbm>> -> memref<1x1x40x128xi32, #tpu.memory_space<hbm>>
      %dma_wait3A_139 = tpu.memref_squeeze %dma_wait3A_138 : memref<1x1x40x128xi32, #tpu.memory_space<hbm>> -> memref<40x128xi32, #tpu.memory_space<hbm>>
      %dma_wait3A_140 = arith.constant 0 : i32
      %dma_wait3A_141 = arith.constant 0 : i32
      %dma_wait3A_142 = tpu.memref_slice %arg3[%add3A, %run_scoped3A, %dma_wait3A_140, %dma_wait3A_141] : memref<32x2x40x128xi32, #tpu.memory_space<hbm>> -> memref<1x1x40x128xi32, #tpu.memory_space<hbm>>
      %dma_wait3A_143 = tpu.memref_squeeze %dma_wait3A_142 : memref<1x1x40x128xi32, #tpu.memory_space<hbm>> -> memref<40x128xi32, #tpu.memory_space<hbm>>
      tpu.wait_dma2 semaphore(%run_scoped3A_127 : memref<!tpu.dma_semaphore, #tpu.memory_space<semaphore_mem>>) src(%dma_wait3A_143 : memref<40x128xi32, #tpu.memory_space<hbm>>) dst(%arg7 : memref<40x128xi32, #tpu.memory_space<vmem>>)
      tpu.yield
    }) : () -> ()
    %run_scoped3A_1 = arith.constant 0 : i32
    "tpu.region"() ({
      %run_scoped3A_127 = tpu.sem_alloc : memref<!tpu.dma_semaphore, #tpu.memory_space<semaphore_mem>>
      %dma_start3A_128 = arith.constant 0 : i32
      %dma_start3A_129 = arith.constant 0 : i32
      %dma_start3A_130 = tpu.memref_slice %arg4[%add3A, %run_scoped3A_1, %dma_start3A_128, %dma_start3A_129] : memref<32x2x40x128xi32, #tpu.memory_space<hbm>> -> memref<1x1x40x128xi32, #tpu.memory_space<hbm>>
      %dma_start3A_131 = tpu.memref_squeeze %dma_start3A_130 : memref<1x1x40x128xi32, #tpu.memory_space<hbm>> -> memref<40x128xi32, #tpu.memory_space<hbm>>
      %dma_start3A_132 = arith.constant 0 : i32
      %dma_start3A_133 = arith.constant 0 : i32
      %dma_start3A_134 = tpu.memref_slice %arg4[%add3A, %run_scoped3A_1, %dma_start3A_132, %dma_start3A_133] : memref<32x2x40x128xi32, #tpu.memory_space<hbm>> -> memref<1x1x40x128xi32, #tpu.memory_space<hbm>>
      %dma_start3A_135 = tpu.memref_squeeze %dma_start3A_134 : memref<1x1x40x128xi32, #tpu.memory_space<hbm>> -> memref<40x128xi32, #tpu.memory_space<hbm>>
      tpu.enqueue_dma source(%dma_start3A_135 : memref<40x128xi32, #tpu.memory_space<hbm>>) target(%arg8 : memref<40x128xi32, #tpu.memory_space<vmem>>) target_semaphore(%run_scoped3A_127 : memref<!tpu.dma_semaphore, #tpu.memory_space<semaphore_mem>>)
      %dma_wait3A_136 = arith.constant 0 : i32
      %dma_wait3A_137 = arith.constant 0 : i32
      %dma_wait3A_138 = tpu.memref_slice %arg4[%add3A, %run_scoped3A_1, %dma_wait3A_136, %dma_wait3A_137] : memref<32x2x40x128xi32, #tpu.memory_space<hbm>> -> memref<1x1x40x128xi32, #tpu.memory_space<hbm>>
      %dma_wait3A_139 = tpu.memref_squeeze %dma_wait3A_138 : memref<1x1x40x128xi32, #tpu.memory_space<hbm>> -> memref<40x128xi32, #tpu.memory_space<hbm>>
      %dma_wait3A_140 = arith.constant 0 : i32
      %dma_wait3A_141 = arith.constant 0 : i32
      %dma_wait3A_142 = tpu.memref_slice %arg4[%add3A, %run_scoped3A_1, %dma_wait3A_140, %dma_wait3A_141] : memref<32x2x40x128xi32, #tpu.memory_space<hbm>> -> memref<1x1x40x128xi32, #tpu.memory_space<hbm>>
      %dma_wait3A_143 = tpu.memref_squeeze %dma_wait3A_142 : memref<1x1x40x128xi32, #tpu.memory_space<hbm>> -> memref<40x128xi32, #tpu.memory_space<hbm>>
      tpu.wait_dma2 semaphore(%run_scoped3A_127 : memref<!tpu.dma_semaphore, #tpu.memory_space<semaphore_mem>>) src(%dma_wait3A_143 : memref<40x128xi32, #tpu.memory_space<hbm>>) dst(%arg8 : memref<40x128xi32, #tpu.memory_space<vmem>>)
      tpu.yield
    }) : () -> ()
    %dma_start3A = arith.constant 0 : i32
    %dma_start3A_2 = arith.constant 0 : i32
    %dma_start3A_3 = tpu.memref_slice %arg7[%dma_start3A, %dma_start3A_2] : memref<40x128xi32, #tpu.memory_space<vmem>> -> memref<1x128xi32, #tpu.memory_space<vmem>>
    %dma_start3A_4 = tpu.memref_squeeze %dma_start3A_3 : memref<1x128xi32, #tpu.memory_space<vmem>> -> memref<128xi32, #tpu.memory_space<vmem>>
    %dma_start3A_5 = arith.constant 0 : i32
    %dma_start3A_6 = arith.constant 0 : i32
    %dma_start3A_7 = tpu.memref_slice %arg2[%dma_start3A_5, %dma_start3A_6] : memref<10000x128xf32, #tpu.memory_space<hbm>> -> memref<10000x128xf32, #tpu.memory_space<hbm>>
    tpu.enqueue_indirect_dma source(%dma_start3A_7 : memref<10000x128xf32, #tpu.memory_space<hbm>>) target(%arg9 : memref<128x128xf32, #tpu.memory_space<vmem>>) offsets(%dma_start3A_4 : memref<128xi32, #tpu.memory_space<vmem>>) semaphore(%arg12 : memref<!tpu.dma_semaphore, #tpu.memory_space<semaphore_mem>>)
    %add3A_8 = arith.constant 0 : i32
    %add3A_9 = arith.addi %add3A_8, %arg1 : i32
    %lt3A = arith.constant 50 : i32
    %lt3A_10 = arith.cmpi slt, %add3A_9, %lt3A : i32
    %convert_element_type3A = arith.extui %lt3A_10 : i1 to i32
    %cond3A = arith.constant 0 : i32
    %cond3A_11 = arith.cmpi ne, %convert_element_type3A, %cond3A : i32
    scf.if %cond3A_11 {
      %mul3A_127 = arith.constant 200 : i32
      %mul3A_128 = arith.muli %add3A_9, %mul3A_127 : i32
      %multiple_of3A = tpu.assume_multiple %mul3A_128, 8 : i32
      "tpu.region"() ({
        %run_scoped3A_129 = tpu.sem_alloc : memref<!tpu.dma_semaphore, #tpu.memory_space<semaphore_mem>>
        %dma_start3A_130 = arith.constant 0 : i32
        %dma_start3A_131 = tpu.memref_slice %arg11[%multiple_of3A, %dma_start3A_130] : memref<10016x128xf32, #tpu.memory_space<vmem_shared>> -> memref<200x128xf32, #tpu.memory_space<vmem_shared>>
        tpu.enqueue_dma source(%arg5 : memref<200x128xf32, #tpu.memory_space<hbm>>) target(%dma_start3A_131 : memref<200x128xf32, #tpu.memory_space<vmem_shared>>) target_semaphore(%run_scoped3A_129 : memref<!tpu.dma_semaphore, #tpu.memory_space<semaphore_mem>>)
        %dma_wait3A_132 = arith.constant 0 : i32
        %dma_wait3A_133 = tpu.memref_slice %arg11[%multiple_of3A, %dma_wait3A_132] : memref<10016x128xf32, #tpu.memory_space<vmem_shared>> -> memref<200x128xf32, #tpu.memory_space<vmem_shared>>
        tpu.wait_dma2 semaphore(%run_scoped3A_129 : memref<!tpu.dma_semaphore, #tpu.memory_space<semaphore_mem>>) src(%arg5 : memref<200x128xf32, #tpu.memory_space<hbm>>) dst(%dma_wait3A_133 : memref<200x128xf32, #tpu.memory_space<vmem_shared>>)
        tpu.yield
      }) : () -> ()
    } else {
    }
    %add3A_12 = arith.constant 16 : i32
    %add3A_13 = arith.addi %add3A_12, %arg1 : i32
    %lt3A_14 = arith.constant 50 : i32
    %lt3A_15 = arith.cmpi slt, %add3A_13, %lt3A_14 : i32
    %convert_element_type3A_16 = arith.extui %lt3A_15 : i1 to i32
    %cond3A_17 = arith.constant 0 : i32
    %cond3A_18 = arith.cmpi ne, %convert_element_type3A_16, %cond3A_17 : i32
    scf.if %cond3A_18 {
      %mul3A_127 = arith.constant 200 : i32
      %mul3A_128 = arith.muli %add3A_13, %mul3A_127 : i32
      %multiple_of3A = tpu.assume_multiple %mul3A_128, 8 : i32
      "tpu.region"() ({
        %run_scoped3A_129 = tpu.sem_alloc : memref<!tpu.dma_semaphore, #tpu.memory_space<semaphore_mem>>
        %dma_start3A_130 = arith.constant 0 : i32
        %dma_start3A_131 = tpu.memref_slice %arg11[%multiple_of3A, %dma_start3A_130] : memref<10016x128xf32, #tpu.memory_space<vmem_shared>> -> memref<200x128xf32, #tpu.memory_space<vmem_shared>>
        tpu.enqueue_dma source(%arg5 : memref<200x128xf32, #tpu.memory_space<hbm>>) target(%dma_start3A_131 : memref<200x128xf32, #tpu.memory_space<vmem_shared>>) target_semaphore(%run_scoped3A_129 : memref<!tpu.dma_semaphore, #tpu.memory_space<semaphore_mem>>)
        %dma_wait3A_132 = arith.constant 0 : i32
        %dma_wait3A_133 = tpu.memref_slice %arg11[%multiple_of3A, %dma_wait3A_132] : memref<10016x128xf32, #tpu.memory_space<vmem_shared>> -> memref<200x128xf32, #tpu.memory_space<vmem_shared>>
        tpu.wait_dma2 semaphore(%run_scoped3A_129 : memref<!tpu.dma_semaphore, #tpu.memory_space<semaphore_mem>>) src(%arg5 : memref<200x128xf32, #tpu.memory_space<hbm>>) dst(%dma_wait3A_133 : memref<200x128xf32, #tpu.memory_space<vmem_shared>>)
        tpu.yield
      }) : () -> ()
    } else {
    }
    %add3A_19 = arith.constant 32 : i32
    %add3A_20 = arith.addi %add3A_19, %arg1 : i32
    %lt3A_21 = arith.constant 50 : i32
    %lt3A_22 = arith.cmpi slt, %add3A_20, %lt3A_21 : i32
    %convert_element_type3A_23 = arith.extui %lt3A_22 : i1 to i32
    %cond3A_24 = arith.constant 0 : i32
    %cond3A_25 = arith.cmpi ne, %convert_element_type3A_23, %cond3A_24 : i32
    scf.if %cond3A_25 {
      %mul3A_127 = arith.constant 200 : i32
      %mul3A_128 = arith.muli %add3A_20, %mul3A_127 : i32
      %multiple_of3A = tpu.assume_multiple %mul3A_128, 8 : i32
      "tpu.region"() ({
        %run_scoped3A_129 = tpu.sem_alloc : memref<!tpu.dma_semaphore, #tpu.memory_space<semaphore_mem>>
        %dma_start3A_130 = arith.constant 0 : i32
        %dma_start3A_131 = tpu.memref_slice %arg11[%multiple_of3A, %dma_start3A_130] : memref<10016x128xf32, #tpu.memory_space<vmem_shared>> -> memref<200x128xf32, #tpu.memory_space<vmem_shared>>
        tpu.enqueue_dma source(%arg5 : memref<200x128xf32, #tpu.memory_space<hbm>>) target(%dma_start3A_131 : memref<200x128xf32, #tpu.memory_space<vmem_shared>>) target_semaphore(%run_scoped3A_129 : memref<!tpu.dma_semaphore, #tpu.memory_space<semaphore_mem>>)
        %dma_wait3A_132 = arith.constant 0 : i32
        %dma_wait3A_133 = tpu.memref_slice %arg11[%multiple_of3A, %dma_wait3A_132] : memref<10016x128xf32, #tpu.memory_space<vmem_shared>> -> memref<200x128xf32, #tpu.memory_space<vmem_shared>>
        tpu.wait_dma2 semaphore(%run_scoped3A_129 : memref<!tpu.dma_semaphore, #tpu.memory_space<semaphore_mem>>) src(%arg5 : memref<200x128xf32, #tpu.memory_space<hbm>>) dst(%dma_wait3A_133 : memref<200x128xf32, #tpu.memory_space<vmem_shared>>)
        tpu.yield
      }) : () -> ()
    } else {
    }
    %add3A_26 = arith.constant 48 : i32
    %add3A_27 = arith.addi %add3A_26, %arg1 : i32
    %lt3A_28 = arith.constant 50 : i32
    %lt3A_29 = arith.cmpi slt, %add3A_27, %lt3A_28 : i32
    %convert_element_type3A_30 = arith.extui %lt3A_29 : i1 to i32
    %cond3A_31 = arith.constant 0 : i32
    %cond3A_32 = arith.cmpi ne, %convert_element_type3A_30, %cond3A_31 : i32
    scf.if %cond3A_32 {
      %mul3A_127 = arith.constant 200 : i32
      %mul3A_128 = arith.muli %add3A_27, %mul3A_127 : i32
      %multiple_of3A = tpu.assume_multiple %mul3A_128, 8 : i32
      "tpu.region"() ({
        %run_scoped3A_129 = tpu.sem_alloc : memref<!tpu.dma_semaphore, #tpu.memory_space<semaphore_mem>>
        %dma_start3A_130 = arith.constant 0 : i32
        %dma_start3A_131 = tpu.memref_slice %arg11[%multiple_of3A, %dma_start3A_130] : memref<10016x128xf32, #tpu.memory_space<vmem_shared>> -> memref<200x128xf32, #tpu.memory_space<vmem_shared>>
        tpu.enqueue_dma source(%arg5 : memref<200x128xf32, #tpu.memory_space<hbm>>) target(%dma_start3A_131 : memref<200x128xf32, #tpu.memory_space<vmem_shared>>) target_semaphore(%run_scoped3A_129 : memref<!tpu.dma_semaphore, #tpu.memory_space<semaphore_mem>>)
        %dma_wait3A_132 = arith.constant 0 : i32
        %dma_wait3A_133 = tpu.memref_slice %arg11[%multiple_of3A, %dma_wait3A_132] : memref<10016x128xf32, #tpu.memory_space<vmem_shared>> -> memref<200x128xf32, #tpu.memory_space<vmem_shared>>
        tpu.wait_dma2 semaphore(%run_scoped3A_129 : memref<!tpu.dma_semaphore, #tpu.memory_space<semaphore_mem>>) src(%arg5 : memref<200x128xf32, #tpu.memory_space<hbm>>) dst(%dma_wait3A_133 : memref<200x128xf32, #tpu.memory_space<vmem_shared>>)
        tpu.yield
      }) : () -> ()
    } else {
    }
    %barrier3A = arith.constant 0 : index
    tpu.barrier barrier_id(%barrier3A)
    %scan3A = arith.constant 0 : i32
    %scan3A_33 = arith.constant 0 : i32
    %scan3A_34 = arith.constant 19 : i32
    %scan3A_35 = arith.addi %scan3A_33, %scan3A_34 : i32
    %scan3A_36 = arith.constant 1 : i32
    scf.for %scan3A_127 = %scan3A_33 to %scan3A_35 step %scan3A_36  : i32 {
      %mul3A_128 = arith.constant 2 : i32
      %mul3A_129 = arith.muli %mul3A_128, %scan3A_127 : i32
      %add3A_130 = arith.constant 1 : i32
      %add3A_131 = arith.addi %mul3A_129, %add3A_130 : i32
      %dma_start3A_132 = arith.constant 0 : i32
      %dma_start3A_133 = tpu.memref_slice %arg7[%add3A_131, %dma_start3A_132] : memref<40x128xi32, #tpu.memory_space<vmem>> -> memref<1x128xi32, #tpu.memory_space<vmem>>
      %dma_start3A_134 = tpu.memref_squeeze %dma_start3A_133 : memref<1x128xi32, #tpu.memory_space<vmem>> -> memref<128xi32, #tpu.memory_space<vmem>>
      %dma_start3A_135 = arith.constant 0 : i32
      %dma_start3A_136 = arith.constant 0 : i32
      %dma_start3A_137 = tpu.memref_slice %arg2[%dma_start3A_135, %dma_start3A_136] : memref<10000x128xf32, #tpu.memory_space<hbm>> -> memref<10000x128xf32, #tpu.memory_space<hbm>>
      tpu.enqueue_indirect_dma source(%dma_start3A_137 : memref<10000x128xf32, #tpu.memory_space<hbm>>) target(%arg10 : memref<128x128xf32, #tpu.memory_space<vmem>>) offsets(%dma_start3A_134 : memref<128xi32, #tpu.memory_space<vmem>>) semaphore(%arg13 : memref<!tpu.dma_semaphore, #tpu.memory_space<semaphore_mem>>)
      %dma_wait3A_138 = arith.constant 0 : i32
      %dma_wait3A_139 = tpu.memref_slice %arg7[%mul3A_129, %dma_wait3A_138] : memref<40x128xi32, #tpu.memory_space<vmem>> -> memref<1x128xi32, #tpu.memory_space<vmem>>
      %dma_wait3A_140 = tpu.memref_squeeze %dma_wait3A_139 : memref<1x128xi32, #tpu.memory_space<vmem>> -> memref<128xi32, #tpu.memory_space<vmem>>
      %dma_wait3A_141 = arith.constant 0 : i32
      %dma_wait3A_142 = arith.constant 0 : i32
      %dma_wait3A_143 = tpu.memref_slice %arg2[%dma_wait3A_141, %dma_wait3A_142] : memref<10000x128xf32, #tpu.memory_space<hbm>> -> memref<10000x128xf32, #tpu.memory_space<hbm>>
      tpu.wait_indirect_dma semaphore(%arg12 : memref<!tpu.dma_semaphore, #tpu.memory_space<semaphore_mem>>) src(%dma_wait3A_143 : memref<10000x128xf32, #tpu.memory_space<hbm>>) dst(%arg9 : memref<128x128xf32, #tpu.memory_space<vmem>>)
      "tpu.region"() ({
        %run_scoped3A_162 = tpu.sem_alloc : memref<!tpu.dma_semaphore, #tpu.memory_space<semaphore_mem>>
        %dma_start3A_163 = arith.constant 0 : i32
        %dma_start3A_164 = tpu.memref_slice %arg8[%mul3A_129, %dma_start3A_163] : memref<40x128xi32, #tpu.memory_space<vmem>> -> memref<1x128xi32, #tpu.memory_space<vmem>>
        %dma_start3A_165 = tpu.memref_squeeze %dma_start3A_164 : memref<1x128xi32, #tpu.memory_space<vmem>> -> memref<128xi32, #tpu.memory_space<vmem>>
        %dma_start3A_166 = arith.constant 0 : i32
        %dma_start3A_167 = arith.constant 0 : i32
        %dma_start3A_168 = tpu.memref_slice %arg11[%dma_start3A_166, %dma_start3A_167] : memref<10016x128xf32, #tpu.memory_space<vmem_shared>> -> memref<10016x128xf32, #tpu.memory_space<vmem_shared>>
        tpu.enqueue_indirect_dma source(%arg9 : memref<128x128xf32, #tpu.memory_space<vmem>>) target(%dma_start3A_168 : memref<10016x128xf32, #tpu.memory_space<vmem_shared>>) offsets(%dma_start3A_165 : memref<128xi32, #tpu.memory_space<vmem>>) semaphore(%run_scoped3A_162 : memref<!tpu.dma_semaphore, #tpu.memory_space<semaphore_mem>>) {add = true}
        %dma_wait3A_169 = arith.constant 0 : i32
        %dma_wait3A_170 = tpu.memref_slice %arg8[%mul3A_129, %dma_wait3A_169] : memref<40x128xi32, #tpu.memory_space<vmem>> -> memref<1x128xi32, #tpu.memory_space<vmem>>
        %dma_wait3A_171 = tpu.memref_squeeze %dma_wait3A_170 : memref<1x128xi32, #tpu.memory_space<vmem>> -> memref<128xi32, #tpu.memory_space<vmem>>
        %dma_wait3A_172 = arith.constant 0 : i32
        %dma_wait3A_173 = arith.constant 0 : i32
        %dma_wait3A_174 = tpu.memref_slice %arg11[%dma_wait3A_172, %dma_wait3A_173] : memref<10016x128xf32, #tpu.memory_space<vmem_shared>> -> memref<10016x128xf32, #tpu.memory_space<vmem_shared>>
        tpu.wait_indirect_dma semaphore(%run_scoped3A_162 : memref<!tpu.dma_semaphore, #tpu.memory_space<semaphore_mem>>) src(%arg9 : memref<128x128xf32, #tpu.memory_space<vmem>>) dst(%dma_wait3A_174 : memref<10016x128xf32, #tpu.memory_space<vmem_shared>>)
        tpu.yield
      }) : () -> ()
      %add3A_144 = arith.constant 2 : i32
      %add3A_145 = arith.addi %mul3A_129, %add3A_144 : i32
      %dma_start3A_146 = arith.constant 0 : i32
      %dma_start3A_147 = tpu.memref_slice %arg7[%add3A_145, %dma_start3A_146] : memref<40x128xi32, #tpu.memory_space<vmem>> -> memref<1x128xi32, #tpu.memory_space<vmem>>
      %dma_start3A_148 = tpu.memref_squeeze %dma_start3A_147 : memref<1x128xi32, #tpu.memory_space<vmem>> -> memref<128xi32, #tpu.memory_space<vmem>>
      %dma_start3A_149 = arith.constant 0 : i32
      %dma_start3A_150 = arith.constant 0 : i32
      %dma_start3A_151 = tpu.memref_slice %arg2[%dma_start3A_149, %dma_start3A_150] : memref<10000x128xf32, #tpu.memory_space<hbm>> -> memref<10000x128xf32, #tpu.memory_space<hbm>>
      tpu.enqueue_indirect_dma source(%dma_start3A_151 : memref<10000x128xf32, #tpu.memory_space<hbm>>) target(%arg9 : memref<128x128xf32, #tpu.memory_space<vmem>>) offsets(%dma_start3A_148 : memref<128xi32, #tpu.memory_space<vmem>>) semaphore(%arg12 : memref<!tpu.dma_semaphore, #tpu.memory_space<semaphore_mem>>)
      %add3A_152 = arith.constant 1 : i32
      %add3A_153 = arith.addi %mul3A_129, %add3A_152 : i32
      %dma_wait3A_154 = arith.constant 0 : i32
      %dma_wait3A_155 = tpu.memref_slice %arg7[%add3A_153, %dma_wait3A_154] : memref<40x128xi32, #tpu.memory_space<vmem>> -> memref<1x128xi32, #tpu.memory_space<vmem>>
      %dma_wait3A_156 = tpu.memref_squeeze %dma_wait3A_155 : memref<1x128xi32, #tpu.memory_space<vmem>> -> memref<128xi32, #tpu.memory_space<vmem>>
      %dma_wait3A_157 = arith.constant 0 : i32
      %dma_wait3A_158 = arith.constant 0 : i32
      %dma_wait3A_159 = tpu.memref_slice %arg2[%dma_wait3A_157, %dma_wait3A_158] : memref<10000x128xf32, #tpu.memory_space<hbm>> -> memref<10000x128xf32, #tpu.memory_space<hbm>>
      tpu.wait_indirect_dma semaphore(%arg13 : memref<!tpu.dma_semaphore, #tpu.memory_space<semaphore_mem>>) src(%dma_wait3A_159 : memref<10000x128xf32, #tpu.memory_space<hbm>>) dst(%arg10 : memref<128x128xf32, #tpu.memory_space<vmem>>)
      %add3A_160 = arith.constant 1 : i32
      %add3A_161 = arith.addi %mul3A_129, %add3A_160 : i32
      "tpu.region"() ({
        %run_scoped3A_162 = tpu.sem_alloc : memref<!tpu.dma_semaphore, #tpu.memory_space<semaphore_mem>>
        %dma_start3A_163 = arith.constant 0 : i32
        %dma_start3A_164 = tpu.memref_slice %arg8[%add3A_161, %dma_start3A_163] : memref<40x128xi32, #tpu.memory_space<vmem>> -> memref<1x128xi32, #tpu.memory_space<vmem>>
        %dma_start3A_165 = tpu.memref_squeeze %dma_start3A_164 : memref<1x128xi32, #tpu.memory_space<vmem>> -> memref<128xi32, #tpu.memory_space<vmem>>
        %dma_start3A_166 = arith.constant 0 : i32
        %dma_start3A_167 = arith.constant 0 : i32
        %dma_start3A_168 = tpu.memref_slice %arg11[%dma_start3A_166, %dma_start3A_167] : memref<10016x128xf32, #tpu.memory_space<vmem_shared>> -> memref<10016x128xf32, #tpu.memory_space<vmem_shared>>
        tpu.enqueue_indirect_dma source(%arg10 : memref<128x128xf32, #tpu.memory_space<vmem>>) target(%dma_start3A_168 : memref<10016x128xf32, #tpu.memory_space<vmem_shared>>) offsets(%dma_start3A_165 : memref<128xi32, #tpu.memory_space<vmem>>) semaphore(%run_scoped3A_162 : memref<!tpu.dma_semaphore, #tpu.memory_space<semaphore_mem>>) {add = true}
        %dma_wait3A_169 = arith.constant 0 : i32
        %dma_wait3A_170 = tpu.memref_slice %arg8[%add3A_161, %dma_wait3A_169] : memref<40x128xi32, #tpu.memory_space<vmem>> -> memref<1x128xi32, #tpu.memory_space<vmem>>
        %dma_wait3A_171 = tpu.memref_squeeze %dma_wait3A_170 : memref<1x128xi32, #tpu.memory_space<vmem>> -> memref<128xi32, #tpu.memory_space<vmem>>
        %dma_wait3A_172 = arith.constant 0 : i32
        %dma_wait3A_173 = arith.constant 0 : i32
        %dma_wait3A_174 = tpu.memref_slice %arg11[%dma_wait3A_172, %dma_wait3A_173] : memref<10016x128xf32, #tpu.memory_space<vmem_shared>> -> memref<10016x128xf32, #tpu.memory_space<vmem_shared>>
        tpu.wait_indirect_dma semaphore(%run_scoped3A_162 : memref<!tpu.dma_semaphore, #tpu.memory_space<semaphore_mem>>) src(%arg10 : memref<128x128xf32, #tpu.memory_space<vmem>>) dst(%dma_wait3A_174 : memref<10016x128xf32, #tpu.memory_space<vmem_shared>>)
        tpu.yield
      }) : () -> ()
    }
    %scan3A_37 = arith.constant 19 : i32
    %dma_start3A_38 = arith.constant 39 : i32
    %dma_start3A_39 = arith.constant 0 : i32
    %dma_start3A_40 = tpu.memref_slice %arg7[%dma_start3A_38, %dma_start3A_39] : memref<40x128xi32, #tpu.memory_space<vmem>> -> memref<1x128xi32, #tpu.memory_space<vmem>>
    %dma_start3A_41 = tpu.memref_squeeze %dma_start3A_40 : memref<1x128xi32, #tpu.memory_space<vmem>> -> memref<128xi32, #tpu.memory_space<vmem>>
    %dma_start3A_42 = arith.constant 0 : i32
    %dma_start3A_43 = arith.constant 0 : i32
    %dma_start3A_44 = tpu.memref_slice %arg2[%dma_start3A_42, %dma_start3A_43] : memref<10000x128xf32, #tpu.memory_space<hbm>> -> memref<10000x128xf32, #tpu.memory_space<hbm>>
    tpu.enqueue_indirect_dma source(%dma_start3A_44 : memref<10000x128xf32, #tpu.memory_space<hbm>>) target(%arg10 : memref<128x128xf32, #tpu.memory_space<vmem>>) offsets(%dma_start3A_41 : memref<128xi32, #tpu.memory_space<vmem>>) semaphore(%arg13 : memref<!tpu.dma_semaphore, #tpu.memory_space<semaphore_mem>>)
    %dma_wait3A = arith.constant 38 : i32
    %dma_wait3A_45 = arith.constant 0 : i32
    %dma_wait3A_46 = tpu.memref_slice %arg7[%dma_wait3A, %dma_wait3A_45] : memref<40x128xi32, #tpu.memory_space<vmem>> -> memref<1x128xi32, #tpu.memory_space<vmem>>
    %dma_wait3A_47 = tpu.memref_squeeze %dma_wait3A_46 : memref<1x128xi32, #tpu.memory_space<vmem>> -> memref<128xi32, #tpu.memory_space<vmem>>
    %dma_wait3A_48 = arith.constant 0 : i32
    %dma_wait3A_49 = arith.constant 0 : i32
    %dma_wait3A_50 = tpu.memref_slice %arg2[%dma_wait3A_48, %dma_wait3A_49] : memref<10000x128xf32, #tpu.memory_space<hbm>> -> memref<10000x128xf32, #tpu.memory_space<hbm>>
    tpu.wait_indirect_dma semaphore(%arg12 : memref<!tpu.dma_semaphore, #tpu.memory_space<semaphore_mem>>) src(%dma_wait3A_50 : memref<10000x128xf32, #tpu.memory_space<hbm>>) dst(%arg9 : memref<128x128xf32, #tpu.memory_space<vmem>>)
    %run_scoped3A_51 = arith.constant 38 : i32
    "tpu.region"() ({
      %run_scoped3A_127 = tpu.sem_alloc : memref<!tpu.dma_semaphore, #tpu.memory_space<semaphore_mem>>
      %dma_start3A_128 = arith.constant 0 : i32
      %dma_start3A_129 = tpu.memref_slice %arg8[%run_scoped3A_51, %dma_start3A_128] : memref<40x128xi32, #tpu.memory_space<vmem>> -> memref<1x128xi32, #tpu.memory_space<vmem>>
      %dma_start3A_130 = tpu.memref_squeeze %dma_start3A_129 : memref<1x128xi32, #tpu.memory_space<vmem>> -> memref<128xi32, #tpu.memory_space<vmem>>
      %dma_start3A_131 = arith.constant 0 : i32
      %dma_start3A_132 = arith.constant 0 : i32
      %dma_start3A_133 = tpu.memref_slice %arg11[%dma_start3A_131, %dma_start3A_132] : memref<10016x128xf32, #tpu.memory_space<vmem_shared>> -> memref<10016x128xf32, #tpu.memory_space<vmem_shared>>
      tpu.enqueue_indirect_dma source(%arg9 : memref<128x128xf32, #tpu.memory_space<vmem>>) target(%dma_start3A_133 : memref<10016x128xf32, #tpu.memory_space<vmem_shared>>) offsets(%dma_start3A_130 : memref<128xi32, #tpu.memory_space<vmem>>) semaphore(%run_scoped3A_127 : memref<!tpu.dma_semaphore, #tpu.memory_space<semaphore_mem>>) {add = true}
      %dma_wait3A_134 = arith.constant 0 : i32
      %dma_wait3A_135 = tpu.memref_slice %arg8[%run_scoped3A_51, %dma_wait3A_134] : memref<40x128xi32, #tpu.memory_space<vmem>> -> memref<1x128xi32, #tpu.memory_space<vmem>>
      %dma_wait3A_136 = tpu.memref_squeeze %dma_wait3A_135 : memref<1x128xi32, #tpu.memory_space<vmem>> -> memref<128xi32, #tpu.memory_space<vmem>>
      %dma_wait3A_137 = arith.constant 0 : i32
      %dma_wait3A_138 = arith.constant 0 : i32
      %dma_wait3A_139 = tpu.memref_slice %arg11[%dma_wait3A_137, %dma_wait3A_138] : memref<10016x128xf32, #tpu.memory_space<vmem_shared>> -> memref<10016x128xf32, #tpu.memory_space<vmem_shared>>
      tpu.wait_indirect_dma semaphore(%run_scoped3A_127 : memref<!tpu.dma_semaphore, #tpu.memory_space<semaphore_mem>>) src(%arg9 : memref<128x128xf32, #tpu.memory_space<vmem>>) dst(%dma_wait3A_139 : memref<10016x128xf32, #tpu.memory_space<vmem_shared>>)
      tpu.yield
    }) : () -> ()
    %dma_wait3A_52 = arith.constant 39 : i32
    %dma_wait3A_53 = arith.constant 0 : i32
    %dma_wait3A_54 = tpu.memref_slice %arg7[%dma_wait3A_52, %dma_wait3A_53] : memref<40x128xi32, #tpu.memory_space<vmem>> -> memref<1x128xi32, #tpu.memory_space<vmem>>
    %dma_wait3A_55 = tpu.memref_squeeze %dma_wait3A_54 : memref<1x128xi32, #tpu.memory_space<vmem>> -> memref<128xi32, #tpu.memory_space<vmem>>
    %dma_wait3A_56 = arith.constant 0 : i32
    %dma_wait3A_57 = arith.constant 0 : i32
    %dma_wait3A_58 = tpu.memref_slice %arg2[%dma_wait3A_56, %dma_wait3A_57] : memref<10000x128xf32, #tpu.memory_space<hbm>> -> memref<10000x128xf32, #tpu.memory_space<hbm>>
    tpu.wait_indirect_dma semaphore(%arg13 : memref<!tpu.dma_semaphore, #tpu.memory_space<semaphore_mem>>) src(%dma_wait3A_58 : memref<10000x128xf32, #tpu.memory_space<hbm>>) dst(%arg10 : memref<128x128xf32, #tpu.memory_space<vmem>>)
    %run_scoped3A_59 = arith.constant 39 : i32
    "tpu.region"() ({
      %run_scoped3A_127 = tpu.sem_alloc : memref<!tpu.dma_semaphore, #tpu.memory_space<semaphore_mem>>
      %dma_start3A_128 = arith.constant 0 : i32
      %dma_start3A_129 = tpu.memref_slice %arg8[%run_scoped3A_59, %dma_start3A_128] : memref<40x128xi32, #tpu.memory_space<vmem>> -> memref<1x128xi32, #tpu.memory_space<vmem>>
      %dma_start3A_130 = tpu.memref_squeeze %dma_start3A_129 : memref<1x128xi32, #tpu.memory_space<vmem>> -> memref<128xi32, #tpu.memory_space<vmem>>
      %dma_start3A_131 = arith.constant 0 : i32
      %dma_start3A_132 = arith.constant 0 : i32
      %dma_start3A_133 = tpu.memref_slice %arg11[%dma_start3A_131, %dma_start3A_132] : memref<10016x128xf32, #tpu.memory_space<vmem_shared>> -> memref<10016x128xf32, #tpu.memory_space<vmem_shared>>
      tpu.enqueue_indirect_dma source(%arg10 : memref<128x128xf32, #tpu.memory_space<vmem>>) target(%dma_start3A_133 : memref<10016x128xf32, #tpu.memory_space<vmem_shared>>) offsets(%dma_start3A_130 : memref<128xi32, #tpu.memory_space<vmem>>) semaphore(%run_scoped3A_127 : memref<!tpu.dma_semaphore, #tpu.memory_space<semaphore_mem>>) {add = true}
      %dma_wait3A_134 = arith.constant 0 : i32
      %dma_wait3A_135 = tpu.memref_slice %arg8[%run_scoped3A_59, %dma_wait3A_134] : memref<40x128xi32, #tpu.memory_space<vmem>> -> memref<1x128xi32, #tpu.memory_space<vmem>>
      %dma_wait3A_136 = tpu.memref_squeeze %dma_wait3A_135 : memref<1x128xi32, #tpu.memory_space<vmem>> -> memref<128xi32, #tpu.memory_space<vmem>>
      %dma_wait3A_137 = arith.constant 0 : i32
      %dma_wait3A_138 = arith.constant 0 : i32
      %dma_wait3A_139 = tpu.memref_slice %arg11[%dma_wait3A_137, %dma_wait3A_138] : memref<10016x128xf32, #tpu.memory_space<vmem_shared>> -> memref<10016x128xf32, #tpu.memory_space<vmem_shared>>
      tpu.wait_indirect_dma semaphore(%run_scoped3A_127 : memref<!tpu.dma_semaphore, #tpu.memory_space<semaphore_mem>>) src(%arg10 : memref<128x128xf32, #tpu.memory_space<vmem>>) dst(%dma_wait3A_139 : memref<10016x128xf32, #tpu.memory_space<vmem_shared>>)
      tpu.yield
    }) : () -> ()
    %run_scoped3A_60 = arith.constant 1 : i32
    "tpu.region"() ({
      %run_scoped3A_127 = tpu.sem_alloc : memref<!tpu.dma_semaphore, #tpu.memory_space<semaphore_mem>>
      %dma_start3A_128 = arith.constant 0 : i32
      %dma_start3A_129 = arith.constant 0 : i32
      %dma_start3A_130 = tpu.memref_slice %arg3[%add3A, %run_scoped3A_60, %dma_start3A_128, %dma_start3A_129] : memref<32x2x40x128xi32, #tpu.memory_space<hbm>> -> memref<1x1x40x128xi32, #tpu.memory_space<hbm>>
      %dma_start3A_131 = tpu.memref_squeeze %dma_start3A_130 : memref<1x1x40x128xi32, #tpu.memory_space<hbm>> -> memref<40x128xi32, #tpu.memory_space<hbm>>
      %dma_start3A_132 = arith.constant 0 : i32
      %dma_start3A_133 = arith.constant 0 : i32
      %dma_start3A_134 = tpu.memref_slice %arg3[%add3A, %run_scoped3A_60, %dma_start3A_132, %dma_start3A_133] : memref<32x2x40x128xi32, #tpu.memory_space<hbm>> -> memref<1x1x40x128xi32, #tpu.memory_space<hbm>>
      %dma_start3A_135 = tpu.memref_squeeze %dma_start3A_134 : memref<1x1x40x128xi32, #tpu.memory_space<hbm>> -> memref<40x128xi32, #tpu.memory_space<hbm>>
      tpu.enqueue_dma source(%dma_start3A_135 : memref<40x128xi32, #tpu.memory_space<hbm>>) target(%arg7 : memref<40x128xi32, #tpu.memory_space<vmem>>) target_semaphore(%run_scoped3A_127 : memref<!tpu.dma_semaphore, #tpu.memory_space<semaphore_mem>>)
      %dma_wait3A_136 = arith.constant 0 : i32
      %dma_wait3A_137 = arith.constant 0 : i32
      %dma_wait3A_138 = tpu.memref_slice %arg3[%add3A, %run_scoped3A_60, %dma_wait3A_136, %dma_wait3A_137] : memref<32x2x40x128xi32, #tpu.memory_space<hbm>> -> memref<1x1x40x128xi32, #tpu.memory_space<hbm>>
      %dma_wait3A_139 = tpu.memref_squeeze %dma_wait3A_138 : memref<1x1x40x128xi32, #tpu.memory_space<hbm>> -> memref<40x128xi32, #tpu.memory_space<hbm>>
      %dma_wait3A_140 = arith.constant 0 : i32
      %dma_wait3A_141 = arith.constant 0 : i32
      %dma_wait3A_142 = tpu.memref_slice %arg3[%add3A, %run_scoped3A_60, %dma_wait3A_140, %dma_wait3A_141] : memref<32x2x40x128xi32, #tpu.memory_space<hbm>> -> memref<1x1x40x128xi32, #tpu.memory_space<hbm>>
      %dma_wait3A_143 = tpu.memref_squeeze %dma_wait3A_142 : memref<1x1x40x128xi32, #tpu.memory_space<hbm>> -> memref<40x128xi32, #tpu.memory_space<hbm>>
      tpu.wait_dma2 semaphore(%run_scoped3A_127 : memref<!tpu.dma_semaphore, #tpu.memory_space<semaphore_mem>>) src(%dma_wait3A_143 : memref<40x128xi32, #tpu.memory_space<hbm>>) dst(%arg7 : memref<40x128xi32, #tpu.memory_space<vmem>>)
      tpu.yield
    }) : () -> ()
    %run_scoped3A_61 = arith.constant 1 : i32
    "tpu.region"() ({
      %run_scoped3A_127 = tpu.sem_alloc : memref<!tpu.dma_semaphore, #tpu.memory_space<semaphore_mem>>
      %dma_start3A_128 = arith.constant 0 : i32
      %dma_start3A_129 = arith.constant 0 : i32
      %dma_start3A_130 = tpu.memref_slice %arg4[%add3A, %run_scoped3A_61, %dma_start3A_128, %dma_start3A_129] : memref<32x2x40x128xi32, #tpu.memory_space<hbm>> -> memref<1x1x40x128xi32, #tpu.memory_space<hbm>>
      %dma_start3A_131 = tpu.memref_squeeze %dma_start3A_130 : memref<1x1x40x128xi32, #tpu.memory_space<hbm>> -> memref<40x128xi32, #tpu.memory_space<hbm>>
      %dma_start3A_132 = arith.constant 0 : i32
      %dma_start3A_133 = arith.constant 0 : i32
      %dma_start3A_134 = tpu.memref_slice %arg4[%add3A, %run_scoped3A_61, %dma_start3A_132, %dma_start3A_133] : memref<32x2x40x128xi32, #tpu.memory_space<hbm>> -> memref<1x1x40x128xi32, #tpu.memory_space<hbm>>
      %dma_start3A_135 = tpu.memref_squeeze %dma_start3A_134 : memref<1x1x40x128xi32, #tpu.memory_space<hbm>> -> memref<40x128xi32, #tpu.memory_space<hbm>>
      tpu.enqueue_dma source(%dma_start3A_135 : memref<40x128xi32, #tpu.memory_space<hbm>>) target(%arg8 : memref<40x128xi32, #tpu.memory_space<vmem>>) target_semaphore(%run_scoped3A_127 : memref<!tpu.dma_semaphore, #tpu.memory_space<semaphore_mem>>)
      %dma_wait3A_136 = arith.constant 0 : i32
      %dma_wait3A_137 = arith.constant 0 : i32
      %dma_wait3A_138 = tpu.memref_slice %arg4[%add3A, %run_scoped3A_61, %dma_wait3A_136, %dma_wait3A_137] : memref<32x2x40x128xi32, #tpu.memory_space<hbm>> -> memref<1x1x40x128xi32, #tpu.memory_space<hbm>>
      %dma_wait3A_139 = tpu.memref_squeeze %dma_wait3A_138 : memref<1x1x40x128xi32, #tpu.memory_space<hbm>> -> memref<40x128xi32, #tpu.memory_space<hbm>>
      %dma_wait3A_140 = arith.constant 0 : i32
      %dma_wait3A_141 = arith.constant 0 : i32
      %dma_wait3A_142 = tpu.memref_slice %arg4[%add3A, %run_scoped3A_61, %dma_wait3A_140, %dma_wait3A_141] : memref<32x2x40x128xi32, #tpu.memory_space<hbm>> -> memref<1x1x40x128xi32, #tpu.memory_space<hbm>>
      %dma_wait3A_143 = tpu.memref_squeeze %dma_wait3A_142 : memref<1x1x40x128xi32, #tpu.memory_space<hbm>> -> memref<40x128xi32, #tpu.memory_space<hbm>>
      tpu.wait_dma2 semaphore(%run_scoped3A_127 : memref<!tpu.dma_semaphore, #tpu.memory_space<semaphore_mem>>) src(%dma_wait3A_143 : memref<40x128xi32, #tpu.memory_space<hbm>>) dst(%arg8 : memref<40x128xi32, #tpu.memory_space<vmem>>)
      tpu.yield
    }) : () -> ()
    %dma_start3A_62 = arith.constant 0 : i32
    %dma_start3A_63 = arith.constant 0 : i32
    %dma_start3A_64 = tpu.memref_slice %arg7[%dma_start3A_62, %dma_start3A_63] : memref<40x128xi32, #tpu.memory_space<vmem>> -> memref<1x128xi32, #tpu.memory_space<vmem>>
    %dma_start3A_65 = tpu.memref_squeeze %dma_start3A_64 : memref<1x128xi32, #tpu.memory_space<vmem>> -> memref<128xi32, #tpu.memory_space<vmem>>
    %dma_start3A_66 = arith.constant 0 : i32
    %dma_start3A_67 = arith.constant 0 : i32
    %dma_start3A_68 = tpu.memref_slice %arg2[%dma_start3A_66, %dma_start3A_67] : memref<10000x128xf32, #tpu.memory_space<hbm>> -> memref<10000x128xf32, #tpu.memory_space<hbm>>
    tpu.enqueue_indirect_dma source(%dma_start3A_68 : memref<10000x128xf32, #tpu.memory_space<hbm>>) target(%arg9 : memref<128x128xf32, #tpu.memory_space<vmem>>) offsets(%dma_start3A_65 : memref<128xi32, #tpu.memory_space<vmem>>) semaphore(%arg12 : memref<!tpu.dma_semaphore, #tpu.memory_space<semaphore_mem>>)
    %scan3A_69 = arith.constant 0 : i32
    %scan3A_70 = arith.constant 0 : i32
    %scan3A_71 = arith.constant 19 : i32
    %scan3A_72 = arith.addi %scan3A_70, %scan3A_71 : i32
    %scan3A_73 = arith.constant 1 : i32
    scf.for %scan3A_127 = %scan3A_70 to %scan3A_72 step %scan3A_73  : i32 {
      %mul3A_128 = arith.constant 2 : i32
      %mul3A_129 = arith.muli %mul3A_128, %scan3A_127 : i32
      %add3A_130 = arith.constant 1 : i32
      %add3A_131 = arith.addi %mul3A_129, %add3A_130 : i32
      %dma_start3A_132 = arith.constant 0 : i32
      %dma_start3A_133 = tpu.memref_slice %arg7[%add3A_131, %dma_start3A_132] : memref<40x128xi32, #tpu.memory_space<vmem>> -> memref<1x128xi32, #tpu.memory_space<vmem>>
      %dma_start3A_134 = tpu.memref_squeeze %dma_start3A_133 : memref<1x128xi32, #tpu.memory_space<vmem>> -> memref<128xi32, #tpu.memory_space<vmem>>
      %dma_start3A_135 = arith.constant 0 : i32
      %dma_start3A_136 = arith.constant 0 : i32
      %dma_start3A_137 = tpu.memref_slice %arg2[%dma_start3A_135, %dma_start3A_136] : memref<10000x128xf32, #tpu.memory_space<hbm>> -> memref<10000x128xf32, #tpu.memory_space<hbm>>
      tpu.enqueue_indirect_dma source(%dma_start3A_137 : memref<10000x128xf32, #tpu.memory_space<hbm>>) target(%arg10 : memref<128x128xf32, #tpu.memory_space<vmem>>) offsets(%dma_start3A_134 : memref<128xi32, #tpu.memory_space<vmem>>) semaphore(%arg13 : memref<!tpu.dma_semaphore, #tpu.memory_space<semaphore_mem>>)
      %dma_wait3A_138 = arith.constant 0 : i32
      %dma_wait3A_139 = tpu.memref_slice %arg7[%mul3A_129, %dma_wait3A_138] : memref<40x128xi32, #tpu.memory_space<vmem>> -> memref<1x128xi32, #tpu.memory_space<vmem>>
      %dma_wait3A_140 = tpu.memref_squeeze %dma_wait3A_139 : memref<1x128xi32, #tpu.memory_space<vmem>> -> memref<128xi32, #tpu.memory_space<vmem>>
      %dma_wait3A_141 = arith.constant 0 : i32
      %dma_wait3A_142 = arith.constant 0 : i32
      %dma_wait3A_143 = tpu.memref_slice %arg2[%dma_wait3A_141, %dma_wait3A_142] : memref<10000x128xf32, #tpu.memory_space<hbm>> -> memref<10000x128xf32, #tpu.memory_space<hbm>>
      tpu.wait_indirect_dma semaphore(%arg12 : memref<!tpu.dma_semaphore, #tpu.memory_space<semaphore_mem>>) src(%dma_wait3A_143 : memref<10000x128xf32, #tpu.memory_space<hbm>>) dst(%arg9 : memref<128x128xf32, #tpu.memory_space<vmem>>)
      "tpu.region"() ({
        %run_scoped3A_162 = tpu.sem_alloc : memref<!tpu.dma_semaphore, #tpu.memory_space<semaphore_mem>>
        %dma_start3A_163 = arith.constant 0 : i32
        %dma_start3A_164 = tpu.memref_slice %arg8[%mul3A_129, %dma_start3A_163] : memref<40x128xi32, #tpu.memory_space<vmem>> -> memref<1x128xi32, #tpu.memory_space<vmem>>
        %dma_start3A_165 = tpu.memref_squeeze %dma_start3A_164 : memref<1x128xi32, #tpu.memory_space<vmem>> -> memref<128xi32, #tpu.memory_space<vmem>>
        %dma_start3A_166 = arith.constant 0 : i32
        %dma_start3A_167 = arith.constant 0 : i32
        %dma_start3A_168 = tpu.memref_slice %arg11[%dma_start3A_166, %dma_start3A_167] : memref<10016x128xf32, #tpu.memory_space<vmem_shared>> -> memref<10016x128xf32, #tpu.memory_space<vmem_shared>>
        tpu.enqueue_indirect_dma source(%arg9 : memref<128x128xf32, #tpu.memory_space<vmem>>) target(%dma_start3A_168 : memref<10016x128xf32, #tpu.memory_space<vmem_shared>>) offsets(%dma_start3A_165 : memref<128xi32, #tpu.memory_space<vmem>>) semaphore(%run_scoped3A_162 : memref<!tpu.dma_semaphore, #tpu.memory_space<semaphore_mem>>) {add = true}
        %dma_wait3A_169 = arith.constant 0 : i32
        %dma_wait3A_170 = tpu.memref_slice %arg8[%mul3A_129, %dma_wait3A_169] : memref<40x128xi32, #tpu.memory_space<vmem>> -> memref<1x128xi32, #tpu.memory_space<vmem>>
        %dma_wait3A_171 = tpu.memref_squeeze %dma_wait3A_170 : memref<1x128xi32, #tpu.memory_space<vmem>> -> memref<128xi32, #tpu.memory_space<vmem>>
        %dma_wait3A_172 = arith.constant 0 : i32
        %dma_wait3A_173 = arith.constant 0 : i32
        %dma_wait3A_174 = tpu.memref_slice %arg11[%dma_wait3A_172, %dma_wait3A_173] : memref<10016x128xf32, #tpu.memory_space<vmem_shared>> -> memref<10016x128xf32, #tpu.memory_space<vmem_shared>>
        tpu.wait_indirect_dma semaphore(%run_scoped3A_162 : memref<!tpu.dma_semaphore, #tpu.memory_space<semaphore_mem>>) src(%arg9 : memref<128x128xf32, #tpu.memory_space<vmem>>) dst(%dma_wait3A_174 : memref<10016x128xf32, #tpu.memory_space<vmem_shared>>)
        tpu.yield
      }) : () -> ()
      %add3A_144 = arith.constant 2 : i32
      %add3A_145 = arith.addi %mul3A_129, %add3A_144 : i32
      %dma_start3A_146 = arith.constant 0 : i32
      %dma_start3A_147 = tpu.memref_slice %arg7[%add3A_145, %dma_start3A_146] : memref<40x128xi32, #tpu.memory_space<vmem>> -> memref<1x128xi32, #tpu.memory_space<vmem>>
      %dma_start3A_148 = tpu.memref_squeeze %dma_start3A_147 : memref<1x128xi32, #tpu.memory_space<vmem>> -> memref<128xi32, #tpu.memory_space<vmem>>
      %dma_start3A_149 = arith.constant 0 : i32
      %dma_start3A_150 = arith.constant 0 : i32
      %dma_start3A_151 = tpu.memref_slice %arg2[%dma_start3A_149, %dma_start3A_150] : memref<10000x128xf32, #tpu.memory_space<hbm>> -> memref<10000x128xf32, #tpu.memory_space<hbm>>
      tpu.enqueue_indirect_dma source(%dma_start3A_151 : memref<10000x128xf32, #tpu.memory_space<hbm>>) target(%arg9 : memref<128x128xf32, #tpu.memory_space<vmem>>) offsets(%dma_start3A_148 : memref<128xi32, #tpu.memory_space<vmem>>) semaphore(%arg12 : memref<!tpu.dma_semaphore, #tpu.memory_space<semaphore_mem>>)
      %add3A_152 = arith.constant 1 : i32
      %add3A_153 = arith.addi %mul3A_129, %add3A_152 : i32
      %dma_wait3A_154 = arith.constant 0 : i32
      %dma_wait3A_155 = tpu.memref_slice %arg7[%add3A_153, %dma_wait3A_154] : memref<40x128xi32, #tpu.memory_space<vmem>> -> memref<1x128xi32, #tpu.memory_space<vmem>>
      %dma_wait3A_156 = tpu.memref_squeeze %dma_wait3A_155 : memref<1x128xi32, #tpu.memory_space<vmem>> -> memref<128xi32, #tpu.memory_space<vmem>>
      %dma_wait3A_157 = arith.constant 0 : i32
      %dma_wait3A_158 = arith.constant 0 : i32
      %dma_wait3A_159 = tpu.memref_slice %arg2[%dma_wait3A_157, %dma_wait3A_158] : memref<10000x128xf32, #tpu.memory_space<hbm>> -> memref<10000x128xf32, #tpu.memory_space<hbm>>
      tpu.wait_indirect_dma semaphore(%arg13 : memref<!tpu.dma_semaphore, #tpu.memory_space<semaphore_mem>>) src(%dma_wait3A_159 : memref<10000x128xf32, #tpu.memory_space<hbm>>) dst(%arg10 : memref<128x128xf32, #tpu.memory_space<vmem>>)
      %add3A_160 = arith.constant 1 : i32
      %add3A_161 = arith.addi %mul3A_129, %add3A_160 : i32
      "tpu.region"() ({
        %run_scoped3A_162 = tpu.sem_alloc : memref<!tpu.dma_semaphore, #tpu.memory_space<semaphore_mem>>
        %dma_start3A_163 = arith.constant 0 : i32
        %dma_start3A_164 = tpu.memref_slice %arg8[%add3A_161, %dma_start3A_163] : memref<40x128xi32, #tpu.memory_space<vmem>> -> memref<1x128xi32, #tpu.memory_space<vmem>>
        %dma_start3A_165 = tpu.memref_squeeze %dma_start3A_164 : memref<1x128xi32, #tpu.memory_space<vmem>> -> memref<128xi32, #tpu.memory_space<vmem>>
        %dma_start3A_166 = arith.constant 0 : i32
        %dma_start3A_167 = arith.constant 0 : i32
        %dma_start3A_168 = tpu.memref_slice %arg11[%dma_start3A_166, %dma_start3A_167] : memref<10016x128xf32, #tpu.memory_space<vmem_shared>> -> memref<10016x128xf32, #tpu.memory_space<vmem_shared>>
        tpu.enqueue_indirect_dma source(%arg10 : memref<128x128xf32, #tpu.memory_space<vmem>>) target(%dma_start3A_168 : memref<10016x128xf32, #tpu.memory_space<vmem_shared>>) offsets(%dma_start3A_165 : memref<128xi32, #tpu.memory_space<vmem>>) semaphore(%run_scoped3A_162 : memref<!tpu.dma_semaphore, #tpu.memory_space<semaphore_mem>>) {add = true}
        %dma_wait3A_169 = arith.constant 0 : i32
        %dma_wait3A_170 = tpu.memref_slice %arg8[%add3A_161, %dma_wait3A_169] : memref<40x128xi32, #tpu.memory_space<vmem>> -> memref<1x128xi32, #tpu.memory_space<vmem>>
        %dma_wait3A_171 = tpu.memref_squeeze %dma_wait3A_170 : memref<1x128xi32, #tpu.memory_space<vmem>> -> memref<128xi32, #tpu.memory_space<vmem>>
        %dma_wait3A_172 = arith.constant 0 : i32
        %dma_wait3A_173 = arith.constant 0 : i32
        %dma_wait3A_174 = tpu.memref_slice %arg11[%dma_wait3A_172, %dma_wait3A_173] : memref<10016x128xf32, #tpu.memory_space<vmem_shared>> -> memref<10016x128xf32, #tpu.memory_space<vmem_shared>>
        tpu.wait_indirect_dma semaphore(%run_scoped3A_162 : memref<!tpu.dma_semaphore, #tpu.memory_space<semaphore_mem>>) src(%arg10 : memref<128x128xf32, #tpu.memory_space<vmem>>) dst(%dma_wait3A_174 : memref<10016x128xf32, #tpu.memory_space<vmem_shared>>)
        tpu.yield
      }) : () -> ()
    }
    %scan3A_74 = arith.constant 19 : i32
    %dma_start3A_75 = arith.constant 39 : i32
    %dma_start3A_76 = arith.constant 0 : i32
    %dma_start3A_77 = tpu.memref_slice %arg7[%dma_start3A_75, %dma_start3A_76] : memref<40x128xi32, #tpu.memory_space<vmem>> -> memref<1x128xi32, #tpu.memory_space<vmem>>
    %dma_start3A_78 = tpu.memref_squeeze %dma_start3A_77 : memref<1x128xi32, #tpu.memory_space<vmem>> -> memref<128xi32, #tpu.memory_space<vmem>>
    %dma_start3A_79 = arith.constant 0 : i32
    %dma_start3A_80 = arith.constant 0 : i32
    %dma_start3A_81 = tpu.memref_slice %arg2[%dma_start3A_79, %dma_start3A_80] : memref<10000x128xf32, #tpu.memory_space<hbm>> -> memref<10000x128xf32, #tpu.memory_space<hbm>>
    tpu.enqueue_indirect_dma source(%dma_start3A_81 : memref<10000x128xf32, #tpu.memory_space<hbm>>) target(%arg10 : memref<128x128xf32, #tpu.memory_space<vmem>>) offsets(%dma_start3A_78 : memref<128xi32, #tpu.memory_space<vmem>>) semaphore(%arg13 : memref<!tpu.dma_semaphore, #tpu.memory_space<semaphore_mem>>)
    %dma_wait3A_82 = arith.constant 38 : i32
    %dma_wait3A_83 = arith.constant 0 : i32
    %dma_wait3A_84 = tpu.memref_slice %arg7[%dma_wait3A_82, %dma_wait3A_83] : memref<40x128xi32, #tpu.memory_space<vmem>> -> memref<1x128xi32, #tpu.memory_space<vmem>>
    %dma_wait3A_85 = tpu.memref_squeeze %dma_wait3A_84 : memref<1x128xi32, #tpu.memory_space<vmem>> -> memref<128xi32, #tpu.memory_space<vmem>>
    %dma_wait3A_86 = arith.constant 0 : i32
    %dma_wait3A_87 = arith.constant 0 : i32
    %dma_wait3A_88 = tpu.memref_slice %arg2[%dma_wait3A_86, %dma_wait3A_87] : memref<10000x128xf32, #tpu.memory_space<hbm>> -> memref<10000x128xf32, #tpu.memory_space<hbm>>
    tpu.wait_indirect_dma semaphore(%arg12 : memref<!tpu.dma_semaphore, #tpu.memory_space<semaphore_mem>>) src(%dma_wait3A_88 : memref<10000x128xf32, #tpu.memory_space<hbm>>) dst(%arg9 : memref<128x128xf32, #tpu.memory_space<vmem>>)
    %run_scoped3A_89 = arith.constant 38 : i32
    "tpu.region"() ({
      %run_scoped3A_127 = tpu.sem_alloc : memref<!tpu.dma_semaphore, #tpu.memory_space<semaphore_mem>>
      %dma_start3A_128 = arith.constant 0 : i32
      %dma_start3A_129 = tpu.memref_slice %arg8[%run_scoped3A_89, %dma_start3A_128] : memref<40x128xi32, #tpu.memory_space<vmem>> -> memref<1x128xi32, #tpu.memory_space<vmem>>
      %dma_start3A_130 = tpu.memref_squeeze %dma_start3A_129 : memref<1x128xi32, #tpu.memory_space<vmem>> -> memref<128xi32, #tpu.memory_space<vmem>>
      %dma_start3A_131 = arith.constant 0 : i32
      %dma_start3A_132 = arith.constant 0 : i32
      %dma_start3A_133 = tpu.memref_slice %arg11[%dma_start3A_131, %dma_start3A_132] : memref<10016x128xf32, #tpu.memory_space<vmem_shared>> -> memref<10016x128xf32, #tpu.memory_space<vmem_shared>>
      tpu.enqueue_indirect_dma source(%arg9 : memref<128x128xf32, #tpu.memory_space<vmem>>) target(%dma_start3A_133 : memref<10016x128xf32, #tpu.memory_space<vmem_shared>>) offsets(%dma_start3A_130 : memref<128xi32, #tpu.memory_space<vmem>>) semaphore(%run_scoped3A_127 : memref<!tpu.dma_semaphore, #tpu.memory_space<semaphore_mem>>) {add = true}
      %dma_wait3A_134 = arith.constant 0 : i32
      %dma_wait3A_135 = tpu.memref_slice %arg8[%run_scoped3A_89, %dma_wait3A_134] : memref<40x128xi32, #tpu.memory_space<vmem>> -> memref<1x128xi32, #tpu.memory_space<vmem>>
      %dma_wait3A_136 = tpu.memref_squeeze %dma_wait3A_135 : memref<1x128xi32, #tpu.memory_space<vmem>> -> memref<128xi32, #tpu.memory_space<vmem>>
      %dma_wait3A_137 = arith.constant 0 : i32
      %dma_wait3A_138 = arith.constant 0 : i32
      %dma_wait3A_139 = tpu.memref_slice %arg11[%dma_wait3A_137, %dma_wait3A_138] : memref<10016x128xf32, #tpu.memory_space<vmem_shared>> -> memref<10016x128xf32, #tpu.memory_space<vmem_shared>>
      tpu.wait_indirect_dma semaphore(%run_scoped3A_127 : memref<!tpu.dma_semaphore, #tpu.memory_space<semaphore_mem>>) src(%arg9 : memref<128x128xf32, #tpu.memory_space<vmem>>) dst(%dma_wait3A_139 : memref<10016x128xf32, #tpu.memory_space<vmem_shared>>)
      tpu.yield
    }) : () -> ()
    %dma_wait3A_90 = arith.constant 39 : i32
    %dma_wait3A_91 = arith.constant 0 : i32
    %dma_wait3A_92 = tpu.memref_slice %arg7[%dma_wait3A_90, %dma_wait3A_91] : memref<40x128xi32, #tpu.memory_space<vmem>> -> memref<1x128xi32, #tpu.memory_space<vmem>>
    %dma_wait3A_93 = tpu.memref_squeeze %dma_wait3A_92 : memref<1x128xi32, #tpu.memory_space<vmem>> -> memref<128xi32, #tpu.memory_space<vmem>>
    %dma_wait3A_94 = arith.constant 0 : i32
    %dma_wait3A_95 = arith.constant 0 : i32
    %dma_wait3A_96 = tpu.memref_slice %arg2[%dma_wait3A_94, %dma_wait3A_95] : memref<10000x128xf32, #tpu.memory_space<hbm>> -> memref<10000x128xf32, #tpu.memory_space<hbm>>
    tpu.wait_indirect_dma semaphore(%arg13 : memref<!tpu.dma_semaphore, #tpu.memory_space<semaphore_mem>>) src(%dma_wait3A_96 : memref<10000x128xf32, #tpu.memory_space<hbm>>) dst(%arg10 : memref<128x128xf32, #tpu.memory_space<vmem>>)
    %run_scoped3A_97 = arith.constant 39 : i32
    "tpu.region"() ({
      %run_scoped3A_127 = tpu.sem_alloc : memref<!tpu.dma_semaphore, #tpu.memory_space<semaphore_mem>>
      %dma_start3A_128 = arith.constant 0 : i32
      %dma_start3A_129 = tpu.memref_slice %arg8[%run_scoped3A_97, %dma_start3A_128] : memref<40x128xi32, #tpu.memory_space<vmem>> -> memref<1x128xi32, #tpu.memory_space<vmem>>
      %dma_start3A_130 = tpu.memref_squeeze %dma_start3A_129 : memref<1x128xi32, #tpu.memory_space<vmem>> -> memref<128xi32, #tpu.memory_space<vmem>>
      %dma_start3A_131 = arith.constant 0 : i32
      %dma_start3A_132 = arith.constant 0 : i32
      %dma_start3A_133 = tpu.memref_slice %arg11[%dma_start3A_131, %dma_start3A_132] : memref<10016x128xf32, #tpu.memory_space<vmem_shared>> -> memref<10016x128xf32, #tpu.memory_space<vmem_shared>>
      tpu.enqueue_indirect_dma source(%arg10 : memref<128x128xf32, #tpu.memory_space<vmem>>) target(%dma_start3A_133 : memref<10016x128xf32, #tpu.memory_space<vmem_shared>>) offsets(%dma_start3A_130 : memref<128xi32, #tpu.memory_space<vmem>>) semaphore(%run_scoped3A_127 : memref<!tpu.dma_semaphore, #tpu.memory_space<semaphore_mem>>) {add = true}
      %dma_wait3A_134 = arith.constant 0 : i32
      %dma_wait3A_135 = tpu.memref_slice %arg8[%run_scoped3A_97, %dma_wait3A_134] : memref<40x128xi32, #tpu.memory_space<vmem>> -> memref<1x128xi32, #tpu.memory_space<vmem>>
      %dma_wait3A_136 = tpu.memref_squeeze %dma_wait3A_135 : memref<1x128xi32, #tpu.memory_space<vmem>> -> memref<128xi32, #tpu.memory_space<vmem>>
      %dma_wait3A_137 = arith.constant 0 : i32
      %dma_wait3A_138 = arith.constant 0 : i32
      %dma_wait3A_139 = tpu.memref_slice %arg11[%dma_wait3A_137, %dma_wait3A_138] : memref<10016x128xf32, #tpu.memory_space<vmem_shared>> -> memref<10016x128xf32, #tpu.memory_space<vmem_shared>>
      tpu.wait_indirect_dma semaphore(%run_scoped3A_127 : memref<!tpu.dma_semaphore, #tpu.memory_space<semaphore_mem>>) src(%arg10 : memref<128x128xf32, #tpu.memory_space<vmem>>) dst(%dma_wait3A_139 : memref<10016x128xf32, #tpu.memory_space<vmem_shared>>)
      tpu.yield
    }) : () -> ()
    %barrier3A_98 = arith.constant 0 : index
    tpu.barrier barrier_id(%barrier3A_98)
    %add3A_99 = arith.constant 0 : i32
    %add3A_100 = arith.addi %add3A_99, %arg1 : i32
    %lt3A_101 = arith.constant 50 : i32
    %lt3A_102 = arith.cmpi slt, %add3A_100, %lt3A_101 : i32
    %convert_element_type3A_103 = arith.extui %lt3A_102 : i1 to i32
    %cond3A_104 = arith.constant 0 : i32
    %cond3A_105 = arith.cmpi ne, %convert_element_type3A_103, %cond3A_104 : i32
    scf.if %cond3A_105 {
      %mul3A_127 = arith.constant 200 : i32
      %mul3A_128 = arith.muli %add3A_100, %mul3A_127 : i32
      %multiple_of3A = tpu.assume_multiple %mul3A_128, 8 : i32
      %mul3A_129 = arith.constant 10000 : i32
      %mul3A_130 = arith.muli %arg0, %mul3A_129 : i32
      %add3A_131 = arith.addi %mul3A_130, %multiple_of3A : i32
      %multiple_of3A_132 = tpu.assume_multiple %add3A_131, 8 : i32
      "tpu.region"() ({
        %run_scoped3A_133 = tpu.sem_alloc : memref<!tpu.dma_semaphore, #tpu.memory_space<semaphore_mem>>
        %dma_start3A_134 = arith.constant 0 : i32
        %dma_start3A_135 = tpu.memref_slice %arg6[%multiple_of3A_132, %dma_start3A_134] : memref<20000x128xf32, #tpu.memory_space<hbm>> -> memref<200x128xf32, #tpu.memory_space<hbm>>
        %dma_start3A_136 = arith.constant 0 : i32
        %dma_start3A_137 = tpu.memref_slice %arg11[%multiple_of3A, %dma_start3A_136] : memref<10016x128xf32, #tpu.memory_space<vmem_shared>> -> memref<200x128xf32, #tpu.memory_space<vmem_shared>>
        tpu.enqueue_dma source(%dma_start3A_137 : memref<200x128xf32, #tpu.memory_space<vmem_shared>>) target(%dma_start3A_135 : memref<200x128xf32, #tpu.memory_space<hbm>>) target_semaphore(%run_scoped3A_133 : memref<!tpu.dma_semaphore, #tpu.memory_space<semaphore_mem>>)
        %dma_wait3A_138 = arith.constant 0 : i32
        %dma_wait3A_139 = tpu.memref_slice %arg6[%multiple_of3A_132, %dma_wait3A_138] : memref<20000x128xf32, #tpu.memory_space<hbm>> -> memref<200x128xf32, #tpu.memory_space<hbm>>
        %dma_wait3A_140 = arith.constant 0 : i32
        %dma_wait3A_141 = tpu.memref_slice %arg11[%multiple_of3A, %dma_wait3A_140] : memref<10016x128xf32, #tpu.memory_space<vmem_shared>> -> memref<200x128xf32, #tpu.memory_space<vmem_shared>>
        tpu.wait_dma2 semaphore(%run_scoped3A_133 : memref<!tpu.dma_semaphore, #tpu.memory_space<semaphore_mem>>) src(%dma_wait3A_141 : memref<200x128xf32, #tpu.memory_space<vmem_shared>>) dst(%dma_wait3A_139 : memref<200x128xf32, #tpu.memory_space<hbm>>)
        tpu.yield
      }) : () -> ()
    } else {
    }
    %add3A_106 = arith.constant 16 : i32
    %add3A_107 = arith.addi %add3A_106, %arg1 : i32
    %lt3A_108 = arith.constant 50 : i32
    %lt3A_109 = arith.cmpi slt, %add3A_107, %lt3A_108 : i32
    %convert_element_type3A_110 = arith.extui %lt3A_109 : i1 to i32
    %cond3A_111 = arith.constant 0 : i32
    %cond3A_112 = arith.cmpi ne, %convert_element_type3A_110, %cond3A_111 : i32
    scf.if %cond3A_112 {
      %mul3A_127 = arith.constant 200 : i32
      %mul3A_128 = arith.muli %add3A_107, %mul3A_127 : i32
      %multiple_of3A = tpu.assume_multiple %mul3A_128, 8 : i32
      %mul3A_129 = arith.constant 10000 : i32
      %mul3A_130 = arith.muli %arg0, %mul3A_129 : i32
      %add3A_131 = arith.addi %mul3A_130, %multiple_of3A : i32
      %multiple_of3A_132 = tpu.assume_multiple %add3A_131, 8 : i32
      "tpu.region"() ({
        %run_scoped3A_133 = tpu.sem_alloc : memref<!tpu.dma_semaphore, #tpu.memory_space<semaphore_mem>>
        %dma_start3A_134 = arith.constant 0 : i32
        %dma_start3A_135 = tpu.memref_slice %arg6[%multiple_of3A_132, %dma_start3A_134] : memref<20000x128xf32, #tpu.memory_space<hbm>> -> memref<200x128xf32, #tpu.memory_space<hbm>>
        %dma_start3A_136 = arith.constant 0 : i32
        %dma_start3A_137 = tpu.memref_slice %arg11[%multiple_of3A, %dma_start3A_136] : memref<10016x128xf32, #tpu.memory_space<vmem_shared>> -> memref<200x128xf32, #tpu.memory_space<vmem_shared>>
        tpu.enqueue_dma source(%dma_start3A_137 : memref<200x128xf32, #tpu.memory_space<vmem_shared>>) target(%dma_start3A_135 : memref<200x128xf32, #tpu.memory_space<hbm>>) target_semaphore(%run_scoped3A_133 : memref<!tpu.dma_semaphore, #tpu.memory_space<semaphore_mem>>)
        %dma_wait3A_138 = arith.constant 0 : i32
        %dma_wait3A_139 = tpu.memref_slice %arg6[%multiple_of3A_132, %dma_wait3A_138] : memref<20000x128xf32, #tpu.memory_space<hbm>> -> memref<200x128xf32, #tpu.memory_space<hbm>>
        %dma_wait3A_140 = arith.constant 0 : i32
        %dma_wait3A_141 = tpu.memref_slice %arg11[%multiple_of3A, %dma_wait3A_140] : memref<10016x128xf32, #tpu.memory_space<vmem_shared>> -> memref<200x128xf32, #tpu.memory_space<vmem_shared>>
        tpu.wait_dma2 semaphore(%run_scoped3A_133 : memref<!tpu.dma_semaphore, #tpu.memory_space<semaphore_mem>>) src(%dma_wait3A_141 : memref<200x128xf32, #tpu.memory_space<vmem_shared>>) dst(%dma_wait3A_139 : memref<200x128xf32, #tpu.memory_space<hbm>>)
        tpu.yield
      }) : () -> ()
    } else {
    }
    %add3A_113 = arith.constant 32 : i32
    %add3A_114 = arith.addi %add3A_113, %arg1 : i32
    %lt3A_115 = arith.constant 50 : i32
    %lt3A_116 = arith.cmpi slt, %add3A_114, %lt3A_115 : i32
    %convert_element_type3A_117 = arith.extui %lt3A_116 : i1 to i32
    %cond3A_118 = arith.constant 0 : i32
    %cond3A_119 = arith.cmpi ne, %convert_element_type3A_117, %cond3A_118 : i32
    scf.if %cond3A_119 {
      %mul3A_127 = arith.constant 200 : i32
      %mul3A_128 = arith.muli %add3A_114, %mul3A_127 : i32
      %multiple_of3A = tpu.assume_multiple %mul3A_128, 8 : i32
      %mul3A_129 = arith.constant 10000 : i32
      %mul3A_130 = arith.muli %arg0, %mul3A_129 : i32
      %add3A_131 = arith.addi %mul3A_130, %multiple_of3A : i32
      %multiple_of3A_132 = tpu.assume_multiple %add3A_131, 8 : i32
      "tpu.region"() ({
        %run_scoped3A_133 = tpu.sem_alloc : memref<!tpu.dma_semaphore, #tpu.memory_space<semaphore_mem>>
        %dma_start3A_134 = arith.constant 0 : i32
        %dma_start3A_135 = tpu.memref_slice %arg6[%multiple_of3A_132, %dma_start3A_134] : memref<20000x128xf32, #tpu.memory_space<hbm>> -> memref<200x128xf32, #tpu.memory_space<hbm>>
        %dma_start3A_136 = arith.constant 0 : i32
        %dma_start3A_137 = tpu.memref_slice %arg11[%multiple_of3A, %dma_start3A_136] : memref<10016x128xf32, #tpu.memory_space<vmem_shared>> -> memref<200x128xf32, #tpu.memory_space<vmem_shared>>
        tpu.enqueue_dma source(%dma_start3A_137 : memref<200x128xf32, #tpu.memory_space<vmem_shared>>) target(%dma_start3A_135 : memref<200x128xf32, #tpu.memory_space<hbm>>) target_semaphore(%run_scoped3A_133 : memref<!tpu.dma_semaphore, #tpu.memory_space<semaphore_mem>>)
        %dma_wait3A_138 = arith.constant 0 : i32
        %dma_wait3A_139 = tpu.memref_slice %arg6[%multiple_of3A_132, %dma_wait3A_138] : memref<20000x128xf32, #tpu.memory_space<hbm>> -> memref<200x128xf32, #tpu.memory_space<hbm>>
        %dma_wait3A_140 = arith.constant 0 : i32
        %dma_wait3A_141 = tpu.memref_slice %arg11[%multiple_of3A, %dma_wait3A_140] : memref<10016x128xf32, #tpu.memory_space<vmem_shared>> -> memref<200x128xf32, #tpu.memory_space<vmem_shared>>
        tpu.wait_dma2 semaphore(%run_scoped3A_133 : memref<!tpu.dma_semaphore, #tpu.memory_space<semaphore_mem>>) src(%dma_wait3A_141 : memref<200x128xf32, #tpu.memory_space<vmem_shared>>) dst(%dma_wait3A_139 : memref<200x128xf32, #tpu.memory_space<hbm>>)
        tpu.yield
      }) : () -> ()
    } else {
    }
    %add3A_120 = arith.constant 48 : i32
    %add3A_121 = arith.addi %add3A_120, %arg1 : i32
    %lt3A_122 = arith.constant 50 : i32
    %lt3A_123 = arith.cmpi slt, %add3A_121, %lt3A_122 : i32
    %convert_element_type3A_124 = arith.extui %lt3A_123 : i1 to i32
    %cond3A_125 = arith.constant 0 : i32
    %cond3A_126 = arith.cmpi ne, %convert_element_type3A_124, %cond3A_125 : i32
    scf.if %cond3A_126 {
      %mul3A_127 = arith.constant 200 : i32
      %mul3A_128 = arith.muli %add3A_121, %mul3A_127 : i32
      %multiple_of3A = tpu.assume_multiple %mul3A_128, 8 : i32
      %mul3A_129 = arith.constant 10000 : i32
      %mul3A_130 = arith.muli %arg0, %mul3A_129 : i32
      %add3A_131 = arith.addi %mul3A_130, %multiple_of3A : i32
      %multiple_of3A_132 = tpu.assume_multiple %add3A_131, 8 : i32
      "tpu.region"() ({
        %run_scoped3A_133 = tpu.sem_alloc : memref<!tpu.dma_semaphore, #tpu.memory_space<semaphore_mem>>
        %dma_start3A_134 = arith.constant 0 : i32
        %dma_start3A_135 = tpu.memref_slice %arg6[%multiple_of3A_132, %dma_start3A_134] : memref<20000x128xf32, #tpu.memory_space<hbm>> -> memref<200x128xf32, #tpu.memory_space<hbm>>
        %dma_start3A_136 = arith.constant 0 : i32
        %dma_start3A_137 = tpu.memref_slice %arg11[%multiple_of3A, %dma_start3A_136] : memref<10016x128xf32, #tpu.memory_space<vmem_shared>> -> memref<200x128xf32, #tpu.memory_space<vmem_shared>>
        tpu.enqueue_dma source(%dma_start3A_137 : memref<200x128xf32, #tpu.memory_space<vmem_shared>>) target(%dma_start3A_135 : memref<200x128xf32, #tpu.memory_space<hbm>>) target_semaphore(%run_scoped3A_133 : memref<!tpu.dma_semaphore, #tpu.memory_space<semaphore_mem>>)
        %dma_wait3A_138 = arith.constant 0 : i32
        %dma_wait3A_139 = tpu.memref_slice %arg6[%multiple_of3A_132, %dma_wait3A_138] : memref<20000x128xf32, #tpu.memory_space<hbm>> -> memref<200x128xf32, #tpu.memory_space<hbm>>
        %dma_wait3A_140 = arith.constant 0 : i32
        %dma_wait3A_141 = tpu.memref_slice %arg11[%multiple_of3A, %dma_wait3A_140] : memref<10016x128xf32, #tpu.memory_space<vmem_shared>> -> memref<200x128xf32, #tpu.memory_space<vmem_shared>>
        tpu.wait_dma2 semaphore(%run_scoped3A_133 : memref<!tpu.dma_semaphore, #tpu.memory_space<semaphore_mem>>) src(%dma_wait3A_141 : memref<200x128xf32, #tpu.memory_space<vmem_shared>>) dst(%dma_wait3A_139 : memref<200x128xf32, #tpu.memory_space<hbm>>)
        tpu.yield
      }) : () -> ()
    } else {
    }
    return
  }
}

module attributes {stable_mosaic.version = 14 : i64} {
  func.func @_fuse1_body(%arg0: i32, %arg1: memref<5000x128xf32, #tpu.memory_space<vmem>>, %arg2: memref<128x128xf32, #tpu.memory_space<vmem>>, %arg3: memref<5000x1xf32, #tpu.memory_space<vmem>>, %arg4: memref<5000x1xf32, #tpu.memory_space<vmem>>, %arg5: memref<5000x128xf32, #tpu.memory_space<vmem>>) attributes {dimension_semantics = [#tpu.dimension_semantics<arbitrary>], iteration_bounds = array<i64: 2>, scalar_prefetch = 0 : i64, scratch_operands = 0 : i64, tpu.core_type = #tpu.core_type<tc>, window_params = [{transform_indices = @transform_0, window_bounds = array<i64: 5000, 128>}, {pipeline_mode = #tpu.pipeline_mode<synchronous>, transform_indices = @transform_1, window_bounds = array<i64: 128, 128>}, {transform_indices = @transform_2, window_bounds = array<i64: 5000, 1>}, {transform_indices = @transform_3, window_bounds = array<i64: 5000, 1>}, {transform_indices = @transform_4, window_bounds = array<i64: 5000, 128>}]} {
    %get3A = arith.constant 0 : index
    %get3A_0 = arith.constant 0 : index
    %get3A_1 = vector.load %arg3[%get3A, %get3A_0] : memref<5000x1xf32, #tpu.memory_space<vmem>>, vector<5000x1xf32>
    %get3A_2 = arith.constant 0 : index
    %get3A_3 = arith.constant 0 : index
    %get3A_4 = vector.load %arg4[%get3A_2, %get3A_3] : memref<5000x1xf32, #tpu.memory_space<vmem>>, vector<5000x1xf32>
    %add3A = arith.addf %get3A_1, %get3A_4 : vector<5000x1xf32>
    %gt3A = arith.constant 0.000000e+00 : f32
    %gt3A_5 = vector.broadcast %gt3A : f32 to vector<5000x1xf32>
    %gt3A_6 = arith.cmpf ogt, %add3A, %gt3A_5 : vector<5000x1xf32>
    %rsqrt3A = math.rsqrt %add3A : vector<5000x1xf32>
    %jit3A = arith.constant 0.000000e+00 : f32
    %broadcast_in_dim3A = vector.broadcast %jit3A : f32 to vector<5000x1xf32>
    %select_n3A = arith.select %gt3A_6, %rsqrt3A, %broadcast_in_dim3A : vector<5000x1xi1>, vector<5000x1xf32>
    %get3A_7 = arith.constant 0 : index
    %get3A_8 = arith.constant 0 : index
    %get3A_9 = vector.load %arg1[%get3A_7, %get3A_8] : memref<5000x128xf32, #tpu.memory_space<vmem>>, vector<5000x128xf32>
    %get3A_10 = arith.constant 0 : index
    %get3A_11 = arith.constant 0 : index
    %get3A_12 = vector.load %arg2[%get3A_10, %get3A_11] : memref<128x128xf32, #tpu.memory_space<vmem>>, vector<128x128xf32>
    %dot_general3A = arith.constant dense<0.000000e+00> : vector<5000x128xf32>
    %dot_general3A_13 = tpu.matmul %get3A_9, %get3A_12, %dot_general3A {dimension_numbers = #tpu.dot_dimension_numbers<[1], [0], [0], [1], [0, 0, 1, 1], [], []>, transpose_lhs_hint = false} : vector<5000x128xf32>, vector<128x128xf32>, vector<5000x128xf32> -> vector<5000x128xf32>
    %mul3A = vector.broadcast %select_n3A : vector<5000x1xf32> to vector<5000x128xf32>
    %mul3A_14 = arith.mulf %mul3A, %dot_general3A_13 : vector<5000x128xf32>
    %swap3A = arith.constant 0 : index
    %swap3A_15 = arith.constant 0 : index
    %swap3A_16 = vector.load %arg5[%swap3A, %swap3A_15] : memref<5000x128xf32, #tpu.memory_space<vmem>>, vector<5000x128xf32>
    tpu.vector_store %arg5[%swap3A, %swap3A_15], %mul3A_14 {strides = array<i32>} : memref<5000x128xf32, #tpu.memory_space<vmem>>, vector<5000x128xf32>,
    return
  }
  func.func @transform_0(%arg0: i32) -> (i32, i32) {
    %c0_i32 = arith.constant 0 : i32
    %c0_i32_0 = arith.constant 0 : i32
    return %arg0, %c0_i32 : i32, i32
  }
  func.func @transform_1(%arg0: i32) -> (i32, i32) {
    %c0_i32 = arith.constant 0 : i32
    %c0_i32_0 = arith.constant 0 : i32
    %c0_i32_1 = arith.constant 0 : i32
    return %c0_i32, %c0_i32_0 : i32, i32
  }
  func.func @transform_2(%arg0: i32) -> (i32, i32) {
    %c0_i32 = arith.constant 0 : i32
    %c0_i32_0 = arith.constant 0 : i32
    return %arg0, %c0_i32 : i32, i32
  }
  func.func @transform_3(%arg0: i32) -> (i32, i32) {
    %add3A = arith.constant 2 : i32
    %add3A_0 = arith.addi %arg0, %add3A : i32
    %c0_i32 = arith.constant 0 : i32
    %c0_i32_1 = arith.constant 0 : i32
    return %add3A_0, %c0_i32 : i32, i32
  }
  func.func @transform_4(%arg0: i32) -> (i32, i32) {
    %c0_i32 = arith.constant 0 : i32
    %c0_i32_0 = arith.constant 0 : i32
    return %arg0, %c0_i32 : i32, i32
  }
}

module attributes {stable_mosaic.version = 14 : i64} {
  func.func @_fuse2_body(%arg0: i32, %arg1: memref<5000x128xf32, #tpu.memory_space<vmem>>, %arg2: memref<5000x128xf32, #tpu.memory_space<vmem>>, %arg3: memref<5000x1xf32, #tpu.memory_space<vmem>>, %arg4: memref<5000x1xf32, #tpu.memory_space<vmem>>, %arg5: memref<1x128xf32, #tpu.memory_space<vmem>>, %arg6: memref<128x128xf32, #tpu.memory_space<vmem>>, %arg7: memref<5000x128xf32, #tpu.memory_space<vmem>>) attributes {dimension_semantics = [#tpu.dimension_semantics<arbitrary>], iteration_bounds = array<i64: 2>, scalar_prefetch = 0 : i64, scratch_operands = 0 : i64, tpu.core_type = #tpu.core_type<tc>, window_params = [{transform_indices = @transform_0, window_bounds = array<i64: 5000, 128>}, {transform_indices = @transform_1, window_bounds = array<i64: 5000, 128>}, {transform_indices = @transform_2, window_bounds = array<i64: 5000, 1>}, {transform_indices = @transform_3, window_bounds = array<i64: 5000, 1>}, {pipeline_mode = #tpu.pipeline_mode<synchronous>, transform_indices = @transform_4, window_bounds = array<i64: 1, 128>}, {pipeline_mode = #tpu.pipeline_mode<synchronous>, transform_indices = @transform_5, window_bounds = array<i64: 128, 128>}, {transform_indices = @transform_6, window_bounds = array<i64: 5000, 128>}]} {
    %get3A = arith.constant 0 : index
    %get3A_0 = arith.constant 0 : index
    %get3A_1 = vector.load %arg3[%get3A, %get3A_0] : memref<5000x1xf32, #tpu.memory_space<vmem>>, vector<5000x1xf32>
    %get3A_2 = arith.constant 0 : index
    %get3A_3 = arith.constant 0 : index
    %get3A_4 = vector.load %arg4[%get3A_2, %get3A_3] : memref<5000x1xf32, #tpu.memory_space<vmem>>, vector<5000x1xf32>
    %add3A = arith.addf %get3A_1, %get3A_4 : vector<5000x1xf32>
    %gt3A = arith.constant 0.000000e+00 : f32
    %gt3A_5 = vector.broadcast %gt3A : f32 to vector<5000x1xf32>
    %gt3A_6 = arith.cmpf ogt, %add3A, %gt3A_5 : vector<5000x1xf32>
    %rsqrt3A = math.rsqrt %add3A : vector<5000x1xf32>
    %jit3A = arith.constant 0.000000e+00 : f32
    %broadcast_in_dim3A = vector.broadcast %jit3A : f32 to vector<5000x1xf32>
    %select_n3A = arith.select %gt3A_6, %rsqrt3A, %broadcast_in_dim3A : vector<5000x1xi1>, vector<5000x1xf32>
    %get3A_7 = arith.constant 0 : index
    %get3A_8 = arith.constant 0 : index
    %get3A_9 = vector.load %arg1[%get3A_7, %get3A_8] : memref<5000x128xf32, #tpu.memory_space<vmem>>, vector<5000x128xf32>
    %get3A_10 = arith.constant 0 : index
    %get3A_11 = arith.constant 0 : index
    %get3A_12 = vector.load %arg2[%get3A_10, %get3A_11] : memref<5000x128xf32, #tpu.memory_space<vmem>>, vector<5000x128xf32>
    %add3A_13 = arith.addf %get3A_9, %get3A_12 : vector<5000x128xf32>
    %mul3A = vector.broadcast %select_n3A : vector<5000x1xf32> to vector<5000x128xf32>
    %mul3A_14 = arith.mulf %mul3A, %add3A_13 : vector<5000x128xf32>
    %get3A_15 = arith.constant 0 : index
    %get3A_16 = arith.constant 0 : index
    %get3A_17 = vector.load %arg5[%get3A_15, %get3A_16] : memref<1x128xf32, #tpu.memory_space<vmem>>, vector<1x128xf32>
    %add3A_18 = vector.broadcast %get3A_17 : vector<1x128xf32> to vector<5000x128xf32>
    %add3A_19 = arith.addf %mul3A_14, %add3A_18 : vector<5000x128xf32>
    %max3A = arith.constant 0.000000e+00 : f32
    %max3A_20 = vector.broadcast %max3A : f32 to vector<5000x128xf32>
    %max3A_21 = arith.maximumf %add3A_19, %max3A_20 : vector<5000x128xf32>
    %get3A_22 = arith.constant 0 : index
    %get3A_23 = arith.constant 0 : index
    %get3A_24 = vector.load %arg6[%get3A_22, %get3A_23] : memref<128x128xf32, #tpu.memory_space<vmem>>, vector<128x128xf32>
    %dot_general3A = arith.constant dense<0.000000e+00> : vector<5000x128xf32>
    %dot_general3A_25 = tpu.matmul %max3A_21, %get3A_24, %dot_general3A {dimension_numbers = #tpu.dot_dimension_numbers<[1], [0], [0], [1], [0, 0, 1, 1], [], []>, transpose_lhs_hint = false} : vector<5000x128xf32>, vector<128x128xf32>, vector<5000x128xf32> -> vector<5000x128xf32>
    %mul3A_26 = vector.broadcast %select_n3A : vector<5000x1xf32> to vector<5000x128xf32>
    %mul3A_27 = arith.mulf %mul3A_26, %dot_general3A_25 : vector<5000x128xf32>
    %swap3A = arith.constant 0 : index
    %swap3A_28 = arith.constant 0 : index
    %swap3A_29 = vector.load %arg7[%swap3A, %swap3A_28] : memref<5000x128xf32, #tpu.memory_space<vmem>>, vector<5000x128xf32>
    tpu.vector_store %arg7[%swap3A, %swap3A_28], %mul3A_27 {strides = array<i32>} : memref<5000x128xf32, #tpu.memory_space<vmem>>, vector<5000x128xf32>,
    return
  }
  func.func @transform_0(%arg0: i32) -> (i32, i32) {
    %c0_i32 = arith.constant 0 : i32
    %c0_i32_0 = arith.constant 0 : i32
    return %arg0, %c0_i32 : i32, i32
  }
  func.func @transform_1(%arg0: i32) -> (i32, i32) {
    %add3A = arith.constant 2 : i32
    %add3A_0 = arith.addi %arg0, %add3A : i32
    %c0_i32 = arith.constant 0 : i32
    %c0_i32_1 = arith.constant 0 : i32
    return %add3A_0, %c0_i32 : i32, i32
  }
  func.func @transform_2(%arg0: i32) -> (i32, i32) {
    %c0_i32 = arith.constant 0 : i32
    %c0_i32_0 = arith.constant 0 : i32
    return %arg0, %c0_i32 : i32, i32
  }
  func.func @transform_3(%arg0: i32) -> (i32, i32) {
    %add3A = arith.constant 2 : i32
    %add3A_0 = arith.addi %arg0, %add3A : i32
    %c0_i32 = arith.constant 0 : i32
    %c0_i32_1 = arith.constant 0 : i32
    return %add3A_0, %c0_i32 : i32, i32
  }
  func.func @transform_4(%arg0: i32) -> (i32, i32) {
    %c0_i32 = arith.constant 0 : i32
    %c0_i32_0 = arith.constant 0 : i32
    %c0_i32_1 = arith.constant 0 : i32
    return %c0_i32, %c0_i32_0 : i32, i32
  }
  func.func @transform_5(%arg0: i32) -> (i32, i32) {
    %c0_i32 = arith.constant 0 : i32
    %c0_i32_0 = arith.constant 0 : i32
    %c0_i32_1 = arith.constant 0 : i32
    return %c0_i32, %c0_i32_0 : i32, i32
  }
  func.func @transform_6(%arg0: i32) -> (i32, i32) {
    %c0_i32 = arith.constant 0 : i32
    %c0_i32_0 = arith.constant 0 : i32
    return %arg0, %c0_i32 : i32, i32
  }
}

module attributes {stable_mosaic.version = 14 : i64} {
  func.func @_fuse3_body(%arg0: i32, %arg1: memref<5000x128xf32, #tpu.memory_space<vmem>>, %arg2: memref<5000x128xf32, #tpu.memory_space<vmem>>, %arg3: memref<5000x1xf32, #tpu.memory_space<vmem>>, %arg4: memref<5000x1xf32, #tpu.memory_space<vmem>>, %arg5: memref<1x128xf32, #tpu.memory_space<vmem>>, %arg6: memref<5000x1xi32, #tpu.memory_space<vmem>>, %arg7: memref<128x1xf32, #tpu.memory_space<vmem>>, %arg8: memref<1x1xf32, #tpu.memory_space<vmem>>, %arg9: memref<64x1xf32, #tpu.memory_space<vmem>>, %arg10: memref<64x128xf32, #tpu.memory_space<vmem>>, %arg11: memref<64x1xf32, #tpu.memory_space<vmem>>) attributes {dimension_semantics = [#tpu.dimension_semantics<arbitrary>], iteration_bounds = array<i64: 2>, scalar_prefetch = 0 : i64, scratch_operands = 2 : i64, tpu.core_type = #tpu.core_type<tc>, window_params = [{transform_indices = @transform_0, window_bounds = array<i64: 5000, 128>}, {transform_indices = @transform_1, window_bounds = array<i64: 5000, 128>}, {transform_indices = @transform_2, window_bounds = array<i64: 5000, 1>}, {transform_indices = @transform_3, window_bounds = array<i64: 5000, 1>}, {pipeline_mode = #tpu.pipeline_mode<synchronous>, transform_indices = @transform_4, window_bounds = array<i64: 1, 128>}, {transform_indices = @transform_5, window_bounds = array<i64: 5000, 1>}, {pipeline_mode = #tpu.pipeline_mode<synchronous>, transform_indices = @transform_6, window_bounds = array<i64: 128, 1>}, {pipeline_mode = #tpu.pipeline_mode<synchronous>, transform_indices = @transform_7, window_bounds = array<i64: 1, 1>}, {pipeline_mode = #tpu.pipeline_mode<synchronous>, transform_indices = @transform_8, window_bounds = array<i64: 64, 1>}]} {
    %eq3A = arith.constant 0 : i32
    %eq3A_0 = arith.cmpi eq, %arg0, %eq3A : i32
    %convert_element_type3A = arith.extui %eq3A_0 : i1 to i32
    %cond3A = arith.constant 0 : i32
    %cond3A_1 = arith.cmpi ne, %convert_element_type3A, %cond3A : i32
    scf.if %cond3A_1 {
      %broadcast_in_dim3A_54 = arith.constant 0.000000e+00 : f32
      %broadcast_in_dim3A_55 = vector.broadcast %broadcast_in_dim3A_54 : f32 to vector<64x128xf32>
      %swap3A_56 = arith.constant 0 : index
      %swap3A_57 = arith.constant 0 : index
      %swap3A_58 = vector.load %arg10[%swap3A_56, %swap3A_57] : memref<64x128xf32, #tpu.memory_space<vmem>>, vector<64x128xf32>
      tpu.vector_store %arg10[%swap3A_56, %swap3A_57], %broadcast_in_dim3A_55 {strides = array<i32>} : memref<64x128xf32, #tpu.memory_space<vmem>>, vector<64x128xf32>,
      %broadcast_in_dim3A_59 = arith.constant 0.000000e+00 : f32
      %broadcast_in_dim3A_60 = vector.broadcast %broadcast_in_dim3A_59 : f32 to vector<64x1xf32>
      %swap3A_61 = arith.constant 0 : index
      %swap3A_62 = arith.constant 0 : index
      %swap3A_63 = vector.load %arg11[%swap3A_61, %swap3A_62] : memref<64x1xf32, #tpu.memory_space<vmem>>, vector<64x1xf32>
      tpu.vector_store %arg11[%swap3A_61, %swap3A_62], %broadcast_in_dim3A_60 {strides = array<i32>} : memref<64x1xf32, #tpu.memory_space<vmem>>, vector<64x1xf32>,
    } else {
    }
    %get3A = arith.constant 0 : index
    %get3A_2 = arith.constant 0 : index
    %get3A_3 = vector.load %arg3[%get3A, %get3A_2] : memref<5000x1xf32, #tpu.memory_space<vmem>>, vector<5000x1xf32>
    %get3A_4 = arith.constant 0 : index
    %get3A_5 = arith.constant 0 : index
    %get3A_6 = vector.load %arg4[%get3A_4, %get3A_5] : memref<5000x1xf32, #tpu.memory_space<vmem>>, vector<5000x1xf32>
    %add3A = arith.addf %get3A_3, %get3A_6 : vector<5000x1xf32>
    %gt3A = arith.constant 0.000000e+00 : f32
    %gt3A_7 = vector.broadcast %gt3A : f32 to vector<5000x1xf32>
    %gt3A_8 = arith.cmpf ogt, %add3A, %gt3A_7 : vector<5000x1xf32>
    %rsqrt3A = math.rsqrt %add3A : vector<5000x1xf32>
    %jit3A = arith.constant 0.000000e+00 : f32
    %broadcast_in_dim3A = vector.broadcast %jit3A : f32 to vector<5000x1xf32>
    %select_n3A = arith.select %gt3A_8, %rsqrt3A, %broadcast_in_dim3A : vector<5000x1xi1>, vector<5000x1xf32>
    %get3A_9 = arith.constant 0 : index
    %get3A_10 = arith.constant 0 : index
    %get3A_11 = vector.load %arg1[%get3A_9, %get3A_10] : memref<5000x128xf32, #tpu.memory_space<vmem>>, vector<5000x128xf32>
    %get3A_12 = arith.constant 0 : index
    %get3A_13 = arith.constant 0 : index
    %get3A_14 = vector.load %arg2[%get3A_12, %get3A_13] : memref<5000x128xf32, #tpu.memory_space<vmem>>, vector<5000x128xf32>
    %add3A_15 = arith.addf %get3A_11, %get3A_14 : vector<5000x128xf32>
    %mul3A = vector.broadcast %select_n3A : vector<5000x1xf32> to vector<5000x128xf32>
    %mul3A_16 = arith.mulf %mul3A, %add3A_15 : vector<5000x128xf32>
    %get3A_17 = arith.constant 0 : index
    %get3A_18 = arith.constant 0 : index
    %get3A_19 = vector.load %arg5[%get3A_17, %get3A_18] : memref<1x128xf32, #tpu.memory_space<vmem>>, vector<1x128xf32>
    %add3A_20 = vector.broadcast %get3A_19 : vector<1x128xf32> to vector<5000x128xf32>
    %add3A_21 = arith.addf %mul3A_16, %add3A_20 : vector<5000x128xf32>
    %max3A = arith.constant 0.000000e+00 : f32
    %max3A_22 = vector.broadcast %max3A : f32 to vector<5000x128xf32>
    %max3A_23 = arith.maximumf %add3A_21, %max3A_22 : vector<5000x128xf32>
    %iota3A = tpu.iota {dimensions = array<i32: 1>} : vector<5000x64xi32>
    %get3A_24 = arith.constant 0 : index
    %get3A_25 = arith.constant 0 : index
    %get3A_26 = vector.load %arg6[%get3A_24, %get3A_25] : memref<5000x1xi32, #tpu.memory_space<vmem>>, vector<5000x1xi32>
    %eq3A_27 = vector.broadcast %get3A_26 : vector<5000x1xi32> to vector<5000x64xi32>
    %eq3A_28 = arith.cmpi eq, %eq3A_27, %iota3A : vector<5000x64xi32>
    %convert_element_type3A_29 = arith.extui %eq3A_28 : vector<5000x64xi1> to vector<5000x64xi32>
    %convert_element_type3A_30 = arith.sitofp %convert_element_type3A_29 : vector<5000x64xi32> to vector<5000x64xf32>
    %get3A_31 = arith.constant 0 : index
    %get3A_32 = arith.constant 0 : index
    %get3A_33 = vector.load %arg10[%get3A_31, %get3A_32] : memref<64x128xf32, #tpu.memory_space<vmem>>, vector<64x128xf32>
    %dot_general3A = arith.constant dense<0.000000e+00> : vector<64x128xf32>
    %dot_general3A_34 = tpu.matmul %convert_element_type3A_30, %max3A_23, %dot_general3A {dimension_numbers = #tpu.dot_dimension_numbers<[0], [0], [1], [1], [0, 1, 1, 1], [], []>, transpose_lhs_hint = false} : vector<5000x64xf32>, vector<5000x128xf32>, vector<64x128xf32> -> vector<64x128xf32>
    %add3A_35 = arith.addf %get3A_33, %dot_general3A_34 : vector<64x128xf32>
    %swap3A = arith.constant 0 : index
    %swap3A_36 = arith.constant 0 : index
    %swap3A_37 = vector.load %arg10[%swap3A, %swap3A_36] : memref<64x128xf32, #tpu.memory_space<vmem>>, vector<64x128xf32>
    tpu.vector_store %arg10[%swap3A, %swap3A_36], %add3A_35 {strides = array<i32>} : memref<64x128xf32, #tpu.memory_space<vmem>>, vector<64x128xf32>,
    %get3A_38 = arith.constant 0 : index
    %get3A_39 = arith.constant 0 : index
    %get3A_40 = vector.load %arg11[%get3A_38, %get3A_39] : memref<64x1xf32, #tpu.memory_space<vmem>>, vector<64x1xf32>
    %broadcast_in_dim3A_41 = arith.constant 1.000000e+00 : f32
    %broadcast_in_dim3A_42 = vector.broadcast %broadcast_in_dim3A_41 : f32 to vector<5000x1xf32>
    %dot_general3A_43 = arith.constant dense<0.000000e+00> : vector<64x1xf32>
    %dot_general3A_44 = tpu.matmul %convert_element_type3A_30, %broadcast_in_dim3A_42, %dot_general3A_43 {dimension_numbers = #tpu.dot_dimension_numbers<[0], [0], [1], [1], [0, 1, 1, 1], [], []>, transpose_lhs_hint = false} : vector<5000x64xf32>, vector<5000x1xf32>, vector<64x1xf32> -> vector<64x1xf32>
    %add3A_45 = arith.addf %get3A_40, %dot_general3A_44 : vector<64x1xf32>
    %swap3A_46 = arith.constant 0 : index
    %swap3A_47 = arith.constant 0 : index
    %swap3A_48 = vector.load %arg11[%swap3A_46, %swap3A_47] : memref<64x1xf32, #tpu.memory_space<vmem>>, vector<64x1xf32>
    tpu.vector_store %arg11[%swap3A_46, %swap3A_47], %add3A_45 {strides = array<i32>} : memref<64x1xf32, #tpu.memory_space<vmem>>, vector<64x1xf32>,
    %eq3A_49 = arith.constant 1 : i32
    %eq3A_50 = arith.cmpi eq, %arg0, %eq3A_49 : i32
    %convert_element_type3A_51 = arith.extui %eq3A_50 : i1 to i32
    %cond3A_52 = arith.constant 0 : i32
    %cond3A_53 = arith.cmpi ne, %convert_element_type3A_51, %cond3A_52 : i32
    scf.if %cond3A_53 {
      %get3A_54 = arith.constant 0 : index
      %get3A_55 = arith.constant 0 : index
      %get3A_56 = vector.load %arg10[%get3A_54, %get3A_55] : memref<64x128xf32, #tpu.memory_space<vmem>>, vector<64x128xf32>
      %get3A_57 = arith.constant 0 : index
      %get3A_58 = arith.constant 0 : index
      %get3A_59 = vector.load %arg11[%get3A_57, %get3A_58] : memref<64x1xf32, #tpu.memory_space<vmem>>, vector<64x1xf32>
      %max3A_60 = arith.constant 1.000000e+00 : f32
      %max3A_61 = vector.broadcast %max3A_60 : f32 to vector<64x1xf32>
      %max3A_62 = arith.maximumf %get3A_59, %max3A_61 : vector<64x1xf32>
      %div3A = vector.broadcast %max3A_62 : vector<64x1xf32> to vector<64x128xf32>
      %div3A_63 = arith.divf %get3A_56, %div3A : vector<64x128xf32>
      %get3A_64 = arith.constant 0 : index
      %get3A_65 = arith.constant 0 : index
      %get3A_66 = vector.load %arg7[%get3A_64, %get3A_65] : memref<128x1xf32, #tpu.memory_space<vmem>>, vector<128x1xf32>
      %dot_general3A_67 = arith.constant dense<0.000000e+00> : vector<64x1xf32>
      %dot_general3A_68 = tpu.matmul %div3A_63, %get3A_66, %dot_general3A_67 {dimension_numbers = #tpu.dot_dimension_numbers<[1], [0], [0], [1], [0, 0, 1, 1], [], []>, transpose_lhs_hint = false} : vector<64x128xf32>, vector<128x1xf32>, vector<64x1xf32> -> vector<64x1xf32>
      %get3A_69 = arith.constant 0 : index
      %get3A_70 = arith.constant 0 : index
      %get3A_71 = vector.load %arg8[%get3A_69, %get3A_70] : memref<1x1xf32, #tpu.memory_space<vmem>>, vector<1x1xf32>
      %add3A_72 = vector.broadcast %get3A_71 : vector<1x1xf32> to vector<64x1xf32>
      %add3A_73 = arith.addf %dot_general3A_68, %add3A_72 : vector<64x1xf32>
      %swap3A_74 = arith.constant 0 : index
      %swap3A_75 = arith.constant 0 : index
      %swap3A_76 = vector.load %arg9[%swap3A_74, %swap3A_75] : memref<64x1xf32, #tpu.memory_space<vmem>>, vector<64x1xf32>
      tpu.vector_store %arg9[%swap3A_74, %swap3A_75], %add3A_73 {strides = array<i32>} : memref<64x1xf32, #tpu.memory_space<vmem>>, vector<64x1xf32>,
    } else {
    }
    return
  }
  func.func @transform_0(%arg0: i32) -> (i32, i32) {
    %c0_i32 = arith.constant 0 : i32
    %c0_i32_0 = arith.constant 0 : i32
    return %arg0, %c0_i32 : i32, i32
  }
  func.func @transform_1(%arg0: i32) -> (i32, i32) {
    %add3A = arith.constant 2 : i32
    %add3A_0 = arith.addi %arg0, %add3A : i32
    %c0_i32 = arith.constant 0 : i32
    %c0_i32_1 = arith.constant 0 : i32
    return %add3A_0, %c0_i32 : i32, i32
  }
  func.func @transform_2(%arg0: i32) -> (i32, i32) {
    %c0_i32 = arith.constant 0 : i32
    %c0_i32_0 = arith.constant 0 : i32
    return %arg0, %c0_i32 : i32, i32
  }
  func.func @transform_3(%arg0: i32) -> (i32, i32) {
    %add3A = arith.constant 2 : i32
    %add3A_0 = arith.addi %arg0, %add3A : i32
    %c0_i32 = arith.constant 0 : i32
    %c0_i32_1 = arith.constant 0 : i32
    return %add3A_0, %c0_i32 : i32, i32
  }
  func.func @transform_4(%arg0: i32) -> (i32, i32) {
    %c0_i32 = arith.constant 0 : i32
    %c0_i32_0 = arith.constant 0 : i32
    %c0_i32_1 = arith.constant 0 : i32
    return %c0_i32, %c0_i32_0 : i32, i32
  }
  func.func @transform_5(%arg0: i32) -> (i32, i32) {
    %c0_i32 = arith.constant 0 : i32
    %c0_i32_0 = arith.constant 0 : i32
    return %arg0, %c0_i32 : i32, i32
  }
  func.func @transform_6(%arg0: i32) -> (i32, i32) {
    %c0_i32 = arith.constant 0 : i32
    %c0_i32_0 = arith.constant 0 : i32
    %c0_i32_1 = arith.constant 0 : i32
    return %c0_i32, %c0_i32_0 : i32, i32
  }
  func.func @transform_7(%arg0: i32) -> (i32, i32) {
    %c0_i32 = arith.constant 0 : i32
    %c0_i32_0 = arith.constant 0 : i32
    %c0_i32_1 = arith.constant 0 : i32
    return %c0_i32, %c0_i32_0 : i32, i32
  }
  func.func @transform_8(%arg0: i32) -> (i32, i32) {
    %c0_i32 = arith.constant 0 : i32
    %c0_i32_0 = arith.constant 0 : i32
    %c0_i32_1 = arith.constant 0 : i32
    return %c0_i32, %c0_i32_0 : i32, i32
  }
}

</mosaic_0001>

<sc_bundles>
// kernel: kernel.11.cloned.1.call-start
scs
__scs_entry_jumppad:
0x0: {  	(pc) =	sbr.rel $0x88, $3  }
0x1: {  	(tag) =	ssettag $0x0;
	lr =	simm.s32 $0x1  }
0x2: {  	[smem:$0x3F98] =	sst lr;
	_ =	strace $0xD0000000  }
0x3: {  	_ = 	snop  }
0x4: {  	_ = 	snop  }
0x5: {  	_ = 	snop  }
0x6: {  	_ = 	snop  }
0x7: {  	_ = 	snop  }
__scs_overlays_trampoline_lowered:
0x8: {  	[smem:$0x3FA7] =	sst s0  }
0x9: {  	[smem:$0x3FA8] =	sst s1  }
0xa: {  	[smem:$0x3FA9] =	sst s2  }
0xb: {  	[smem:$0x3FAA] =	sst s3  }
0xc: {  	[smem:$0x3FAB] =	sst s4  }
0xd: {  	[smem:$0x3FAC] =	sst s5  }
0xe: {  	[smem:$0x3FAD] =	sst s6  }
0xf: {  	[smem:$0x3FAE] =	sst s7  }
0x10: {  	[smem:$0x3FAF] =	sst s8  }
0x11: {  	[smem:$0x3FB0] =	sst s9;
	s0 =	simm.s32 @!p0 $0x0  }
0x12: {  	s1 =	sld [smem:$0x3F96];
	s0 =	simm.s32 @p0 $0x1  }
0x13: {  	[smem:$0x3FB1] =	sst s0;
	s0 =	simm.s32 @!p1 $0x0  }
0x14: {  	s2 =	sld [smem:$0x3F95];
	s0 =	simm.s32 @p1 $0x1  }
0x15: {  	[smem:$0x3FB2] =	sst s0;
	s0 =	simm.s32 @!p2 $0x0  }
0x16: {  	s3 =	sld [smem:$0x3FDB];
	s0 =	simm.s32 @p2 $0x1  }
0x17: {  	s4 =	simm.s32 $0x1BF5;
	[smem:$0x3FB4] =	sst s0  }
0x18: {  	s0 =	sld [smem:$0x3F97];
	_ =	swait.ge [sflag:s4], $0x0  }
0x19: {  	s7 =	sld [smem:$0x3F98]  }
0x1a: {  	s8 =	sadd.s32 $0xFFFFE003, lr  }
0x1b: {  	s9 =	sadd.s32 $0xFFFFFEF7, lr;
	s5 =	simm.s32 $0xFFFFFFFF;
	p2 =	slt.u32 s8, $0xFFFFF086  }
0x1c: {  	p1 =	slt.u32 s9, $0xF7A;
	s5 =	simm.s32 @!p2 $0x0  }
0x1d: {  	s5 =	simm.s32 @p1 $0x1;
	p0 =	seq.s32 s7, s2  }
0x1e: {  	s7 =	smul.u32 @!p0 $0xF7A, s2;
	p2 =	seq.s32 @!p0 s5, $0x0  }
0x1f: {  	s9 =	smul.u32 $0xF7A, s1;
	s8 =	simm.s32 @!p0 $0x1BF5;
	p2 =	por !p2, p0  }
0x20: {  	[sflag:s8] =	ssyncset.s32 @!p0 $0xFFFFF086;
	s6 =	sadd.s32 @!p0 s3, s7;
	s7 =	simm.s32 @!p0 $0x108  }
0x21: {  	s3 =	sadd.s32 s3, s9;
	s6 =	sadd.s32 @!p0 $0x88, s6;
	s7 =	simm.s32 @p2 $0x1082  }
0x22: {  	[simem:s7], [sflag:s8] =	dma.local @!p0 [hbm:s6], $0xF7A  }
0x23: {  	s9 =	sor.u32 $0xD0000000, s2;
	s6 =	simm.s32 $0x108;
	_ =	swait.ge @!p0 [sflag:s8], $0x0  }
0x24: {  	s3 =	sadd.s32 $0x88, s3;
	s6 =	simm.s32 @!p1 $0x1082;
	[sflag:s4] =	ssyncset.s32 $0xFFFFF086  }
0x25: {  	[simem:s6], [sflag:s4] =	dma.local [hbm:s3], $0xF7A  }
0x26: {  	[smem:$0x3F98] =	sst s1;
	(tag) =	ssettag s2;
	_ =	strace s9  }
0x27: {  	s1 =	sld [smem:$0x3FA8]  }
0x28: {  	s2 =	sld [smem:$0x3FA9]  }
0x29: {  	s4 =	sld [smem:$0x3FAB]  }
0x2a: {  	p0 =	seq.s32 s5, $0x0;
	s5 =	sld [smem:$0x3FAC]  }
0x2b: {  	s6 =	sld [smem:$0x3FAD]  }
0x2c: {  	s7 =	sld [smem:$0x3FAE]  }
0x2d: {  	s3 =	simm.s32 $0x108;
	s8 =	sld [smem:$0x3FAF]  }
0x2e: {  	s3 =	simm.s32 @!p0 $0x1082;
	s9 =	sld [smem:$0x3FB0]  }
0x2f: {  	lr =	sadd.s32 s0, s3;
	s0 =	sld [smem:$0x3FA7]  }
0x30: {  	s3 =	sld [smem:$0x3FAA]  }
0x31: {  	[smem:$0x3FB3] =	sst s10  }
0x32: {  	s10 =	sld [smem:$0x3FB1];
	_ =	sdelay $0x3  }
0x33: {  	p0 =	seq.s32 s10, $0x1;
	s10 =	sld [smem:$0x3FB3];
	_ =	sdelay $0x3  }
0x34: {  	[smem:$0x3FB3] =	sst s10  }
0x35: {  	s10 =	sld [smem:$0x3FB2];
	_ =	sdelay $0x3  }
0x36: {  	p1 =	seq.s32 s10, $0x1;
	s10 =	sld [smem:$0x3FB3];
	_ =	sdelay $0x3  }
0x37: {  	[smem:$0x3FB3] =	sst s10  }
0x38: {  	s10 =	sld [smem:$0x3FB4]  }
0x39: {  	_ = 	snop;
	(pc) =	sbr.ind lr, $3  }
0x3a: {  	_ = 	snop  }
0x3b: {  	_ = 	snop  }
0x3c: {  	p2 =	seq.s32 s10, $0x1;
	s10 =	sld [smem:$0x3FB3]  }
0x3d: {  	_ =	shalt  }
0x3e: {  	_ =	shalt  }
0x3f: {  	_ =	shalt  }
0x40: {  	_ =	shalt  }
0x41: {  	_ =	shalt  }
0x42: {  	_ =	shalt  }
0x43: {  	_ =	shalt  }
0x44: {  	_ =	shalt  }
0x45: {  	_ =	shalt  }
0x46: {  	_ =	shalt  }
0x47: {  	_ =	shalt  }
0x48: {  	_ =	shalt  }
0x49: {  	_ =	shalt  }
0x4a: {  	_ =	shalt  }
0x4b: {  	_ =	shalt  }
0x4c: {  	_ =	shalt  }
0x4d: {  	_ =	shalt  }
0x4e: {  	_ =	shalt  }
0x4f: {  	_ =	shalt  }
0x50: {  	_ =	shalt  }
0x51: {  	_ =	shalt  }
0x52: {  	_ =	shalt  }
0x53: {  	_ =	shalt  }
0x54: {  	_ =	shalt  }
0x55: {  	_ =	shalt  }
0x56: {  	_ =	shalt  }
0x57: {  	_ =	shalt  }
0x58: {  	_ =	shalt  }
0x59: {  	_ =	shalt  }
0x5a: {  	_ =	shalt  }
0x5b: {  	_ =	shalt  }
0x5c: {  	_ =	shalt  }
0x5d: {  	_ =	shalt  }
0x5e: {  	_ =	shalt  }
0x5f: {  	_ =	shalt  }
0x60: {  	_ =	shalt  }
0x61: {  	_ =	shalt  }
0x62: {  	_ =	shalt  }
0x63: {  	_ =	shalt  }
0x64: {  	_ =	shalt  }
0x65: {  	_ =	shalt  }
0x66: {  	_ =	shalt  }
0x67: {  	_ =	shalt  }
0x68: {  	_ =	shalt  }
0x69: {  	_ =	shalt  }
0x6a: {  	_ =	shalt  }
0x6b: {  	_ =	shalt  }
0x6c: {  	_ =	shalt  }
0x6d: {  	_ =	shalt  }
0x6e: {  	_ =	shalt  }
0x6f: {  	_ =	shalt  }
0x70: {  	_ =	shalt  }
0x71: {  	_ =	shalt  }
0x72: {  	_ =	shalt  }
0x73: {  	_ =	shalt  }
0x74: {  	_ =	shalt  }
0x75: {  	_ =	shalt  }
0x76: {  	_ =	shalt  }
0x77: {  	_ =	shalt  }
0x78: {  	_ =	shalt  }
0x79: {  	_ =	shalt  }
0x7a: {  	_ =	shalt  }
0x7b: {  	_ =	shalt  }
0x7c: {  	_ =	shalt  }
0x7d: {  	_ =	shalt  }
0x7e: {  	_ =	shalt  }
0x7f: {  	_ =	shalt  }
0x80: {  	_ =	shalt  }
0x81: {  	_ =	shalt  }
0x82: {  	_ =	shalt  }
0x83: {  	_ =	shalt  }
0x84: {  	_ =	shalt  }
0x85: {  	_ =	shalt  }
0x86: {  	_ =	shalt  }
0x87: {  	_ =	shalt  }
.Lfunc_end0:
.L_simem_size_0:
called_computation.1_lowered:
.L_overlay_start_0:
0x88: {  	s2 =	sld [smem:$0x3FD9]  }
0x89: {  	s3 =	sld [smem:$0x3FFE];
	_ =	sdelay $0x1  }
0x8a: {  	s1 =	srdreg.scid  }
0x8b: {  	s0 =	sand.u32 $0x1, s1  }
0x8c: {  	s16 =	sshll.u32 s0, $0xA;
	s2 =	sadd.s32 s3, s2  }
0x8d: {  	s2 =	sadd.s32 s2, s16  }
0x8e: {  	[smem:$0x3FBF] =	sst s2  }
0x8f: {  	_ = 	snop  }
0x90: {  	(tm) =	ssettm $0x1  }
0x91: {  	s17 =	sld [smem:$0x3FFB];
	_ =	sdelay $0x3  }
0x92: {  	_ =	strace s17  }
0x93: {  	s2 =	sld [smem:$0x3FFC];
	_ =	sdelay $0x3  }
0x94: {  	_ =	strace s2  }
0x95: {  	s2 =	sld [smem:$0x3FFD];
	_ =	sdelay $0x3  }
0x96: {  	_ =	strace s2  }
0x97: {  	_ =	strace $0x8FFFFFFF  }
0x98: {  	s18 =	sld [smem:$0x3FDB];
	_ =	sdelay $0x1  }
0x99: {  	s19 =	simm.s32 $_scs_section_size  }
0x9a: {  	s4 =	simm.s32 $_size__tile_overlayer_lowered;
	s5 =	simm.s32 $_tile_overlayer_lowered  }
0x9b: {  	s22 =	simm.s32 $0x1BFF;
	s21 =	sshll.u32 s5, $0x1;
	s2 =	sadd.s32 s19, s18  }
0x9c: {  	s6 =	simm.s32 $0x0;
	s20 =	sshll.u32 s4, $0x1;
	s4 =	sadd.s32 s21, s2  }
0x9d: {  	[timem:s6], [sflag:s22] =	dma.local [hbm:s4], s20  }
0x9e: {  	_ =	swait.ge [sflag:s22], s20  }
0x9f: {  	s3 =	ssub.s32 $0x0, s20;
	[sflag:s22] =	ssyncset.done $0x0  }
0xa0: {  	[sflag:s22] =	ssyncadd.s32 s3;
	_ =	sdelay $0x1  }
0xa1: {  	s23 =	simm.s32 $0x1B8B  }
0xa2: {  	_ =	swait.ge [sflag:s23], $0x1  }
0xa3: {  	[sflag:s23] =	ssyncset.done $0x0  }
0xa4: {  	s25 =	simm.s32 $0x1B8E;
	s24 =	sld [smem:$0x3FFE];
	[sflag:s23] =	ssyncadd.s32 $0xFFFFFFFF  }
0xa5: {  	s26 =	simm.s32 $execute0_lowered;
	[smem:$0x3FD2] =	sst s25  }
0xa6: {  	s4 =	sshll.u32 s26, $0x1;
	_ =	strace $0x80000049;
	[dreg:$0x1] =	wrdreg $0xFFFFFFFF  }
0xa7: {  	s28 =	simm.s32 $_size_execute0_lowered;
	s2 =	sadd.s32 s2, s4;
	[dreg:$0x0] =	wrdreg $0x0  }
0xa8: {  	s4 =	sshll.u32 s28, $0x1;
	[dreg:$0x2] =	wrdreg s2  }
0xa9: {  	[dreg:$0x3] =	wrdreg s4  }
0xaa: {  	[dreg:$0x4] =	wrdreg $0xC0  }
0xab: {  	_ =	task [dreg:s6], $0x5FFFF  }
0xac: {  	[dreg:$0x1] =	wrdreg $0xFFFFFFFF  }
0xad: {  	[dreg:$0x0] =	wrdreg $0x60  }
0xae: {  	[dreg:$0x2] =	wrdreg s24  }
0xaf: {  	[dreg:$0x3] =	wrdreg $0xA8000  }
0xb0: {  	[dreg:$0x4] =	wrdreg $0x9  }
0xb1: {  	_ =	task.clear_ibuf [dreg:s6], $0x5FFFF;
	_ =	strace $0x90000049  }
0xb2: {  	s29 =	simm.s32 $0x9;
	_ =	strace $0x8000004B  }
0xb3: {  	_ =	swait.ge [sflag:s29], $0x1  }
0xb4: {  	[sflag:s29] =	ssyncadd.s32 $0xFFFFFFFF  }
0xb5: {  	_ =	strace $0x9000004B  }
0xb6: {  	_ =	sfence  }
0xb7: {  	s30 =	sld [smem:$0x0];
	_ =	sdelay $0x2  }
0xb8: {  	s31 =	sshll.u32 s1, $0xD;
	s1 =	sshrl.u32 s1, $0x2  }
0xb9: {  	s3 =	sand.u32 $0x4000, s31;
	s1 =	sadd.s32 s1, s30  }
0xba: {  	s0 =	sor.u32 s3, s0;
	s1 =	sshll.u32 s1, $0x11  }
0xbb: {  	s0 =	sor.u32 s1, s0  }
0xbc: {  	s0 =	sadd.s32 $0x8F2B, s0  }
0xbd: {  	[sflag:s0] =	ssyncadd.remote.s32 $0x1  }
0xbe: {  	_ =	sfence.sel $0xFFFF  }
0xbf: {  	[dreg:$0x0] =	wrdreg $0xFFFFFFFF;
	(pc) =	sbr.abs _section_cstart, $3  }
0xc0: {  	[dreg:$0x1] =	wrdreg $0xFFFFFFFF  }
0xc1: {  	_ =	task.clear_ibuf [dreg:s6], $0x2FFFF;
	_ =	strace $0x9FFFFFFF  }
0xc2: {  	(tm) =	ssettm $0x7FFFFFFF  }
0xc3: {  	_ =	shalt  }
tec
execute0_lowered:
.L_overlay_start_1:
0x0: {  	(tag) =	ssettag $0x1  }
0x1: {  	s0 =	rddreg [dreg:$0x0]  }
0x2: {  	s1 =	rddreg [dreg:$0x1]  }
0x3: {  	s2 =	simm.s32 $0x0;
	s3 =	srdreg.scid;
	s19 =	stileid.u32  }
0x4: {  	s28 =	simm.s32 $0x2700;
	s29 =	simm.s32 $0x2780;
	s25 =	smul.u32 $0x19000, s19  }
0x5: {  	s30 =	simm.s32 $0x0;
	s12 =	sor.u32 $0x10, s19;
	s21 =	smul.u32 $0xC8, s19  }
0x6: {  	[smem:$0x7FF] =	sst s2;
	s13 =	sor.u32 $0x20, s19;
	s26 =	smul.u32 $0x19000, s12  }
0x7: {  	s3 =	sand.u32 $0x1, s3;
	s15 =	sor.u32 $0x30, s19;
	s31 =	smul.u32 $0x19000, s13  }
0x8: {  	s4 =	sadd.s32 $0x64600, s0;
	s6 =	sadd.s32 $0xC400, s0;
	s16 =	smul.u32 $0x19000, s15  }
0x9: {  	s5 =	sshll.u32 s3, $0x4;
	s7 =	ssub.s32 $0x2, s3;
	s3 =	smul.u32 $0x2710, s3  }
0xa: {  	s8 =	sadd.s32 $0x2400, s0;
	p0 =	sgt.u32 s19, $0x1;
	s23 =	smul.u32 $0xC8, s12  }
0xb: {  	_ =	strace $0x8000004A;
	s15 =	smul.u32 $0xC8, s15;
	s5 =	sor.u32 s19, s5  }
0xc: {  	s9 =	sshrl.u32 s7, $0x1;
	s19 =	simm.s32 $0x3;
	s10 =	smul.u32 $0x2800, s5  }
0xd: {  	s5 =	sadd.s32 $0x8B800, s0;
	s0 =	sadd.s32 $0x8C600, s0;
	s20 =	sshrl.u32 s16, $0x2  }
0xe: {  	s7 =	ssub.s32 s7, s9;
	s18 =	sshrl.u32 s31, $0x2;
	s22 =	sadd.s32 s20, s1  }
0xf: {  	s20 =	simm.s32 $0x1400;
	s24 =	sshrl.u32 s10, $0x3;
	s10 =	sshrl.u32 s25, $0x2  }
0x10: {  	[dreg:$0x8] =	wrdreg s22;
	s25 =	sadd.s32 s3, s23;
	s11 =	sadd.s32 s6, s24  }
0x11: {  	s22 =	simm.s32 $0x2800;
	s14 =	sadd.s32 s8, s24;
	[dreg:$0x3] =	wrdreg s11  }
0x12: {  	s23 =	simm.s32 $0x6800;
	s10 =	sadd.s32 s10, s1;
	[dreg:$0x4] =	wrdreg s14  }
0x13: {  	s9 =	sadd.s32 $0x280, s24;
	s11 =	sshrl.u32 s26, $0x2;
	[dreg:$0x5] =	wrdreg s10  }
0x14: {  	s10 =	sadd.s32 s18, s1;
	s14 =	sadd.s32 s21, s3;
	s6 =	sadd.s32 s6, s9  }
0x15: {  	s18 =	smax.u32 s7, $0x1;
	s21 =	simm.s32 $0x80;
	[dreg:$0x7] =	wrdreg s10  }
0x16: {  	s17 =	sadd.s32 s11, s1;
	[dreg:$0x9] =	wrdreg s6;
	s24 =	sshll.u32 s14, $0x4  }
0x17: {  	s6 =	sshll.u32 s25, $0x4;
	[dreg:$0x6] =	wrdreg s17;
	s17 =	smul.u32 $0xC8, s13  }
0x18: {  	s25 =	simm.s32 $0x2;
	s13 =	sadd.s32 s8, s9;
	s14 =	sadd.s32 s0, s24  }
0x19: {  	s24 =	simm.s32 $0x1;
	s26 =	sadd.s32 s3, s17;
	s3 =	sadd.s32 s3, s15  }
0x1a: {  	s15 =	sadd.s32 s0, s6;
	s31 =	sshll.u32 s26, $0x4;
	s3 =	sshll.u32 s3, $0x4  }
0x1b: {  	s26 =	simm.s32 $0x1380;
	s16 =	sadd.s32 s0, s31;
	s17 =	sadd.s32 s0, s3  }
.LBB2_1:
0x1c: {  	s0 =	rddreg [dreg:$0x3]  }
0x1d: {  	[tilespmem:s2], [sflag:$0x3] =	stream.linear.gather [hbm4b:s0+s2], $0x1400, $0x38;
	[tilespmem:$0x1E100] =	vst v63  }
0x1e: {  	_ =	swait.ge [sflag:s19], $0x1400  }
0x1f: {  	[sflag:s19] =	ssyncset.done $0x0  }
0x20: {  	s6 =	rddreg [dreg:$0x4];
	[sflag:s19] =	ssyncadd.s32 $0xFFFFEC00  }
0x21: {  	[tilespmem:s20], [sflag:$0x3] =	stream.linear.gather [hbm4b:s6+s2], $0x1400, $0x38;
	[tilespmem:$0x1E100] =	vst v63  }
0x22: {  	s7 =	stileid.u32;
	_ =	swait.ge [sflag:s19], $0x1400  }
0x23: {  	s0 =	sshll.u32 s7, $0x6;
	[sflag:s19] =	ssyncset.done $0x0;
	s8 =	rddreg [dreg:$0x5]  }
0x24: {  	s31 =	sor.u32 $0x1C03, s0;
	[sflag:s19] =	ssyncadd.s32 $0xFFFFEC00;
	s0 =	sshrl.u32 s8, $0x3  }
0x25: {  	[tilespmem:s22], [sflag:$0x1] =	stream.indirect.gather [hbm4b:s4+s21], $0x80, s2, s21, $0xb8;
	[tilespmem:$0x1E100] =	vst v63  }
0x26: {  	[spmem:s0], [sflag:s31] =	dma.local [hbm:s5], $0xC80  }
0x27: {  	_ =	swait.ge [sflag:s19], $0xC80  }
0x28: {  	[sflag:s19] =	ssyncset.done $0x0;
	s3 =	rddreg [dreg:$0x6]  }
0x29: {  	[sflag:s19] =	ssyncadd.s32 $0xFFFFF380;
	s3 =	sshrl.u32 s3, $0x3  }
0x2a: {  	[spmem:s3], [sflag:s31] =	dma.local [hbm:s5], $0xC80  }
0x2b: {  	_ =	swait.ge [sflag:s19], $0xC80  }
0x2c: {  	[sflag:s19] =	ssyncset.done $0x0;
	s6 =	rddreg [dreg:$0x7]  }
0x2d: {  	[sflag:s19] =	ssyncadd.s32 $0xFFFFF380;
	s6 =	sshrl.u32 s6, $0x3  }
0x2e: {  	[spmem:s6], [sflag:s31] =	dma.local [hbm:s5], $0xC80  }
0x2f: {  	_ =	swait.ge [sflag:s19], $0xC80  }
0x30: {  	[sflag:s19] =	ssyncset.done $0x0;
	s7 =	rddreg [dreg:$0x8]  }
0x31: {  	s8 =	simm.s32 @!p0 $0x3;
	[sflag:s19] =	ssyncadd.s32 $0xFFFFF380;
	s7 =	sshrl.u32 @!p0 s7, $0x3  }
0x32: {  	[spmem:s7], [sflag:s31] =	dma.local @!p0 [hbm:s5], $0xC80  }
0x33: {  	_ =	swait.ge @!p0 [sflag:s8], $0xC80  }
0x34: {  	[sflag:s8] =	ssyncset.done @!p0 $0x0  }
0x35: {  	[sflag:s8] =	ssyncadd.s32 @!p0 $0xFFFFF380  }
0x36: {  	s9 =	simm.s32 $0x80;
	[bflag:$0x0] =	sbarrier.arrive $0xFFFF  }
0x37: {  	[tilespmem:s23], [sflag:$0x2] =	stream.indirect.gather [hbm4b:s4+s21], $0x80, s9, s21, $0xb8;
	[tilespmem:$0x1E100] =	vst v63  }
0x38: {  	_ =	swait.ge [sflag:s24], $0x4000  }
0x39: {  	[sflag:s24] =	ssyncset.done $0x0  }
0x3a: {  	s10 =	simm.s32 $0x1400;
	[sflag:s24] =	ssyncadd.s32 $0xFFFFC000  }
0x3b: {  	[spmem:s1] =	stream.indirect.scatter.add.f32 [tilespmem:s22], [sflag:$0x3], $0x80, s10, s21, $0xb8;
	[tilespmem:$0x1E100] =	vst v63  }
0x3c: {  	_ =	swait.ge [sflag:s19], $0x4000  }
0x3d: {  	[sflag:s19] =	ssyncset.done $0x0  }
0x3e: {  	s11 =	simm.s32 $0x100;
	[sflag:s19] =	ssyncadd.s32 $0xFFFFC000  }
0x3f: {  	[tilespmem:s22], [sflag:$0x1] =	stream.indirect.gather [hbm4b:s4+s21], $0x80, s11, s21, $0xb8;
	[tilespmem:$0x1E100] =	vst v63  }
0x40: {  	_ =	swait.ge [sflag:s25], $0x4000  }
0x41: {  	[sflag:s25] =	ssyncset.done $0x0  }
0x42: {  	s12 =	simm.s32 $0x1480;
	[sflag:s25] =	ssyncadd.s32 $0xFFFFC000  }
0x43: {  	[spmem:s1] =	stream.indirect.scatter.add.f32 [tilespmem:s23], [sflag:$0x3], $0x80, s12, s21, $0xb8;
	[tilespmem:$0x1E100] =	vst v63  }
0x44: {  	_ =	swait.ge [sflag:s19], $0x4000  }
0x45: {  	s8 =	simm.s32 $0x100;
	s9 =	simm.s32 $0x800;
	[sflag:s19] =	ssyncset.done $0x0  }
.LBB2_2:
0x46: {  	s10 =	sadd.s32 $0x80, s8  }
0x47: {  	[sflag:s19] =	ssyncadd.s32 $0xFFFFC000;
	s11 =	smov.u32 s9;
	s12 =	sadd.s32 $0x400, s9  }
0x48: {  	[tilespmem:s23], [sflag:$0x2] =	stream.indirect.gather [hbm4b:s4+s21], $0x80, s10, s21, $0xb8;
	[tilespmem:$0x1E100] =	vst v63  }
0x49: {  	p1 =	sne.s32 s9, $0x4800;
	_ =	swait.ge [sflag:s24], $0x4000  }
0x4a: {  	[sflag:s24] =	ssyncset.done $0x0  }
0x4b: {  	s9 =	sadd.s32 $0x1400, s8;
	[sflag:s24] =	ssyncadd.s32 $0xFFFFC000  }
0x4c: {  	[spmem:s1] =	stream.indirect.scatter.add.f32 [tilespmem:s22], [sflag:$0x3], $0x80, s9, s21, $0xb8;
	[tilespmem:$0x1E100] =	vst v63  }
0x4d: {  	_ =	swait.ge [sflag:s19], $0x4000  }
0x4e: {  	[sflag:s19] =	ssyncset.done $0x0  }
0x4f: {  	s9 =	sadd.s32 $0x100, s8;
	[sflag:s19] =	ssyncadd.s32 $0xFFFFC000  }
0x50: {  	[tilespmem:s22], [sflag:$0x1] =	stream.indirect.gather [hbm4b:s4+s21], $0x80, s9, s21, $0xb8;
	[tilespmem:$0x1E100] =	vst v63  }
0x51: {  	_ =	swait.ge [sflag:s25], $0x4000  }
.Ltmp0:
0x52: {  	[sflag:s25] =	ssyncset.done $0x0;
	(pc) =	sbr.rel @p1 .LBB2_2-.Ltmp0, $4  }
0x53: {  	s8 =	sadd.s32 $0x1480, s8;
	[sflag:s25] =	ssyncadd.s32 $0xFFFFC000  }
0x54: {  	[spmem:s1] =	stream.indirect.scatter.add.f32 [tilespmem:s23], [sflag:$0x3], $0x80, s8, s21, $0xb8;
	[tilespmem:$0x1E100] =	vst v63  }
0x55: {  	_ =	swait.ge [sflag:s19], $0x4000  }
0x56: {  	s9 =	smov.u32 s12;
	s8 =	sshra.s32 s11, $0x2;
	[sflag:s19] =	ssyncset.done $0x0  }
0x57: {  	s9 =	sadd.s32 $0x80, s8;
	[sflag:s19] =	ssyncadd.s32 $0xFFFFC000  }
0x58: {  	[tilespmem:s23], [sflag:$0x2] =	stream.indirect.gather [hbm4b:s4+s21], $0x80, s9, s21, $0xb8;
	[tilespmem:$0x1E100] =	vst v63  }
0x59: {  	_ =	swait.ge [sflag:s24], $0x4000  }
0x5a: {  	[sflag:s24] =	ssyncset.done $0x0  }
0x5b: {  	s11 =	sadd.s32 $0x1400, s8;
	[sflag:s24] =	ssyncadd.s32 $0xFFFFC000  }
0x5c: {  	[spmem:s1] =	stream.indirect.scatter.add.f32 [tilespmem:s22], [sflag:$0x3], $0x80, s11, s21, $0xb8;
	[tilespmem:$0x1E100] =	vst v63  }
0x5d: {  	_ =	swait.ge [sflag:s19], $0x4000  }
0x5e: {  	[sflag:s19] =	ssyncset.done $0x0  }
0x5f: {  	s12 =	sadd.s32 $0x100, s8;
	[sflag:s19] =	ssyncadd.s32 $0xFFFFC000  }
0x60: {  	[tilespmem:s22], [sflag:$0x1] =	stream.indirect.gather [hbm4b:s4+s21], $0x80, s12, s21, $0xb8;
	[tilespmem:$0x1E100] =	vst v63  }
0x61: {  	_ =	swait.ge [sflag:s25], $0x4000  }
0x62: {  	[sflag:s25] =	ssyncset.done $0x0  }
0x63: {  	s10 =	sadd.s32 $0x1480, s8;
	[sflag:s25] =	ssyncadd.s32 $0xFFFFC000  }
0x64: {  	[spmem:s1] =	stream.indirect.scatter.add.f32 [tilespmem:s23], [sflag:$0x3], $0x80, s10, s21, $0xb8;
	[tilespmem:$0x1E100] =	vst v63  }
0x65: {  	_ =	swait.ge [sflag:s19], $0x4000  }
0x66: {  	[sflag:s19] =	ssyncset.done $0x0  }
0x67: {  	[sflag:s19] =	ssyncadd.s32 $0xFFFFC000  }
0x68: {  	[tilespmem:s23], [sflag:$0x2] =	stream.indirect.gather [hbm4b:s4+s21], $0x80, s26, s21, $0xb8;
	[tilespmem:$0x1E100] =	vst v63  }
0x69: {  	_ =	swait.ge [sflag:s24], $0x4000  }
0x6a: {  	[sflag:s24] =	ssyncset.done $0x0  }
0x6b: {  	[sflag:s24] =	ssyncadd.s32 $0xFFFFC000  }
0x6c: {  	[spmem:s1] =	stream.indirect.scatter.add.f32 [tilespmem:s22], [sflag:$0x3], $0x80, s28, s21, $0xb8;
	[tilespmem:$0x1E100] =	vst v63  }
0x6d: {  	_ =	swait.ge [sflag:s19], $0x4000  }
0x6e: {  	[sflag:s19] =	ssyncset.done $0x0  }
0x6f: {  	[sflag:s19] =	ssyncadd.s32 $0xFFFFC000  }
0x70: {  	_ =	swait.ge [sflag:s25], $0x4000  }
0x71: {  	[sflag:s25] =	ssyncset.done $0x0  }
0x72: {  	[sflag:s25] =	ssyncadd.s32 $0xFFFFC000  }
0x73: {  	[spmem:s1] =	stream.indirect.scatter.add.f32 [tilespmem:s23], [sflag:$0x3], $0x80, s29, s21, $0xb8;
	[tilespmem:$0x1E100] =	vst v63  }
0x74: {  	_ =	swait.ge [sflag:s19], $0x4000  }
0x75: {  	[sflag:s19] =	ssyncset.done $0x0  }
0x76: {  	s11 =	simm.s32 $0x0;
	s12 =	rddreg [dreg:$0x9];
	[sflag:s19] =	ssyncadd.s32 $0xFFFFC000  }
0x77: {  	[tilespmem:s11], [sflag:$0x3] =	stream.linear.gather [hbm4b:s12+s11], $0x1400, $0x38;
	[tilespmem:$0x1E100] =	vst v63  }
0x78: {  	_ =	swait.ge [sflag:s19], $0x1400  }
0x79: {  	[sflag:s19] =	ssyncset.done $0x0  }
0x7a: {  	[sflag:s19] =	ssyncadd.s32 $0xFFFFEC00  }
0x7b: {  	[tilespmem:s20], [sflag:$0x3] =	stream.linear.gather [hbm4b:s13+s11], $0x1400, $0x38;
	[tilespmem:$0x1E100] =	vst v63  }
0x7c: {  	_ =	swait.ge [sflag:s19], $0x1400  }
0x7d: {  	[sflag:s19] =	ssyncset.done $0x0  }
0x7e: {  	[sflag:s19] =	ssyncadd.s32 $0xFFFFEC00  }
0x7f: {  	[tilespmem:s22], [sflag:$0x1] =	stream.indirect.gather [hbm4b:s4+s21], $0x80, s11, s21, $0xb8;
	[tilespmem:$0x1E100] =	vst v63  }
0x80: {  	s9 =	simm.s32 $0x80  }
0x81: {  	[tilespmem:s23], [sflag:$0x2] =	stream.indirect.gather [hbm4b:s4+s21], $0x80, s9, s21, $0xb8;
	[tilespmem:$0x1E100] =	vst v63  }
0x82: {  	_ =	swait.ge [sflag:s24], $0x4000  }
0x83: {  	[sflag:s24] =	ssyncset.done $0x0  }
0x84: {  	s10 =	simm.s32 $0x1400;
	[sflag:s24] =	ssyncadd.s32 $0xFFFFC000  }
0x85: {  	[spmem:s1] =	stream.indirect.scatter.add.f32 [tilespmem:s22], [sflag:$0x3], $0x80, s10, s21, $0xb8;
	[tilespmem:$0x1E100] =	vst v63  }
0x86: {  	_ =	swait.ge [sflag:s19], $0x4000  }
0x87: {  	[sflag:s19] =	ssyncset.done $0x0  }
0x88: {  	s11 =	simm.s32 $0x100;
	[sflag:s19] =	ssyncadd.s32 $0xFFFFC000  }
0x89: {  	[tilespmem:s22], [sflag:$0x1] =	stream.indirect.gather [hbm4b:s4+s21], $0x80, s11, s21, $0xb8;
	[tilespmem:$0x1E100] =	vst v63  }
0x8a: {  	_ =	swait.ge [sflag:s25], $0x4000  }
0x8b: {  	[sflag:s25] =	ssyncset.done $0x0  }
0x8c: {  	s12 =	simm.s32 $0x1480;
	[sflag:s25] =	ssyncadd.s32 $0xFFFFC000  }
0x8d: {  	[spmem:s1] =	stream.indirect.scatter.add.f32 [tilespmem:s23], [sflag:$0x3], $0x80, s12, s21, $0xb8;
	[tilespmem:$0x1E100] =	vst v63  }
0x8e: {  	_ =	swait.ge [sflag:s19], $0x4000  }
0x8f: {  	s8 =	simm.s32 $0x100;
	s9 =	simm.s32 $0x800;
	[sflag:s19] =	ssyncset.done $0x0  }
.LBB2_4:
0x90: {  	s10 =	sadd.s32 $0x80, s8  }
0x91: {  	[sflag:s19] =	ssyncadd.s32 $0xFFFFC000;
	s11 =	smov.u32 s9;
	s12 =	sadd.s32 $0x400, s9  }
0x92: {  	[tilespmem:s23], [sflag:$0x2] =	stream.indirect.gather [hbm4b:s4+s21], $0x80, s10, s21, $0xb8;
	[tilespmem:$0x1E100] =	vst v63  }
0x93: {  	p1 =	sne.s32 s9, $0x4800;
	_ =	swait.ge [sflag:s24], $0x4000  }
0x94: {  	[sflag:s24] =	ssyncset.done $0x0  }
0x95: {  	s9 =	sadd.s32 $0x1400, s8;
	[sflag:s24] =	ssyncadd.s32 $0xFFFFC000  }
0x96: {  	[spmem:s1] =	stream.indirect.scatter.add.f32 [tilespmem:s22], [sflag:$0x3], $0x80, s9, s21, $0xb8;
	[tilespmem:$0x1E100] =	vst v63  }
0x97: {  	_ =	swait.ge [sflag:s19], $0x4000  }
0x98: {  	[sflag:s19] =	ssyncset.done $0x0  }
0x99: {  	s9 =	sadd.s32 $0x100, s8;
	[sflag:s19] =	ssyncadd.s32 $0xFFFFC000  }
0x9a: {  	[tilespmem:s22], [sflag:$0x1] =	stream.indirect.gather [hbm4b:s4+s21], $0x80, s9, s21, $0xb8;
	[tilespmem:$0x1E100] =	vst v63  }
0x9b: {  	_ =	swait.ge [sflag:s25], $0x4000  }
.Ltmp1:
0x9c: {  	[sflag:s25] =	ssyncset.done $0x0;
	(pc) =	sbr.rel @p1 .LBB2_4-.Ltmp1, $4  }
0x9d: {  	s8 =	sadd.s32 $0x1480, s8;
	[sflag:s25] =	ssyncadd.s32 $0xFFFFC000  }
0x9e: {  	[spmem:s1] =	stream.indirect.scatter.add.f32 [tilespmem:s23], [sflag:$0x3], $0x80, s8, s21, $0xb8;
	[tilespmem:$0x1E100] =	vst v63  }
0x9f: {  	_ =	swait.ge [sflag:s19], $0x4000  }
0xa0: {  	s9 =	smov.u32 s12;
	s8 =	sshra.s32 s11, $0x2;
	[sflag:s19] =	ssyncset.done $0x0  }
0xa1: {  	s9 =	sadd.s32 $0x80, s8;
	[sflag:s19] =	ssyncadd.s32 $0xFFFFC000  }
0xa2: {  	[tilespmem:s23], [sflag:$0x2] =	stream.indirect.gather [hbm4b:s4+s21], $0x80, s9, s21, $0xb8;
	[tilespmem:$0x1E100] =	vst v63  }
0xa3: {  	_ =	swait.ge [sflag:s24], $0x4000  }
0xa4: {  	[sflag:s24] =	ssyncset.done $0x0  }
0xa5: {  	s10 =	sadd.s32 $0x1400, s8;
	[sflag:s24] =	ssyncadd.s32 $0xFFFFC000  }
0xa6: {  	[spmem:s1] =	stream.indirect.scatter.add.f32 [tilespmem:s22], [sflag:$0x3], $0x80, s10, s21, $0xb8;
	[tilespmem:$0x1E100] =	vst v63  }
0xa7: {  	_ =	swait.ge [sflag:s19], $0x4000  }
0xa8: {  	[sflag:s19] =	ssyncset.done $0x0  }
0xa9: {  	s11 =	sadd.s32 $0x100, s8;
	[sflag:s19] =	ssyncadd.s32 $0xFFFFC000  }
0xaa: {  	[tilespmem:s22], [sflag:$0x1] =	stream.indirect.gather [hbm4b:s4+s21], $0x80, s11, s21, $0xb8;
	[tilespmem:$0x1E100] =	vst v63  }
0xab: {  	_ =	swait.ge [sflag:s25], $0x4000  }
0xac: {  	[sflag:s25] =	ssyncset.done $0x0  }
0xad: {  	s12 =	sadd.s32 $0x1480, s8;
	[sflag:s25] =	ssyncadd.s32 $0xFFFFC000  }
0xae: {  	[spmem:s1] =	stream.indirect.scatter.add.f32 [tilespmem:s23], [sflag:$0x3], $0x80, s12, s21, $0xb8;
	[tilespmem:$0x1E100] =	vst v63  }
0xaf: {  	_ =	swait.ge [sflag:s19], $0x4000  }
0xb0: {  	[sflag:s19] =	ssyncset.done $0x0  }
0xb1: {  	[sflag:s19] =	ssyncadd.s32 $0xFFFFC000  }
0xb2: {  	[tilespmem:s23], [sflag:$0x2] =	stream.indirect.gather [hbm4b:s4+s21], $0x80, s26, s21, $0xb8;
	[tilespmem:$0x1E100] =	vst v63  }
0xb3: {  	_ =	swait.ge [sflag:s24], $0x4000  }
0xb4: {  	[sflag:s24] =	ssyncset.done $0x0  }
0xb5: {  	[sflag:s24] =	ssyncadd.s32 $0xFFFFC000  }
0xb6: {  	[spmem:s1] =	stream.indirect.scatter.add.f32 [tilespmem:s22], [sflag:$0x3], $0x80, s28, s21, $0xb8;
	[tilespmem:$0x1E100] =	vst v63  }
0xb7: {  	_ =	swait.ge [sflag:s19], $0x4000  }
0xb8: {  	[sflag:s19] =	ssyncset.done $0x0  }
0xb9: {  	[sflag:s19] =	ssyncadd.s32 $0xFFFFC000  }
0xba: {  	_ =	swait.ge [sflag:s25], $0x4000  }
0xbb: {  	[sflag:s25] =	ssyncset.done $0x0  }
0xbc: {  	[sflag:s25] =	ssyncadd.s32 $0xFFFFC000  }
0xbd: {  	[spmem:s1] =	stream.indirect.scatter.add.f32 [tilespmem:s23], [sflag:$0x3], $0x80, s29, s21, $0xb8;
	[tilespmem:$0x1E100] =	vst v63  }
0xbe: {  	_ =	swait.ge [sflag:s19], $0x4000  }
0xbf: {  	[sflag:s19] =	ssyncset.done $0x0  }
0xc0: {  	[sflag:s19] =	ssyncadd.s32 $0xFFFFC000  }
0xc1: {  	[bflag:$0x0] =	sbarrier.arrive $0xFFFF  }
0xc2: {  	[hbm:s14], [sflag:s31] =	dma.local [spmem:s0], $0xC80  }
0xc3: {  	_ =	swait.ge [sflag:s19], $0xC80  }
0xc4: {  	[sflag:s19] =	ssyncset.done $0x0  }
0xc5: {  	[sflag:s19] =	ssyncadd.s32 $0xFFFFF380  }
0xc6: {  	[hbm:s15], [sflag:s31] =	dma.local [spmem:s3], $0xC80  }
0xc7: {  	_ =	swait.ge [sflag:s19], $0xC80  }
0xc8: {  	[sflag:s19] =	ssyncset.done $0x0  }
0xc9: {  	[sflag:s19] =	ssyncadd.s32 $0xFFFFF380  }
0xca: {  	[hbm:s16], [sflag:s31] =	dma.local [spmem:s6], $0xC80  }
0xcb: {  	s30 =	sadd.s32 $0x1, s30;
	_ =	swait.ge [sflag:s19], $0xC80  }
0xcc: {  	p1 =	sne.s32 s30, s18;
	[sflag:s19] =	ssyncset.done $0x0  }
.Ltmp2:
0xcd: {  	s0 =	simm.s32 @!p0 $0x3;
	[sflag:s19] =	ssyncadd.s32 $0xFFFFF380;
	(pc) =	sbr.rel @p1 .LBB2_1-.Ltmp2, $4  }
0xce: {  	[hbm:s17], [sflag:s31] =	dma.local @!p0 [spmem:s7], $0xC80  }
0xcf: {  	_ =	swait.ge @!p0 [sflag:s0], $0xC80  }
0xd0: {  	[sflag:s0] =	ssyncset.done @!p0 $0x0  }
0xd1: {  	[sflag:s0] =	ssyncadd.s32 @!p0 $0xFFFFF380  }
0xd2: {  	_ =	sfence.sel $0x180000  }
0xd3: {  	[bflag:$0x0] =	sbarrier.arrive $0xFFFF  }
0xd4: {  	_ =	strace $0x9000004A  }
0xd5: {  	s0 =	stileid.u32;
	[bflag:$0x2] =	sbarrier.arrive $0xFFFF  }
0xd6: {  	p0 =	sne.s32 s0, $0x0;
	s0 =	rddreg [dreg:$0x2]  }
0xd7: {  	s0 =	sadd.s32 @!p0 $0x100000, s0  }
0xd8: {  	[sflag:s0] =	ssyncadd.tile.s32 @!p0 $0x1;
	_ =	shalt  }
.Lfunc_end2:
_tile_overlayer_lowered:
.L_overlay_start_2:
0xd9: {  	(tag) =	ssettag $0x2  }
0xda: {  	s0 =	rddreg [dreg:$0x0];
	s2 =	stileid.u32  }
0xdb: {  	s1 =	rddreg [dreg:$0x1];
	p0 =	sne.s32 s2, $0x0  }
0xdc: {  	s3 =	rddreg [dreg:$0x2];
	[bflag:$0x3] =	sbarrier.arrive $0xFFFF;
	s2 =	simm.s32 @!p0 $0x1C03  }
0xdd: {  	[timem:s3], [sflag:s2] =	dma.local @!p0 [hbm:s0], s1  }
0xde: {  	s0 =	simm.s32 @!p0 $0x3  }
0xdf: {  	_ =	swait.ge @!p0 [sflag:s0], s1  }
0xe0: {  	s1 =	ssub.s32 @!p0 $0x0, s1;
	[sflag:s0] =	ssyncset.done @!p0 $0x0  }
0xe1: {  	[sflag:s0] =	ssyncadd.s32 @!p0 s1  }
0xe2: {  	[bflag:$0x3] =	sbarrier.arrive $0xFFFF  }
0xe3: {  	_ =	shalt  }

// kernel: kernel.14.cloned.1.call-start
scs
__scs_entry_jumppad:
0x0: {  	(pc) =	sbr.rel $0x88, $3  }
0x1: {  	(tag) =	ssettag $0x0;
	lr =	simm.s32 $0x1  }
0x2: {  	[smem:$0x3F98] =	sst lr;
	_ =	strace $0xD0000000  }
0x3: {  	_ = 	snop  }
0x4: {  	_ = 	snop  }
0x5: {  	_ = 	snop  }
0x6: {  	_ = 	snop  }
0x7: {  	_ = 	snop  }
__scs_overlays_trampoline_lowered:
0x8: {  	[smem:$0x3FA7] =	sst s0  }
0x9: {  	[smem:$0x3FA8] =	sst s1  }
0xa: {  	[smem:$0x3FA9] =	sst s2  }
0xb: {  	[smem:$0x3FAA] =	sst s3  }
0xc: {  	[smem:$0x3FAB] =	sst s4  }
0xd: {  	[smem:$0x3FAC] =	sst s5  }
0xe: {  	[smem:$0x3FAD] =	sst s6  }
0xf: {  	[smem:$0x3FAE] =	sst s7  }
0x10: {  	[smem:$0x3FAF] =	sst s8  }
0x11: {  	[smem:$0x3FB0] =	sst s9;
	s0 =	simm.s32 @!p0 $0x0  }
0x12: {  	s1 =	sld [smem:$0x3F96];
	s0 =	simm.s32 @p0 $0x1  }
0x13: {  	[smem:$0x3FB1] =	sst s0;
	s0 =	simm.s32 @!p1 $0x0  }
0x14: {  	s2 =	sld [smem:$0x3F95];
	s0 =	simm.s32 @p1 $0x1  }
0x15: {  	[smem:$0x3FB2] =	sst s0;
	s0 =	simm.s32 @!p2 $0x0  }
0x16: {  	s3 =	sld [smem:$0x3FDB];
	s0 =	simm.s32 @p2 $0x1  }
0x17: {  	s4 =	simm.s32 $0x1BF5;
	[smem:$0x3FB4] =	sst s0  }
0x18: {  	s0 =	sld [smem:$0x3F97];
	_ =	swait.ge [sflag:s4], $0x0  }
0x19: {  	s7 =	sld [smem:$0x3F98]  }
0x1a: {  	s8 =	sadd.s32 $0xFFFFE003, lr  }
0x1b: {  	s9 =	sadd.s32 $0xFFFFFEF7, lr;
	s5 =	simm.s32 $0xFFFFFFFF;
	p2 =	slt.u32 s8, $0xFFFFF086  }
0x1c: {  	p1 =	slt.u32 s9, $0xF7A;
	s5 =	simm.s32 @!p2 $0x0  }
0x1d: {  	s5 =	simm.s32 @p1 $0x1;
	p0 =	seq.s32 s7, s2  }
0x1e: {  	s7 =	smul.u32 @!p0 $0xF7A, s2;
	p2 =	seq.s32 @!p0 s5, $0x0  }
0x1f: {  	s9 =	smul.u32 $0xF7A, s1;
	s8 =	simm.s32 @!p0 $0x1BF5;
	p2 =	por !p2, p0  }
0x20: {  	[sflag:s8] =	ssyncset.s32 @!p0 $0xFFFFF086;
	s6 =	sadd.s32 @!p0 s3, s7;
	s7 =	simm.s32 @!p0 $0x108  }
0x21: {  	s3 =	sadd.s32 s3, s9;
	s6 =	sadd.s32 @!p0 $0x88, s6;
	s7 =	simm.s32 @p2 $0x1082  }
0x22: {  	[simem:s7], [sflag:s8] =	dma.local @!p0 [hbm:s6], $0xF7A  }
0x23: {  	s9 =	sor.u32 $0xD0000000, s2;
	s6 =	simm.s32 $0x108;
	_ =	swait.ge @!p0 [sflag:s8], $0x0  }
0x24: {  	s3 =	sadd.s32 $0x88, s3;
	s6 =	simm.s32 @!p1 $0x1082;
	[sflag:s4] =	ssyncset.s32 $0xFFFFF086  }
0x25: {  	[simem:s6], [sflag:s4] =	dma.local [hbm:s3], $0xF7A  }
0x26: {  	[smem:$0x3F98] =	sst s1;
	(tag) =	ssettag s2;
	_ =	strace s9  }
0x27: {  	s1 =	sld [smem:$0x3FA8]  }
0x28: {  	s2 =	sld [smem:$0x3FA9]  }
0x29: {  	s4 =	sld [smem:$0x3FAB]  }
0x2a: {  	p0 =	seq.s32 s5, $0x0;
	s5 =	sld [smem:$0x3FAC]  }
0x2b: {  	s6 =	sld [smem:$0x3FAD]  }
0x2c: {  	s7 =	sld [smem:$0x3FAE]  }
0x2d: {  	s3 =	simm.s32 $0x108;
	s8 =	sld [smem:$0x3FAF]  }
0x2e: {  	s3 =	simm.s32 @!p0 $0x1082;
	s9 =	sld [smem:$0x3FB0]  }
0x2f: {  	lr =	sadd.s32 s0, s3;
	s0 =	sld [smem:$0x3FA7]  }
0x30: {  	s3 =	sld [smem:$0x3FAA]  }
0x31: {  	[smem:$0x3FB3] =	sst s10  }
0x32: {  	s10 =	sld [smem:$0x3FB1];
	_ =	sdelay $0x3  }
0x33: {  	p0 =	seq.s32 s10, $0x1;
	s10 =	sld [smem:$0x3FB3];
	_ =	sdelay $0x3  }
0x34: {  	[smem:$0x3FB3] =	sst s10  }
0x35: {  	s10 =	sld [smem:$0x3FB2];
	_ =	sdelay $0x3  }
0x36: {  	p1 =	seq.s32 s10, $0x1;
	s10 =	sld [smem:$0x3FB3];
	_ =	sdelay $0x3  }
0x37: {  	[smem:$0x3FB3] =	sst s10  }
0x38: {  	s10 =	sld [smem:$0x3FB4]  }
0x39: {  	_ = 	snop;
	(pc) =	sbr.ind lr, $3  }
0x3a: {  	_ = 	snop  }
0x3b: {  	_ = 	snop  }
0x3c: {  	p2 =	seq.s32 s10, $0x1;
	s10 =	sld [smem:$0x3FB3]  }
0x3d: {  	_ =	shalt  }
0x3e: {  	_ =	shalt  }
0x3f: {  	_ =	shalt  }
0x40: {  	_ =	shalt  }
0x41: {  	_ =	shalt  }
0x42: {  	_ =	shalt  }
0x43: {  	_ =	shalt  }
0x44: {  	_ =	shalt  }
0x45: {  	_ =	shalt  }
0x46: {  	_ =	shalt  }
0x47: {  	_ =	shalt  }
0x48: {  	_ =	shalt  }
0x49: {  	_ =	shalt  }
0x4a: {  	_ =	shalt  }
0x4b: {  	_ =	shalt  }
0x4c: {  	_ =	shalt  }
0x4d: {  	_ =	shalt  }
0x4e: {  	_ =	shalt  }
0x4f: {  	_ =	shalt  }
0x50: {  	_ =	shalt  }
0x51: {  	_ =	shalt  }
0x52: {  	_ =	shalt  }
0x53: {  	_ =	shalt  }
0x54: {  	_ =	shalt  }
0x55: {  	_ =	shalt  }
0x56: {  	_ =	shalt  }
0x57: {  	_ =	shalt  }
0x58: {  	_ =	shalt  }
0x59: {  	_ =	shalt  }
0x5a: {  	_ =	shalt  }
0x5b: {  	_ =	shalt  }
0x5c: {  	_ =	shalt  }
0x5d: {  	_ =	shalt  }
0x5e: {  	_ =	shalt  }
0x5f: {  	_ =	shalt  }
0x60: {  	_ =	shalt  }
0x61: {  	_ =	shalt  }
0x62: {  	_ =	shalt  }
0x63: {  	_ =	shalt  }
0x64: {  	_ =	shalt  }
0x65: {  	_ =	shalt  }
0x66: {  	_ =	shalt  }
0x67: {  	_ =	shalt  }
0x68: {  	_ =	shalt  }
0x69: {  	_ =	shalt  }
0x6a: {  	_ =	shalt  }
0x6b: {  	_ =	shalt  }
0x6c: {  	_ =	shalt  }
0x6d: {  	_ =	shalt  }
0x6e: {  	_ =	shalt  }
0x6f: {  	_ =	shalt  }
0x70: {  	_ =	shalt  }
0x71: {  	_ =	shalt  }
0x72: {  	_ =	shalt  }
0x73: {  	_ =	shalt  }
0x74: {  	_ =	shalt  }
0x75: {  	_ =	shalt  }
0x76: {  	_ =	shalt  }
0x77: {  	_ =	shalt  }
0x78: {  	_ =	shalt  }
0x79: {  	_ =	shalt  }
0x7a: {  	_ =	shalt  }
0x7b: {  	_ =	shalt  }
0x7c: {  	_ =	shalt  }
0x7d: {  	_ =	shalt  }
0x7e: {  	_ =	shalt  }
0x7f: {  	_ =	shalt  }
0x80: {  	_ =	shalt  }
0x81: {  	_ =	shalt  }
0x82: {  	_ =	shalt  }
0x83: {  	_ =	shalt  }
0x84: {  	_ =	shalt  }
0x85: {  	_ =	shalt  }
0x86: {  	_ =	shalt  }
0x87: {  	_ =	shalt  }
.Lfunc_end0:
.L_simem_size_0:
called_computation.2_lowered:
.L_overlay_start_0:
0x88: {  	s2 =	sld [smem:$0x3FD9]  }
0x89: {  	s3 =	sld [smem:$0x3FFE];
	_ =	sdelay $0x1  }
0x8a: {  	s1 =	srdreg.scid  }
0x8b: {  	s0 =	sand.u32 $0x1, s1  }
0x8c: {  	s16 =	sshll.u32 s0, $0xA;
	s2 =	sadd.s32 s3, s2  }
0x8d: {  	s2 =	sadd.s32 s2, s16  }
0x8e: {  	[smem:$0x3FBF] =	sst s2  }
0x8f: {  	_ = 	snop  }
0x90: {  	(tm) =	ssettm $0x1  }
0x91: {  	s17 =	sld [smem:$0x3FFB];
	_ =	sdelay $0x3  }
0x92: {  	_ =	strace s17  }
0x93: {  	s2 =	sld [smem:$0x3FFC];
	_ =	sdelay $0x3  }
0x94: {  	_ =	strace s2  }
0x95: {  	s2 =	sld [smem:$0x3FFD];
	_ =	sdelay $0x3  }
0x96: {  	_ =	strace s2  }
0x97: {  	_ =	strace $0x8FFFFFFF  }
0x98: {  	s18 =	sld [smem:$0x3FDB];
	_ =	sdelay $0x1  }
0x99: {  	s19 =	simm.s32 $_scs_section_size  }
0x9a: {  	s4 =	simm.s32 $_size__tile_overlayer_lowered;
	s5 =	simm.s32 $_tile_overlayer_lowered  }
0x9b: {  	s22 =	simm.s32 $0x1BFF;
	s21 =	sshll.u32 s5, $0x1;
	s2 =	sadd.s32 s19, s18  }
0x9c: {  	s6 =	simm.s32 $0x0;
	s20 =	sshll.u32 s4, $0x1;
	s4 =	sadd.s32 s21, s2  }
0x9d: {  	[timem:s6], [sflag:s22] =	dma.local [hbm:s4], s20  }
0x9e: {  	_ =	swait.ge [sflag:s22], s20  }
0x9f: {  	s3 =	ssub.s32 $0x0, s20;
	[sflag:s22] =	ssyncset.done $0x0  }
0xa0: {  	[sflag:s22] =	ssyncadd.s32 s3;
	_ =	sdelay $0x1  }
0xa1: {  	s23 =	simm.s32 $0x1B8B  }
0xa2: {  	_ =	swait.ge [sflag:s23], $0x1  }
0xa3: {  	[sflag:s23] =	ssyncset.done $0x0  }
0xa4: {  	s25 =	simm.s32 $0x1B8E;
	s24 =	sld [smem:$0x3FFE];
	[sflag:s23] =	ssyncadd.s32 $0xFFFFFFFF  }
0xa5: {  	s26 =	simm.s32 $execute0_lowered;
	[smem:$0x3FD2] =	sst s25  }
0xa6: {  	s4 =	sshll.u32 s26, $0x1;
	_ =	strace $0x8000004C;
	[dreg:$0x1] =	wrdreg $0xFFFFFFFF  }
0xa7: {  	s28 =	simm.s32 $_size_execute0_lowered;
	s2 =	sadd.s32 s2, s4;
	[dreg:$0x0] =	wrdreg $0x0  }
0xa8: {  	s4 =	sshll.u32 s28, $0x1;
	[dreg:$0x2] =	wrdreg s2  }
0xa9: {  	[dreg:$0x3] =	wrdreg s4  }
0xaa: {  	[dreg:$0x4] =	wrdreg $0xC0  }
0xab: {  	_ =	task [dreg:s6], $0x5FFFF  }
0xac: {  	[dreg:$0x1] =	wrdreg $0xFFFFFFFF  }
0xad: {  	[dreg:$0x0] =	wrdreg $0x60  }
0xae: {  	[dreg:$0x2] =	wrdreg s24  }
0xaf: {  	[dreg:$0x3] =	wrdreg $0xA8000  }
0xb0: {  	[dreg:$0x4] =	wrdreg $0x9  }
0xb1: {  	_ =	task.clear_ibuf [dreg:s6], $0x5FFFF;
	_ =	strace $0x9000004C  }
0xb2: {  	s29 =	simm.s32 $0x9;
	_ =	strace $0x8000004E  }
0xb3: {  	_ =	swait.ge [sflag:s29], $0x1  }
0xb4: {  	[sflag:s29] =	ssyncadd.s32 $0xFFFFFFFF  }
0xb5: {  	_ =	strace $0x9000004E  }
0xb6: {  	_ =	sfence  }
0xb7: {  	s30 =	sld [smem:$0x0];
	_ =	sdelay $0x2  }
0xb8: {  	s31 =	sshll.u32 s1, $0xD;
	s1 =	sshrl.u32 s1, $0x2  }
0xb9: {  	s3 =	sand.u32 $0x4000, s31;
	s1 =	sadd.s32 s1, s30  }
0xba: {  	s0 =	sor.u32 s3, s0;
	s1 =	sshll.u32 s1, $0x11  }
0xbb: {  	s0 =	sor.u32 s1, s0  }
0xbc: {  	s0 =	sadd.s32 $0x8F2B, s0  }
0xbd: {  	[sflag:s0] =	ssyncadd.remote.s32 $0x1  }
0xbe: {  	_ =	sfence.sel $0xFFFF  }
0xbf: {  	[dreg:$0x0] =	wrdreg $0xFFFFFFFF;
	(pc) =	sbr.abs _section_cstart, $3  }
0xc0: {  	[dreg:$0x1] =	wrdreg $0xFFFFFFFF  }
0xc1: {  	_ =	task.clear_ibuf [dreg:s6], $0x2FFFF;
	_ =	strace $0x9FFFFFFF  }
0xc2: {  	(tm) =	ssettm $0x7FFFFFFF  }
0xc3: {  	_ =	shalt  }
tec
execute0_lowered:
.L_overlay_start_1:
0x0: {  	(tag) =	ssettag $0x1  }
0x1: {  	s0 =	rddreg [dreg:$0x0]  }
0x2: {  	s1 =	rddreg [dreg:$0x1]  }
0x3: {  	s2 =	simm.s32 $0x0;
	s3 =	srdreg.scid;
	s19 =	stileid.u32  }
0x4: {  	s28 =	simm.s32 $0x2700;
	s29 =	simm.s32 $0x2780;
	s25 =	smul.u32 $0x19000, s19  }
0x5: {  	s30 =	simm.s32 $0x0;
	s12 =	sor.u32 $0x10, s19;
	s21 =	smul.u32 $0xC8, s19  }
0x6: {  	[smem:$0x7FF] =	sst s2;
	s13 =	sor.u32 $0x20, s19;
	s26 =	smul.u32 $0x19000, s12  }
0x7: {  	s3 =	sand.u32 $0x1, s3;
	s15 =	sor.u32 $0x30, s19;
	s31 =	smul.u32 $0x19000, s13  }
0x8: {  	s4 =	sadd.s32 $0x64600, s0;
	s6 =	sadd.s32 $0xC400, s0;
	s16 =	smul.u32 $0x19000, s15  }
0x9: {  	s5 =	sshll.u32 s3, $0x4;
	s7 =	ssub.s32 $0x2, s3;
	s3 =	smul.u32 $0x2710, s3  }
0xa: {  	s8 =	sadd.s32 $0x2400, s0;
	p0 =	sgt.u32 s19, $0x1;
	s23 =	smul.u32 $0xC8, s12  }
0xb: {  	_ =	strace $0x8000004D;
	s15 =	smul.u32 $0xC8, s15;
	s5 =	sor.u32 s19, s5  }
0xc: {  	s9 =	sshrl.u32 s7, $0x1;
	s19 =	simm.s32 $0x3;
	s10 =	smul.u32 $0x2800, s5  }
0xd: {  	s5 =	sadd.s32 $0x8B800, s0;
	s0 =	sadd.s32 $0x8C600, s0;
	s20 =	sshrl.u32 s16, $0x2  }
0xe: {  	s7 =	ssub.s32 s7, s9;
	s18 =	sshrl.u32 s31, $0x2;
	s22 =	sadd.s32 s20, s1  }
0xf: {  	s20 =	simm.s32 $0x1400;
	s24 =	sshrl.u32 s10, $0x3;
	s10 =	sshrl.u32 s25, $0x2  }
0x10: {  	[dreg:$0x8] =	wrdreg s22;
	s25 =	sadd.s32 s3, s23;
	s11 =	sadd.s32 s6, s24  }
0x11: {  	s22 =	simm.s32 $0x2800;
	s14 =	sadd.s32 s8, s24;
	[dreg:$0x3] =	wrdreg s11  }
0x12: {  	s23 =	simm.s32 $0x6800;
	s10 =	sadd.s32 s10, s1;
	[dreg:$0x4] =	wrdreg s14  }
0x13: {  	s9 =	sadd.s32 $0x280, s24;
	s11 =	sshrl.u32 s26, $0x2;
	[dreg:$0x5] =	wrdreg s10  }
0x14: {  	s10 =	sadd.s32 s18, s1;
	s14 =	sadd.s32 s21, s3;
	s6 =	sadd.s32 s6, s9  }
0x15: {  	s18 =	smax.u32 s7, $0x1;
	s21 =	simm.s32 $0x80;
	[dreg:$0x7] =	wrdreg s10  }
0x16: {  	s17 =	sadd.s32 s11, s1;
	[dreg:$0x9] =	wrdreg s6;
	s24 =	sshll.u32 s14, $0x4  }
0x17: {  	s6 =	sshll.u32 s25, $0x4;
	[dreg:$0x6] =	wrdreg s17;
	s17 =	smul.u32 $0xC8, s13  }
0x18: {  	s25 =	simm.s32 $0x2;
	s13 =	sadd.s32 s8, s9;
	s14 =	sadd.s32 s0, s24  }
0x19: {  	s24 =	simm.s32 $0x1;
	s26 =	sadd.s32 s3, s17;
	s3 =	sadd.s32 s3, s15  }
0x1a: {  	s15 =	sadd.s32 s0, s6;
	s31 =	sshll.u32 s26, $0x4;
	s3 =	sshll.u32 s3, $0x4  }
0x1b: {  	s26 =	simm.s32 $0x1380;
	s16 =	sadd.s32 s0, s31;
	s17 =	sadd.s32 s0, s3  }
.LBB2_1:
0x1c: {  	s0 =	rddreg [dreg:$0x3]  }
0x1d: {  	[tilespmem:s2], [sflag:$0x3] =	stream.linear.gather [hbm4b:s0+s2], $0x1400, $0x38;
	[tilespmem:$0x1E100] =	vst v63  }
0x1e: {  	_ =	swait.ge [sflag:s19], $0x1400  }
0x1f: {  	[sflag:s19] =	ssyncset.done $0x0  }
0x20: {  	s6 =	rddreg [dreg:$0x4];
	[sflag:s19] =	ssyncadd.s32 $0xFFFFEC00  }
0x21: {  	[tilespmem:s20], [sflag:$0x3] =	stream.linear.gather [hbm4b:s6+s2], $0x1400, $0x38;
	[tilespmem:$0x1E100] =	vst v63  }
0x22: {  	s7 =	stileid.u32;
	_ =	swait.ge [sflag:s19], $0x1400  }
0x23: {  	s0 =	sshll.u32 s7, $0x6;
	[sflag:s19] =	ssyncset.done $0x0;
	s8 =	rddreg [dreg:$0x5]  }
0x24: {  	s31 =	sor.u32 $0x1C03, s0;
	[sflag:s19] =	ssyncadd.s32 $0xFFFFEC00;
	s0 =	sshrl.u32 s8, $0x3  }
0x25: {  	[tilespmem:s22], [sflag:$0x1] =	stream.indirect.gather [hbm4b:s4+s21], $0x80, s2, s21, $0xb8;
	[tilespmem:$0x1E100] =	vst v63  }
0x26: {  	[spmem:s0], [sflag:s31] =	dma.local [hbm:s5], $0xC80  }
0x27: {  	_ =	swait.ge [sflag:s19], $0xC80  }
0x28: {  	[sflag:s19] =	ssyncset.done $0x0;
	s3 =	rddreg [dreg:$0x6]  }
0x29: {  	[sflag:s19] =	ssyncadd.s32 $0xFFFFF380;
	s3 =	sshrl.u32 s3, $0x3  }
0x2a: {  	[spmem:s3], [sflag:s31] =	dma.local [hbm:s5], $0xC80  }
0x2b: {  	_ =	swait.ge [sflag:s19], $0xC80  }
0x2c: {  	[sflag:s19] =	ssyncset.done $0x0;
	s6 =	rddreg [dreg:$0x7]  }
0x2d: {  	[sflag:s19] =	ssyncadd.s32 $0xFFFFF380;
	s6 =	sshrl.u32 s6, $0x3  }
0x2e: {  	[spmem:s6], [sflag:s31] =	dma.local [hbm:s5], $0xC80  }
0x2f: {  	_ =	swait.ge [sflag:s19], $0xC80  }
0x30: {  	[sflag:s19] =	ssyncset.done $0x0;
	s7 =	rddreg [dreg:$0x8]  }
0x31: {  	s8 =	simm.s32 @!p0 $0x3;
	[sflag:s19] =	ssyncadd.s32 $0xFFFFF380;
	s7 =	sshrl.u32 @!p0 s7, $0x3  }
0x32: {  	[spmem:s7], [sflag:s31] =	dma.local @!p0 [hbm:s5], $0xC80  }
0x33: {  	_ =	swait.ge @!p0 [sflag:s8], $0xC80  }
0x34: {  	[sflag:s8] =	ssyncset.done @!p0 $0x0  }
0x35: {  	[sflag:s8] =	ssyncadd.s32 @!p0 $0xFFFFF380  }
0x36: {  	s9 =	simm.s32 $0x80;
	[bflag:$0x0] =	sbarrier.arrive $0xFFFF  }
0x37: {  	[tilespmem:s23], [sflag:$0x2] =	stream.indirect.gather [hbm4b:s4+s21], $0x80, s9, s21, $0xb8;
	[tilespmem:$0x1E100] =	vst v63  }
0x38: {  	_ =	swait.ge [sflag:s24], $0x4000  }
0x39: {  	[sflag:s24] =	ssyncset.done $0x0  }
0x3a: {  	s10 =	simm.s32 $0x1400;
	[sflag:s24] =	ssyncadd.s32 $0xFFFFC000  }
0x3b: {  	[spmem:s1] =	stream.indirect.scatter.add.f32 [tilespmem:s22], [sflag:$0x3], $0x80, s10, s21, $0xb8;
	[tilespmem:$0x1E100] =	vst v63  }
0x3c: {  	_ =	swait.ge [sflag:s19], $0x4000  }
0x3d: {  	[sflag:s19] =	ssyncset.done $0x0  }
0x3e: {  	s11 =	simm.s32 $0x100;
	[sflag:s19] =	ssyncadd.s32 $0xFFFFC000  }
0x3f: {  	[tilespmem:s22], [sflag:$0x1] =	stream.indirect.gather [hbm4b:s4+s21], $0x80, s11, s21, $0xb8;
	[tilespmem:$0x1E100] =	vst v63  }
0x40: {  	_ =	swait.ge [sflag:s25], $0x4000  }
0x41: {  	[sflag:s25] =	ssyncset.done $0x0  }
0x42: {  	s12 =	simm.s32 $0x1480;
	[sflag:s25] =	ssyncadd.s32 $0xFFFFC000  }
0x43: {  	[spmem:s1] =	stream.indirect.scatter.add.f32 [tilespmem:s23], [sflag:$0x3], $0x80, s12, s21, $0xb8;
	[tilespmem:$0x1E100] =	vst v63  }
0x44: {  	_ =	swait.ge [sflag:s19], $0x4000  }
0x45: {  	s8 =	simm.s32 $0x100;
	s9 =	simm.s32 $0x800;
	[sflag:s19] =	ssyncset.done $0x0  }
.LBB2_2:
0x46: {  	s10 =	sadd.s32 $0x80, s8  }
0x47: {  	[sflag:s19] =	ssyncadd.s32 $0xFFFFC000;
	s11 =	smov.u32 s9;
	s12 =	sadd.s32 $0x400, s9  }
0x48: {  	[tilespmem:s23], [sflag:$0x2] =	stream.indirect.gather [hbm4b:s4+s21], $0x80, s10, s21, $0xb8;
	[tilespmem:$0x1E100] =	vst v63  }
0x49: {  	p1 =	sne.s32 s9, $0x4800;
	_ =	swait.ge [sflag:s24], $0x4000  }
0x4a: {  	[sflag:s24] =	ssyncset.done $0x0  }
0x4b: {  	s9 =	sadd.s32 $0x1400, s8;
	[sflag:s24] =	ssyncadd.s32 $0xFFFFC000  }
0x4c: {  	[spmem:s1] =	stream.indirect.scatter.add.f32 [tilespmem:s22], [sflag:$0x3], $0x80, s9, s21, $0xb8;
	[tilespmem:$0x1E100] =	vst v63  }
0x4d: {  	_ =	swait.ge [sflag:s19], $0x4000  }
0x4e: {  	[sflag:s19] =	ssyncset.done $0x0  }
0x4f: {  	s9 =	sadd.s32 $0x100, s8;
	[sflag:s19] =	ssyncadd.s32 $0xFFFFC000  }
0x50: {  	[tilespmem:s22], [sflag:$0x1] =	stream.indirect.gather [hbm4b:s4+s21], $0x80, s9, s21, $0xb8;
	[tilespmem:$0x1E100] =	vst v63  }
0x51: {  	_ =	swait.ge [sflag:s25], $0x4000  }
.Ltmp0:
0x52: {  	[sflag:s25] =	ssyncset.done $0x0;
	(pc) =	sbr.rel @p1 .LBB2_2-.Ltmp0, $4  }
0x53: {  	s8 =	sadd.s32 $0x1480, s8;
	[sflag:s25] =	ssyncadd.s32 $0xFFFFC000  }
0x54: {  	[spmem:s1] =	stream.indirect.scatter.add.f32 [tilespmem:s23], [sflag:$0x3], $0x80, s8, s21, $0xb8;
	[tilespmem:$0x1E100] =	vst v63  }
0x55: {  	_ =	swait.ge [sflag:s19], $0x4000  }
0x56: {  	s9 =	smov.u32 s12;
	s8 =	sshra.s32 s11, $0x2;
	[sflag:s19] =	ssyncset.done $0x0  }
0x57: {  	s9 =	sadd.s32 $0x80, s8;
	[sflag:s19] =	ssyncadd.s32 $0xFFFFC000  }
0x58: {  	[tilespmem:s23], [sflag:$0x2] =	stream.indirect.gather [hbm4b:s4+s21], $0x80, s9, s21, $0xb8;
	[tilespmem:$0x1E100] =	vst v63  }
0x59: {  	_ =	swait.ge [sflag:s24], $0x4000  }
0x5a: {  	[sflag:s24] =	ssyncset.done $0x0  }
0x5b: {  	s11 =	sadd.s32 $0x1400, s8;
	[sflag:s24] =	ssyncadd.s32 $0xFFFFC000  }
0x5c: {  	[spmem:s1] =	stream.indirect.scatter.add.f32 [tilespmem:s22], [sflag:$0x3], $0x80, s11, s21, $0xb8;
	[tilespmem:$0x1E100] =	vst v63  }
0x5d: {  	_ =	swait.ge [sflag:s19], $0x4000  }
0x5e: {  	[sflag:s19] =	ssyncset.done $0x0  }
0x5f: {  	s12 =	sadd.s32 $0x100, s8;
	[sflag:s19] =	ssyncadd.s32 $0xFFFFC000  }
0x60: {  	[tilespmem:s22], [sflag:$0x1] =	stream.indirect.gather [hbm4b:s4+s21], $0x80, s12, s21, $0xb8;
	[tilespmem:$0x1E100] =	vst v63  }
0x61: {  	_ =	swait.ge [sflag:s25], $0x4000  }
0x62: {  	[sflag:s25] =	ssyncset.done $0x0  }
0x63: {  	s10 =	sadd.s32 $0x1480, s8;
	[sflag:s25] =	ssyncadd.s32 $0xFFFFC000  }
0x64: {  	[spmem:s1] =	stream.indirect.scatter.add.f32 [tilespmem:s23], [sflag:$0x3], $0x80, s10, s21, $0xb8;
	[tilespmem:$0x1E100] =	vst v63  }
0x65: {  	_ =	swait.ge [sflag:s19], $0x4000  }
0x66: {  	[sflag:s19] =	ssyncset.done $0x0  }
0x67: {  	[sflag:s19] =	ssyncadd.s32 $0xFFFFC000  }
0x68: {  	[tilespmem:s23], [sflag:$0x2] =	stream.indirect.gather [hbm4b:s4+s21], $0x80, s26, s21, $0xb8;
	[tilespmem:$0x1E100] =	vst v63  }
0x69: {  	_ =	swait.ge [sflag:s24], $0x4000  }
0x6a: {  	[sflag:s24] =	ssyncset.done $0x0  }
0x6b: {  	[sflag:s24] =	ssyncadd.s32 $0xFFFFC000  }
0x6c: {  	[spmem:s1] =	stream.indirect.scatter.add.f32 [tilespmem:s22], [sflag:$0x3], $0x80, s28, s21, $0xb8;
	[tilespmem:$0x1E100] =	vst v63  }
0x6d: {  	_ =	swait.ge [sflag:s19], $0x4000  }
0x6e: {  	[sflag:s19] =	ssyncset.done $0x0  }
0x6f: {  	[sflag:s19] =	ssyncadd.s32 $0xFFFFC000  }
0x70: {  	_ =	swait.ge [sflag:s25], $0x4000  }
0x71: {  	[sflag:s25] =	ssyncset.done $0x0  }
0x72: {  	[sflag:s25] =	ssyncadd.s32 $0xFFFFC000  }
0x73: {  	[spmem:s1] =	stream.indirect.scatter.add.f32 [tilespmem:s23], [sflag:$0x3], $0x80, s29, s21, $0xb8;
	[tilespmem:$0x1E100] =	vst v63  }
0x74: {  	_ =	swait.ge [sflag:s19], $0x4000  }
0x75: {  	[sflag:s19] =	ssyncset.done $0x0  }
0x76: {  	s11 =	simm.s32 $0x0;
	s12 =	rddreg [dreg:$0x9];
	[sflag:s19] =	ssyncadd.s32 $0xFFFFC000  }
0x77: {  	[tilespmem:s11], [sflag:$0x3] =	stream.linear.gather [hbm4b:s12+s11], $0x1400, $0x38;
	[tilespmem:$0x1E100] =	vst v63  }
0x78: {  	_ =	swait.ge [sflag:s19], $0x1400  }
0x79: {  	[sflag:s19] =	ssyncset.done $0x0  }
0x7a: {  	[sflag:s19] =	ssyncadd.s32 $0xFFFFEC00  }
0x7b: {  	[tilespmem:s20], [sflag:$0x3] =	stream.linear.gather [hbm4b:s13+s11], $0x1400, $0x38;
	[tilespmem:$0x1E100] =	vst v63  }
0x7c: {  	_ =	swait.ge [sflag:s19], $0x1400  }
0x7d: {  	[sflag:s19] =	ssyncset.done $0x0  }
0x7e: {  	[sflag:s19] =	ssyncadd.s32 $0xFFFFEC00  }
0x7f: {  	[tilespmem:s22], [sflag:$0x1] =	stream.indirect.gather [hbm4b:s4+s21], $0x80, s11, s21, $0xb8;
	[tilespmem:$0x1E100] =	vst v63  }
0x80: {  	s9 =	simm.s32 $0x80  }
0x81: {  	[tilespmem:s23], [sflag:$0x2] =	stream.indirect.gather [hbm4b:s4+s21], $0x80, s9, s21, $0xb8;
	[tilespmem:$0x1E100] =	vst v63  }
0x82: {  	_ =	swait.ge [sflag:s24], $0x4000  }
0x83: {  	[sflag:s24] =	ssyncset.done $0x0  }
0x84: {  	s10 =	simm.s32 $0x1400;
	[sflag:s24] =	ssyncadd.s32 $0xFFFFC000  }
0x85: {  	[spmem:s1] =	stream.indirect.scatter.add.f32 [tilespmem:s22], [sflag:$0x3], $0x80, s10, s21, $0xb8;
	[tilespmem:$0x1E100] =	vst v63  }
0x86: {  	_ =	swait.ge [sflag:s19], $0x4000  }
0x87: {  	[sflag:s19] =	ssyncset.done $0x0  }
0x88: {  	s11 =	simm.s32 $0x100;
	[sflag:s19] =	ssyncadd.s32 $0xFFFFC000  }
0x89: {  	[tilespmem:s22], [sflag:$0x1] =	stream.indirect.gather [hbm4b:s4+s21], $0x80, s11, s21, $0xb8;
	[tilespmem:$0x1E100] =	vst v63  }
0x8a: {  	_ =	swait.ge [sflag:s25], $0x4000  }
0x8b: {  	[sflag:s25] =	ssyncset.done $0x0  }
0x8c: {  	s12 =	simm.s32 $0x1480;
	[sflag:s25] =	ssyncadd.s32 $0xFFFFC000  }
0x8d: {  	[spmem:s1] =	stream.indirect.scatter.add.f32 [tilespmem:s23], [sflag:$0x3], $0x80, s12, s21, $0xb8;
	[tilespmem:$0x1E100] =	vst v63  }
0x8e: {  	_ =	swait.ge [sflag:s19], $0x4000  }
0x8f: {  	s8 =	simm.s32 $0x100;
	s9 =	simm.s32 $0x800;
	[sflag:s19] =	ssyncset.done $0x0  }
.LBB2_4:
0x90: {  	s10 =	sadd.s32 $0x80, s8  }
0x91: {  	[sflag:s19] =	ssyncadd.s32 $0xFFFFC000;
	s11 =	smov.u32 s9;
	s12 =	sadd.s32 $0x400, s9  }
0x92: {  	[tilespmem:s23], [sflag:$0x2] =	stream.indirect.gather [hbm4b:s4+s21], $0x80, s10, s21, $0xb8;
	[tilespmem:$0x1E100] =	vst v63  }
0x93: {  	p1 =	sne.s32 s9, $0x4800;
	_ =	swait.ge [sflag:s24], $0x4000  }
0x94: {  	[sflag:s24] =	ssyncset.done $0x0  }
0x95: {  	s9 =	sadd.s32 $0x1400, s8;
	[sflag:s24] =	ssyncadd.s32 $0xFFFFC000  }
0x96: {  	[spmem:s1] =	stream.indirect.scatter.add.f32 [tilespmem:s22], [sflag:$0x3], $0x80, s9, s21, $0xb8;
	[tilespmem:$0x1E100] =	vst v63  }
0x97: {  	_ =	swait.ge [sflag:s19], $0x4000  }
0x98: {  	[sflag:s19] =	ssyncset.done $0x0  }
0x99: {  	s9 =	sadd.s32 $0x100, s8;
	[sflag:s19] =	ssyncadd.s32 $0xFFFFC000  }
0x9a: {  	[tilespmem:s22], [sflag:$0x1] =	stream.indirect.gather [hbm4b:s4+s21], $0x80, s9, s21, $0xb8;
	[tilespmem:$0x1E100] =	vst v63  }
0x9b: {  	_ =	swait.ge [sflag:s25], $0x4000  }
.Ltmp1:
0x9c: {  	[sflag:s25] =	ssyncset.done $0x0;
	(pc) =	sbr.rel @p1 .LBB2_4-.Ltmp1, $4  }
0x9d: {  	s8 =	sadd.s32 $0x1480, s8;
	[sflag:s25] =	ssyncadd.s32 $0xFFFFC000  }
0x9e: {  	[spmem:s1] =	stream.indirect.scatter.add.f32 [tilespmem:s23], [sflag:$0x3], $0x80, s8, s21, $0xb8;
	[tilespmem:$0x1E100] =	vst v63  }
0x9f: {  	_ =	swait.ge [sflag:s19], $0x4000  }
0xa0: {  	s9 =	smov.u32 s12;
	s8 =	sshra.s32 s11, $0x2;
	[sflag:s19] =	ssyncset.done $0x0  }
0xa1: {  	s9 =	sadd.s32 $0x80, s8;
	[sflag:s19] =	ssyncadd.s32 $0xFFFFC000  }
0xa2: {  	[tilespmem:s23], [sflag:$0x2] =	stream.indirect.gather [hbm4b:s4+s21], $0x80, s9, s21, $0xb8;
	[tilespmem:$0x1E100] =	vst v63  }
0xa3: {  	_ =	swait.ge [sflag:s24], $0x4000  }
0xa4: {  	[sflag:s24] =	ssyncset.done $0x0  }
0xa5: {  	s10 =	sadd.s32 $0x1400, s8;
	[sflag:s24] =	ssyncadd.s32 $0xFFFFC000  }
0xa6: {  	[spmem:s1] =	stream.indirect.scatter.add.f32 [tilespmem:s22], [sflag:$0x3], $0x80, s10, s21, $0xb8;
	[tilespmem:$0x1E100] =	vst v63  }
0xa7: {  	_ =	swait.ge [sflag:s19], $0x4000  }
0xa8: {  	[sflag:s19] =	ssyncset.done $0x0  }
0xa9: {  	s11 =	sadd.s32 $0x100, s8;
	[sflag:s19] =	ssyncadd.s32 $0xFFFFC000  }
0xaa: {  	[tilespmem:s22], [sflag:$0x1] =	stream.indirect.gather [hbm4b:s4+s21], $0x80, s11, s21, $0xb8;
	[tilespmem:$0x1E100] =	vst v63  }
0xab: {  	_ =	swait.ge [sflag:s25], $0x4000  }
0xac: {  	[sflag:s25] =	ssyncset.done $0x0  }
0xad: {  	s12 =	sadd.s32 $0x1480, s8;
	[sflag:s25] =	ssyncadd.s32 $0xFFFFC000  }
0xae: {  	[spmem:s1] =	stream.indirect.scatter.add.f32 [tilespmem:s23], [sflag:$0x3], $0x80, s12, s21, $0xb8;
	[tilespmem:$0x1E100] =	vst v63  }
0xaf: {  	_ =	swait.ge [sflag:s19], $0x4000  }
0xb0: {  	[sflag:s19] =	ssyncset.done $0x0  }
0xb1: {  	[sflag:s19] =	ssyncadd.s32 $0xFFFFC000  }
0xb2: {  	[tilespmem:s23], [sflag:$0x2] =	stream.indirect.gather [hbm4b:s4+s21], $0x80, s26, s21, $0xb8;
	[tilespmem:$0x1E100] =	vst v63  }
0xb3: {  	_ =	swait.ge [sflag:s24], $0x4000  }
0xb4: {  	[sflag:s24] =	ssyncset.done $0x0  }
0xb5: {  	[sflag:s24] =	ssyncadd.s32 $0xFFFFC000  }
0xb6: {  	[spmem:s1] =	stream.indirect.scatter.add.f32 [tilespmem:s22], [sflag:$0x3], $0x80, s28, s21, $0xb8;
	[tilespmem:$0x1E100] =	vst v63  }
0xb7: {  	_ =	swait.ge [sflag:s19], $0x4000  }
0xb8: {  	[sflag:s19] =	ssyncset.done $0x0  }
0xb9: {  	[sflag:s19] =	ssyncadd.s32 $0xFFFFC000  }
0xba: {  	_ =	swait.ge [sflag:s25], $0x4000  }
0xbb: {  	[sflag:s25] =	ssyncset.done $0x0  }
0xbc: {  	[sflag:s25] =	ssyncadd.s32 $0xFFFFC000  }
0xbd: {  	[spmem:s1] =	stream.indirect.scatter.add.f32 [tilespmem:s23], [sflag:$0x3], $0x80, s29, s21, $0xb8;
	[tilespmem:$0x1E100] =	vst v63  }
0xbe: {  	_ =	swait.ge [sflag:s19], $0x4000  }
0xbf: {  	[sflag:s19] =	ssyncset.done $0x0  }
0xc0: {  	[sflag:s19] =	ssyncadd.s32 $0xFFFFC000  }
0xc1: {  	[bflag:$0x0] =	sbarrier.arrive $0xFFFF  }
0xc2: {  	[hbm:s14], [sflag:s31] =	dma.local [spmem:s0], $0xC80  }
0xc3: {  	_ =	swait.ge [sflag:s19], $0xC80  }
0xc4: {  	[sflag:s19] =	ssyncset.done $0x0  }
0xc5: {  	[sflag:s19] =	ssyncadd.s32 $0xFFFFF380  }
0xc6: {  	[hbm:s15], [sflag:s31] =	dma.local [spmem:s3], $0xC80  }
0xc7: {  	_ =	swait.ge [sflag:s19], $0xC80  }
0xc8: {  	[sflag:s19] =	ssyncset.done $0x0  }
0xc9: {  	[sflag:s19] =	ssyncadd.s32 $0xFFFFF380  }
0xca: {  	[hbm:s16], [sflag:s31] =	dma.local [spmem:s6], $0xC80  }
0xcb: {  	s30 =	sadd.s32 $0x1, s30;
	_ =	swait.ge [sflag:s19], $0xC80  }
0xcc: {  	p1 =	sne.s32 s30, s18;
	[sflag:s19] =	ssyncset.done $0x0  }
.Ltmp2:
0xcd: {  	s0 =	simm.s32 @!p0 $0x3;
	[sflag:s19] =	ssyncadd.s32 $0xFFFFF380;
	(pc) =	sbr.rel @p1 .LBB2_1-.Ltmp2, $4  }
0xce: {  	[hbm:s17], [sflag:s31] =	dma.local @!p0 [spmem:s7], $0xC80  }
0xcf: {  	_ =	swait.ge @!p0 [sflag:s0], $0xC80  }
0xd0: {  	[sflag:s0] =	ssyncset.done @!p0 $0x0  }
0xd1: {  	[sflag:s0] =	ssyncadd.s32 @!p0 $0xFFFFF380  }
0xd2: {  	_ =	sfence.sel $0x180000  }
0xd3: {  	[bflag:$0x0] =	sbarrier.arrive $0xFFFF  }
0xd4: {  	_ =	strace $0x9000004D  }
0xd5: {  	s0 =	stileid.u32;
	[bflag:$0x2] =	sbarrier.arrive $0xFFFF  }
0xd6: {  	p0 =	sne.s32 s0, $0x0;
	s0 =	rddreg [dreg:$0x2]  }
0xd7: {  	s0 =	sadd.s32 @!p0 $0x100000, s0  }
0xd8: {  	[sflag:s0] =	ssyncadd.tile.s32 @!p0 $0x1;
	_ =	shalt  }
.Lfunc_end2:
_tile_overlayer_lowered:
.L_overlay_start_2:
0xd9: {  	(tag) =	ssettag $0x2  }
0xda: {  	s0 =	rddreg [dreg:$0x0];
	s2 =	stileid.u32  }
0xdb: {  	s1 =	rddreg [dreg:$0x1];
	p0 =	sne.s32 s2, $0x0  }
0xdc: {  	s3 =	rddreg [dreg:$0x2];
	[bflag:$0x3] =	sbarrier.arrive $0xFFFF;
	s2 =	simm.s32 @!p0 $0x1C03  }
0xdd: {  	[timem:s3], [sflag:s2] =	dma.local @!p0 [hbm:s0], s1  }
0xde: {  	s0 =	simm.s32 @!p0 $0x3  }
0xdf: {  	_ =	swait.ge @!p0 [sflag:s0], s1  }
0xe0: {  	s1 =	ssub.s32 @!p0 $0x0, s1;
	[sflag:s0] =	ssyncset.done @!p0 $0x0  }
0xe1: {  	[sflag:s0] =	ssyncadd.s32 @!p0 s1  }
0xe2: {  	[bflag:$0x3] =	sbarrier.arrive $0xFFFF  }
0xe3: {  	_ =	shalt  }

// kernel: kernel.8.cloned.1.call-start
scs
__scs_entry_jumppad:
0x0: {  	(pc) =	sbr.rel $0x88, $3  }
0x1: {  	(tag) =	ssettag $0x0;
	lr =	simm.s32 $0x1  }
0x2: {  	[smem:$0x3F98] =	sst lr;
	_ =	strace $0xD0000000  }
0x3: {  	_ = 	snop  }
0x4: {  	_ = 	snop  }
0x5: {  	_ = 	snop  }
0x6: {  	_ = 	snop  }
0x7: {  	_ = 	snop  }
__scs_overlays_trampoline_lowered:
0x8: {  	[smem:$0x3FA7] =	sst s0  }
0x9: {  	[smem:$0x3FA8] =	sst s1  }
0xa: {  	[smem:$0x3FA9] =	sst s2  }
0xb: {  	[smem:$0x3FAA] =	sst s3  }
0xc: {  	[smem:$0x3FAB] =	sst s4  }
0xd: {  	[smem:$0x3FAC] =	sst s5  }
0xe: {  	[smem:$0x3FAD] =	sst s6  }
0xf: {  	[smem:$0x3FAE] =	sst s7  }
0x10: {  	[smem:$0x3FAF] =	sst s8  }
0x11: {  	[smem:$0x3FB0] =	sst s9;
	s0 =	simm.s32 @!p0 $0x0  }
0x12: {  	s1 =	sld [smem:$0x3F96];
	s0 =	simm.s32 @p0 $0x1  }
0x13: {  	[smem:$0x3FB1] =	sst s0;
	s0 =	simm.s32 @!p1 $0x0  }
0x14: {  	s2 =	sld [smem:$0x3F95];
	s0 =	simm.s32 @p1 $0x1  }
0x15: {  	[smem:$0x3FB2] =	sst s0;
	s0 =	simm.s32 @!p2 $0x0  }
0x16: {  	s3 =	sld [smem:$0x3FDB];
	s0 =	simm.s32 @p2 $0x1  }
0x17: {  	s4 =	simm.s32 $0x1BF5;
	[smem:$0x3FB4] =	sst s0  }
0x18: {  	s0 =	sld [smem:$0x3F97];
	_ =	swait.ge [sflag:s4], $0x0  }
0x19: {  	s7 =	sld [smem:$0x3F98]  }
0x1a: {  	s8 =	sadd.s32 $0xFFFFE003, lr  }
0x1b: {  	s9 =	sadd.s32 $0xFFFFFEF7, lr;
	s5 =	simm.s32 $0xFFFFFFFF;
	p2 =	slt.u32 s8, $0xFFFFF086  }
0x1c: {  	p1 =	slt.u32 s9, $0xF7A;
	s5 =	simm.s32 @!p2 $0x0  }
0x1d: {  	s5 =	simm.s32 @p1 $0x1;
	p0 =	seq.s32 s7, s2  }
0x1e: {  	s7 =	smul.u32 @!p0 $0xF7A, s2;
	p2 =	seq.s32 @!p0 s5, $0x0  }
0x1f: {  	s9 =	smul.u32 $0xF7A, s1;
	s8 =	simm.s32 @!p0 $0x1BF5;
	p2 =	por !p2, p0  }
0x20: {  	[sflag:s8] =	ssyncset.s32 @!p0 $0xFFFFF086;
	s6 =	sadd.s32 @!p0 s3, s7;
	s7 =	simm.s32 @!p0 $0x108  }
0x21: {  	s3 =	sadd.s32 s3, s9;
	s6 =	sadd.s32 @!p0 $0x88, s6;
	s7 =	simm.s32 @p2 $0x1082  }
0x22: {  	[simem:s7], [sflag:s8] =	dma.local @!p0 [hbm:s6], $0xF7A  }
0x23: {  	s9 =	sor.u32 $0xD0000000, s2;
	s6 =	simm.s32 $0x108;
	_ =	swait.ge @!p0 [sflag:s8], $0x0  }
0x24: {  	s3 =	sadd.s32 $0x88, s3;
	s6 =	simm.s32 @!p1 $0x1082;
	[sflag:s4] =	ssyncset.s32 $0xFFFFF086  }
0x25: {  	[simem:s6], [sflag:s4] =	dma.local [hbm:s3], $0xF7A  }
0x26: {  	[smem:$0x3F98] =	sst s1;
	(tag) =	ssettag s2;
	_ =	strace s9  }
0x27: {  	s1 =	sld [smem:$0x3FA8]  }
0x28: {  	s2 =	sld [smem:$0x3FA9]  }
0x29: {  	s4 =	sld [smem:$0x3FAB]  }
0x2a: {  	p0 =	seq.s32 s5, $0x0;
	s5 =	sld [smem:$0x3FAC]  }
0x2b: {  	s6 =	sld [smem:$0x3FAD]  }
0x2c: {  	s7 =	sld [smem:$0x3FAE]  }
0x2d: {  	s3 =	simm.s32 $0x108;
	s8 =	sld [smem:$0x3FAF]  }
0x2e: {  	s3 =	simm.s32 @!p0 $0x1082;
	s9 =	sld [smem:$0x3FB0]  }
0x2f: {  	lr =	sadd.s32 s0, s3;
	s0 =	sld [smem:$0x3FA7]  }
0x30: {  	s3 =	sld [smem:$0x3FAA]  }
0x31: {  	[smem:$0x3FB3] =	sst s10  }
0x32: {  	s10 =	sld [smem:$0x3FB1];
	_ =	sdelay $0x3  }
0x33: {  	p0 =	seq.s32 s10, $0x1;
	s10 =	sld [smem:$0x3FB3];
	_ =	sdelay $0x3  }
0x34: {  	[smem:$0x3FB3] =	sst s10  }
0x35: {  	s10 =	sld [smem:$0x3FB2];
	_ =	sdelay $0x3  }
0x36: {  	p1 =	seq.s32 s10, $0x1;
	s10 =	sld [smem:$0x3FB3];
	_ =	sdelay $0x3  }
0x37: {  	[smem:$0x3FB3] =	sst s10  }
0x38: {  	s10 =	sld [smem:$0x3FB4]  }
0x39: {  	_ = 	snop;
	(pc) =	sbr.ind lr, $3  }
0x3a: {  	_ = 	snop  }
0x3b: {  	_ = 	snop  }
0x3c: {  	p2 =	seq.s32 s10, $0x1;
	s10 =	sld [smem:$0x3FB3]  }
0x3d: {  	_ =	shalt  }
0x3e: {  	_ =	shalt  }
0x3f: {  	_ =	shalt  }
0x40: {  	_ =	shalt  }
0x41: {  	_ =	shalt  }
0x42: {  	_ =	shalt  }
0x43: {  	_ =	shalt  }
0x44: {  	_ =	shalt  }
0x45: {  	_ =	shalt  }
0x46: {  	_ =	shalt  }
0x47: {  	_ =	shalt  }
0x48: {  	_ =	shalt  }
0x49: {  	_ =	shalt  }
0x4a: {  	_ =	shalt  }
0x4b: {  	_ =	shalt  }
0x4c: {  	_ =	shalt  }
0x4d: {  	_ =	shalt  }
0x4e: {  	_ =	shalt  }
0x4f: {  	_ =	shalt  }
0x50: {  	_ =	shalt  }
0x51: {  	_ =	shalt  }
0x52: {  	_ =	shalt  }
0x53: {  	_ =	shalt  }
0x54: {  	_ =	shalt  }
0x55: {  	_ =	shalt  }
0x56: {  	_ =	shalt  }
0x57: {  	_ =	shalt  }
0x58: {  	_ =	shalt  }
0x59: {  	_ =	shalt  }
0x5a: {  	_ =	shalt  }
0x5b: {  	_ =	shalt  }
0x5c: {  	_ =	shalt  }
0x5d: {  	_ =	shalt  }
0x5e: {  	_ =	shalt  }
0x5f: {  	_ =	shalt  }
0x60: {  	_ =	shalt  }
0x61: {  	_ =	shalt  }
0x62: {  	_ =	shalt  }
0x63: {  	_ =	shalt  }
0x64: {  	_ =	shalt  }
0x65: {  	_ =	shalt  }
0x66: {  	_ =	shalt  }
0x67: {  	_ =	shalt  }
0x68: {  	_ =	shalt  }
0x69: {  	_ =	shalt  }
0x6a: {  	_ =	shalt  }
0x6b: {  	_ =	shalt  }
0x6c: {  	_ =	shalt  }
0x6d: {  	_ =	shalt  }
0x6e: {  	_ =	shalt  }
0x6f: {  	_ =	shalt  }
0x70: {  	_ =	shalt  }
0x71: {  	_ =	shalt  }
0x72: {  	_ =	shalt  }
0x73: {  	_ =	shalt  }
0x74: {  	_ =	shalt  }
0x75: {  	_ =	shalt  }
0x76: {  	_ =	shalt  }
0x77: {  	_ =	shalt  }
0x78: {  	_ =	shalt  }
0x79: {  	_ =	shalt  }
0x7a: {  	_ =	shalt  }
0x7b: {  	_ =	shalt  }
0x7c: {  	_ =	shalt  }
0x7d: {  	_ =	shalt  }
0x7e: {  	_ =	shalt  }
0x7f: {  	_ =	shalt  }
0x80: {  	_ =	shalt  }
0x81: {  	_ =	shalt  }
0x82: {  	_ =	shalt  }
0x83: {  	_ =	shalt  }
0x84: {  	_ =	shalt  }
0x85: {  	_ =	shalt  }
0x86: {  	_ =	shalt  }
0x87: {  	_ =	shalt  }
.Lfunc_end0:
.L_simem_size_0:
called_computation_lowered:
.L_overlay_start_0:
0x88: {  	s2 =	sld [smem:$0x3FD9]  }
0x89: {  	s3 =	sld [smem:$0x3FFE];
	_ =	sdelay $0x1  }
0x8a: {  	s1 =	srdreg.scid  }
0x8b: {  	s0 =	sand.u32 $0x1, s1  }
0x8c: {  	s16 =	sshll.u32 s0, $0xA;
	s2 =	sadd.s32 s3, s2  }
0x8d: {  	s2 =	sadd.s32 s2, s16  }
0x8e: {  	[smem:$0x3FBF] =	sst s2  }
0x8f: {  	_ = 	snop  }
0x90: {  	(tm) =	ssettm $0x1  }
0x91: {  	s17 =	sld [smem:$0x3FFB];
	_ =	sdelay $0x3  }
0x92: {  	_ =	strace s17  }
0x93: {  	s2 =	sld [smem:$0x3FFC];
	_ =	sdelay $0x3  }
0x94: {  	_ =	strace s2  }
0x95: {  	s2 =	sld [smem:$0x3FFD];
	_ =	sdelay $0x3  }
0x96: {  	_ =	strace s2  }
0x97: {  	_ =	strace $0x8FFFFFFF  }
0x98: {  	s18 =	sld [smem:$0x3FDB];
	_ =	sdelay $0x1  }
0x99: {  	s19 =	simm.s32 $_scs_section_size  }
0x9a: {  	s4 =	simm.s32 $_size__tile_overlayer_lowered;
	s5 =	simm.s32 $_tile_overlayer_lowered  }
0x9b: {  	s22 =	simm.s32 $0x1BFF;
	s21 =	sshll.u32 s5, $0x1;
	s2 =	sadd.s32 s19, s18  }
0x9c: {  	s6 =	simm.s32 $0x0;
	s20 =	sshll.u32 s4, $0x1;
	s4 =	sadd.s32 s21, s2  }
0x9d: {  	[timem:s6], [sflag:s22] =	dma.local [hbm:s4], s20  }
0x9e: {  	_ =	swait.ge [sflag:s22], s20  }
0x9f: {  	s3 =	ssub.s32 $0x0, s20;
	[sflag:s22] =	ssyncset.done $0x0  }
0xa0: {  	[sflag:s22] =	ssyncadd.s32 s3;
	_ =	sdelay $0x1  }
0xa1: {  	s23 =	simm.s32 $0x1B8B  }
0xa2: {  	_ =	swait.ge [sflag:s23], $0x1  }
0xa3: {  	[sflag:s23] =	ssyncset.done $0x0  }
0xa4: {  	s25 =	simm.s32 $0x1B8E;
	s24 =	sld [smem:$0x3FFE];
	[sflag:s23] =	ssyncadd.s32 $0xFFFFFFFF  }
0xa5: {  	s26 =	simm.s32 $execute0_lowered;
	[smem:$0x3FD2] =	sst s25  }
0xa6: {  	s4 =	sshll.u32 s26, $0x1;
	_ =	strace $0x80000046;
	[dreg:$0x1] =	wrdreg $0xFFFFFFFF  }
0xa7: {  	s28 =	simm.s32 $_size_execute0_lowered;
	s2 =	sadd.s32 s2, s4;
	[dreg:$0x0] =	wrdreg $0x0  }
0xa8: {  	s4 =	sshll.u32 s28, $0x1;
	[dreg:$0x2] =	wrdreg s2  }
0xa9: {  	[dreg:$0x3] =	wrdreg s4  }
0xaa: {  	[dreg:$0x4] =	wrdreg $0xC0  }
0xab: {  	_ =	task [dreg:s6], $0x5FFFF  }
0xac: {  	[dreg:$0x1] =	wrdreg $0xFFFFFFFF  }
0xad: {  	[dreg:$0x0] =	wrdreg $0x60  }
0xae: {  	[dreg:$0x2] =	wrdreg s24  }
0xaf: {  	[dreg:$0x3] =	wrdreg $0x30800  }
0xb0: {  	[dreg:$0x4] =	wrdreg $0x9  }
0xb1: {  	_ =	task.clear_ibuf [dreg:s6], $0x5FFFF;
	_ =	strace $0x90000046  }
0xb2: {  	s29 =	simm.s32 $0x9;
	_ =	strace $0x80000048  }
0xb3: {  	_ =	swait.ge [sflag:s29], $0x1  }
0xb4: {  	[sflag:s29] =	ssyncadd.s32 $0xFFFFFFFF  }
0xb5: {  	_ =	strace $0x90000048  }
0xb6: {  	_ =	sfence  }
0xb7: {  	s30 =	sld [smem:$0x0];
	_ =	sdelay $0x2  }
0xb8: {  	s31 =	sshll.u32 s1, $0xD;
	s1 =	sshrl.u32 s1, $0x2  }
0xb9: {  	s3 =	sand.u32 $0x4000, s31;
	s1 =	sadd.s32 s1, s30  }
0xba: {  	s0 =	sor.u32 s3, s0;
	s1 =	sshll.u32 s1, $0x11  }
0xbb: {  	s0 =	sor.u32 s1, s0  }
0xbc: {  	s0 =	sadd.s32 $0x8F2B, s0  }
0xbd: {  	[sflag:s0] =	ssyncadd.remote.s32 $0x1  }
0xbe: {  	_ =	sfence.sel $0xFFFF  }
0xbf: {  	[dreg:$0x0] =	wrdreg $0xFFFFFFFF;
	(pc) =	sbr.abs _section_cstart, $3  }
0xc0: {  	[dreg:$0x1] =	wrdreg $0xFFFFFFFF  }
0xc1: {  	_ =	task.clear_ibuf [dreg:s6], $0x2FFFF;
	_ =	strace $0x9FFFFFFF  }
0xc2: {  	(tm) =	ssettm $0x7FFFFFFF  }
0xc3: {  	_ =	shalt  }
tec
execute0_lowered:
.L_overlay_start_1:
0x0: {  	(tag) =	ssettag $0x1  }
0x1: {  	s0 =	rddreg [dreg:$0x0]  }
0x2: {  	s2 =	srdreg.scid;
	s1 =	rddreg [dreg:$0x1]  }
0x3: {  	s14 =	stileid.u32;
	s15 =	simm.s32 $0x2;
	s16 =	simm.s32 $0x80  }
0x4: {  	s17 =	simm.s32 $0x2800;
	s29 =	simm.s32 $0x1;
	s20 =	simm.s32 $0x2380  }
0x5: {  	s21 =	simm.s32 $0x2400;
	s22 =	simm.s32 $0x2480;
	s23 =	simm.s32 $0x2500  }
0x6: {  	s24 =	simm.s32 $0x2580;
	s25 =	simm.s32 $0x2600;
	s26 =	simm.s32 $0x2680  }
0x7: {  	s28 =	simm.s32 $0x2700;
	s30 =	simm.s32 $0x2780;
	s31 =	simm.s32 $0x0  }
0x8: {  	s3 =	sand.u32 $0x1, s2;
	s2 =	simm.s32 $0x0;
	p0 =	sne.s32 s14, $0x0  }
0x9: {  	s4 =	sshll.u32 s3, $0x4;
	s5 =	smul.u32 $0x2710, s3;
	[smem:$0x7FF] =	sst s2  }
0xa: {  	s3 =	ssub.s32 $0x2, s3;
	s4 =	sor.u32 s14, s4;
	_ =	strace $0x80000047  }
0xb: {  	s6 =	sshrl.u32 s3, $0x1;
	s14 =	simm.s32 $0x2880;
	s4 =	smul.u32 $0x500, s4  }
0xc: {  	s5 =	sshrl.u32 s5, $0x3;
	s13 =	ssub.s32 s3, s6;
	s3 =	sadd.s32 $0x7D0, s1  }
0xd: {  	s6 =	sadd.s32 $0x1F40, s1;
	s13 =	smax.u32 s13, $0x1;
	s7 =	sadd.s32 s4, s0  }
0xe: {  	s0 =	sadd.s32 s5, s0;
	s4 =	sadd.s32 $0xFA0, s1;
	s5 =	sadd.s32 $0x1770, s1  }
0xf: {  	s7 =	sadd.s32 $0x2400, s7;
	s8 =	sadd.s32 $0x16400, s0;
	s9 =	sadd.s32 $0x164FA, s0  }
0x10: {  	v0 =	vimm.f32 $1.000000000e+00;
	v1 =	vimm.f32 $0.0e+00;
	s10 =	sadd.s32 $0x165F4, s0;
	s11 =	sadd.s32 $0x166EE, s0;
	s12 =	sadd.s32 $0x167E8, s0  }
.LBB2_1:
0x11: {  	[tilespmem:$0x2800] =	vst v0  }
0x12: {  	[tilespmem:$0x2810] =	vst v0  }
0x13: {  	[tilespmem:$0x2820] =	vst v0  }
.Ltmp0:
0x14: {  	[tilespmem:$0x2830] =	vst v0;
	(pc) =	sbr.rel @p0 .LBB2_3-.Ltmp0, $4  }
0x15: {  	[tilespmem:$0x2840] =	vst v0  }
0x16: {  	[tilespmem:$0x2850] =	vst v0  }
0x17: {  	[tilespmem:$0x2860] =	vst v0  }
0x18: {  	[tilespmem:$0x2870] =	vst v0  }
0x19: {  	[tilespmem:$0x2880] =	vst v1  }
0x1a: {  	[tilespmem:$0x2890] =	vst v1  }
0x1b: {  	[tilespmem:$0x28A0] =	vst v1  }
0x1c: {  	[tilespmem:$0x28B0] =	vst v1  }
0x1d: {  	[tilespmem:$0x28C0] =	vst v1  }
0x1e: {  	[tilespmem:$0x28D0] =	vst v1  }
0x1f: {  	[tilespmem:$0x28E0] =	vst v1  }
0x20: {  	[tilespmem:$0x28F0] =	vst v1  }
0x21: {  	[tilespmem:$0x2900] =	vst v1  }
0x22: {  	[tilespmem:$0x2910] =	vst v1  }
0x23: {  	[tilespmem:$0x2920] =	vst v1  }
0x24: {  	[tilespmem:$0x2930] =	vst v1  }
0x25: {  	[tilespmem:$0x2940] =	vst v1  }
0x26: {  	[tilespmem:$0x2950] =	vst v1  }
0x27: {  	[tilespmem:$0x2960] =	vst v1  }
0x28: {  	[tilespmem:$0x2970] =	vst v1  }
0x29: {  	[tilespmem:$0x2980] =	vst v1  }
0x2a: {  	[tilespmem:$0x2990] =	vst v1  }
0x2b: {  	[tilespmem:$0x29A0] =	vst v1  }
0x2c: {  	[tilespmem:$0x29B0] =	vst v1  }
0x2d: {  	[tilespmem:$0x29C0] =	vst v1  }
0x2e: {  	[tilespmem:$0x29D0] =	vst v1  }
0x2f: {  	[tilespmem:$0x29E0] =	vst v1  }
0x30: {  	[tilespmem:$0x29F0] =	vst v1  }
0x31: {  	[tilespmem:$0x2A00] =	vst v1  }
0x32: {  	[tilespmem:$0x2A10] =	vst v1  }
0x33: {  	[tilespmem:$0x2A20] =	vst v1  }
0x34: {  	[tilespmem:$0x2A30] =	vst v1  }
0x35: {  	[tilespmem:$0x2A40] =	vst v1  }
0x36: {  	[tilespmem:$0x2A50] =	vst v1  }
0x37: {  	[tilespmem:$0x2A60] =	vst v1  }
0x38: {  	[tilespmem:$0x2A70] =	vst v1  }
0x39: {  	[tilespmem:$0x2A80] =	vst v1  }
0x3a: {  	[tilespmem:$0x2A90] =	vst v1  }
0x3b: {  	[tilespmem:$0x2AA0] =	vst v1  }
0x3c: {  	[tilespmem:$0x2AB0] =	vst v1  }
0x3d: {  	[tilespmem:$0x2AC0] =	vst v1  }
0x3e: {  	[tilespmem:$0x2AD0] =	vst v1  }
0x3f: {  	[tilespmem:$0x2AE0] =	vst v1  }
0x40: {  	[tilespmem:$0x2AF0] =	vst v1  }
0x41: {  	[tilespmem:$0x2B00] =	vst v1  }
0x42: {  	[tilespmem:$0x2B10] =	vst v1  }
0x43: {  	[tilespmem:$0x2B20] =	vst v1  }
0x44: {  	[tilespmem:$0x2B30] =	vst v1  }
0x45: {  	[tilespmem:$0x2B40] =	vst v1  }
0x46: {  	[tilespmem:$0x2B50] =	vst v1  }
0x47: {  	[tilespmem:$0x2B60] =	vst v1  }
0x48: {  	[tilespmem:$0x2B70] =	vst v1  }
0x49: {  	[tilespmem:$0x2B80] =	vst v1  }
0x4a: {  	[tilespmem:$0x2B90] =	vst v1  }
0x4b: {  	[tilespmem:$0x2BA0] =	vst v1  }
0x4c: {  	[tilespmem:$0x2BB0] =	vst v1  }
0x4d: {  	[tilespmem:$0x2BC0] =	vst v1  }
0x4e: {  	[tilespmem:$0x2BD0] =	vst v1  }
0x4f: {  	[tilespmem:$0x2BE0] =	vst v1  }
0x50: {  	[tilespmem:$0x2BF0] =	vst v1  }
0x51: {  	[tilespmem:$0x2C00] =	vst v1  }
0x52: {  	[tilespmem:$0x2C10] =	vst v1  }
0x53: {  	[tilespmem:$0x2C20] =	vst v1  }
0x54: {  	[tilespmem:$0x2C30] =	vst v1  }
0x55: {  	[tilespmem:$0x2C40] =	vst v1  }
0x56: {  	[tilespmem:$0x2C50] =	vst v1  }
0x57: {  	[tilespmem:$0x2C60] =	vst v1  }
0x58: {  	[tilespmem:$0x2C70] =	vst v1  }
0x59: {  	[tilespmem:$0x2C80] =	vst v1  }
0x5a: {  	[tilespmem:$0x2C90] =	vst v1  }
0x5b: {  	[tilespmem:$0x2CA0] =	vst v1  }
0x5c: {  	[tilespmem:$0x2CB0] =	vst v1  }
0x5d: {  	[tilespmem:$0x2CC0] =	vst v1  }
0x5e: {  	[tilespmem:$0x2CD0] =	vst v1  }
0x5f: {  	[tilespmem:$0x2CE0] =	vst v1  }
0x60: {  	[tilespmem:$0x2CF0] =	vst v1  }
0x61: {  	[tilespmem:$0x2D00] =	vst v1  }
0x62: {  	[tilespmem:$0x2D10] =	vst v1  }
0x63: {  	[tilespmem:$0x2D20] =	vst v1  }
0x64: {  	[tilespmem:$0x2D30] =	vst v1  }
0x65: {  	[tilespmem:$0x2D40] =	vst v1  }
0x66: {  	[tilespmem:$0x2D50] =	vst v1  }
0x67: {  	[tilespmem:$0x2D60] =	vst v1  }
0x68: {  	[tilespmem:$0x2D70] =	vst v1  }
0x69: {  	[tilespmem:$0x2D80] =	vst v1  }
0x6a: {  	[tilespmem:$0x2D90] =	vst v1  }
0x6b: {  	[tilespmem:$0x2DA0] =	vst v1  }
0x6c: {  	[tilespmem:$0x2DB0] =	vst v1  }
0x6d: {  	[tilespmem:$0x2DC0] =	vst v1  }
0x6e: {  	[tilespmem:$0x2DD0] =	vst v1  }
0x6f: {  	[tilespmem:$0x2DE0] =	vst v1  }
0x70: {  	[tilespmem:$0x2DF0] =	vst v1  }
0x71: {  	[tilespmem:$0x2E00] =	vst v1  }
0x72: {  	[tilespmem:$0x2E10] =	vst v1  }
0x73: {  	[tilespmem:$0x2E20] =	vst v1  }
0x74: {  	[tilespmem:$0x2E30] =	vst v1  }
0x75: {  	[tilespmem:$0x2E40] =	vst v1  }
0x76: {  	[tilespmem:$0x2E50] =	vst v1  }
0x77: {  	[tilespmem:$0x2E60] =	vst v1  }
0x78: {  	[tilespmem:$0x2E70] =	vst v1  }
0x79: {  	[tilespmem:$0x2E80] =	vst v1  }
0x7a: {  	[tilespmem:$0x2E90] =	vst v1  }
0x7b: {  	[tilespmem:$0x2EA0] =	vst v1  }
0x7c: {  	[tilespmem:$0x2EB0] =	vst v1  }
0x7d: {  	[tilespmem:$0x2EC0] =	vst v1  }
0x7e: {  	[tilespmem:$0x2ED0] =	vst v1  }
0x7f: {  	[tilespmem:$0x2EE0] =	vst v1  }
0x80: {  	[tilespmem:$0x2EF0] =	vst v1  }
0x81: {  	[tilespmem:$0x2F00] =	vst v1  }
0x82: {  	[tilespmem:$0x2F10] =	vst v1  }
0x83: {  	[tilespmem:$0x2F20] =	vst v1  }
0x84: {  	[tilespmem:$0x2F30] =	vst v1  }
0x85: {  	[tilespmem:$0x2F40] =	vst v1  }
0x86: {  	[tilespmem:$0x2F50] =	vst v1  }
0x87: {  	[tilespmem:$0x2F60] =	vst v1  }
0x88: {  	[tilespmem:$0x2F70] =	vst v1  }
0x89: {  	[tilespmem:$0x2F80] =	vst v1  }
0x8a: {  	[tilespmem:$0x2F90] =	vst v1  }
0x8b: {  	[tilespmem:$0x2FA0] =	vst v1  }
0x8c: {  	[tilespmem:$0x2FB0] =	vst v1  }
0x8d: {  	[tilespmem:$0x2FC0] =	vst v1  }
0x8e: {  	[tilespmem:$0x2FD0] =	vst v1  }
0x8f: {  	[tilespmem:$0x2FE0] =	vst v1  }
0x90: {  	[tilespmem:$0x2FF0] =	vst v1  }
0x91: {  	[tilespmem:$0x3000] =	vst v1  }
0x92: {  	[tilespmem:$0x3010] =	vst v1  }
0x93: {  	[tilespmem:$0x3020] =	vst v1  }
0x94: {  	[tilespmem:$0x3030] =	vst v1  }
0x95: {  	[tilespmem:$0x3040] =	vst v1  }
0x96: {  	[spmem:s1] =	stream.linear.scatter [tilespmem:s14], [sflag:$0x2], $0x7D0, $0x38;
	[tilespmem:$0x32F8] =	vst v63  }
0x97: {  	_ =	swait.ge [sflag:s15], $0x7D0  }
0x98: {  	[sflag:s15] =	ssyncset.done $0x0  }
0x99: {  	[sflag:s15] =	ssyncadd.s32 $0xFFFFF830  }
0x9a: {  	[spmem:s3] =	stream.linear.scatter [tilespmem:s14], [sflag:$0x2], $0x7D0, $0x38;
	[tilespmem:$0x32F8] =	vst v63  }
0x9b: {  	_ =	swait.ge [sflag:s15], $0x7D0  }
0x9c: {  	[sflag:s15] =	ssyncset.done $0x0  }
0x9d: {  	[sflag:s15] =	ssyncadd.s32 $0xFFFFF830  }
0x9e: {  	[spmem:s4] =	stream.linear.scatter [tilespmem:s14], [sflag:$0x2], $0x7D0, $0x38;
	[tilespmem:$0x32F8] =	vst v63  }
0x9f: {  	_ =	swait.ge [sflag:s15], $0x7D0  }
0xa0: {  	[sflag:s15] =	ssyncset.done $0x0  }
0xa1: {  	[sflag:s15] =	ssyncadd.s32 $0xFFFFF830  }
0xa2: {  	[spmem:s5] =	stream.linear.scatter [tilespmem:s14], [sflag:$0x2], $0x7D0, $0x38;
	[tilespmem:$0x32F8] =	vst v63  }
0xa3: {  	_ =	swait.ge [sflag:s15], $0x7D0  }
0xa4: {  	[sflag:s15] =	ssyncset.done $0x0  }
0xa5: {  	[sflag:s15] =	ssyncadd.s32 $0xFFFFF830  }
0xa6: {  	[spmem:s6] =	stream.linear.scatter [tilespmem:s14], [sflag:$0x2], $0x7D0, $0x38;
	[tilespmem:$0x32F8] =	vst v63  }
0xa7: {  	_ =	swait.ge [sflag:s15], $0x7D0  }
0xa8: {  	[sflag:s15] =	ssyncset.done $0x0  }
0xa9: {  	[sflag:s15] =	ssyncadd.s32 $0xFFFFF830  }
.LBB2_3:
0xaa: {  	[tilespmem:s2], [sflag:$0x2] =	stream.linear.gather [hbm4b:s7+s2], $0x2800, $0x38;
	[tilespmem:$0x32F8] =	vst v63  }
0xab: {  	_ =	swait.ge [sflag:s15], $0x2800  }
0xac: {  	[sflag:s15] =	ssyncset.done $0x0  }
0xad: {  	[sflag:s15] =	ssyncadd.s32 $0xFFFFD800  }
0xae: {  	[bflag:$0x0] =	sbarrier.arrive $0xFFFF  }
0xaf: {  	[spmem:s1] =	stream.indirect.scatter.add.f32 [tilespmem:s17], [sflag:$0x1], $0x1, s2, s16, $0xb8;
	[tilespmem:$0x32F8] =	vst v63  }
0xb0: {  	_ = 	snop  }
0xb1: {  	[spmem:s1] =	stream.indirect.scatter.add.f32 [tilespmem:s17], [sflag:$0x1], $0x1, s16, s16, $0xb8;
	[tilespmem:$0x32F8] =	vst v63  }
0xb2: {  	s0 =	simm.s32 $0x100  }
0xb3: {  	[spmem:s1] =	stream.indirect.scatter.add.f32 [tilespmem:s17], [sflag:$0x1], $0x1, s0, s16, $0xb8;
	[tilespmem:$0x32F8] =	vst v63  }
0xb4: {  	s19 =	simm.s32 $0x180  }
0xb5: {  	[spmem:s1] =	stream.indirect.scatter.add.f32 [tilespmem:s17], [sflag:$0x1], $0x1, s19, s16, $0xb8;
	[tilespmem:$0x32F8] =	vst v63  }
0xb6: {  	s18 =	simm.s32 $0x200  }
0xb7: {  	[spmem:s1] =	stream.indirect.scatter.add.f32 [tilespmem:s17], [sflag:$0x1], $0x1, s18, s16, $0xb8;
	[tilespmem:$0x32F8] =	vst v63  }
0xb8: {  	s19 =	simm.s32 $0x280  }
0xb9: {  	[spmem:s1] =	stream.indirect.scatter.add.f32 [tilespmem:s17], [sflag:$0x1], $0x1, s19, s16, $0xb8;
	[tilespmem:$0x32F8] =	vst v63  }
0xba: {  	s18 =	simm.s32 $0x300  }
0xbb: {  	[spmem:s1] =	stream.indirect.scatter.add.f32 [tilespmem:s17], [sflag:$0x1], $0x1, s18, s16, $0xb8;
	[tilespmem:$0x32F8] =	vst v63  }
0xbc: {  	s19 =	simm.s32 $0x380  }
0xbd: {  	[spmem:s1] =	stream.indirect.scatter.add.f32 [tilespmem:s17], [sflag:$0x1], $0x1, s19, s16, $0xb8;
	[tilespmem:$0x32F8] =	vst v63  }
0xbe: {  	s18 =	simm.s32 $0x400  }
0xbf: {  	[spmem:s1] =	stream.indirect.scatter.add.f32 [tilespmem:s17], [sflag:$0x1], $0x1, s18, s16, $0xb8;
	[tilespmem:$0x32F8] =	vst v63  }
0xc0: {  	s19 =	simm.s32 $0x480  }
0xc1: {  	[spmem:s1] =	stream.indirect.scatter.add.f32 [tilespmem:s17], [sflag:$0x1], $0x1, s19, s16, $0xb8;
	[tilespmem:$0x32F8] =	vst v63  }
0xc2: {  	s18 =	simm.s32 $0x500  }
0xc3: {  	[spmem:s1] =	stream.indirect.scatter.add.f32 [tilespmem:s17], [sflag:$0x1], $0x1, s18, s16, $0xb8;
	[tilespmem:$0x32F8] =	vst v63  }
0xc4: {  	s19 =	simm.s32 $0x580  }
0xc5: {  	[spmem:s1] =	stream.indirect.scatter.add.f32 [tilespmem:s17], [sflag:$0x1], $0x1, s19, s16, $0xb8;
	[tilespmem:$0x32F8] =	vst v63  }
0xc6: {  	s18 =	simm.s32 $0x600  }
0xc7: {  	[spmem:s1] =	stream.indirect.scatter.add.f32 [tilespmem:s17], [sflag:$0x1], $0x1, s18, s16, $0xb8;
	[tilespmem:$0x32F8] =	vst v63  }
0xc8: {  	s19 =	simm.s32 $0x680  }
0xc9: {  	[spmem:s1] =	stream.indirect.scatter.add.f32 [tilespmem:s17], [sflag:$0x1], $0x1, s19, s16, $0xb8;
	[tilespmem:$0x32F8] =	vst v63  }
0xca: {  	s18 =	simm.s32 $0x700  }
0xcb: {  	[spmem:s1] =	stream.indirect.scatter.add.f32 [tilespmem:s17], [sflag:$0x1], $0x1, s18, s16, $0xb8;
	[tilespmem:$0x32F8] =	vst v63  }
0xcc: {  	s19 =	simm.s32 $0x780  }
0xcd: {  	[spmem:s1] =	stream.indirect.scatter.add.f32 [tilespmem:s17], [sflag:$0x1], $0x1, s19, s16, $0xb8;
	[tilespmem:$0x32F8] =	vst v63  }
0xce: {  	s18 =	simm.s32 $0x800  }
0xcf: {  	[spmem:s1] =	stream.indirect.scatter.add.f32 [tilespmem:s17], [sflag:$0x1], $0x1, s18, s16, $0xb8;
	[tilespmem:$0x32F8] =	vst v63  }
0xd0: {  	s19 =	simm.s32 $0x880  }
0xd1: {  	[spmem:s1] =	stream.indirect.scatter.add.f32 [tilespmem:s17], [sflag:$0x1], $0x1, s19, s16, $0xb8;
	[tilespmem:$0x32F8] =	vst v63  }
0xd2: {  	s18 =	simm.s32 $0x900  }
0xd3: {  	[spmem:s1] =	stream.indirect.scatter.add.f32 [tilespmem:s17], [sflag:$0x1], $0x1, s18, s16, $0xb8;
	[tilespmem:$0x32F8] =	vst v63  }
0xd4: {  	s19 =	simm.s32 $0x980  }
0xd5: {  	[spmem:s1] =	stream.indirect.scatter.add.f32 [tilespmem:s17], [sflag:$0x1], $0x1, s19, s16, $0xb8;
	[tilespmem:$0x32F8] =	vst v63  }
0xd6: {  	s18 =	simm.s32 $0xA00  }
0xd7: {  	[spmem:s1] =	stream.indirect.scatter.add.f32 [tilespmem:s17], [sflag:$0x1], $0x1, s18, s16, $0xb8;
	[tilespmem:$0x32F8] =	vst v63  }
0xd8: {  	s19 =	simm.s32 $0xA80  }
0xd9: {  	[spmem:s1] =	stream.indirect.scatter.add.f32 [tilespmem:s17], [sflag:$0x1], $0x1, s19, s16, $0xb8;
	[tilespmem:$0x32F8] =	vst v63  }
0xda: {  	s18 =	simm.s32 $0xB00  }
0xdb: {  	[spmem:s1] =	stream.indirect.scatter.add.f32 [tilespmem:s17], [sflag:$0x1], $0x1, s18, s16, $0xb8;
	[tilespmem:$0x32F8] =	vst v63  }
0xdc: {  	s19 =	simm.s32 $0xB80  }
0xdd: {  	[spmem:s1] =	stream.indirect.scatter.add.f32 [tilespmem:s17], [sflag:$0x1], $0x1, s19, s16, $0xb8;
	[tilespmem:$0x32F8] =	vst v63  }
0xde: {  	s18 =	simm.s32 $0xC00  }
0xdf: {  	[spmem:s1] =	stream.indirect.scatter.add.f32 [tilespmem:s17], [sflag:$0x1], $0x1, s18, s16, $0xb8;
	[tilespmem:$0x32F8] =	vst v63  }
0xe0: {  	s19 =	simm.s32 $0xC80  }
0xe1: {  	[spmem:s1] =	stream.indirect.scatter.add.f32 [tilespmem:s17], [sflag:$0x1], $0x1, s19, s16, $0xb8;
	[tilespmem:$0x32F8] =	vst v63  }
0xe2: {  	s18 =	simm.s32 $0xD00  }
0xe3: {  	[spmem:s1] =	stream.indirect.scatter.add.f32 [tilespmem:s17], [sflag:$0x1], $0x1, s18, s16, $0xb8;
	[tilespmem:$0x32F8] =	vst v63  }
0xe4: {  	s19 =	simm.s32 $0xD80  }
0xe5: {  	[spmem:s1] =	stream.indirect.scatter.add.f32 [tilespmem:s17], [sflag:$0x1], $0x1, s19, s16, $0xb8;
	[tilespmem:$0x32F8] =	vst v63  }
0xe6: {  	s18 =	simm.s32 $0xE00  }
0xe7: {  	[spmem:s1] =	stream.indirect.scatter.add.f32 [tilespmem:s17], [sflag:$0x1], $0x1, s18, s16, $0xb8;
	[tilespmem:$0x32F8] =	vst v63  }
0xe8: {  	s19 =	simm.s32 $0xE80  }
0xe9: {  	[spmem:s1] =	stream.indirect.scatter.add.f32 [tilespmem:s17], [sflag:$0x1], $0x1, s19, s16, $0xb8;
	[tilespmem:$0x32F8] =	vst v63  }
0xea: {  	s18 =	simm.s32 $0xF00  }
0xeb: {  	[spmem:s1] =	stream.indirect.scatter.add.f32 [tilespmem:s17], [sflag:$0x1], $0x1, s18, s16, $0xb8;
	[tilespmem:$0x32F8] =	vst v63  }
0xec: {  	s19 =	simm.s32 $0xF80  }
0xed: {  	[spmem:s1] =	stream.indirect.scatter.add.f32 [tilespmem:s17], [sflag:$0x1], $0x1, s19, s16, $0xb8;
	[tilespmem:$0x32F8] =	vst v63  }
0xee: {  	s18 =	simm.s32 $0x1000  }
0xef: {  	[spmem:s1] =	stream.indirect.scatter.add.f32 [tilespmem:s17], [sflag:$0x1], $0x1, s18, s16, $0xb8;
	[tilespmem:$0x32F8] =	vst v63  }
0xf0: {  	s19 =	simm.s32 $0x1080  }
0xf1: {  	[spmem:s1] =	stream.indirect.scatter.add.f32 [tilespmem:s17], [sflag:$0x1], $0x1, s19, s16, $0xb8;
	[tilespmem:$0x32F8] =	vst v63  }
0xf2: {  	s18 =	simm.s32 $0x1100  }
0xf3: {  	[spmem:s1] =	stream.indirect.scatter.add.f32 [tilespmem:s17], [sflag:$0x1], $0x1, s18, s16, $0xb8;
	[tilespmem:$0x32F8] =	vst v63  }
0xf4: {  	s19 =	simm.s32 $0x1180  }
0xf5: {  	[spmem:s1] =	stream.indirect.scatter.add.f32 [tilespmem:s17], [sflag:$0x1], $0x1, s19, s16, $0xb8;
	[tilespmem:$0x32F8] =	vst v63  }
0xf6: {  	s18 =	simm.s32 $0x1200  }
0xf7: {  	[spmem:s1] =	stream.indirect.scatter.add.f32 [tilespmem:s17], [sflag:$0x1], $0x1, s18, s16, $0xb8;
	[tilespmem:$0x32F8] =	vst v63  }
0xf8: {  	s19 =	simm.s32 $0x1280  }
0xf9: {  	[spmem:s1] =	stream.indirect.scatter.add.f32 [tilespmem:s17], [sflag:$0x1], $0x1, s19, s16, $0xb8;
	[tilespmem:$0x32F8] =	vst v63  }
0xfa: {  	s18 =	simm.s32 $0x1300  }
0xfb: {  	[spmem:s1] =	stream.indirect.scatter.add.f32 [tilespmem:s17], [sflag:$0x1], $0x1, s18, s16, $0xb8;
	[tilespmem:$0x32F8] =	vst v63  }
0xfc: {  	s19 =	simm.s32 $0x1380  }
0xfd: {  	[spmem:s1] =	stream.indirect.scatter.add.f32 [tilespmem:s17], [sflag:$0x1], $0x1, s19, s16, $0xb8;
	[tilespmem:$0x32F8] =	vst v63  }
0xfe: {  	_ =	swait.ge [sflag:s29], $0x80  }
0xff: {  	s0 =	simm.s32 $0x27;
	[sflag:s29] =	ssyncset.done $0x0  }
.LBB2_4:
0x100: {  	p1 =	sne.s32 s0, $0x1;
	s0 =	sadd.s32 $0xFFFFFFFF, s0;
	[sflag:s29] =	ssyncadd.s32 $0xFFFFFF80  }
.Ltmp1:
0x101: {  	(pc) =	sbr.rel @p1 .LBB2_4-.Ltmp1, $3  }
0x102: {  	_ =	sdelay $0x1  }
0x103: {  	_ =	swait.ge [sflag:s29], $0x80  }
0x104: {  	[sflag:s29] =	ssyncset.done $0x0  }
0x105: {  	[sflag:s29] =	ssyncadd.s32 $0xFFFFFF80;
	s0 =	simm.s32 $0x1400  }
0x106: {  	[spmem:s1] =	stream.indirect.scatter.add.f32 [tilespmem:s17], [sflag:$0x1], $0x1, s0, s16, $0xb8;
	[tilespmem:$0x32F8] =	vst v63  }
0x107: {  	s18 =	simm.s32 $0x1480  }
0x108: {  	[spmem:s1] =	stream.indirect.scatter.add.f32 [tilespmem:s17], [sflag:$0x1], $0x1, s18, s16, $0xb8;
	[tilespmem:$0x32F8] =	vst v63  }
0x109: {  	s19 =	simm.s32 $0x1500  }
0x10a: {  	[spmem:s1] =	stream.indirect.scatter.add.f32 [tilespmem:s17], [sflag:$0x1], $0x1, s19, s16, $0xb8;
	[tilespmem:$0x32F8] =	vst v63  }
0x10b: {  	s18 =	simm.s32 $0x1580  }
0x10c: {  	[spmem:s1] =	stream.indirect.scatter.add.f32 [tilespmem:s17], [sflag:$0x1], $0x1, s18, s16, $0xb8;
	[tilespmem:$0x32F8] =	vst v63  }
0x10d: {  	s19 =	simm.s32 $0x1600  }
0x10e: {  	[spmem:s1] =	stream.indirect.scatter.add.f32 [tilespmem:s17], [sflag:$0x1], $0x1, s19, s16, $0xb8;
	[tilespmem:$0x32F8] =	vst v63  }
0x10f: {  	s18 =	simm.s32 $0x1680  }
0x110: {  	[spmem:s1] =	stream.indirect.scatter.add.f32 [tilespmem:s17], [sflag:$0x1], $0x1, s18, s16, $0xb8;
	[tilespmem:$0x32F8] =	vst v63  }
0x111: {  	s19 =	simm.s32 $0x1700  }
0x112: {  	[spmem:s1] =	stream.indirect.scatter.add.f32 [tilespmem:s17], [sflag:$0x1], $0x1, s19, s16, $0xb8;
	[tilespmem:$0x32F8] =	vst v63  }
0x113: {  	s18 =	simm.s32 $0x1780  }
0x114: {  	[spmem:s1] =	stream.indirect.scatter.add.f32 [tilespmem:s17], [sflag:$0x1], $0x1, s18, s16, $0xb8;
	[tilespmem:$0x32F8] =	vst v63  }
0x115: {  	s19 =	simm.s32 $0x1800  }
0x116: {  	[spmem:s1] =	stream.indirect.scatter.add.f32 [tilespmem:s17], [sflag:$0x1], $0x1, s19, s16, $0xb8;
	[tilespmem:$0x32F8] =	vst v63  }
0x117: {  	s18 =	simm.s32 $0x1880  }
0x118: {  	[spmem:s1] =	stream.indirect.scatter.add.f32 [tilespmem:s17], [sflag:$0x1], $0x1, s18, s16, $0xb8;
	[tilespmem:$0x32F8] =	vst v63  }
0x119: {  	s19 =	simm.s32 $0x1900  }
0x11a: {  	[spmem:s1] =	stream.indirect.scatter.add.f32 [tilespmem:s17], [sflag:$0x1], $0x1, s19, s16, $0xb8;
	[tilespmem:$0x32F8] =	vst v63  }
0x11b: {  	s18 =	simm.s32 $0x1980  }
0x11c: {  	[spmem:s1] =	stream.indirect.scatter.add.f32 [tilespmem:s17], [sflag:$0x1], $0x1, s18, s16, $0xb8;
	[tilespmem:$0x32F8] =	vst v63  }
0x11d: {  	s19 =	simm.s32 $0x1A00  }
0x11e: {  	[spmem:s1] =	stream.indirect.scatter.add.f32 [tilespmem:s17], [sflag:$0x1], $0x1, s19, s16, $0xb8;
	[tilespmem:$0x32F8] =	vst v63  }
0x11f: {  	s18 =	simm.s32 $0x1A80  }
0x120: {  	[spmem:s1] =	stream.indirect.scatter.add.f32 [tilespmem:s17], [sflag:$0x1], $0x1, s18, s16, $0xb8;
	[tilespmem:$0x32F8] =	vst v63  }
0x121: {  	s19 =	simm.s32 $0x1B00  }
0x122: {  	[spmem:s1] =	stream.indirect.scatter.add.f32 [tilespmem:s17], [sflag:$0x1], $0x1, s19, s16, $0xb8;
	[tilespmem:$0x32F8] =	vst v63  }
0x123: {  	s18 =	simm.s32 $0x1B80  }
0x124: {  	[spmem:s1] =	stream.indirect.scatter.add.f32 [tilespmem:s17], [sflag:$0x1], $0x1, s18, s16, $0xb8;
	[tilespmem:$0x32F8] =	vst v63  }
0x125: {  	s19 =	simm.s32 $0x1C00  }
0x126: {  	[spmem:s1] =	stream.indirect.scatter.add.f32 [tilespmem:s17], [sflag:$0x1], $0x1, s19, s16, $0xb8;
	[tilespmem:$0x32F8] =	vst v63  }
0x127: {  	s18 =	simm.s32 $0x1C80  }
0x128: {  	[spmem:s1] =	stream.indirect.scatter.add.f32 [tilespmem:s17], [sflag:$0x1], $0x1, s18, s16, $0xb8;
	[tilespmem:$0x32F8] =	vst v63  }
0x129: {  	s19 =	simm.s32 $0x1D00  }
0x12a: {  	[spmem:s1] =	stream.indirect.scatter.add.f32 [tilespmem:s17], [sflag:$0x1], $0x1, s19, s16, $0xb8;
	[tilespmem:$0x32F8] =	vst v63  }
0x12b: {  	s18 =	simm.s32 $0x1D80  }
0x12c: {  	[spmem:s1] =	stream.indirect.scatter.add.f32 [tilespmem:s17], [sflag:$0x1], $0x1, s18, s16, $0xb8;
	[tilespmem:$0x32F8] =	vst v63  }
0x12d: {  	s19 =	simm.s32 $0x1E00  }
0x12e: {  	[spmem:s1] =	stream.indirect.scatter.add.f32 [tilespmem:s17], [sflag:$0x1], $0x1, s19, s16, $0xb8;
	[tilespmem:$0x32F8] =	vst v63  }
0x12f: {  	s18 =	simm.s32 $0x1E80  }
0x130: {  	[spmem:s1] =	stream.indirect.scatter.add.f32 [tilespmem:s17], [sflag:$0x1], $0x1, s18, s16, $0xb8;
	[tilespmem:$0x32F8] =	vst v63  }
0x131: {  	s19 =	simm.s32 $0x1F00  }
0x132: {  	[spmem:s1] =	stream.indirect.scatter.add.f32 [tilespmem:s17], [sflag:$0x1], $0x1, s19, s16, $0xb8;
	[tilespmem:$0x32F8] =	vst v63  }
0x133: {  	s18 =	simm.s32 $0x1F80  }
0x134: {  	[spmem:s1] =	stream.indirect.scatter.add.f32 [tilespmem:s17], [sflag:$0x1], $0x1, s18, s16, $0xb8;
	[tilespmem:$0x32F8] =	vst v63  }
0x135: {  	s19 =	simm.s32 $0x2000  }
0x136: {  	[spmem:s1] =	stream.indirect.scatter.add.f32 [tilespmem:s17], [sflag:$0x1], $0x1, s19, s16, $0xb8;
	[tilespmem:$0x32F8] =	vst v63  }
0x137: {  	s18 =	simm.s32 $0x2080  }
0x138: {  	[spmem:s1] =	stream.indirect.scatter.add.f32 [tilespmem:s17], [sflag:$0x1], $0x1, s18, s16, $0xb8;
	[tilespmem:$0x32F8] =	vst v63  }
0x139: {  	s19 =	simm.s32 $0x2100  }
0x13a: {  	[spmem:s1] =	stream.indirect.scatter.add.f32 [tilespmem:s17], [sflag:$0x1], $0x1, s19, s16, $0xb8;
	[tilespmem:$0x32F8] =	vst v63  }
0x13b: {  	s18 =	simm.s32 $0x2180  }
0x13c: {  	[spmem:s1] =	stream.indirect.scatter.add.f32 [tilespmem:s17], [sflag:$0x1], $0x1, s18, s16, $0xb8;
	[tilespmem:$0x32F8] =	vst v63  }
0x13d: {  	s19 =	simm.s32 $0x2200  }
0x13e: {  	[spmem:s1] =	stream.indirect.scatter.add.f32 [tilespmem:s17], [sflag:$0x1], $0x1, s19, s16, $0xb8;
	[tilespmem:$0x32F8] =	vst v63  }
0x13f: {  	s18 =	simm.s32 $0x2280  }
0x140: {  	[spmem:s1] =	stream.indirect.scatter.add.f32 [tilespmem:s17], [sflag:$0x1], $0x1, s18, s16, $0xb8;
	[tilespmem:$0x32F8] =	vst v63  }
0x141: {  	s19 =	simm.s32 $0x2300  }
0x142: {  	[spmem:s1] =	stream.indirect.scatter.add.f32 [tilespmem:s17], [sflag:$0x1], $0x1, s19, s16, $0xb8;
	[tilespmem:$0x32F8] =	vst v63  }
0x143: {  	_ = 	snop  }
0x144: {  	[spmem:s1] =	stream.indirect.scatter.add.f32 [tilespmem:s17], [sflag:$0x1], $0x1, s20, s16, $0xb8;
	[tilespmem:$0x32F8] =	vst v63  }
0x145: {  	_ = 	snop  }
0x146: {  	[spmem:s1] =	stream.indirect.scatter.add.f32 [tilespmem:s17], [sflag:$0x1], $0x1, s21, s16, $0xb8;
	[tilespmem:$0x32F8] =	vst v63  }
0x147: {  	_ = 	snop  }
0x148: {  	[spmem:s1] =	stream.indirect.scatter.add.f32 [tilespmem:s17], [sflag:$0x1], $0x1, s22, s16, $0xb8;
	[tilespmem:$0x32F8] =	vst v63  }
0x149: {  	_ = 	snop  }
0x14a: {  	[spmem:s1] =	stream.indirect.scatter.add.f32 [tilespmem:s17], [sflag:$0x1], $0x1, s23, s16, $0xb8;
	[tilespmem:$0x32F8] =	vst v63  }
0x14b: {  	_ = 	snop  }
0x14c: {  	[spmem:s1] =	stream.indirect.scatter.add.f32 [tilespmem:s17], [sflag:$0x1], $0x1, s24, s16, $0xb8;
	[tilespmem:$0x32F8] =	vst v63  }
0x14d: {  	_ = 	snop  }
0x14e: {  	[spmem:s1] =	stream.indirect.scatter.add.f32 [tilespmem:s17], [sflag:$0x1], $0x1, s25, s16, $0xb8;
	[tilespmem:$0x32F8] =	vst v63  }
0x14f: {  	_ = 	snop  }
0x150: {  	[spmem:s1] =	stream.indirect.scatter.add.f32 [tilespmem:s17], [sflag:$0x1], $0x1, s26, s16, $0xb8;
	[tilespmem:$0x32F8] =	vst v63  }
0x151: {  	_ = 	snop  }
0x152: {  	[spmem:s1] =	stream.indirect.scatter.add.f32 [tilespmem:s17], [sflag:$0x1], $0x1, s28, s16, $0xb8;
	[tilespmem:$0x32F8] =	vst v63  }
0x153: {  	_ = 	snop  }
0x154: {  	[spmem:s1] =	stream.indirect.scatter.add.f32 [tilespmem:s17], [sflag:$0x1], $0x1, s30, s16, $0xb8;
	[tilespmem:$0x32F8] =	vst v63  }
0x155: {  	_ =	swait.ge [sflag:s29], $0x80  }
0x156: {  	s0 =	simm.s32 $0x27;
	[sflag:s29] =	ssyncset.done $0x0  }
.LBB2_6:
0x157: {  	p1 =	sne.s32 s0, $0x1;
	s0 =	sadd.s32 $0xFFFFFFFF, s0;
	[sflag:s29] =	ssyncadd.s32 $0xFFFFFF80  }
.Ltmp2:
0x158: {  	(pc) =	sbr.rel @p1 .LBB2_6-.Ltmp2, $3  }
0x159: {  	_ =	sdelay $0x1  }
0x15a: {  	_ =	swait.ge [sflag:s29], $0x80  }
0x15b: {  	[sflag:s29] =	ssyncset.done $0x0  }
0x15c: {  	[sflag:s29] =	ssyncadd.s32 $0xFFFFFF80  }
0x15d: {  	s0 =	simm.s32 @!p0 $0x2880;
	s18 =	simm.s32 @!p0 $0x2;
	[bflag:$0x0] =	sbarrier.arrive $0xFFFF  }
0x15e: {  	[tilespmem:s0], [sflag:$0x2] =	stream.linear.gather @!p0 [spmem:s1], $0x7D0, $0x38;
	[tilespmem:$0x32F8] =	vst v63  }
0x15f: {  	_ =	swait.ge @!p0 [sflag:s18], $0x7D0  }
0x160: {  	[sflag:s18] =	ssyncset.done @!p0 $0x0  }
0x161: {  	s19 =	simm.s32 @!p0 $0x0;
	[sflag:s18] =	ssyncadd.s32 @!p0 $0xFFFFF830  }
0x162: {  	[hbm4b:s8+s19] =	stream.linear.scatter @!p0 [tilespmem:s0], [sflag:$0x2], $0x7D0, $0x38;
	[tilespmem:$0x32F8] =	vst v63  }
0x163: {  	_ =	swait.ge @!p0 [sflag:s18], $0x7D0  }
0x164: {  	[sflag:s18] =	ssyncset.done @!p0 $0x0  }
0x165: {  	[sflag:s18] =	ssyncadd.s32 @!p0 $0xFFFFF830  }
0x166: {  	[tilespmem:s0], [sflag:$0x2] =	stream.linear.gather @!p0 [spmem:s3], $0x7D0, $0x38;
	[tilespmem:$0x32F8] =	vst v63  }
0x167: {  	_ =	swait.ge @!p0 [sflag:s18], $0x7D0  }
0x168: {  	[sflag:s18] =	ssyncset.done @!p0 $0x0  }
0x169: {  	[sflag:s18] =	ssyncadd.s32 @!p0 $0xFFFFF830  }
0x16a: {  	[hbm4b:s9+s19] =	stream.linear.scatter @!p0 [tilespmem:s0], [sflag:$0x2], $0x7D0, $0x38;
	[tilespmem:$0x32F8] =	vst v63  }
0x16b: {  	_ =	swait.ge @!p0 [sflag:s18], $0x7D0  }
0x16c: {  	[sflag:s18] =	ssyncset.done @!p0 $0x0  }
0x16d: {  	[sflag:s18] =	ssyncadd.s32 @!p0 $0xFFFFF830  }
0x16e: {  	[tilespmem:s0], [sflag:$0x2] =	stream.linear.gather @!p0 [spmem:s4], $0x7D0, $0x38;
	[tilespmem:$0x32F8] =	vst v63  }
0x16f: {  	_ =	swait.ge @!p0 [sflag:s18], $0x7D0  }
0x170: {  	[sflag:s18] =	ssyncset.done @!p0 $0x0  }
0x171: {  	[sflag:s18] =	ssyncadd.s32 @!p0 $0xFFFFF830  }
0x172: {  	[hbm4b:s10+s19] =	stream.linear.scatter @!p0 [tilespmem:s0], [sflag:$0x2], $0x7D0, $0x38;
	[tilespmem:$0x32F8] =	vst v63  }
0x173: {  	_ =	swait.ge @!p0 [sflag:s18], $0x7D0  }
0x174: {  	[sflag:s18] =	ssyncset.done @!p0 $0x0  }
0x175: {  	[sflag:s18] =	ssyncadd.s32 @!p0 $0xFFFFF830  }
0x176: {  	[tilespmem:s0], [sflag:$0x2] =	stream.linear.gather @!p0 [spmem:s5], $0x7D0, $0x38;
	[tilespmem:$0x32F8] =	vst v63  }
0x177: {  	_ =	swait.ge @!p0 [sflag:s18], $0x7D0  }
0x178: {  	[sflag:s18] =	ssyncset.done @!p0 $0x0  }
0x179: {  	[sflag:s18] =	ssyncadd.s32 @!p0 $0xFFFFF830  }
0x17a: {  	[hbm4b:s11+s19] =	stream.linear.scatter @!p0 [tilespmem:s0], [sflag:$0x2], $0x7D0, $0x38;
	[tilespmem:$0x32F8] =	vst v63  }
0x17b: {  	_ =	swait.ge @!p0 [sflag:s18], $0x7D0  }
0x17c: {  	[sflag:s18] =	ssyncset.done @!p0 $0x0  }
0x17d: {  	[sflag:s18] =	ssyncadd.s32 @!p0 $0xFFFFF830  }
0x17e: {  	[tilespmem:s0], [sflag:$0x2] =	stream.linear.gather @!p0 [spmem:s6], $0x7D0, $0x38;
	[tilespmem:$0x32F8] =	vst v63  }
0x17f: {  	s31 =	sadd.s32 $0x1, s31;
	_ =	swait.ge @!p0 [sflag:s18], $0x7D0  }
0x180: {  	p1 =	sne.s32 s31, s13;
	[sflag:s18] =	ssyncset.done @!p0 $0x0  }
.Ltmp3:
0x181: {  	[sflag:s18] =	ssyncadd.s32 @!p0 $0xFFFFF830;
	(pc) =	sbr.rel @p1 .LBB2_1-.Ltmp3, $4  }
0x182: {  	[hbm4b:s12+s19] =	stream.linear.scatter @!p0 [tilespmem:s0], [sflag:$0x2], $0x7D0, $0x38;
	[tilespmem:$0x32F8] =	vst v63  }
0x183: {  	_ =	swait.ge @!p0 [sflag:s18], $0x7D0  }
0x184: {  	[sflag:s18] =	ssyncset.done @!p0 $0x0  }
0x185: {  	[sflag:s18] =	ssyncadd.s32 @!p0 $0xFFFFF830  }
0x186: {  	_ =	sfence.sel $0x180000  }
0x187: {  	[bflag:$0x0] =	sbarrier.arrive $0xFFFF  }
0x188: {  	_ =	strace $0x90000047  }
0x189: {  	[bflag:$0x2] =	sbarrier.arrive $0xFFFF  }
0x18a: {  	s0 =	rddreg [dreg:$0x2]  }
0x18b: {  	s0 =	sadd.s32 @!p0 $0x100000, s0  }
0x18c: {  	[sflag:s0] =	ssyncadd.tile.s32 @!p0 $0x1;
	_ =	shalt  }
.Lfunc_end2:
_tile_overlayer_lowered:
.L_overlay_start_2:
0x18d: {  	(tag) =	ssettag $0x2  }
0x18e: {  	s0 =	rddreg [dreg:$0x0];
	s2 =	stileid.u32  }
0x18f: {  	s1 =	rddreg [dreg:$0x1];
	p0 =	sne.s32 s2, $0x0  }
0x190: {  	s3 =	rddreg [dreg:$0x2];
	[bflag:$0x3] =	sbarrier.arrive $0xFFFF;
	s2 =	simm.s32 @!p0 $0x1C02  }
0x191: {  	[timem:s3], [sflag:s2] =	dma.local @!p0 [hbm:s0], s1  }
0x192: {  	s0 =	simm.s32 @!p0 $0x2  }
0x193: {  	_ =	swait.ge @!p0 [sflag:s0], s1  }
0x194: {  	s1 =	ssub.s32 @!p0 $0x0, s1;
	[sflag:s0] =	ssyncset.done @!p0 $0x0  }
0x195: {  	[sflag:s0] =	ssyncadd.s32 @!p0 s1  }
0x196: {  	[bflag:$0x3] =	sbarrier.arrive $0xFFFF  }
0x197: {  	_ =	shalt  }

</sc_bundles>
